<compile_context>
chip_gen: v7x
topology: tpu7x:2x2x1
jax: 0.10.2.dev20260603
libtpu: 0.0.44.dev20260713+nightly
codegen_flags: <defaults>
</compile_context>

<pallas_src>
import dataclasses
import functools

import jax
import jax.numpy as jnp
from jax import lax
from jax.experimental import pallas as pl
from jax.experimental.pallas import tpu as pltpu
from jax.experimental.pallas import tpu_sc as plsc

N = 10000
E = 160000
E_P = 163840
ND = 128
ED = 16
UD = 128
WD = 16
GD = 16
EB = 640
REAL_EB = E // EB
PAD_EB = E_P // EB
NB = 1000
NG = N // NB
NWIN = E_P // 128
N_SC = 10240
WPT = NWIN // 32
f32 = jnp.float32


def _mm(a, b):
    return jnp.dot(a, b, preferred_element_type=f32)


def _mmb(a, b):
    return jnp.dot(a.astype(jnp.bfloat16), b.astype(jnp.bfloat16),
                   preferred_element_type=f32)


def _full(shape):
    return pl.BlockSpec(shape, lambda i: tuple(0 for _ in shape))


def _gru0(xp, wxr, wxz, wxn, cr, cz, bxn, bhn):
    r = jax.nn.sigmoid(_mm(xp, wxr) + cr)
    z = jax.nn.sigmoid(_mm(xp, wxz) + cz)
    n = jnp.tanh(_mm(xp, wxn) + bxn + r * bhn)
    return (1.0 - z) * n



def _proj_call(x, wvs, wvd, u, goal, wu, wg, b1e, wnu, wng, b1n, interpret=False):

    def body(x_ref, wvs_ref, wvd_ref, u_ref, g_ref, wu_ref, wg_ref, b1e_ref,
             wnu_ref, wng_ref, b1n_ref, ps_ref, pd_ref, eb_ref, nb_ref):
        i = pl.program_id(0)
        xv = x_ref[...]
        ps_ref[...] = _mm(xv, wvs_ref[...])
        pd_ref[...] = _mm(xv, wvd_ref[...])

        @pl.when(i == 0)
        def _():
            uv, gv = u_ref[...], g_ref[...]
            eb_ref[...] = _mm(uv, wu_ref[...]) + _mm(gv, wg_ref[...]) + b1e_ref[...]
            nb_ref[...] = _mm(uv, wnu_ref[...]) + _mm(gv, wng_ref[...]) + b1n_ref[...]

    return pl.pallas_call(
        body,
        grid=(NG,),
        in_specs=[
            pl.BlockSpec((NB, ND), lambda i: (i, 0)),
            _full((ND, ND)), _full((ND, ND)),
            _full((1, UD)), _full((1, GD)),
            _full((UD, ND)), _full((GD, ND)), _full((1, ND)),
            _full((UD, ND)), _full((GD, ND)), _full((1, ND)),
        ],
        out_specs=[
            pl.BlockSpec((NB, ND), lambda i: (i, 0)),
            pl.BlockSpec((NB, ND), lambda i: (i, 0)),
            _full((1, ND)), _full((1, ND)),
        ],
        out_shape=[
            jax.ShapeDtypeStruct((N, ND), f32),
            jax.ShapeDtypeStruct((N, ND), f32),
            jax.ShapeDtypeStruct((1, ND), f32),
            jax.ShapeDtypeStruct((1, ND), f32),
        ],
        interpret=interpret,
    )(x, wvs, wvd, u, goal, wu, wg, b1e, wnu, wng, b1n)


def _espec(arr):
    d = arr.shape[1]
    if arr.shape[0] == E_P:
        return pl.BlockSpec((EB, d), lambda i: (i, 0))
    return pl.BlockSpec((EB, d), lambda i: (jnp.minimum(i, REAL_EB - 1), 0))


def _edge_call(mode, gs, gd, e, w_arr, we, ww, ebias, w2, b2,
               gru=None, ea=None, interpret=False):
    rec, dec = mode == "rec", mode == "dec"

    def body(*refs):
        it = iter(refs)
        gs_r, gd_r, e_r, w_r, we_r, ww_r, eb_r, w2_r, b2_r = (next(it) for _ in range(9))
        if rec:
            wxr, wxz, wxn, cr, cz, bxn, bhn = (next(it) for _ in range(7))
        if dec:
            ea_r = next(it)
        if not rec:
            eo_r = next(it)
        wide_r = next(it)
        esum_r = next(it)
        acc = next(it)
        i = pl.program_id(0)

        @pl.when(i == 0)
        def _():
            acc[...] = jnp.zeros_like(acc)

        @pl.when(i < REAL_EB)
        def _():
            ew = jnp.concatenate([e_r[...], w_r[...]], axis=1)
            wew = jnp.concatenate([we_r[...], ww_r[...]], axis=0)
            hid = gs_r[...] + gd_r[...] + _mmb(ew, wew) + eb_r[...]
            hid = jnp.maximum(hid, 0.0)
            en = _mmb(hid, w2_r[...]) + b2_r[...]
            if rec:
                r_g = jax.nn.sigmoid(_mmb(en, wxr[...]) + cr[...])
                z_g = jax.nn.sigmoid(_mmb(en, wxz[...]) + cz[...])
                n_g = jnp.tanh(_mmb(en, wxn[...]) + bxn[...] + r_g * bhn[...])
                he = (1.0 - z_g) * n_g
                wide_r[...] = jnp.concatenate(
                    [he, jnp.zeros((EB, ND - ED), f32)], axis=1)
                acc[...] += jnp.sum(he, axis=0, keepdims=True)
            else:
                wide_r[...] = hid
                eo_r[...] = ea_r[...] + en if dec else en
                acc[...] += jnp.sum(en, axis=0, keepdims=True)

        @pl.when(i >= REAL_EB)
        def _():
            wide_r[...] = jnp.zeros_like(wide_r)
            if not rec:
                eo_r[...] = jnp.zeros_like(eo_r)

        @pl.when(i == PAD_EB - 1)
        def _():
            esum_r[...] = acc[...]

    in_specs = [
        pl.BlockSpec((EB, ND), lambda i: (i, 0)),
        pl.BlockSpec((EB, ND), lambda i: (i, 0)),
        _espec(e), _espec(w_arr),
        _full((ED, ND)), _full((WD, ND)), _full((1, ND)),
        _full((ND, ED)), _full((1, ED)),
    ]
    args = [gs, gd, e, w_arr, we, ww, ebias, w2, b2]
    if rec:
        in_specs += [_full((ED, ED))] * 3 + [_full((1, ED))] * 4
        args += [gru["wxr"], gru["wxz"], gru["wxn"],
                 gru["cr"], gru["cz"], gru["bxn"], gru["bhn"]]
    if dec:
        in_specs.append(_espec(ea))
        args.append(ea)

    out_specs, out_shape = [], []
    if not rec:
        out_specs.append(pl.BlockSpec((EB, ED), lambda i: (i, 0)))
        out_shape.append(jax.ShapeDtypeStruct((E_P, ED), f32))
    out_specs.append(pl.BlockSpec((EB, ND), lambda i: (i, 0)))
    out_shape.append(jax.ShapeDtypeStruct((E_P, ND), f32))
    out_specs.append(_full((1, ED)))
    out_shape.append(jax.ShapeDtypeStruct((1, ED), f32))

    return pl.pallas_call(
        body,
        grid=(PAD_EB,),
        in_specs=in_specs,
        out_specs=out_specs,
        out_shape=out_shape,
        scratch_shapes=[pltpu.VMEM((1, ED), f32)],
        interpret=interpret,
    )(*args)


def _node_call(mode, v, s0, s1, nbias, wnv, wna, w2n, b2n,
               esum, ucur, goal, gw, degc=None, w2e=None, b2e=None,
               ngru=None, ugru=None, nxt=None,
               x=None, uorig=None, interpret=False):
    rec, dec = mode == "rec", mode == "dec"

    def body(*refs):
        it = iter(refs)
        v_r, s0_r, s1_r, nb_r, wnv_r, wna_r, w2n_r, b2n_r = (next(it) for _ in range(8))
        if not rec:
            degc_r, w2e_r, b2e_r = (next(it) for _ in range(3))
        es_r, uc_r, g_r = (next(it) for _ in range(3))
        wgv, wge, wgu, wgg, b1g, w2g, b2g = (next(it) for _ in range(7))
        if rec:
            nwxr, nwxz, nwxn, ncr, ncz, nbxn, nbhn = (next(it) for _ in range(7))
            uwxr, uwxz, uwxn, ucr, ucz, ubxn, ubhn = (next(it) for _ in range(7))
        if not dec:
            wvs_n, wvd_n, wu_n, wg_n, b1e_n, wnu_n, wng_n, b1n_n = (next(it) for _ in range(8))
        if dec:
            x_r, uo_r = next(it), next(it)
        vo_r = next(it)
        if not dec:
            ps_r, pd_r = next(it), next(it)
        uout_r = next(it)
        if not dec:
            eb_r, nbn_r = next(it), next(it)
        vacc = next(it)
        i = pl.program_id(0)

        @pl.when(i == 0)
        def _():
            vacc[...] = jnp.zeros_like(vacc)

        ssum = s0_r[...] + s1_r[...]
        if rec:
            agg = ssum[:, :ED]
        else:
            agg = _mm(ssum, w2e_r[...]) + degc_r[...] * b2e_r[...]
        hid = jnp.maximum(_mm(v_r[...], wnv_r[...]) + _mm(agg, wna_r[...]) + nb_r[...], 0.0)
        vm = _mm(hid, w2n_r[...]) + b2n_r[...]
        if rec:
            vm = _gru0(vm, nwxr[...], nwxz[...], nwxn[...],
                       ncr[...], ncz[...], nbxn[...], nbhn[...])
        vacc[...] += jnp.sum(vm, axis=0, keepdims=True)
        vo_r[...] = vm + x_r[...] if dec else vm
        if not dec:
            ps_r[...] = _mm(vm, wvs_n[...])
            pd_r[...] = _mm(vm, wvd_n[...])

        @pl.when(i == NG - 1)
        def _():
            vmean = vacc[...] * (1.0 / N)
            emean = es_r[...] * (1.0 / E)
            gh = jnp.maximum(
                _mm(vmean, wgv[...]) + _mm(emean, wge[...])
                + _mm(uc_r[...], wgu[...]) + _mm(g_r[...], wgg[...]) + b1g[...], 0.0)
            un = _mm(gh, w2g[...]) + b2g[...]
            if rec:
                un = _gru0(un, uwxr[...], uwxz[...], uwxn[...],
                           ucr[...], ucz[...], ubxn[...], ubhn[...])
            uout_r[...] = un + uo_r[...] if dec else un
            if not dec:
                gv = g_r[...]
                eb_r[...] = _mm(un, wu_n[...]) + _mm(gv, wg_n[...]) + b1e_n[...]
                nbn_r[...] = _mm(un, wnu_n[...]) + _mm(gv, wng_n[...]) + b1n_n[...]

    nblk = lambda: pl.BlockSpec((NB, ND), lambda i: (i, 0))
    in_specs = [
        nblk(), nblk(), nblk(),
        _full((1, ND)), _full((ND, ND)), _full((ED, ND)),
        _full((ND, ND)), _full((1, ND)),
    ]
    args = [v, s0, s1, nbias, wnv, wna, w2n, b2n]
    if not rec:
        in_specs += [pl.BlockSpec((NB, 1), lambda i: (i, 0)),
                     _full((ND, ED)), _full((1, ED))]
        args += [degc, w2e, b2e]
    in_specs += [
        _full((1, ED)), _full((1, UD)), _full((1, GD)),
        _full((ND, UD)), _full((ED, UD)), _full((UD, UD)), _full((GD, UD)),
        _full((1, UD)), _full((UD, UD)), _full((1, UD)),
    ]
    args += [esum, ucur, goal,
             gw["Wv"], gw["Wa"], gw["Wu"], gw["Wg"], gw["b1"], gw["W2"], gw["b2"]]
    if rec:
        in_specs += [_full((ND, ND))] * 3 + [_full((1, ND))] * 4
        args += [ngru["wxr"], ngru["wxz"], ngru["wxn"],
                 ngru["cr"], ngru["cz"], ngru["bxn"], ngru["bhn"]]
        in_specs += [_full((UD, UD))] * 3 + [_full((1, UD))] * 4
        args += [ugru["wxr"], ugru["wxz"], ugru["wxn"],
                 ugru["cr"], ugru["cz"], ugru["bxn"], ugru["bhn"]]
    if not dec:
        in_specs += [_full((ND, ND)), _full((ND, ND)),
                     _full((UD, ND)), _full((GD, ND)), _full((1, ND)),
                     _full((UD, ND)), _full((GD, ND)), _full((1, ND))]
        args += [nxt["wvs"], nxt["wvd"], nxt["wu"], nxt["wg"], nxt["b1e"],
                 nxt["wnu"], nxt["wng"], nxt["b1n"]]
    if dec:
        in_specs += [nblk(), _full((1, UD))]
        args += [x, uorig]

    out_specs = [nblk()]
    out_shape = [jax.ShapeDtypeStruct((N, ND), f32)]
    if not dec:
        out_specs += [nblk(), nblk()]
        out_shape += [jax.ShapeDtypeStruct((N, ND), f32)] * 2
    out_specs.append(_full((1, UD)))
    out_shape.append(jax.ShapeDtypeStruct((1, UD), f32))
    if not dec:
        out_specs += [_full((1, ND)), _full((1, ND))]
        out_shape += [jax.ShapeDtypeStruct((1, ND), f32)] * 2

    return pl.pallas_call(
        body,
        grid=(NG,),
        in_specs=in_specs,
        out_specs=out_specs,
        out_shape=out_shape,
        scratch_shapes=[pltpu.VMEM((1, ND), f32)],
        interpret=interpret,
    )(*args)



def _sc_gather(ps, pd_t, src1d, dst1d, interpret=False):
    mesh = plsc.VectorSubcoreMesh(core_axis_name="core", subcore_axis_name="subcore")
    ept = E_P // 32

    @functools.partial(
        pl.kernel,
        out_type=[jax.ShapeDtypeStruct((E_P, ND), f32)] * 2,
        mesh=mesh,
        scratch_types=[pltpu.VMEM((ept,), jnp.int32),
                       pltpu.VMEM((ept,), jnp.int32),
                       pltpu.VMEM((256, ND), f32),
                       pltpu.VMEM((256, ND), f32),
                       pltpu.SemaphoreType.DMA,
                       pltpu.SemaphoreType.DMA],
        interpret=interpret,
    )
    def gk(ps_hbm, pd_hbm, is_hbm, id_hbm, os_hbm, od_hbm,
           isv, idv, bs, bd, ss, sd):
        c = lax.axis_index("core")
        s = lax.axis_index("subcore")
        wid = s * 2 + c
        base = wid * ept
        pltpu.sync_copy(is_hbm.at[pl.ds(base, ept)], isv)
        pltpu.sync_copy(id_hbm.at[pl.ds(base, ept)], idv)

        @pl.loop(0, WPT, step=2)
        def _(j):
            cps = []
            for b in range(2):
                off = (j + b) * 128
                cps.append(pltpu.async_copy(
                    ps_hbm.at[isv.at[pl.ds(off, 128)]],
                    bs.at[pl.ds(b * 128, 128)], ss))
                cps.append(pltpu.async_copy(
                    pd_hbm.at[idv.at[pl.ds(off, 128)]],
                    bd.at[pl.ds(b * 128, 128)], sd))
            for cp in cps:
                cp.wait()
            pltpu.sync_copy(bs, os_hbm.at[pl.ds(base + j * 128, 256)])
            pltpu.sync_copy(bd, od_hbm.at[pl.ds(base + j * 128, 256)])

    return gk(ps, pd_t, src1d, dst1d)


def _sc_scatter(rows, dst1d, zeros_w, interpret=False):
    mesh = plsc.VectorSubcoreMesh(core_axis_name="core", subcore_axis_name="subcore")
    rps = N_SC // 16

    @functools.partial(
        pl.kernel,
        out_type=jax.ShapeDtypeStruct((2, N_SC, ND), f32),
        mesh=mesh,
        scratch_types=[pltpu.VMEM_SHARED((N_SC, ND), f32),
                       pltpu.VMEM((128,), jnp.int32),
                       pltpu.VMEM((128, ND), f32)],
        interpret=interpret,
    )
    def sk(rows_hbm, idx_hbm, z_hbm, out_hbm, acc_sh, idx_v, rows_v):
        c = lax.axis_index("core")
        s = lax.axis_index("subcore")
        wid = s * 2 + c
        pltpu.sync_copy(z_hbm.at[pl.ds(s * rps, rps)], acc_sh.at[pl.ds(s * rps, rps)])
        plsc.subcore_barrier()

        @pl.loop(0, WPT)
        def _(j):
            w = wid * WPT + j
            pltpu.sync_copy(idx_hbm.at[pl.ds(w * 128, 128)], idx_v)
            pltpu.sync_copy(rows_hbm.at[pl.ds(w * 128, 128)], rows_v)
            pltpu.sync_copy(rows_v, acc_sh.at[idx_v], add=True)

        plsc.subcore_barrier()
        pltpu.sync_copy(acc_sh.at[pl.ds(s * rps, rps)],
                        out_hbm.at[c, pl.ds(s * rps, rps)])

    return sk(rows, dst1d, zeros_w)


def _sc_deg(dst1d, zeros_1d, interpret=False):
    mesh = plsc.VectorSubcoreMesh(core_axis_name="core", subcore_axis_name="subcore")
    ept = E_P // 32
    cp = pltpu.CompilerParams()
    if "needs_layout_passes" in pltpu.CompilerParams.__dataclass_fields__:
        cp = dataclasses.replace(cp, needs_layout_passes=False)

    @functools.partial(
        pl.kernel,
        out_type=jax.ShapeDtypeStruct((32, N_SC), f32),
        mesh=mesh,
        compiler_params=cp,
        scratch_types=[pltpu.VMEM((N_SC,), f32),
                       pltpu.VMEM((ept,), jnp.int32)],
        interpret=interpret,
    )
    def dk(idx_hbm, z_hbm, out_hbm, deg_v, idx_v):
        c = lax.axis_index("core")
        s = lax.axis_index("subcore")
        wid = s * 2 + c
        pltpu.sync_copy(z_hbm, deg_v)
        pltpu.sync_copy(idx_hbm.at[pl.ds(wid * ept, ept)], idx_v)

        @pl.loop(0, ept // 16)
        def _(j):
            iv = idx_v[pl.ds(j * 16, 16)]
            plsc.addupdate_scatter(deg_v, [iv], jnp.ones((16,), f32))

        pltpu.sync_copy(deg_v, out_hbm.at[wid])

    return dk(dst1d, zeros_1d)



def _esplit(p):
    w1 = p["edge"]["W1"]
    return dict(wvs=w1[0:128], wvd=w1[128:256], we=w1[256:272], wu=w1[272:400],
                ww=w1[400:416], wg=w1[416:432], b1=p["edge"]["b1"].reshape(1, -1),
                w2=p["edge"]["W2"], b2=p["edge"]["b2"].reshape(1, -1))


def _nsplit(p, key):
    w1 = p[key]["W1"]
    return dict(Wv=w1[0:128], Wa=w1[128:144], Wu=w1[144:272], Wg=w1[272:288],
                b1=p[key]["b1"].reshape(1, -1), W2=p[key]["W2"],
                b2=p[key]["b2"].reshape(1, -1))


def _gsplit(p, dh):
    wx, bx, bh = p["Wx"], p["bx"], p["bh"]
    return dict(
        wxr=wx[:, 0:dh], wxz=wx[:, dh:2 * dh], wxn=wx[:, 2 * dh:3 * dh],
        cr=(bx[0:dh] + bh[0:dh]).reshape(1, dh),
        cz=(bx[dh:2 * dh] + bh[dh:2 * dh]).reshape(1, dh),
        bxn=bx[2 * dh:3 * dh].reshape(1, dh),
        bhn=bh[2 * dh:3 * dh].reshape(1, dh),
    )


def kernel(x, edge_index, edge_attr, u, batch, h_x, h_edge_attr, h_u, w, goal, params):
    src, dst = edge_index[0], edge_index[1]
    pad = jnp.zeros((E_P - E,), jnp.int32)
    src1d = jnp.concatenate([src, pad])
    dst1d = jnp.concatenate([dst, pad])
    dst_sc = jnp.concatenate([dst, jnp.full((E_P - E,), N_SC - 1, jnp.int32)])
    zeros_w = jnp.zeros((N_SC, ND), f32)

    pe, pr, pdc = params["enc"], params["rec"], params["dec"]
    ee, en_, eg = _esplit(pe), _nsplit(pe, "node"), _nsplit(pe, "glob")
    re_, rn, rg = _esplit(pr), _nsplit(pr, "node"), _nsplit(pr, "glob")
    de, dn, dg = _esplit(pdc), _nsplit(pdc, "node"), _nsplit(pdc, "glob")
    egru = _gsplit(pr["egru"], ED)
    ngru = _gsplit(pr["ngru"], ND)
    ugru = _gsplit(pr["ugru"], UD)

    def nxt(e_s, n_s):
        return dict(wvs=e_s["wvs"], wvd=e_s["wvd"], wu=e_s["wu"], wg=e_s["wg"],
                    b1e=e_s["b1"], wnu=n_s["Wu"], wng=n_s["Wg"], b1n=n_s["b1"])

    deg_parts = _sc_deg(dst_sc, jnp.zeros((N_SC,), f32))
    deg_col = jnp.sum(deg_parts, axis=0).reshape(N_SC, 1)

    p1s, p1d, ebias1, nbias1 = _proj_call(
        x, ee["wvs"], ee["wvd"], u, goal, ee["wu"], ee["wg"], ee["b1"],
        en_["Wu"], en_["Wg"], en_["b1"])
    g1s, g1d = _sc_gather(p1s, p1d, src1d, dst1d)
    e1, hidw1, e1sum = _edge_call("enc", g1s, g1d, edge_attr, w,
                                  ee["we"], ee["ww"], ebias1, ee["w2"], ee["b2"])
    s1 = _sc_scatter(hidw1, dst_sc, zeros_w)
    v1, p2s, p2d, u1, ebias2, nbias2 = _node_call(
        "enc", x, s1[0], s1[1], nbias1, en_["Wv"], en_["Wa"], en_["W2"],
        en_["b2"], e1sum, u, goal, eg, degc=deg_col, w2e=ee["w2"],
        b2e=ee["b2"], nxt=nxt(re_, rn))

    g2s, g2d = _sc_gather(p2s, p2d, src1d, dst1d)
    hew, hesum = _edge_call("rec", g2s, g2d, e1, w,
                            re_["we"], re_["ww"], ebias2, re_["w2"], re_["b2"],
                            gru=egru)
    s2 = _sc_scatter(hew, dst_sc, zeros_w)
    hv, p3s, p3d, hu, ebias3, nbias3 = _node_call(
        "rec", v1, s2[0], s2[1], nbias2, rn["Wv"], rn["Wa"], rn["W2"],
        rn["b2"], hesum, u1, goal, rg, ngru=ngru, ugru=ugru, nxt=nxt(de, dn))

    he16 = hew[:, :ED]
    g3s, g3d = _sc_gather(p3s, p3d, src1d, dst1d)
    eout, hidw3, e2sum = _edge_call("dec", g3s, g3d, he16, w,
                                    de["we"], de["ww"], ebias3, de["w2"], de["b2"],
                                    ea=edge_attr)
    s3 = _sc_scatter(hidw3, dst_sc, zeros_w)
    xout, uout = _node_call(
        "dec", hv, s3[0], s3[1], nbias3, dn["Wv"], dn["Wa"], dn["W2"],
        dn["b2"], e2sum, hu, goal, dg, degc=deg_col, w2e=de["w2"],
        b2e=de["b2"], x=x, uorig=u)

    return (xout, eout[:E], uout, hv, he16[:E], hu)

# --- scband reference (transcript-rebuilt; emitter-appended) ---
"""Pipeline reference for scband-trajectory-graph-net-37177236914581 (READ-ONLY COPY).

The authoritative reference and input builder live on the scoring server;
editing this copy changes nothing except your own understanding.
"""

import jax, jax.numpy as jnp
import numpy as np

N_NODES = 10000
N_EDGES = 160000
N_DIM = 128
E_DIM = 16
U_DIM = 128
W_DIM = 16
G_DIM = 16
H_DIM = 128
N_GRAPHS = 1


def _mlp_init(key, din, dh, dout):
    k1, k2 = jax.random.split(key)
    return {
        "W1": jax.random.normal(k1, (din, dh), jnp.float32) / np.sqrt(din),
        "b1": jnp.zeros((dh,), jnp.float32),
        "W2": jax.random.normal(k2, (dh, dout), jnp.float32) / np.sqrt(dh),
        "b2": jnp.zeros((dout,), jnp.float32),
    }


def _gru_init(key, din, dh):
    k1, k2 = jax.random.split(key)
    return {
        "Wx": jax.random.normal(k1, (din, 3 * dh), jnp.float32) / np.sqrt(din),
        "Wh": jax.random.normal(k2, (dh, 3 * dh), jnp.float32) / np.sqrt(dh),
        "bx": jnp.zeros((3 * dh,), jnp.float32),
        "bh": jnp.zeros((3 * dh,), jnp.float32),
    }


def _block_init(key):
    ke, kn, kg = jax.random.split(key, 3)
    e_in = 2 * N_DIM + E_DIM + U_DIM + W_DIM + G_DIM
    nu_in = N_DIM + E_DIM + U_DIM + G_DIM
    return {
        "edge": _mlp_init(ke, e_in, H_DIM, E_DIM),
        "node": _mlp_init(kn, nu_in, H_DIM, N_DIM),
        "glob": _mlp_init(kg, nu_in, H_DIM, U_DIM),
    }


def _mlp(p, x):
    return jnp.maximum(x @ p["W1"] + p["b1"], 0.0) @ p["W2"] + p["b2"]


def _gru(p, x, h):
    gx = x @ p["Wx"] + p["bx"]
    gh = h @ p["Wh"] + p["bh"]
    xr, xz, xn = jnp.split(gx, 3, axis=-1)
    hr, hz, hn = jnp.split(gh, 3, axis=-1)
    r = jax.nn.sigmoid(xr + hr)
    z = jax.nn.sigmoid(xz + hz)
    n = jnp.tanh(xn + r * hn)
    return (1.0 - z) * n + z * h


def setup_inputs(seed: int = 0):
    key = jax.random.key(seed)
    ks = jax.random.split(key, 12)
    x = jax.random.normal(ks[0], (N_NODES, N_DIM), jnp.float32)
    edge_index = jax.random.randint(ks[1], (2, N_EDGES), 0, N_NODES, jnp.int32)
    edge_attr = jax.random.normal(ks[2], (N_EDGES, E_DIM), jnp.float32)
    u = jax.random.normal(ks[3], (N_GRAPHS, U_DIM), jnp.float32)
    batch = jnp.zeros((N_NODES,), jnp.int32)
    h_x = jnp.zeros((N_NODES, N_DIM), jnp.float32)
    h_edge_attr = jnp.zeros((N_EDGES, E_DIM), jnp.float32)
    h_u = jnp.zeros((N_GRAPHS, U_DIM), jnp.float32)
    w = jax.random.uniform(ks[4], (N_EDGES, W_DIM), jnp.float32)
    goal = jax.random.normal(ks[5], (N_GRAPHS, G_DIM), jnp.float32)
    params = {
        "enc": _block_init(ks[6]),
        "dec": _block_init(ks[7]),
        "rec": {
            **_block_init(ks[8]),
            "egru": _gru_init(ks[9], E_DIM, E_DIM),
            "ngru": _gru_init(ks[10], N_DIM, N_DIM),
            "ugru": _gru_init(ks[11], U_DIM, U_DIM),
        },
    }
    return {
        "x": x,
        "edge_index": edge_index,
        "edge_attr": edge_attr,
        "u": u,
        "batch": batch,
        "h_x": h_x,
        "h_edge_attr": h_edge_attr,
        "h_u": h_u,
        "w": w,
        "goal": goal,
        "params": params,
    }


def _meta(p, v, edge_index, e, u, batch, w, goal):
    src, dst = edge_index[0], edge_index[1]
    eb = batch[src]
    e_new = _mlp(p["edge"], jnp.concatenate([v[src], v[dst], e, u[eb], w, goal[eb]], axis=-1))
    agg = jax.ops.segment_sum(e_new, dst, num_segments=v.shape[0])
    v_new = _mlp(p["node"], jnp.concatenate([v, agg, u[batch], goal[batch]], axis=-1))
    n_cnt = jax.ops.segment_sum(jnp.ones((v.shape[0], 1), jnp.float32), batch, num_segments=N_GRAPHS)
    e_cnt = jax.ops.segment_sum(jnp.ones((e.shape[0], 1), jnp.float32), eb, num_segments=N_GRAPHS)
    v_mean = jax.ops.segment_sum(v_new, batch, num_segments=N_GRAPHS) / jnp.maximum(n_cnt, 1.0)
    e_mean = jax.ops.segment_sum(e_new, eb, num_segments=N_GRAPHS) / jnp.maximum(e_cnt, 1.0)
    u_new = _mlp(p["glob"], jnp.concatenate([v_mean, e_mean, u, goal], axis=-1))
    return v_new, e_new, u_new


def _rec_meta(p, v, edge_index, e, u, h_v, h_e, h_u, batch, w, goal):
    src, dst = edge_index[0], edge_index[1]
    eb = batch[src]
    e_msg = _mlp(p["edge"], jnp.concatenate([v[src], v[dst], e, u[eb], w, goal[eb]], axis=-1))
    h_e_new = _gru(p["egru"], e_msg, h_e)
    agg = jax.ops.segment_sum(h_e_new, dst, num_segments=v.shape[0])
    v_msg = _mlp(p["node"], jnp.concatenate([v, agg, u[batch], goal[batch]], axis=-1))
    h_v_new = _gru(p["ngru"], v_msg, h_v)
    n_cnt = jax.ops.segment_sum(jnp.ones((v.shape[0], 1), jnp.float32), batch, num_segments=N_GRAPHS)
    e_cnt = jax.ops.segment_sum(jnp.ones((e.shape[0], 1), jnp.float32), eb, num_segments=N_GRAPHS)
    v_mean = jax.ops.segment_sum(h_v_new, batch, num_segments=N_GRAPHS) / jnp.maximum(n_cnt, 1.0)
    e_mean = jax.ops.segment_sum(h_e_new, eb, num_segments=N_GRAPHS) / jnp.maximum(e_cnt, 1.0)
    u_msg = _mlp(p["glob"], jnp.concatenate([v_mean, e_mean, u, goal], axis=-1))
    h_u_new = _gru(p["ugru"], u_msg, h_u)
    return v_msg, e_msg, u_msg, h_v_new, h_e_new, h_u_new


def _forward(x, edge_attr, u, h_x, h_edge_attr, h_u, w, goal, params, edge_index, batch):
    v, e, uu = _meta(params["enc"], x, edge_index, edge_attr, u, batch, w, goal)
    _, _, _, hv, he, hu = _rec_meta(params["rec"], v, edge_index, e, uu, h_x, h_edge_attr, h_u, batch, w, goal)
    v2, e2, u2 = _meta(params["dec"], hv, edge_index, he, hu, batch, w, goal)
    return (x + v2, edge_attr + e2, u + u2, hv, he, hu)


def reference(x, edge_index, edge_attr, u, batch, h_x, h_edge_attr, h_u, w, goal, params):
    return _forward(x, edge_attr, u, h_x, h_edge_attr, h_u, w, goal, params, edge_index, batch)

if __name__ == "__main__":
    import jax
    _d = setup_inputs()
    print(jax.jit(kernel)(*tuple(_d.values())))

</pallas_src>

<mosaic_0001>
#map = affine_map<(d0, d1) -> (0)>
#map1 = affine_map<(d0, d1) -> (0, 0)>
module attributes {stable_mosaic.version = 14 : i64} {
  func.func @dk(%arg0: i32, %arg1: i32, %arg2: memref<163840xi32, #tpu.memory_space<hbm>>, %arg3: memref<10240xf32, #tpu.memory_space<hbm>>, %arg4: memref<32x10240xf32, #tpu.memory_space<hbm>>, %arg5: memref<10240xf32, #tpu.memory_space<vmem>>, %arg6: memref<5120xi32, #tpu.memory_space<vmem>>) attributes {dimension_semantics = [#tpu.dimension_semantics<core_parallel>, #tpu.dimension_semantics<subcore_parallel>], iteration_bounds = array<i64: 2, 16>, scalar_prefetch = 0 : i64, scratch_operands = 2 : i64, tpu.core_type = #tpu.core_type<sc_vector_subcore>, window_params = [{transform_indices = #map}, {transform_indices = #map}, {transform_indices = #map1}]} {
    %mul3A = arith.constant 2 : i32
    %mul3A_0 = arith.muli %arg1, %mul3A : i32
    %add3A = arith.addi %mul3A_0, %arg0 : i32
    "tpu.region"() ({
      %run_scoped3A = tpu.sem_alloc : memref<!tpu.dma_semaphore, #tpu.memory_space<semaphore_mem>>
      tpu.enqueue_dma source(%arg3 : memref<10240xf32, #tpu.memory_space<hbm>>) target(%arg5 : memref<10240xf32, #tpu.memory_space<vmem>>) target_semaphore(%run_scoped3A : memref<!tpu.dma_semaphore, #tpu.memory_space<semaphore_mem>>)
      tpu.wait_dma2 semaphore(%run_scoped3A : memref<!tpu.dma_semaphore, #tpu.memory_space<semaphore_mem>>) src(%arg3 : memref<10240xf32, #tpu.memory_space<hbm>>) dst(%arg5 : memref<10240xf32, #tpu.memory_space<vmem>>)
      tpu.yield
    }) : () -> ()
    %mul3A_1 = arith.constant 5120 : i32
    %mul3A_2 = arith.muli %add3A, %mul3A_1 : i32
    "tpu.region"() ({
      %run_scoped3A = tpu.sem_alloc : memref<!tpu.dma_semaphore, #tpu.memory_space<semaphore_mem>>
      %dma_start3A = tpu.memref_slice %arg2[%mul3A_2] : memref<163840xi32, #tpu.memory_space<hbm>> -> memref<5120xi32, #tpu.memory_space<hbm>>
      %dma_start3A_7 = tpu.memref_slice %arg2[%mul3A_2] : memref<163840xi32, #tpu.memory_space<hbm>> -> memref<5120xi32, #tpu.memory_space<hbm>>
      tpu.enqueue_dma source(%dma_start3A_7 : memref<5120xi32, #tpu.memory_space<hbm>>) target(%arg6 : memref<5120xi32, #tpu.memory_space<vmem>>) target_semaphore(%run_scoped3A : memref<!tpu.dma_semaphore, #tpu.memory_space<semaphore_mem>>)
      %dma_wait3A = tpu.memref_slice %arg2[%mul3A_2] : memref<163840xi32, #tpu.memory_space<hbm>> -> memref<5120xi32, #tpu.memory_space<hbm>>
      %dma_wait3A_8 = tpu.memref_slice %arg2[%mul3A_2] : memref<163840xi32, #tpu.memory_space<hbm>> -> memref<5120xi32, #tpu.memory_space<hbm>>
      tpu.wait_dma2 semaphore(%run_scoped3A : memref<!tpu.dma_semaphore, #tpu.memory_space<semaphore_mem>>) src(%dma_wait3A_8 : memref<5120xi32, #tpu.memory_space<hbm>>) dst(%arg6 : memref<5120xi32, #tpu.memory_space<vmem>>)
      tpu.yield
    }) : () -> ()
    %scan3A = arith.constant 0 : i32
    %scan3A_3 = arith.constant 320 : i32
    %scan3A_4 = arith.addi %scan3A, %scan3A_3 : i32
    %scan3A_5 = arith.constant 1 : i32
    scf.for %scan3A_7 = %scan3A to %scan3A_4 step %scan3A_5  : i32 {
      %mul3A_8 = arith.constant 1 : i32
      %mul3A_9 = arith.muli %scan3A_7, %mul3A_8 : i32
      %add3A_10 = arith.constant 0 : i32
      %add3A_11 = arith.addi %add3A_10, %mul3A_9 : i32
      %mul3A_12 = arith.constant 16 : i32
      %mul3A_13 = arith.muli %add3A_11, %mul3A_12 : i32
      %get3A = arith.index_cast %mul3A_13 : i32 to index
      %get3A_14 = tpu.vector_load %arg6[%get3A] {strides = array<i32>} : memref<5120xi32, #tpu.memory_space<vmem>>, vector<16xi32>,
      %broadcast_in_dim3A = arith.constant 1.000000e+00 : f32
      %broadcast_in_dim3A_15 = vector.broadcast %broadcast_in_dim3A : f32 to vector<16xf32>
      tpu.vector_store_idx %arg5[%get3A_14], %broadcast_in_dim3A_15 {add = true} : memref<10240xf32, #tpu.memory_space<vmem>>[vector<16xi32>], vector<16xf32>,
    }
    %scan3A_6 = arith.constant 320 : i32
    "tpu.region"() ({
      %run_scoped3A = tpu.sem_alloc : memref<!tpu.dma_semaphore, #tpu.memory_space<semaphore_mem>>
      %dma_start3A = arith.constant 0 : i32
      %dma_start3A_7 = tpu.memref_slice %arg4[%add3A, %dma_start3A] : memref<32x10240xf32, #tpu.memory_space<hbm>> -> memref<1x10240xf32, #tpu.memory_space<hbm>>
      %dma_start3A_8 = tpu.memref_squeeze %dma_start3A_7 : memref<1x10240xf32, #tpu.memory_space<hbm>> -> memref<10240xf32, #tpu.memory_space<hbm>>
      %dma_start3A_9 = arith.constant 0 : i32
      %dma_start3A_10 = tpu.memref_slice %arg4[%add3A, %dma_start3A_9] : memref<32x10240xf32, #tpu.memory_space<hbm>> -> memref<1x10240xf32, #tpu.memory_space<hbm>>
      %dma_start3A_11 = tpu.memref_squeeze %dma_start3A_10 : memref<1x10240xf32, #tpu.memory_space<hbm>> -> memref<10240xf32, #tpu.memory_space<hbm>>
      tpu.enqueue_dma source(%arg5 : memref<10240xf32, #tpu.memory_space<vmem>>) target(%dma_start3A_11 : memref<10240xf32, #tpu.memory_space<hbm>>) target_semaphore(%run_scoped3A : memref<!tpu.dma_semaphore, #tpu.memory_space<semaphore_mem>>)
      %dma_wait3A = arith.constant 0 : i32
      %dma_wait3A_12 = tpu.memref_slice %arg4[%add3A, %dma_wait3A] : memref<32x10240xf32, #tpu.memory_space<hbm>> -> memref<1x10240xf32, #tpu.memory_space<hbm>>
      %dma_wait3A_13 = tpu.memref_squeeze %dma_wait3A_12 : memref<1x10240xf32, #tpu.memory_space<hbm>> -> memref<10240xf32, #tpu.memory_space<hbm>>
      %dma_wait3A_14 = arith.constant 0 : i32
      %dma_wait3A_15 = tpu.memref_slice %arg4[%add3A, %dma_wait3A_14] : memref<32x10240xf32, #tpu.memory_space<hbm>> -> memref<1x10240xf32, #tpu.memory_space<hbm>>
      %dma_wait3A_16 = tpu.memref_squeeze %dma_wait3A_15 : memref<1x10240xf32, #tpu.memory_space<hbm>> -> memref<10240xf32, #tpu.memory_space<hbm>>
      tpu.wait_dma2 semaphore(%run_scoped3A : memref<!tpu.dma_semaphore, #tpu.memory_space<semaphore_mem>>) src(%arg5 : memref<10240xf32, #tpu.memory_space<vmem>>) dst(%dma_wait3A_16 : memref<10240xf32, #tpu.memory_space<hbm>>)
      tpu.yield
    }) : () -> ()
    return
  }
}

#map = affine_map<(d0, d1) -> (0, 0)>
#map1 = affine_map<(d0, d1) -> (0)>
module attributes {stable_mosaic.version = 14 : i64} {
  func.func @gk(%arg0: i32, %arg1: i32, %arg2: memref<10000x128xf32, #tpu.memory_space<hbm>>, %arg3: memref<10000x128xf32, #tpu.memory_space<hbm>>, %arg4: memref<163840xi32, #tpu.memory_space<hbm>>, %arg5: memref<163840xi32, #tpu.memory_space<hbm>>, %arg6: memref<163840x128xf32, #tpu.memory_space<hbm>>, %arg7: memref<163840x128xf32, #tpu.memory_space<hbm>>, %arg8: memref<5120xi32, #tpu.memory_space<vmem>>, %arg9: memref<5120xi32, #tpu.memory_space<vmem>>, %arg10: memref<256x128xf32, #tpu.memory_space<vmem>>, %arg11: memref<256x128xf32, #tpu.memory_space<vmem>>, %arg12: memref<!tpu.dma_semaphore, #tpu.memory_space<semaphore_mem>>, %arg13: memref<!tpu.dma_semaphore, #tpu.memory_space<semaphore_mem>>) attributes {dimension_semantics = [#tpu.dimension_semantics<core_parallel>, #tpu.dimension_semantics<subcore_parallel>], iteration_bounds = array<i64: 2, 16>, scalar_prefetch = 0 : i64, scratch_operands = 6 : i64, tpu.core_type = #tpu.core_type<sc_vector_subcore>, window_params = [{transform_indices = #map}, {transform_indices = #map}, {transform_indices = #map1}, {transform_indices = #map1}, {transform_indices = #map}, {transform_indices = #map}]} {
    %mul3A = arith.constant 2 : i32
    %mul3A_0 = arith.muli %arg1, %mul3A : i32
    %add3A = arith.addi %mul3A_0, %arg0 : i32
    %mul3A_1 = arith.constant 5120 : i32
    %mul3A_2 = arith.muli %add3A, %mul3A_1 : i32
    "tpu.region"() ({
      %run_scoped3A = tpu.sem_alloc : memref<!tpu.dma_semaphore, #tpu.memory_space<semaphore_mem>>
      %dma_start3A = tpu.memref_slice %arg4[%mul3A_2] : memref<163840xi32, #tpu.memory_space<hbm>> -> memref<5120xi32, #tpu.memory_space<hbm>>
      %dma_start3A_7 = tpu.memref_slice %arg4[%mul3A_2] : memref<163840xi32, #tpu.memory_space<hbm>> -> memref<5120xi32, #tpu.memory_space<hbm>>
      tpu.enqueue_dma source(%dma_start3A_7 : memref<5120xi32, #tpu.memory_space<hbm>>) target(%arg8 : memref<5120xi32, #tpu.memory_space<vmem>>) target_semaphore(%run_scoped3A : memref<!tpu.dma_semaphore, #tpu.memory_space<semaphore_mem>>)
      %dma_wait3A = tpu.memref_slice %arg4[%mul3A_2] : memref<163840xi32, #tpu.memory_space<hbm>> -> memref<5120xi32, #tpu.memory_space<hbm>>
      %dma_wait3A_8 = tpu.memref_slice %arg4[%mul3A_2] : memref<163840xi32, #tpu.memory_space<hbm>> -> memref<5120xi32, #tpu.memory_space<hbm>>
      tpu.wait_dma2 semaphore(%run_scoped3A : memref<!tpu.dma_semaphore, #tpu.memory_space<semaphore_mem>>) src(%dma_wait3A_8 : memref<5120xi32, #tpu.memory_space<hbm>>) dst(%arg8 : memref<5120xi32, #tpu.memory_space<vmem>>)
      tpu.yield
    }) : () -> ()
    "tpu.region"() ({
      %run_scoped3A = tpu.sem_alloc : memref<!tpu.dma_semaphore, #tpu.memory_space<semaphore_mem>>
      %dma_start3A = tpu.memref_slice %arg5[%mul3A_2] : memref<163840xi32, #tpu.memory_space<hbm>> -> memref<5120xi32, #tpu.memory_space<hbm>>
      %dma_start3A_7 = tpu.memref_slice %arg5[%mul3A_2] : memref<163840xi32, #tpu.memory_space<hbm>> -> memref<5120xi32, #tpu.memory_space<hbm>>
      tpu.enqueue_dma source(%dma_start3A_7 : memref<5120xi32, #tpu.memory_space<hbm>>) target(%arg9 : memref<5120xi32, #tpu.memory_space<vmem>>) target_semaphore(%run_scoped3A : memref<!tpu.dma_semaphore, #tpu.memory_space<semaphore_mem>>)
      %dma_wait3A = tpu.memref_slice %arg5[%mul3A_2] : memref<163840xi32, #tpu.memory_space<hbm>> -> memref<5120xi32, #tpu.memory_space<hbm>>
      %dma_wait3A_8 = tpu.memref_slice %arg5[%mul3A_2] : memref<163840xi32, #tpu.memory_space<hbm>> -> memref<5120xi32, #tpu.memory_space<hbm>>
      tpu.wait_dma2 semaphore(%run_scoped3A : memref<!tpu.dma_semaphore, #tpu.memory_space<semaphore_mem>>) src(%dma_wait3A_8 : memref<5120xi32, #tpu.memory_space<hbm>>) dst(%arg9 : memref<5120xi32, #tpu.memory_space<vmem>>)
      tpu.yield
    }) : () -> ()
    %scan3A = arith.constant 0 : i32
    %scan3A_3 = arith.constant 20 : i32
    %scan3A_4 = arith.addi %scan3A, %scan3A_3 : i32
    %scan3A_5 = arith.constant 1 : i32
    scf.for %scan3A_7 = %scan3A to %scan3A_4 step %scan3A_5  : i32 {
      %mul3A_8 = arith.constant 2 : i32
      %mul3A_9 = arith.muli %scan3A_7, %mul3A_8 : i32
      %add3A_10 = arith.constant 0 : i32
      %add3A_11 = arith.addi %add3A_10, %mul3A_9 : i32
      %add3A_12 = arith.constant 0 : i32
      %add3A_13 = arith.addi %add3A_11, %add3A_12 : i32
      %mul3A_14 = arith.constant 128 : i32
      %mul3A_15 = arith.muli %add3A_13, %mul3A_14 : i32
      %dma_start3A = arith.constant 0 : i32
      %dma_start3A_16 = arith.constant 0 : i32
      %dma_start3A_17 = tpu.memref_slice %arg10[%dma_start3A, %dma_start3A_16] : memref<256x128xf32, #tpu.memory_space<vmem>> -> memref<128x128xf32, #tpu.memory_space<vmem>>
      %dma_start3A_18 = tpu.memref_slice %arg8[%mul3A_15] : memref<5120xi32, #tpu.memory_space<vmem>> -> memref<128xi32, #tpu.memory_space<vmem>>
      %dma_start3A_19 = arith.constant 0 : i32
      %dma_start3A_20 = arith.constant 0 : i32
      %dma_start3A_21 = tpu.memref_slice %arg2[%dma_start3A_19, %dma_start3A_20] : memref<10000x128xf32, #tpu.memory_space<hbm>> -> memref<10000x128xf32, #tpu.memory_space<hbm>>
      tpu.enqueue_indirect_dma source(%dma_start3A_21 : memref<10000x128xf32, #tpu.memory_space<hbm>>) target(%dma_start3A_17 : memref<128x128xf32, #tpu.memory_space<vmem>>) offsets(%dma_start3A_18 : memref<128xi32, #tpu.memory_space<vmem>>) semaphore(%arg12 : memref<!tpu.dma_semaphore, #tpu.memory_space<semaphore_mem>>)
      %dma_start3A_22 = arith.constant 0 : i32
      %dma_start3A_23 = arith.constant 0 : i32
      %dma_start3A_24 = tpu.memref_slice %arg11[%dma_start3A_22, %dma_start3A_23] : memref<256x128xf32, #tpu.memory_space<vmem>> -> memref<128x128xf32, #tpu.memory_space<vmem>>
      %dma_start3A_25 = tpu.memref_slice %arg9[%mul3A_15] : memref<5120xi32, #tpu.memory_space<vmem>> -> memref<128xi32, #tpu.memory_space<vmem>>
      %dma_start3A_26 = arith.constant 0 : i32
      %dma_start3A_27 = arith.constant 0 : i32
      %dma_start3A_28 = tpu.memref_slice %arg3[%dma_start3A_26, %dma_start3A_27] : memref<10000x128xf32, #tpu.memory_space<hbm>> -> memref<10000x128xf32, #tpu.memory_space<hbm>>
      tpu.enqueue_indirect_dma source(%dma_start3A_28 : memref<10000x128xf32, #tpu.memory_space<hbm>>) target(%dma_start3A_24 : memref<128x128xf32, #tpu.memory_space<vmem>>) offsets(%dma_start3A_25 : memref<128xi32, #tpu.memory_space<vmem>>) semaphore(%arg13 : memref<!tpu.dma_semaphore, #tpu.memory_space<semaphore_mem>>)
      %add3A_29 = arith.constant 1 : i32
      %add3A_30 = arith.addi %add3A_11, %add3A_29 : i32
      %mul3A_31 = arith.constant 128 : i32
      %mul3A_32 = arith.muli %add3A_30, %mul3A_31 : i32
      %dma_start3A_33 = arith.constant 128 : i32
      %dma_start3A_34 = arith.constant 0 : i32
      %dma_start3A_35 = tpu.memref_slice %arg10[%dma_start3A_33, %dma_start3A_34] : memref<256x128xf32, #tpu.memory_space<vmem>> -> memref<128x128xf32, #tpu.memory_space<vmem>>
      %dma_start3A_36 = tpu.memref_slice %arg8[%mul3A_32] : memref<5120xi32, #tpu.memory_space<vmem>> -> memref<128xi32, #tpu.memory_space<vmem>>
      %dma_start3A_37 = arith.constant 0 : i32
      %dma_start3A_38 = arith.constant 0 : i32
      %dma_start3A_39 = tpu.memref_slice %arg2[%dma_start3A_37, %dma_start3A_38] : memref<10000x128xf32, #tpu.memory_space<hbm>> -> memref<10000x128xf32, #tpu.memory_space<hbm>>
      tpu.enqueue_indirect_dma source(%dma_start3A_39 : memref<10000x128xf32, #tpu.memory_space<hbm>>) target(%dma_start3A_35 : memref<128x128xf32, #tpu.memory_space<vmem>>) offsets(%dma_start3A_36 : memref<128xi32, #tpu.memory_space<vmem>>) semaphore(%arg12 : memref<!tpu.dma_semaphore, #tpu.memory_space<semaphore_mem>>)
      %dma_start3A_40 = arith.constant 128 : i32
      %dma_start3A_41 = arith.constant 0 : i32
      %dma_start3A_42 = tpu.memref_slice %arg11[%dma_start3A_40, %dma_start3A_41] : memref<256x128xf32, #tpu.memory_space<vmem>> -> memref<128x128xf32, #tpu.memory_space<vmem>>
      %dma_start3A_43 = tpu.memref_slice %arg9[%mul3A_32] : memref<5120xi32, #tpu.memory_space<vmem>> -> memref<128xi32, #tpu.memory_space<vmem>>
      %dma_start3A_44 = arith.constant 0 : i32
      %dma_start3A_45 = arith.constant 0 : i32
      %dma_start3A_46 = tpu.memref_slice %arg3[%dma_start3A_44, %dma_start3A_45] : memref<10000x128xf32, #tpu.memory_space<hbm>> -> memref<10000x128xf32, #tpu.memory_space<hbm>>
      tpu.enqueue_indirect_dma source(%dma_start3A_46 : memref<10000x128xf32, #tpu.memory_space<hbm>>) target(%dma_start3A_42 : memref<128x128xf32, #tpu.memory_space<vmem>>) offsets(%dma_start3A_43 : memref<128xi32, #tpu.memory_space<vmem>>) semaphore(%arg13 : memref<!tpu.dma_semaphore, #tpu.memory_space<semaphore_mem>>)
      %dma_wait3A = arith.constant 0 : i32
      %dma_wait3A_47 = arith.constant 0 : i32
      %dma_wait3A_48 = tpu.memref_slice %arg10[%dma_wait3A, %dma_wait3A_47] : memref<256x128xf32, #tpu.memory_space<vmem>> -> memref<128x128xf32, #tpu.memory_space<vmem>>
      %dma_wait3A_49 = tpu.memref_slice %arg8[%mul3A_15] : memref<5120xi32, #tpu.memory_space<vmem>> -> memref<128xi32, #tpu.memory_space<vmem>>
      %dma_wait3A_50 = arith.constant 0 : i32
      %dma_wait3A_51 = arith.constant 0 : i32
      %dma_wait3A_52 = tpu.memref_slice %arg2[%dma_wait3A_50, %dma_wait3A_51] : memref<10000x128xf32, #tpu.memory_space<hbm>> -> memref<10000x128xf32, #tpu.memory_space<hbm>>
      tpu.wait_indirect_dma semaphore(%arg12 : memref<!tpu.dma_semaphore, #tpu.memory_space<semaphore_mem>>) src(%dma_wait3A_52 : memref<10000x128xf32, #tpu.memory_space<hbm>>) dst(%dma_wait3A_48 : memref<128x128xf32, #tpu.memory_space<vmem>>)
      %dma_wait3A_53 = arith.constant 0 : i32
      %dma_wait3A_54 = arith.constant 0 : i32
      %dma_wait3A_55 = tpu.memref_slice %arg11[%dma_wait3A_53, %dma_wait3A_54] : memref<256x128xf32, #tpu.memory_space<vmem>> -> memref<128x128xf32, #tpu.memory_space<vmem>>
      %dma_wait3A_56 = tpu.memref_slice %arg9[%mul3A_15] : memref<5120xi32, #tpu.memory_space<vmem>> -> memref<128xi32, #tpu.memory_space<vmem>>
      %dma_wait3A_57 = arith.constant 0 : i32
      %dma_wait3A_58 = arith.constant 0 : i32
      %dma_wait3A_59 = tpu.memref_slice %arg3[%dma_wait3A_57, %dma_wait3A_58] : memref<10000x128xf32, #tpu.memory_space<hbm>> -> memref<10000x128xf32, #tpu.memory_space<hbm>>
      tpu.wait_indirect_dma semaphore(%arg13 : memref<!tpu.dma_semaphore, #tpu.memory_space<semaphore_mem>>) src(%dma_wait3A_59 : memref<10000x128xf32, #tpu.memory_space<hbm>>) dst(%dma_wait3A_55 : memref<128x128xf32, #tpu.memory_space<vmem>>)
      %dma_wait3A_60 = arith.constant 128 : i32
      %dma_wait3A_61 = arith.constant 0 : i32
      %dma_wait3A_62 = tpu.memref_slice %arg10[%dma_wait3A_60, %dma_wait3A_61] : memref<256x128xf32, #tpu.memory_space<vmem>> -> memref<128x128xf32, #tpu.memory_space<vmem>>
      %dma_wait3A_63 = tpu.memref_slice %arg8[%mul3A_32] : memref<5120xi32, #tpu.memory_space<vmem>> -> memref<128xi32, #tpu.memory_space<vmem>>
      %dma_wait3A_64 = arith.constant 0 : i32
      %dma_wait3A_65 = arith.constant 0 : i32
      %dma_wait3A_66 = tpu.memref_slice %arg2[%dma_wait3A_64, %dma_wait3A_65] : memref<10000x128xf32, #tpu.memory_space<hbm>> -> memref<10000x128xf32, #tpu.memory_space<hbm>>
      tpu.wait_indirect_dma semaphore(%arg12 : memref<!tpu.dma_semaphore, #tpu.memory_space<semaphore_mem>>) src(%dma_wait3A_66 : memref<10000x128xf32, #tpu.memory_space<hbm>>) dst(%dma_wait3A_62 : memref<128x128xf32, #tpu.memory_space<vmem>>)
      %dma_wait3A_67 = arith.constant 128 : i32
      %dma_wait3A_68 = arith.constant 0 : i32
      %dma_wait3A_69 = tpu.memref_slice %arg11[%dma_wait3A_67, %dma_wait3A_68] : memref<256x128xf32, #tpu.memory_space<vmem>> -> memref<128x128xf32, #tpu.memory_space<vmem>>
      %dma_wait3A_70 = tpu.memref_slice %arg9[%mul3A_32] : memref<5120xi32, #tpu.memory_space<vmem>> -> memref<128xi32, #tpu.memory_space<vmem>>
      %dma_wait3A_71 = arith.constant 0 : i32
      %dma_wait3A_72 = arith.constant 0 : i32
      %dma_wait3A_73 = tpu.memref_slice %arg3[%dma_wait3A_71, %dma_wait3A_72] : memref<10000x128xf32, #tpu.memory_space<hbm>> -> memref<10000x128xf32, #tpu.memory_space<hbm>>
      tpu.wait_indirect_dma semaphore(%arg13 : memref<!tpu.dma_semaphore, #tpu.memory_space<semaphore_mem>>) src(%dma_wait3A_73 : memref<10000x128xf32, #tpu.memory_space<hbm>>) dst(%dma_wait3A_69 : memref<128x128xf32, #tpu.memory_space<vmem>>)
      %mul3A_74 = arith.constant 128 : i32
      %mul3A_75 = arith.muli %add3A_11, %mul3A_74 : i32
      %add3A_76 = arith.addi %mul3A_2, %mul3A_75 : i32
      "tpu.region"() ({
        %run_scoped3A = tpu.sem_alloc : memref<!tpu.dma_semaphore, #tpu.memory_space<semaphore_mem>>
        %dma_start3A_80 = arith.constant 0 : i32
        %dma_start3A_81 = tpu.memref_slice %arg6[%add3A_76, %dma_start3A_80] : memref<163840x128xf32, #tpu.memory_space<hbm>> -> memref<256x128xf32, #tpu.memory_space<hbm>>
        %dma_start3A_82 = arith.constant 0 : i32
        %dma_start3A_83 = tpu.memref_slice %arg6[%add3A_76, %dma_start3A_82] : memref<163840x128xf32, #tpu.memory_space<hbm>> -> memref<256x128xf32, #tpu.memory_space<hbm>>
        tpu.enqueue_dma source(%arg10 : memref<256x128xf32, #tpu.memory_space<vmem>>) target(%dma_start3A_83 : memref<256x128xf32, #tpu.memory_space<hbm>>) target_semaphore(%run_scoped3A : memref<!tpu.dma_semaphore, #tpu.memory_space<semaphore_mem>>)
        %dma_wait3A_84 = arith.constant 0 : i32
        %dma_wait3A_85 = tpu.memref_slice %arg6[%add3A_76, %dma_wait3A_84] : memref<163840x128xf32, #tpu.memory_space<hbm>> -> memref<256x128xf32, #tpu.memory_space<hbm>>
        %dma_wait3A_86 = arith.constant 0 : i32
        %dma_wait3A_87 = tpu.memref_slice %arg6[%add3A_76, %dma_wait3A_86] : memref<163840x128xf32, #tpu.memory_space<hbm>> -> memref<256x128xf32, #tpu.memory_space<hbm>>
        tpu.wait_dma2 semaphore(%run_scoped3A : memref<!tpu.dma_semaphore, #tpu.memory_space<semaphore_mem>>) src(%arg10 : memref<256x128xf32, #tpu.memory_space<vmem>>) dst(%dma_wait3A_87 : memref<256x128xf32, #tpu.memory_space<hbm>>)
        tpu.yield
      }) : () -> ()
      %mul3A_77 = arith.constant 128 : i32
      %mul3A_78 = arith.muli %add3A_11, %mul3A_77 : i32
      %add3A_79 = arith.addi %mul3A_2, %mul3A_78 : i32
      "tpu.region"() ({
        %run_scoped3A = tpu.sem_alloc : memref<!tpu.dma_semaphore, #tpu.memory_space<semaphore_mem>>
        %dma_start3A_80 = arith.constant 0 : i32
        %dma_start3A_81 = tpu.memref_slice %arg7[%add3A_79, %dma_start3A_80] : memref<163840x128xf32, #tpu.memory_space<hbm>> -> memref<256x128xf32, #tpu.memory_space<hbm>>
        %dma_start3A_82 = arith.constant 0 : i32
        %dma_start3A_83 = tpu.memref_slice %arg7[%add3A_79, %dma_start3A_82] : memref<163840x128xf32, #tpu.memory_space<hbm>> -> memref<256x128xf32, #tpu.memory_space<hbm>>
        tpu.enqueue_dma source(%arg11 : memref<256x128xf32, #tpu.memory_space<vmem>>) target(%dma_start3A_83 : memref<256x128xf32, #tpu.memory_space<hbm>>) target_semaphore(%run_scoped3A : memref<!tpu.dma_semaphore, #tpu.memory_space<semaphore_mem>>)
        %dma_wait3A_84 = arith.constant 0 : i32
        %dma_wait3A_85 = tpu.memref_slice %arg7[%add3A_79, %dma_wait3A_84] : memref<163840x128xf32, #tpu.memory_space<hbm>> -> memref<256x128xf32, #tpu.memory_space<hbm>>
        %dma_wait3A_86 = arith.constant 0 : i32
        %dma_wait3A_87 = tpu.memref_slice %arg7[%add3A_79, %dma_wait3A_86] : memref<163840x128xf32, #tpu.memory_space<hbm>> -> memref<256x128xf32, #tpu.memory_space<hbm>>
        tpu.wait_dma2 semaphore(%run_scoped3A : memref<!tpu.dma_semaphore, #tpu.memory_space<semaphore_mem>>) src(%arg11 : memref<256x128xf32, #tpu.memory_space<vmem>>) dst(%dma_wait3A_87 : memref<256x128xf32, #tpu.memory_space<hbm>>)
        tpu.yield
      }) : () -> ()
    }
    %scan3A_6 = arith.constant 20 : i32
    return
  }
}

#map = affine_map<(d0, d1) -> (0, 0)>
#map1 = affine_map<(d0, d1) -> (0)>
#map2 = affine_map<(d0, d1) -> (0, 0, 0)>
module attributes {stable_mosaic.version = 14 : i64} {
  func.func @sk(%arg0: i32, %arg1: i32, %arg2: memref<163840x128xf32, #tpu.memory_space<hbm>>, %arg3: memref<163840xi32, #tpu.memory_space<hbm>>, %arg4: memref<10240x128xf32, #tpu.memory_space<hbm>>, %arg5: memref<2x10240x128xf32, #tpu.memory_space<hbm>>, %arg6: memref<10240x128xf32, #tpu.memory_space<vmem_shared>>, %arg7: memref<128xi32, #tpu.memory_space<vmem>>, %arg8: memref<128x128xf32, #tpu.memory_space<vmem>>) attributes {dimension_semantics = [#tpu.dimension_semantics<core_parallel>, #tpu.dimension_semantics<subcore_parallel>], iteration_bounds = array<i64: 2, 16>, scalar_prefetch = 0 : i64, scratch_operands = 3 : i64, tpu.core_type = #tpu.core_type<sc_vector_subcore>, window_params = [{transform_indices = #map}, {transform_indices = #map1}, {transform_indices = #map}, {transform_indices = #map2}]} {
    %mul3A = arith.constant 2 : i32
    %mul3A_0 = arith.muli %arg1, %mul3A : i32
    %add3A = arith.addi %mul3A_0, %arg0 : i32
    %mul3A_1 = arith.constant 640 : i32
    %mul3A_2 = arith.muli %arg1, %mul3A_1 : i32
    %mul3A_3 = arith.constant 640 : i32
    %mul3A_4 = arith.muli %arg1, %mul3A_3 : i32
    "tpu.region"() ({
      %run_scoped3A = tpu.sem_alloc : memref<!tpu.dma_semaphore, #tpu.memory_space<semaphore_mem>>
      %dma_start3A = arith.constant 0 : i32
      %dma_start3A_14 = tpu.memref_slice %arg6[%mul3A_4, %dma_start3A] : memref<10240x128xf32, #tpu.memory_space<vmem_shared>> -> memref<640x128xf32, #tpu.memory_space<vmem_shared>>
      %dma_start3A_15 = arith.constant 0 : i32
      %dma_start3A_16 = tpu.memref_slice %arg4[%mul3A_2, %dma_start3A_15] : memref<10240x128xf32, #tpu.memory_space<hbm>> -> memref<640x128xf32, #tpu.memory_space<hbm>>
      tpu.enqueue_dma source(%dma_start3A_16 : memref<640x128xf32, #tpu.memory_space<hbm>>) target(%dma_start3A_14 : memref<640x128xf32, #tpu.memory_space<vmem_shared>>) target_semaphore(%run_scoped3A : memref<!tpu.dma_semaphore, #tpu.memory_space<semaphore_mem>>)
      %dma_wait3A = arith.constant 0 : i32
      %dma_wait3A_17 = tpu.memref_slice %arg6[%mul3A_4, %dma_wait3A] : memref<10240x128xf32, #tpu.memory_space<vmem_shared>> -> memref<640x128xf32, #tpu.memory_space<vmem_shared>>
      %dma_wait3A_18 = arith.constant 0 : i32
      %dma_wait3A_19 = tpu.memref_slice %arg4[%mul3A_2, %dma_wait3A_18] : memref<10240x128xf32, #tpu.memory_space<hbm>> -> memref<640x128xf32, #tpu.memory_space<hbm>>
      tpu.wait_dma2 semaphore(%run_scoped3A : memref<!tpu.dma_semaphore, #tpu.memory_space<semaphore_mem>>) src(%dma_wait3A_19 : memref<640x128xf32, #tpu.memory_space<hbm>>) dst(%dma_wait3A_17 : memref<640x128xf32, #tpu.memory_space<vmem_shared>>)
      tpu.yield
    }) : () -> ()
    %barrier3A = arith.constant 0 : index
    tpu.barrier barrier_id(%barrier3A)
    %scan3A = arith.constant 0 : i32
    %scan3A_5 = arith.constant 40 : i32
    %scan3A_6 = arith.addi %scan3A, %scan3A_5 : i32
    %scan3A_7 = arith.constant 1 : i32
    scf.for %scan3A_14 = %scan3A to %scan3A_6 step %scan3A_7  : i32 {
      %mul3A_15 = arith.constant 1 : i32
      %mul3A_16 = arith.muli %scan3A_14, %mul3A_15 : i32
      %add3A_17 = arith.constant 0 : i32
      %add3A_18 = arith.addi %add3A_17, %mul3A_16 : i32
      %mul3A_19 = arith.constant 40 : i32
      %mul3A_20 = arith.muli %add3A, %mul3A_19 : i32
      %add3A_21 = arith.addi %mul3A_20, %add3A_18 : i32
      %mul3A_22 = arith.constant 128 : i32
      %mul3A_23 = arith.muli %add3A_21, %mul3A_22 : i32
      "tpu.region"() ({
        %run_scoped3A = tpu.sem_alloc : memref<!tpu.dma_semaphore, #tpu.memory_space<semaphore_mem>>
        %dma_start3A = tpu.memref_slice %arg3[%mul3A_23] : memref<163840xi32, #tpu.memory_space<hbm>> -> memref<128xi32, #tpu.memory_space<hbm>>
        %dma_start3A_26 = tpu.memref_slice %arg3[%mul3A_23] : memref<163840xi32, #tpu.memory_space<hbm>> -> memref<128xi32, #tpu.memory_space<hbm>>
        tpu.enqueue_dma source(%dma_start3A_26 : memref<128xi32, #tpu.memory_space<hbm>>) target(%arg7 : memref<128xi32, #tpu.memory_space<vmem>>) target_semaphore(%run_scoped3A : memref<!tpu.dma_semaphore, #tpu.memory_space<semaphore_mem>>)
        %dma_wait3A = tpu.memref_slice %arg3[%mul3A_23] : memref<163840xi32, #tpu.memory_space<hbm>> -> memref<128xi32, #tpu.memory_space<hbm>>
        %dma_wait3A_27 = tpu.memref_slice %arg3[%mul3A_23] : memref<163840xi32, #tpu.memory_space<hbm>> -> memref<128xi32, #tpu.memory_space<hbm>>
        tpu.wait_dma2 semaphore(%run_scoped3A : memref<!tpu.dma_semaphore, #tpu.memory_space<semaphore_mem>>) src(%dma_wait3A_27 : memref<128xi32, #tpu.memory_space<hbm>>) dst(%arg7 : memref<128xi32, #tpu.memory_space<vmem>>)
        tpu.yield
      }) : () -> ()
      %mul3A_24 = arith.constant 128 : i32
      %mul3A_25 = arith.muli %add3A_21, %mul3A_24 : i32
      "tpu.region"() ({
        %run_scoped3A = tpu.sem_alloc : memref<!tpu.dma_semaphore, #tpu.memory_space<semaphore_mem>>
        %dma_start3A = arith.constant 0 : i32
        %dma_start3A_26 = tpu.memref_slice %arg2[%mul3A_25, %dma_start3A] : memref<163840x128xf32, #tpu.memory_space<hbm>> -> memref<128x128xf32, #tpu.memory_space<hbm>>
        %dma_start3A_27 = arith.constant 0 : i32
        %dma_start3A_28 = tpu.memref_slice %arg2[%mul3A_25, %dma_start3A_27] : memref<163840x128xf32, #tpu.memory_space<hbm>> -> memref<128x128xf32, #tpu.memory_space<hbm>>
        tpu.enqueue_dma source(%dma_start3A_28 : memref<128x128xf32, #tpu.memory_space<hbm>>) target(%arg8 : memref<128x128xf32, #tpu.memory_space<vmem>>) target_semaphore(%run_scoped3A : memref<!tpu.dma_semaphore, #tpu.memory_space<semaphore_mem>>)
        %dma_wait3A = arith.constant 0 : i32
        %dma_wait3A_29 = tpu.memref_slice %arg2[%mul3A_25, %dma_wait3A] : memref<163840x128xf32, #tpu.memory_space<hbm>> -> memref<128x128xf32, #tpu.memory_space<hbm>>
        %dma_wait3A_30 = arith.constant 0 : i32
        %dma_wait3A_31 = tpu.memref_slice %arg2[%mul3A_25, %dma_wait3A_30] : memref<163840x128xf32, #tpu.memory_space<hbm>> -> memref<128x128xf32, #tpu.memory_space<hbm>>
        tpu.wait_dma2 semaphore(%run_scoped3A : memref<!tpu.dma_semaphore, #tpu.memory_space<semaphore_mem>>) src(%dma_wait3A_31 : memref<128x128xf32, #tpu.memory_space<hbm>>) dst(%arg8 : memref<128x128xf32, #tpu.memory_space<vmem>>)
        tpu.yield
      }) : () -> ()
      "tpu.region"() ({
        %run_scoped3A = tpu.sem_alloc : memref<!tpu.dma_semaphore, #tpu.memory_space<semaphore_mem>>
        %dma_start3A = arith.constant 0 : i32
        %dma_start3A_26 = arith.constant 0 : i32
        %dma_start3A_27 = tpu.memref_slice %arg6[%dma_start3A, %dma_start3A_26] : memref<10240x128xf32, #tpu.memory_space<vmem_shared>> -> memref<10240x128xf32, #tpu.memory_space<vmem_shared>>
        tpu.enqueue_indirect_dma source(%arg8 : memref<128x128xf32, #tpu.memory_space<vmem>>) target(%dma_start3A_27 : memref<10240x128xf32, #tpu.memory_space<vmem_shared>>) offsets(%arg7 : memref<128xi32, #tpu.memory_space<vmem>>) semaphore(%run_scoped3A : memref<!tpu.dma_semaphore, #tpu.memory_space<semaphore_mem>>) {add = true}
        %dma_wait3A = arith.constant 0 : i32
        %dma_wait3A_28 = arith.constant 0 : i32
        %dma_wait3A_29 = tpu.memref_slice %arg6[%dma_wait3A, %dma_wait3A_28] : memref<10240x128xf32, #tpu.memory_space<vmem_shared>> -> memref<10240x128xf32, #tpu.memory_space<vmem_shared>>
        tpu.wait_indirect_dma semaphore(%run_scoped3A : memref<!tpu.dma_semaphore, #tpu.memory_space<semaphore_mem>>) src(%arg8 : memref<128x128xf32, #tpu.memory_space<vmem>>) dst(%dma_wait3A_29 : memref<10240x128xf32, #tpu.memory_space<vmem_shared>>)
        tpu.yield
      }) : () -> ()
    }
    %scan3A_8 = arith.constant 40 : i32
    %barrier3A_9 = arith.constant 0 : index
    tpu.barrier barrier_id(%barrier3A_9)
    %mul3A_10 = arith.constant 640 : i32
    %mul3A_11 = arith.muli %arg1, %mul3A_10 : i32
    %mul3A_12 = arith.constant 640 : i32
    %mul3A_13 = arith.muli %arg1, %mul3A_12 : i32
    "tpu.region"() ({
      %run_scoped3A = tpu.sem_alloc : memref<!tpu.dma_semaphore, #tpu.memory_space<semaphore_mem>>
      %dma_start3A = arith.constant 0 : i32
      %dma_start3A_14 = tpu.memref_slice %arg5[%arg0, %mul3A_13, %dma_start3A] : memref<2x10240x128xf32, #tpu.memory_space<hbm>> -> memref<1x640x128xf32, #tpu.memory_space<hbm>>
      %dma_start3A_15 = tpu.memref_squeeze %dma_start3A_14 : memref<1x640x128xf32, #tpu.memory_space<hbm>> -> memref<640x128xf32, #tpu.memory_space<hbm>>
      %dma_start3A_16 = arith.constant 0 : i32
      %dma_start3A_17 = tpu.memref_slice %arg6[%mul3A_11, %dma_start3A_16] : memref<10240x128xf32, #tpu.memory_space<vmem_shared>> -> memref<640x128xf32, #tpu.memory_space<vmem_shared>>
      tpu.enqueue_dma source(%dma_start3A_17 : memref<640x128xf32, #tpu.memory_space<vmem_shared>>) target(%dma_start3A_15 : memref<640x128xf32, #tpu.memory_space<hbm>>) target_semaphore(%run_scoped3A : memref<!tpu.dma_semaphore, #tpu.memory_space<semaphore_mem>>)
      %dma_wait3A = arith.constant 0 : i32
      %dma_wait3A_18 = tpu.memref_slice %arg5[%arg0, %mul3A_13, %dma_wait3A] : memref<2x10240x128xf32, #tpu.memory_space<hbm>> -> memref<1x640x128xf32, #tpu.memory_space<hbm>>
      %dma_wait3A_19 = tpu.memref_squeeze %dma_wait3A_18 : memref<1x640x128xf32, #tpu.memory_space<hbm>> -> memref<640x128xf32, #tpu.memory_space<hbm>>
      %dma_wait3A_20 = arith.constant 0 : i32
      %dma_wait3A_21 = tpu.memref_slice %arg6[%mul3A_11, %dma_wait3A_20] : memref<10240x128xf32, #tpu.memory_space<vmem_shared>> -> memref<640x128xf32, #tpu.memory_space<vmem_shared>>
      tpu.wait_dma2 semaphore(%run_scoped3A : memref<!tpu.dma_semaphore, #tpu.memory_space<semaphore_mem>>) src(%dma_wait3A_21 : memref<640x128xf32, #tpu.memory_space<vmem_shared>>) dst(%dma_wait3A_19 : memref<640x128xf32, #tpu.memory_space<hbm>>)
      tpu.yield
    }) : () -> ()
    return
  }
}

#map = affine_map<(d0, d1) -> (0, 0)>
#map1 = affine_map<(d0, d1) -> (0)>
module attributes {stable_mosaic.version = 14 : i64} {
  func.func @gk(%arg0: i32, %arg1: i32, %arg2: memref<10000x128xf32, #tpu.memory_space<hbm>>, %arg3: memref<10000x128xf32, #tpu.memory_space<hbm>>, %arg4: memref<163840xi32, #tpu.memory_space<hbm>>, %arg5: memref<163840xi32, #tpu.memory_space<hbm>>, %arg6: memref<163840x128xf32, #tpu.memory_space<hbm>>, %arg7: memref<163840x128xf32, #tpu.memory_space<hbm>>, %arg8: memref<5120xi32, #tpu.memory_space<vmem>>, %arg9: memref<5120xi32, #tpu.memory_space<vmem>>, %arg10: memref<256x128xf32, #tpu.memory_space<vmem>>, %arg11: memref<256x128xf32, #tpu.memory_space<vmem>>, %arg12: memref<!tpu.dma_semaphore, #tpu.memory_space<semaphore_mem>>, %arg13: memref<!tpu.dma_semaphore, #tpu.memory_space<semaphore_mem>>) attributes {dimension_semantics = [#tpu.dimension_semantics<core_parallel>, #tpu.dimension_semantics<subcore_parallel>], iteration_bounds = array<i64: 2, 16>, scalar_prefetch = 0 : i64, scratch_operands = 6 : i64, tpu.core_type = #tpu.core_type<sc_vector_subcore>, window_params = [{transform_indices = #map}, {transform_indices = #map}, {transform_indices = #map1}, {transform_indices = #map1}, {transform_indices = #map}, {transform_indices = #map}]} {
    %mul3A = arith.constant 2 : i32
    %mul3A_0 = arith.muli %arg1, %mul3A : i32
    %add3A = arith.addi %mul3A_0, %arg0 : i32
    %mul3A_1 = arith.constant 5120 : i32
    %mul3A_2 = arith.muli %add3A, %mul3A_1 : i32
    "tpu.region"() ({
      %run_scoped3A = tpu.sem_alloc : memref<!tpu.dma_semaphore, #tpu.memory_space<semaphore_mem>>
      %dma_start3A = tpu.memref_slice %arg4[%mul3A_2] : memref<163840xi32, #tpu.memory_space<hbm>> -> memref<5120xi32, #tpu.memory_space<hbm>>
      %dma_start3A_7 = tpu.memref_slice %arg4[%mul3A_2] : memref<163840xi32, #tpu.memory_space<hbm>> -> memref<5120xi32, #tpu.memory_space<hbm>>
      tpu.enqueue_dma source(%dma_start3A_7 : memref<5120xi32, #tpu.memory_space<hbm>>) target(%arg8 : memref<5120xi32, #tpu.memory_space<vmem>>) target_semaphore(%run_scoped3A : memref<!tpu.dma_semaphore, #tpu.memory_space<semaphore_mem>>)
      %dma_wait3A = tpu.memref_slice %arg4[%mul3A_2] : memref<163840xi32, #tpu.memory_space<hbm>> -> memref<5120xi32, #tpu.memory_space<hbm>>
      %dma_wait3A_8 = tpu.memref_slice %arg4[%mul3A_2] : memref<163840xi32, #tpu.memory_space<hbm>> -> memref<5120xi32, #tpu.memory_space<hbm>>
      tpu.wait_dma2 semaphore(%run_scoped3A : memref<!tpu.dma_semaphore, #tpu.memory_space<semaphore_mem>>) src(%dma_wait3A_8 : memref<5120xi32, #tpu.memory_space<hbm>>) dst(%arg8 : memref<5120xi32, #tpu.memory_space<vmem>>)
      tpu.yield
    }) : () -> ()
    "tpu.region"() ({
      %run_scoped3A = tpu.sem_alloc : memref<!tpu.dma_semaphore, #tpu.memory_space<semaphore_mem>>
      %dma_start3A = tpu.memref_slice %arg5[%mul3A_2] : memref<163840xi32, #tpu.memory_space<hbm>> -> memref<5120xi32, #tpu.memory_space<hbm>>
      %dma_start3A_7 = tpu.memref_slice %arg5[%mul3A_2] : memref<163840xi32, #tpu.memory_space<hbm>> -> memref<5120xi32, #tpu.memory_space<hbm>>
      tpu.enqueue_dma source(%dma_start3A_7 : memref<5120xi32, #tpu.memory_space<hbm>>) target(%arg9 : memref<5120xi32, #tpu.memory_space<vmem>>) target_semaphore(%run_scoped3A : memref<!tpu.dma_semaphore, #tpu.memory_space<semaphore_mem>>)
      %dma_wait3A = tpu.memref_slice %arg5[%mul3A_2] : memref<163840xi32, #tpu.memory_space<hbm>> -> memref<5120xi32, #tpu.memory_space<hbm>>
      %dma_wait3A_8 = tpu.memref_slice %arg5[%mul3A_2] : memref<163840xi32, #tpu.memory_space<hbm>> -> memref<5120xi32, #tpu.memory_space<hbm>>
      tpu.wait_dma2 semaphore(%run_scoped3A : memref<!tpu.dma_semaphore, #tpu.memory_space<semaphore_mem>>) src(%dma_wait3A_8 : memref<5120xi32, #tpu.memory_space<hbm>>) dst(%arg9 : memref<5120xi32, #tpu.memory_space<vmem>>)
      tpu.yield
    }) : () -> ()
    %scan3A = arith.constant 0 : i32
    %scan3A_3 = arith.constant 20 : i32
    %scan3A_4 = arith.addi %scan3A, %scan3A_3 : i32
    %scan3A_5 = arith.constant 1 : i32
    scf.for %scan3A_7 = %scan3A to %scan3A_4 step %scan3A_5  : i32 {
      %mul3A_8 = arith.constant 2 : i32
      %mul3A_9 = arith.muli %scan3A_7, %mul3A_8 : i32
      %add3A_10 = arith.constant 0 : i32
      %add3A_11 = arith.addi %add3A_10, %mul3A_9 : i32
      %add3A_12 = arith.constant 0 : i32
      %add3A_13 = arith.addi %add3A_11, %add3A_12 : i32
      %mul3A_14 = arith.constant 128 : i32
      %mul3A_15 = arith.muli %add3A_13, %mul3A_14 : i32
      %dma_start3A = arith.constant 0 : i32
      %dma_start3A_16 = arith.constant 0 : i32
      %dma_start3A_17 = tpu.memref_slice %arg10[%dma_start3A, %dma_start3A_16] : memref<256x128xf32, #tpu.memory_space<vmem>> -> memref<128x128xf32, #tpu.memory_space<vmem>>
      %dma_start3A_18 = tpu.memref_slice %arg8[%mul3A_15] : memref<5120xi32, #tpu.memory_space<vmem>> -> memref<128xi32, #tpu.memory_space<vmem>>
      %dma_start3A_19 = arith.constant 0 : i32
      %dma_start3A_20 = arith.constant 0 : i32
      %dma_start3A_21 = tpu.memref_slice %arg2[%dma_start3A_19, %dma_start3A_20] : memref<10000x128xf32, #tpu.memory_space<hbm>> -> memref<10000x128xf32, #tpu.memory_space<hbm>>
      tpu.enqueue_indirect_dma source(%dma_start3A_21 : memref<10000x128xf32, #tpu.memory_space<hbm>>) target(%dma_start3A_17 : memref<128x128xf32, #tpu.memory_space<vmem>>) offsets(%dma_start3A_18 : memref<128xi32, #tpu.memory_space<vmem>>) semaphore(%arg12 : memref<!tpu.dma_semaphore, #tpu.memory_space<semaphore_mem>>)
      %dma_start3A_22 = arith.constant 0 : i32
      %dma_start3A_23 = arith.constant 0 : i32
      %dma_start3A_24 = tpu.memref_slice %arg11[%dma_start3A_22, %dma_start3A_23] : memref<256x128xf32, #tpu.memory_space<vmem>> -> memref<128x128xf32, #tpu.memory_space<vmem>>
      %dma_start3A_25 = tpu.memref_slice %arg9[%mul3A_15] : memref<5120xi32, #tpu.memory_space<vmem>> -> memref<128xi32, #tpu.memory_space<vmem>>
      %dma_start3A_26 = arith.constant 0 : i32
      %dma_start3A_27 = arith.constant 0 : i32
      %dma_start3A_28 = tpu.memref_slice %arg3[%dma_start3A_26, %dma_start3A_27] : memref<10000x128xf32, #tpu.memory_space<hbm>> -> memref<10000x128xf32, #tpu.memory_space<hbm>>
      tpu.enqueue_indirect_dma source(%dma_start3A_28 : memref<10000x128xf32, #tpu.memory_space<hbm>>) target(%dma_start3A_24 : memref<128x128xf32, #tpu.memory_space<vmem>>) offsets(%dma_start3A_25 : memref<128xi32, #tpu.memory_space<vmem>>) semaphore(%arg13 : memref<!tpu.dma_semaphore, #tpu.memory_space<semaphore_mem>>)
      %add3A_29 = arith.constant 1 : i32
      %add3A_30 = arith.addi %add3A_11, %add3A_29 : i32
      %mul3A_31 = arith.constant 128 : i32
      %mul3A_32 = arith.muli %add3A_30, %mul3A_31 : i32
      %dma_start3A_33 = arith.constant 128 : i32
      %dma_start3A_34 = arith.constant 0 : i32
      %dma_start3A_35 = tpu.memref_slice %arg10[%dma_start3A_33, %dma_start3A_34] : memref<256x128xf32, #tpu.memory_space<vmem>> -> memref<128x128xf32, #tpu.memory_space<vmem>>
      %dma_start3A_36 = tpu.memref_slice %arg8[%mul3A_32] : memref<5120xi32, #tpu.memory_space<vmem>> -> memref<128xi32, #tpu.memory_space<vmem>>
      %dma_start3A_37 = arith.constant 0 : i32
      %dma_start3A_38 = arith.constant 0 : i32
      %dma_start3A_39 = tpu.memref_slice %arg2[%dma_start3A_37, %dma_start3A_38] : memref<10000x128xf32, #tpu.memory_space<hbm>> -> memref<10000x128xf32, #tpu.memory_space<hbm>>
      tpu.enqueue_indirect_dma source(%dma_start3A_39 : memref<10000x128xf32, #tpu.memory_space<hbm>>) target(%dma_start3A_35 : memref<128x128xf32, #tpu.memory_space<vmem>>) offsets(%dma_start3A_36 : memref<128xi32, #tpu.memory_space<vmem>>) semaphore(%arg12 : memref<!tpu.dma_semaphore, #tpu.memory_space<semaphore_mem>>)
      %dma_start3A_40 = arith.constant 128 : i32
      %dma_start3A_41 = arith.constant 0 : i32
      %dma_start3A_42 = tpu.memref_slice %arg11[%dma_start3A_40, %dma_start3A_41] : memref<256x128xf32, #tpu.memory_space<vmem>> -> memref<128x128xf32, #tpu.memory_space<vmem>>
      %dma_start3A_43 = tpu.memref_slice %arg9[%mul3A_32] : memref<5120xi32, #tpu.memory_space<vmem>> -> memref<128xi32, #tpu.memory_space<vmem>>
      %dma_start3A_44 = arith.constant 0 : i32
      %dma_start3A_45 = arith.constant 0 : i32
      %dma_start3A_46 = tpu.memref_slice %arg3[%dma_start3A_44, %dma_start3A_45] : memref<10000x128xf32, #tpu.memory_space<hbm>> -> memref<10000x128xf32, #tpu.memory_space<hbm>>
      tpu.enqueue_indirect_dma source(%dma_start3A_46 : memref<10000x128xf32, #tpu.memory_space<hbm>>) target(%dma_start3A_42 : memref<128x128xf32, #tpu.memory_space<vmem>>) offsets(%dma_start3A_43 : memref<128xi32, #tpu.memory_space<vmem>>) semaphore(%arg13 : memref<!tpu.dma_semaphore, #tpu.memory_space<semaphore_mem>>)
      %dma_wait3A = arith.constant 0 : i32
      %dma_wait3A_47 = arith.constant 0 : i32
      %dma_wait3A_48 = tpu.memref_slice %arg10[%dma_wait3A, %dma_wait3A_47] : memref<256x128xf32, #tpu.memory_space<vmem>> -> memref<128x128xf32, #tpu.memory_space<vmem>>
      %dma_wait3A_49 = tpu.memref_slice %arg8[%mul3A_15] : memref<5120xi32, #tpu.memory_space<vmem>> -> memref<128xi32, #tpu.memory_space<vmem>>
      %dma_wait3A_50 = arith.constant 0 : i32
      %dma_wait3A_51 = arith.constant 0 : i32
      %dma_wait3A_52 = tpu.memref_slice %arg2[%dma_wait3A_50, %dma_wait3A_51] : memref<10000x128xf32, #tpu.memory_space<hbm>> -> memref<10000x128xf32, #tpu.memory_space<hbm>>
      tpu.wait_indirect_dma semaphore(%arg12 : memref<!tpu.dma_semaphore, #tpu.memory_space<semaphore_mem>>) src(%dma_wait3A_52 : memref<10000x128xf32, #tpu.memory_space<hbm>>) dst(%dma_wait3A_48 : memref<128x128xf32, #tpu.memory_space<vmem>>)
      %dma_wait3A_53 = arith.constant 0 : i32
      %dma_wait3A_54 = arith.constant 0 : i32
      %dma_wait3A_55 = tpu.memref_slice %arg11[%dma_wait3A_53, %dma_wait3A_54] : memref<256x128xf32, #tpu.memory_space<vmem>> -> memref<128x128xf32, #tpu.memory_space<vmem>>
      %dma_wait3A_56 = tpu.memref_slice %arg9[%mul3A_15] : memref<5120xi32, #tpu.memory_space<vmem>> -> memref<128xi32, #tpu.memory_space<vmem>>
      %dma_wait3A_57 = arith.constant 0 : i32
      %dma_wait3A_58 = arith.constant 0 : i32
      %dma_wait3A_59 = tpu.memref_slice %arg3[%dma_wait3A_57, %dma_wait3A_58] : memref<10000x128xf32, #tpu.memory_space<hbm>> -> memref<10000x128xf32, #tpu.memory_space<hbm>>
      tpu.wait_indirect_dma semaphore(%arg13 : memref<!tpu.dma_semaphore, #tpu.memory_space<semaphore_mem>>) src(%dma_wait3A_59 : memref<10000x128xf32, #tpu.memory_space<hbm>>) dst(%dma_wait3A_55 : memref<128x128xf32, #tpu.memory_space<vmem>>)
      %dma_wait3A_60 = arith.constant 128 : i32
      %dma_wait3A_61 = arith.constant 0 : i32
      %dma_wait3A_62 = tpu.memref_slice %arg10[%dma_wait3A_60, %dma_wait3A_61] : memref<256x128xf32, #tpu.memory_space<vmem>> -> memref<128x128xf32, #tpu.memory_space<vmem>>
      %dma_wait3A_63 = tpu.memref_slice %arg8[%mul3A_32] : memref<5120xi32, #tpu.memory_space<vmem>> -> memref<128xi32, #tpu.memory_space<vmem>>
      %dma_wait3A_64 = arith.constant 0 : i32
      %dma_wait3A_65 = arith.constant 0 : i32
      %dma_wait3A_66 = tpu.memref_slice %arg2[%dma_wait3A_64, %dma_wait3A_65] : memref<10000x128xf32, #tpu.memory_space<hbm>> -> memref<10000x128xf32, #tpu.memory_space<hbm>>
      tpu.wait_indirect_dma semaphore(%arg12 : memref<!tpu.dma_semaphore, #tpu.memory_space<semaphore_mem>>) src(%dma_wait3A_66 : memref<10000x128xf32, #tpu.memory_space<hbm>>) dst(%dma_wait3A_62 : memref<128x128xf32, #tpu.memory_space<vmem>>)
      %dma_wait3A_67 = arith.constant 128 : i32
      %dma_wait3A_68 = arith.constant 0 : i32
      %dma_wait3A_69 = tpu.memref_slice %arg11[%dma_wait3A_67, %dma_wait3A_68] : memref<256x128xf32, #tpu.memory_space<vmem>> -> memref<128x128xf32, #tpu.memory_space<vmem>>
      %dma_wait3A_70 = tpu.memref_slice %arg9[%mul3A_32] : memref<5120xi32, #tpu.memory_space<vmem>> -> memref<128xi32, #tpu.memory_space<vmem>>
      %dma_wait3A_71 = arith.constant 0 : i32
      %dma_wait3A_72 = arith.constant 0 : i32
      %dma_wait3A_73 = tpu.memref_slice %arg3[%dma_wait3A_71, %dma_wait3A_72] : memref<10000x128xf32, #tpu.memory_space<hbm>> -> memref<10000x128xf32, #tpu.memory_space<hbm>>
      tpu.wait_indirect_dma semaphore(%arg13 : memref<!tpu.dma_semaphore, #tpu.memory_space<semaphore_mem>>) src(%dma_wait3A_73 : memref<10000x128xf32, #tpu.memory_space<hbm>>) dst(%dma_wait3A_69 : memref<128x128xf32, #tpu.memory_space<vmem>>)
      %mul3A_74 = arith.constant 128 : i32
      %mul3A_75 = arith.muli %add3A_11, %mul3A_74 : i32
      %add3A_76 = arith.addi %mul3A_2, %mul3A_75 : i32
      "tpu.region"() ({
        %run_scoped3A = tpu.sem_alloc : memref<!tpu.dma_semaphore, #tpu.memory_space<semaphore_mem>>
        %dma_start3A_80 = arith.constant 0 : i32
        %dma_start3A_81 = tpu.memref_slice %arg6[%add3A_76, %dma_start3A_80] : memref<163840x128xf32, #tpu.memory_space<hbm>> -> memref<256x128xf32, #tpu.memory_space<hbm>>
        %dma_start3A_82 = arith.constant 0 : i32
        %dma_start3A_83 = tpu.memref_slice %arg6[%add3A_76, %dma_start3A_82] : memref<163840x128xf32, #tpu.memory_space<hbm>> -> memref<256x128xf32, #tpu.memory_space<hbm>>
        tpu.enqueue_dma source(%arg10 : memref<256x128xf32, #tpu.memory_space<vmem>>) target(%dma_start3A_83 : memref<256x128xf32, #tpu.memory_space<hbm>>) target_semaphore(%run_scoped3A : memref<!tpu.dma_semaphore, #tpu.memory_space<semaphore_mem>>)
        %dma_wait3A_84 = arith.constant 0 : i32
        %dma_wait3A_85 = tpu.memref_slice %arg6[%add3A_76, %dma_wait3A_84] : memref<163840x128xf32, #tpu.memory_space<hbm>> -> memref<256x128xf32, #tpu.memory_space<hbm>>
        %dma_wait3A_86 = arith.constant 0 : i32
        %dma_wait3A_87 = tpu.memref_slice %arg6[%add3A_76, %dma_wait3A_86] : memref<163840x128xf32, #tpu.memory_space<hbm>> -> memref<256x128xf32, #tpu.memory_space<hbm>>
        tpu.wait_dma2 semaphore(%run_scoped3A : memref<!tpu.dma_semaphore, #tpu.memory_space<semaphore_mem>>) src(%arg10 : memref<256x128xf32, #tpu.memory_space<vmem>>) dst(%dma_wait3A_87 : memref<256x128xf32, #tpu.memory_space<hbm>>)
        tpu.yield
      }) : () -> ()
      %mul3A_77 = arith.constant 128 : i32
      %mul3A_78 = arith.muli %add3A_11, %mul3A_77 : i32
      %add3A_79 = arith.addi %mul3A_2, %mul3A_78 : i32
      "tpu.region"() ({
        %run_scoped3A = tpu.sem_alloc : memref<!tpu.dma_semaphore, #tpu.memory_space<semaphore_mem>>
        %dma_start3A_80 = arith.constant 0 : i32
        %dma_start3A_81 = tpu.memref_slice %arg7[%add3A_79, %dma_start3A_80] : memref<163840x128xf32, #tpu.memory_space<hbm>> -> memref<256x128xf32, #tpu.memory_space<hbm>>
        %dma_start3A_82 = arith.constant 0 : i32
        %dma_start3A_83 = tpu.memref_slice %arg7[%add3A_79, %dma_start3A_82] : memref<163840x128xf32, #tpu.memory_space<hbm>> -> memref<256x128xf32, #tpu.memory_space<hbm>>
        tpu.enqueue_dma source(%arg11 : memref<256x128xf32, #tpu.memory_space<vmem>>) target(%dma_start3A_83 : memref<256x128xf32, #tpu.memory_space<hbm>>) target_semaphore(%run_scoped3A : memref<!tpu.dma_semaphore, #tpu.memory_space<semaphore_mem>>)
        %dma_wait3A_84 = arith.constant 0 : i32
        %dma_wait3A_85 = tpu.memref_slice %arg7[%add3A_79, %dma_wait3A_84] : memref<163840x128xf32, #tpu.memory_space<hbm>> -> memref<256x128xf32, #tpu.memory_space<hbm>>
        %dma_wait3A_86 = arith.constant 0 : i32
        %dma_wait3A_87 = tpu.memref_slice %arg7[%add3A_79, %dma_wait3A_86] : memref<163840x128xf32, #tpu.memory_space<hbm>> -> memref<256x128xf32, #tpu.memory_space<hbm>>
        tpu.wait_dma2 semaphore(%run_scoped3A : memref<!tpu.dma_semaphore, #tpu.memory_space<semaphore_mem>>) src(%arg11 : memref<256x128xf32, #tpu.memory_space<vmem>>) dst(%dma_wait3A_87 : memref<256x128xf32, #tpu.memory_space<hbm>>)
        tpu.yield
      }) : () -> ()
    }
    %scan3A_6 = arith.constant 20 : i32
    return
  }
}

#map = affine_map<(d0, d1) -> (0, 0)>
#map1 = affine_map<(d0, d1) -> (0)>
#map2 = affine_map<(d0, d1) -> (0, 0, 0)>
module attributes {stable_mosaic.version = 14 : i64} {
  func.func @sk(%arg0: i32, %arg1: i32, %arg2: memref<163840x128xf32, #tpu.memory_space<hbm>>, %arg3: memref<163840xi32, #tpu.memory_space<hbm>>, %arg4: memref<10240x128xf32, #tpu.memory_space<hbm>>, %arg5: memref<2x10240x128xf32, #tpu.memory_space<hbm>>, %arg6: memref<10240x128xf32, #tpu.memory_space<vmem_shared>>, %arg7: memref<128xi32, #tpu.memory_space<vmem>>, %arg8: memref<128x128xf32, #tpu.memory_space<vmem>>) attributes {dimension_semantics = [#tpu.dimension_semantics<core_parallel>, #tpu.dimension_semantics<subcore_parallel>], iteration_bounds = array<i64: 2, 16>, scalar_prefetch = 0 : i64, scratch_operands = 3 : i64, tpu.core_type = #tpu.core_type<sc_vector_subcore>, window_params = [{transform_indices = #map}, {transform_indices = #map1}, {transform_indices = #map}, {transform_indices = #map2}]} {
    %mul3A = arith.constant 2 : i32
    %mul3A_0 = arith.muli %arg1, %mul3A : i32
    %add3A = arith.addi %mul3A_0, %arg0 : i32
    %mul3A_1 = arith.constant 640 : i32
    %mul3A_2 = arith.muli %arg1, %mul3A_1 : i32
    %mul3A_3 = arith.constant 640 : i32
    %mul3A_4 = arith.muli %arg1, %mul3A_3 : i32
    "tpu.region"() ({
      %run_scoped3A = tpu.sem_alloc : memref<!tpu.dma_semaphore, #tpu.memory_space<semaphore_mem>>
      %dma_start3A = arith.constant 0 : i32
      %dma_start3A_14 = tpu.memref_slice %arg6[%mul3A_4, %dma_start3A] : memref<10240x128xf32, #tpu.memory_space<vmem_shared>> -> memref<640x128xf32, #tpu.memory_space<vmem_shared>>
      %dma_start3A_15 = arith.constant 0 : i32
      %dma_start3A_16 = tpu.memref_slice %arg4[%mul3A_2, %dma_start3A_15] : memref<10240x128xf32, #tpu.memory_space<hbm>> -> memref<640x128xf32, #tpu.memory_space<hbm>>
      tpu.enqueue_dma source(%dma_start3A_16 : memref<640x128xf32, #tpu.memory_space<hbm>>) target(%dma_start3A_14 : memref<640x128xf32, #tpu.memory_space<vmem_shared>>) target_semaphore(%run_scoped3A : memref<!tpu.dma_semaphore, #tpu.memory_space<semaphore_mem>>)
      %dma_wait3A = arith.constant 0 : i32
      %dma_wait3A_17 = tpu.memref_slice %arg6[%mul3A_4, %dma_wait3A] : memref<10240x128xf32, #tpu.memory_space<vmem_shared>> -> memref<640x128xf32, #tpu.memory_space<vmem_shared>>
      %dma_wait3A_18 = arith.constant 0 : i32
      %dma_wait3A_19 = tpu.memref_slice %arg4[%mul3A_2, %dma_wait3A_18] : memref<10240x128xf32, #tpu.memory_space<hbm>> -> memref<640x128xf32, #tpu.memory_space<hbm>>
      tpu.wait_dma2 semaphore(%run_scoped3A : memref<!tpu.dma_semaphore, #tpu.memory_space<semaphore_mem>>) src(%dma_wait3A_19 : memref<640x128xf32, #tpu.memory_space<hbm>>) dst(%dma_wait3A_17 : memref<640x128xf32, #tpu.memory_space<vmem_shared>>)
      tpu.yield
    }) : () -> ()
    %barrier3A = arith.constant 0 : index
    tpu.barrier barrier_id(%barrier3A)
    %scan3A = arith.constant 0 : i32
    %scan3A_5 = arith.constant 40 : i32
    %scan3A_6 = arith.addi %scan3A, %scan3A_5 : i32
    %scan3A_7 = arith.constant 1 : i32
    scf.for %scan3A_14 = %scan3A to %scan3A_6 step %scan3A_7  : i32 {
      %mul3A_15 = arith.constant 1 : i32
      %mul3A_16 = arith.muli %scan3A_14, %mul3A_15 : i32
      %add3A_17 = arith.constant 0 : i32
      %add3A_18 = arith.addi %add3A_17, %mul3A_16 : i32
      %mul3A_19 = arith.constant 40 : i32
      %mul3A_20 = arith.muli %add3A, %mul3A_19 : i32
      %add3A_21 = arith.addi %mul3A_20, %add3A_18 : i32
      %mul3A_22 = arith.constant 128 : i32
      %mul3A_23 = arith.muli %add3A_21, %mul3A_22 : i32
      "tpu.region"() ({
        %run_scoped3A = tpu.sem_alloc : memref<!tpu.dma_semaphore, #tpu.memory_space<semaphore_mem>>
        %dma_start3A = tpu.memref_slice %arg3[%mul3A_23] : memref<163840xi32, #tpu.memory_space<hbm>> -> memref<128xi32, #tpu.memory_space<hbm>>
        %dma_start3A_26 = tpu.memref_slice %arg3[%mul3A_23] : memref<163840xi32, #tpu.memory_space<hbm>> -> memref<128xi32, #tpu.memory_space<hbm>>
        tpu.enqueue_dma source(%dma_start3A_26 : memref<128xi32, #tpu.memory_space<hbm>>) target(%arg7 : memref<128xi32, #tpu.memory_space<vmem>>) target_semaphore(%run_scoped3A : memref<!tpu.dma_semaphore, #tpu.memory_space<semaphore_mem>>)
        %dma_wait3A = tpu.memref_slice %arg3[%mul3A_23] : memref<163840xi32, #tpu.memory_space<hbm>> -> memref<128xi32, #tpu.memory_space<hbm>>
        %dma_wait3A_27 = tpu.memref_slice %arg3[%mul3A_23] : memref<163840xi32, #tpu.memory_space<hbm>> -> memref<128xi32, #tpu.memory_space<hbm>>
        tpu.wait_dma2 semaphore(%run_scoped3A : memref<!tpu.dma_semaphore, #tpu.memory_space<semaphore_mem>>) src(%dma_wait3A_27 : memref<128xi32, #tpu.memory_space<hbm>>) dst(%arg7 : memref<128xi32, #tpu.memory_space<vmem>>)
        tpu.yield
      }) : () -> ()
      %mul3A_24 = arith.constant 128 : i32
      %mul3A_25 = arith.muli %add3A_21, %mul3A_24 : i32
      "tpu.region"() ({
        %run_scoped3A = tpu.sem_alloc : memref<!tpu.dma_semaphore, #tpu.memory_space<semaphore_mem>>
        %dma_start3A = arith.constant 0 : i32
        %dma_start3A_26 = tpu.memref_slice %arg2[%mul3A_25, %dma_start3A] : memref<163840x128xf32, #tpu.memory_space<hbm>> -> memref<128x128xf32, #tpu.memory_space<hbm>>
        %dma_start3A_27 = arith.constant 0 : i32
        %dma_start3A_28 = tpu.memref_slice %arg2[%mul3A_25, %dma_start3A_27] : memref<163840x128xf32, #tpu.memory_space<hbm>> -> memref<128x128xf32, #tpu.memory_space<hbm>>
        tpu.enqueue_dma source(%dma_start3A_28 : memref<128x128xf32, #tpu.memory_space<hbm>>) target(%arg8 : memref<128x128xf32, #tpu.memory_space<vmem>>) target_semaphore(%run_scoped3A : memref<!tpu.dma_semaphore, #tpu.memory_space<semaphore_mem>>)
        %dma_wait3A = arith.constant 0 : i32
        %dma_wait3A_29 = tpu.memref_slice %arg2[%mul3A_25, %dma_wait3A] : memref<163840x128xf32, #tpu.memory_space<hbm>> -> memref<128x128xf32, #tpu.memory_space<hbm>>
        %dma_wait3A_30 = arith.constant 0 : i32
        %dma_wait3A_31 = tpu.memref_slice %arg2[%mul3A_25, %dma_wait3A_30] : memref<163840x128xf32, #tpu.memory_space<hbm>> -> memref<128x128xf32, #tpu.memory_space<hbm>>
        tpu.wait_dma2 semaphore(%run_scoped3A : memref<!tpu.dma_semaphore, #tpu.memory_space<semaphore_mem>>) src(%dma_wait3A_31 : memref<128x128xf32, #tpu.memory_space<hbm>>) dst(%arg8 : memref<128x128xf32, #tpu.memory_space<vmem>>)
        tpu.yield
      }) : () -> ()
      "tpu.region"() ({
        %run_scoped3A = tpu.sem_alloc : memref<!tpu.dma_semaphore, #tpu.memory_space<semaphore_mem>>
        %dma_start3A = arith.constant 0 : i32
        %dma_start3A_26 = arith.constant 0 : i32
        %dma_start3A_27 = tpu.memref_slice %arg6[%dma_start3A, %dma_start3A_26] : memref<10240x128xf32, #tpu.memory_space<vmem_shared>> -> memref<10240x128xf32, #tpu.memory_space<vmem_shared>>
        tpu.enqueue_indirect_dma source(%arg8 : memref<128x128xf32, #tpu.memory_space<vmem>>) target(%dma_start3A_27 : memref<10240x128xf32, #tpu.memory_space<vmem_shared>>) offsets(%arg7 : memref<128xi32, #tpu.memory_space<vmem>>) semaphore(%run_scoped3A : memref<!tpu.dma_semaphore, #tpu.memory_space<semaphore_mem>>) {add = true}
        %dma_wait3A = arith.constant 0 : i32
        %dma_wait3A_28 = arith.constant 0 : i32
        %dma_wait3A_29 = tpu.memref_slice %arg6[%dma_wait3A, %dma_wait3A_28] : memref<10240x128xf32, #tpu.memory_space<vmem_shared>> -> memref<10240x128xf32, #tpu.memory_space<vmem_shared>>
        tpu.wait_indirect_dma semaphore(%run_scoped3A : memref<!tpu.dma_semaphore, #tpu.memory_space<semaphore_mem>>) src(%arg8 : memref<128x128xf32, #tpu.memory_space<vmem>>) dst(%dma_wait3A_29 : memref<10240x128xf32, #tpu.memory_space<vmem_shared>>)
        tpu.yield
      }) : () -> ()
    }
    %scan3A_8 = arith.constant 40 : i32
    %barrier3A_9 = arith.constant 0 : index
    tpu.barrier barrier_id(%barrier3A_9)
    %mul3A_10 = arith.constant 640 : i32
    %mul3A_11 = arith.muli %arg1, %mul3A_10 : i32
    %mul3A_12 = arith.constant 640 : i32
    %mul3A_13 = arith.muli %arg1, %mul3A_12 : i32
    "tpu.region"() ({
      %run_scoped3A = tpu.sem_alloc : memref<!tpu.dma_semaphore, #tpu.memory_space<semaphore_mem>>
      %dma_start3A = arith.constant 0 : i32
      %dma_start3A_14 = tpu.memref_slice %arg5[%arg0, %mul3A_13, %dma_start3A] : memref<2x10240x128xf32, #tpu.memory_space<hbm>> -> memref<1x640x128xf32, #tpu.memory_space<hbm>>
      %dma_start3A_15 = tpu.memref_squeeze %dma_start3A_14 : memref<1x640x128xf32, #tpu.memory_space<hbm>> -> memref<640x128xf32, #tpu.memory_space<hbm>>
      %dma_start3A_16 = arith.constant 0 : i32
      %dma_start3A_17 = tpu.memref_slice %arg6[%mul3A_11, %dma_start3A_16] : memref<10240x128xf32, #tpu.memory_space<vmem_shared>> -> memref<640x128xf32, #tpu.memory_space<vmem_shared>>
      tpu.enqueue_dma source(%dma_start3A_17 : memref<640x128xf32, #tpu.memory_space<vmem_shared>>) target(%dma_start3A_15 : memref<640x128xf32, #tpu.memory_space<hbm>>) target_semaphore(%run_scoped3A : memref<!tpu.dma_semaphore, #tpu.memory_space<semaphore_mem>>)
      %dma_wait3A = arith.constant 0 : i32
      %dma_wait3A_18 = tpu.memref_slice %arg5[%arg0, %mul3A_13, %dma_wait3A] : memref<2x10240x128xf32, #tpu.memory_space<hbm>> -> memref<1x640x128xf32, #tpu.memory_space<hbm>>
      %dma_wait3A_19 = tpu.memref_squeeze %dma_wait3A_18 : memref<1x640x128xf32, #tpu.memory_space<hbm>> -> memref<640x128xf32, #tpu.memory_space<hbm>>
      %dma_wait3A_20 = arith.constant 0 : i32
      %dma_wait3A_21 = tpu.memref_slice %arg6[%mul3A_11, %dma_wait3A_20] : memref<10240x128xf32, #tpu.memory_space<vmem_shared>> -> memref<640x128xf32, #tpu.memory_space<vmem_shared>>
      tpu.wait_dma2 semaphore(%run_scoped3A : memref<!tpu.dma_semaphore, #tpu.memory_space<semaphore_mem>>) src(%dma_wait3A_21 : memref<640x128xf32, #tpu.memory_space<vmem_shared>>) dst(%dma_wait3A_19 : memref<640x128xf32, #tpu.memory_space<hbm>>)
      tpu.yield
    }) : () -> ()
    return
  }
}

#map = affine_map<(d0, d1) -> (0, 0)>
#map1 = affine_map<(d0, d1) -> (0)>
module attributes {stable_mosaic.version = 14 : i64} {
  func.func @gk(%arg0: i32, %arg1: i32, %arg2: memref<10000x128xf32, #tpu.memory_space<hbm>>, %arg3: memref<10000x128xf32, #tpu.memory_space<hbm>>, %arg4: memref<163840xi32, #tpu.memory_space<hbm>>, %arg5: memref<163840xi32, #tpu.memory_space<hbm>>, %arg6: memref<163840x128xf32, #tpu.memory_space<hbm>>, %arg7: memref<163840x128xf32, #tpu.memory_space<hbm>>, %arg8: memref<5120xi32, #tpu.memory_space<vmem>>, %arg9: memref<5120xi32, #tpu.memory_space<vmem>>, %arg10: memref<256x128xf32, #tpu.memory_space<vmem>>, %arg11: memref<256x128xf32, #tpu.memory_space<vmem>>, %arg12: memref<!tpu.dma_semaphore, #tpu.memory_space<semaphore_mem>>, %arg13: memref<!tpu.dma_semaphore, #tpu.memory_space<semaphore_mem>>) attributes {dimension_semantics = [#tpu.dimension_semantics<core_parallel>, #tpu.dimension_semantics<subcore_parallel>], iteration_bounds = array<i64: 2, 16>, scalar_prefetch = 0 : i64, scratch_operands = 6 : i64, tpu.core_type = #tpu.core_type<sc_vector_subcore>, window_params = [{transform_indices = #map}, {transform_indices = #map}, {transform_indices = #map1}, {transform_indices = #map1}, {transform_indices = #map}, {transform_indices = #map}]} {
    %mul3A = arith.constant 2 : i32
    %mul3A_0 = arith.muli %arg1, %mul3A : i32
    %add3A = arith.addi %mul3A_0, %arg0 : i32
    %mul3A_1 = arith.constant 5120 : i32
    %mul3A_2 = arith.muli %add3A, %mul3A_1 : i32
    "tpu.region"() ({
      %run_scoped3A = tpu.sem_alloc : memref<!tpu.dma_semaphore, #tpu.memory_space<semaphore_mem>>
      %dma_start3A = tpu.memref_slice %arg4[%mul3A_2] : memref<163840xi32, #tpu.memory_space<hbm>> -> memref<5120xi32, #tpu.memory_space<hbm>>
      %dma_start3A_7 = tpu.memref_slice %arg4[%mul3A_2] : memref<163840xi32, #tpu.memory_space<hbm>> -> memref<5120xi32, #tpu.memory_space<hbm>>
      tpu.enqueue_dma source(%dma_start3A_7 : memref<5120xi32, #tpu.memory_space<hbm>>) target(%arg8 : memref<5120xi32, #tpu.memory_space<vmem>>) target_semaphore(%run_scoped3A : memref<!tpu.dma_semaphore, #tpu.memory_space<semaphore_mem>>)
      %dma_wait3A = tpu.memref_slice %arg4[%mul3A_2] : memref<163840xi32, #tpu.memory_space<hbm>> -> memref<5120xi32, #tpu.memory_space<hbm>>
      %dma_wait3A_8 = tpu.memref_slice %arg4[%mul3A_2] : memref<163840xi32, #tpu.memory_space<hbm>> -> memref<5120xi32, #tpu.memory_space<hbm>>
      tpu.wait_dma2 semaphore(%run_scoped3A : memref<!tpu.dma_semaphore, #tpu.memory_space<semaphore_mem>>) src(%dma_wait3A_8 : memref<5120xi32, #tpu.memory_space<hbm>>) dst(%arg8 : memref<5120xi32, #tpu.memory_space<vmem>>)
      tpu.yield
    }) : () -> ()
    "tpu.region"() ({
      %run_scoped3A = tpu.sem_alloc : memref<!tpu.dma_semaphore, #tpu.memory_space<semaphore_mem>>
      %dma_start3A = tpu.memref_slice %arg5[%mul3A_2] : memref<163840xi32, #tpu.memory_space<hbm>> -> memref<5120xi32, #tpu.memory_space<hbm>>
      %dma_start3A_7 = tpu.memref_slice %arg5[%mul3A_2] : memref<163840xi32, #tpu.memory_space<hbm>> -> memref<5120xi32, #tpu.memory_space<hbm>>
      tpu.enqueue_dma source(%dma_start3A_7 : memref<5120xi32, #tpu.memory_space<hbm>>) target(%arg9 : memref<5120xi32, #tpu.memory_space<vmem>>) target_semaphore(%run_scoped3A : memref<!tpu.dma_semaphore, #tpu.memory_space<semaphore_mem>>)
      %dma_wait3A = tpu.memref_slice %arg5[%mul3A_2] : memref<163840xi32, #tpu.memory_space<hbm>> -> memref<5120xi32, #tpu.memory_space<hbm>>
      %dma_wait3A_8 = tpu.memref_slice %arg5[%mul3A_2] : memref<163840xi32, #tpu.memory_space<hbm>> -> memref<5120xi32, #tpu.memory_space<hbm>>
      tpu.wait_dma2 semaphore(%run_scoped3A : memref<!tpu.dma_semaphore, #tpu.memory_space<semaphore_mem>>) src(%dma_wait3A_8 : memref<5120xi32, #tpu.memory_space<hbm>>) dst(%arg9 : memref<5120xi32, #tpu.memory_space<vmem>>)
      tpu.yield
    }) : () -> ()
    %scan3A = arith.constant 0 : i32
    %scan3A_3 = arith.constant 20 : i32
    %scan3A_4 = arith.addi %scan3A, %scan3A_3 : i32
    %scan3A_5 = arith.constant 1 : i32
    scf.for %scan3A_7 = %scan3A to %scan3A_4 step %scan3A_5  : i32 {
      %mul3A_8 = arith.constant 2 : i32
      %mul3A_9 = arith.muli %scan3A_7, %mul3A_8 : i32
      %add3A_10 = arith.constant 0 : i32
      %add3A_11 = arith.addi %add3A_10, %mul3A_9 : i32
      %add3A_12 = arith.constant 0 : i32
      %add3A_13 = arith.addi %add3A_11, %add3A_12 : i32
      %mul3A_14 = arith.constant 128 : i32
      %mul3A_15 = arith.muli %add3A_13, %mul3A_14 : i32
      %dma_start3A = arith.constant 0 : i32
      %dma_start3A_16 = arith.constant 0 : i32
      %dma_start3A_17 = tpu.memref_slice %arg10[%dma_start3A, %dma_start3A_16] : memref<256x128xf32, #tpu.memory_space<vmem>> -> memref<128x128xf32, #tpu.memory_space<vmem>>
      %dma_start3A_18 = tpu.memref_slice %arg8[%mul3A_15] : memref<5120xi32, #tpu.memory_space<vmem>> -> memref<128xi32, #tpu.memory_space<vmem>>
      %dma_start3A_19 = arith.constant 0 : i32
      %dma_start3A_20 = arith.constant 0 : i32
      %dma_start3A_21 = tpu.memref_slice %arg2[%dma_start3A_19, %dma_start3A_20] : memref<10000x128xf32, #tpu.memory_space<hbm>> -> memref<10000x128xf32, #tpu.memory_space<hbm>>
      tpu.enqueue_indirect_dma source(%dma_start3A_21 : memref<10000x128xf32, #tpu.memory_space<hbm>>) target(%dma_start3A_17 : memref<128x128xf32, #tpu.memory_space<vmem>>) offsets(%dma_start3A_18 : memref<128xi32, #tpu.memory_space<vmem>>) semaphore(%arg12 : memref<!tpu.dma_semaphore, #tpu.memory_space<semaphore_mem>>)
      %dma_start3A_22 = arith.constant 0 : i32
      %dma_start3A_23 = arith.constant 0 : i32
      %dma_start3A_24 = tpu.memref_slice %arg11[%dma_start3A_22, %dma_start3A_23] : memref<256x128xf32, #tpu.memory_space<vmem>> -> memref<128x128xf32, #tpu.memory_space<vmem>>
      %dma_start3A_25 = tpu.memref_slice %arg9[%mul3A_15] : memref<5120xi32, #tpu.memory_space<vmem>> -> memref<128xi32, #tpu.memory_space<vmem>>
      %dma_start3A_26 = arith.constant 0 : i32
      %dma_start3A_27 = arith.constant 0 : i32
      %dma_start3A_28 = tpu.memref_slice %arg3[%dma_start3A_26, %dma_start3A_27] : memref<10000x128xf32, #tpu.memory_space<hbm>> -> memref<10000x128xf32, #tpu.memory_space<hbm>>
      tpu.enqueue_indirect_dma source(%dma_start3A_28 : memref<10000x128xf32, #tpu.memory_space<hbm>>) target(%dma_start3A_24 : memref<128x128xf32, #tpu.memory_space<vmem>>) offsets(%dma_start3A_25 : memref<128xi32, #tpu.memory_space<vmem>>) semaphore(%arg13 : memref<!tpu.dma_semaphore, #tpu.memory_space<semaphore_mem>>)
      %add3A_29 = arith.constant 1 : i32
      %add3A_30 = arith.addi %add3A_11, %add3A_29 : i32
      %mul3A_31 = arith.constant 128 : i32
      %mul3A_32 = arith.muli %add3A_30, %mul3A_31 : i32
      %dma_start3A_33 = arith.constant 128 : i32
      %dma_start3A_34 = arith.constant 0 : i32
      %dma_start3A_35 = tpu.memref_slice %arg10[%dma_start3A_33, %dma_start3A_34] : memref<256x128xf32, #tpu.memory_space<vmem>> -> memref<128x128xf32, #tpu.memory_space<vmem>>
      %dma_start3A_36 = tpu.memref_slice %arg8[%mul3A_32] : memref<5120xi32, #tpu.memory_space<vmem>> -> memref<128xi32, #tpu.memory_space<vmem>>
      %dma_start3A_37 = arith.constant 0 : i32
      %dma_start3A_38 = arith.constant 0 : i32
      %dma_start3A_39 = tpu.memref_slice %arg2[%dma_start3A_37, %dma_start3A_38] : memref<10000x128xf32, #tpu.memory_space<hbm>> -> memref<10000x128xf32, #tpu.memory_space<hbm>>
      tpu.enqueue_indirect_dma source(%dma_start3A_39 : memref<10000x128xf32, #tpu.memory_space<hbm>>) target(%dma_start3A_35 : memref<128x128xf32, #tpu.memory_space<vmem>>) offsets(%dma_start3A_36 : memref<128xi32, #tpu.memory_space<vmem>>) semaphore(%arg12 : memref<!tpu.dma_semaphore, #tpu.memory_space<semaphore_mem>>)
      %dma_start3A_40 = arith.constant 128 : i32
      %dma_start3A_41 = arith.constant 0 : i32
      %dma_start3A_42 = tpu.memref_slice %arg11[%dma_start3A_40, %dma_start3A_41] : memref<256x128xf32, #tpu.memory_space<vmem>> -> memref<128x128xf32, #tpu.memory_space<vmem>>
      %dma_start3A_43 = tpu.memref_slice %arg9[%mul3A_32] : memref<5120xi32, #tpu.memory_space<vmem>> -> memref<128xi32, #tpu.memory_space<vmem>>
      %dma_start3A_44 = arith.constant 0 : i32
      %dma_start3A_45 = arith.constant 0 : i32
      %dma_start3A_46 = tpu.memref_slice %arg3[%dma_start3A_44, %dma_start3A_45] : memref<10000x128xf32, #tpu.memory_space<hbm>> -> memref<10000x128xf32, #tpu.memory_space<hbm>>
      tpu.enqueue_indirect_dma source(%dma_start3A_46 : memref<10000x128xf32, #tpu.memory_space<hbm>>) target(%dma_start3A_42 : memref<128x128xf32, #tpu.memory_space<vmem>>) offsets(%dma_start3A_43 : memref<128xi32, #tpu.memory_space<vmem>>) semaphore(%arg13 : memref<!tpu.dma_semaphore, #tpu.memory_space<semaphore_mem>>)
      %dma_wait3A = arith.constant 0 : i32
      %dma_wait3A_47 = arith.constant 0 : i32
      %dma_wait3A_48 = tpu.memref_slice %arg10[%dma_wait3A, %dma_wait3A_47] : memref<256x128xf32, #tpu.memory_space<vmem>> -> memref<128x128xf32, #tpu.memory_space<vmem>>
      %dma_wait3A_49 = tpu.memref_slice %arg8[%mul3A_15] : memref<5120xi32, #tpu.memory_space<vmem>> -> memref<128xi32, #tpu.memory_space<vmem>>
      %dma_wait3A_50 = arith.constant 0 : i32
      %dma_wait3A_51 = arith.constant 0 : i32
      %dma_wait3A_52 = tpu.memref_slice %arg2[%dma_wait3A_50, %dma_wait3A_51] : memref<10000x128xf32, #tpu.memory_space<hbm>> -> memref<10000x128xf32, #tpu.memory_space<hbm>>
      tpu.wait_indirect_dma semaphore(%arg12 : memref<!tpu.dma_semaphore, #tpu.memory_space<semaphore_mem>>) src(%dma_wait3A_52 : memref<10000x128xf32, #tpu.memory_space<hbm>>) dst(%dma_wait3A_48 : memref<128x128xf32, #tpu.memory_space<vmem>>)
      %dma_wait3A_53 = arith.constant 0 : i32
      %dma_wait3A_54 = arith.constant 0 : i32
      %dma_wait3A_55 = tpu.memref_slice %arg11[%dma_wait3A_53, %dma_wait3A_54] : memref<256x128xf32, #tpu.memory_space<vmem>> -> memref<128x128xf32, #tpu.memory_space<vmem>>
      %dma_wait3A_56 = tpu.memref_slice %arg9[%mul3A_15] : memref<5120xi32, #tpu.memory_space<vmem>> -> memref<128xi32, #tpu.memory_space<vmem>>
      %dma_wait3A_57 = arith.constant 0 : i32
      %dma_wait3A_58 = arith.constant 0 : i32
      %dma_wait3A_59 = tpu.memref_slice %arg3[%dma_wait3A_57, %dma_wait3A_58] : memref<10000x128xf32, #tpu.memory_space<hbm>> -> memref<10000x128xf32, #tpu.memory_space<hbm>>
      tpu.wait_indirect_dma semaphore(%arg13 : memref<!tpu.dma_semaphore, #tpu.memory_space<semaphore_mem>>) src(%dma_wait3A_59 : memref<10000x128xf32, #tpu.memory_space<hbm>>) dst(%dma_wait3A_55 : memref<128x128xf32, #tpu.memory_space<vmem>>)
      %dma_wait3A_60 = arith.constant 128 : i32
      %dma_wait3A_61 = arith.constant 0 : i32
      %dma_wait3A_62 = tpu.memref_slice %arg10[%dma_wait3A_60, %dma_wait3A_61] : memref<256x128xf32, #tpu.memory_space<vmem>> -> memref<128x128xf32, #tpu.memory_space<vmem>>
      %dma_wait3A_63 = tpu.memref_slice %arg8[%mul3A_32] : memref<5120xi32, #tpu.memory_space<vmem>> -> memref<128xi32, #tpu.memory_space<vmem>>
      %dma_wait3A_64 = arith.constant 0 : i32
      %dma_wait3A_65 = arith.constant 0 : i32
      %dma_wait3A_66 = tpu.memref_slice %arg2[%dma_wait3A_64, %dma_wait3A_65] : memref<10000x128xf32, #tpu.memory_space<hbm>> -> memref<10000x128xf32, #tpu.memory_space<hbm>>
      tpu.wait_indirect_dma semaphore(%arg12 : memref<!tpu.dma_semaphore, #tpu.memory_space<semaphore_mem>>) src(%dma_wait3A_66 : memref<10000x128xf32, #tpu.memory_space<hbm>>) dst(%dma_wait3A_62 : memref<128x128xf32, #tpu.memory_space<vmem>>)
      %dma_wait3A_67 = arith.constant 128 : i32
      %dma_wait3A_68 = arith.constant 0 : i32
      %dma_wait3A_69 = tpu.memref_slice %arg11[%dma_wait3A_67, %dma_wait3A_68] : memref<256x128xf32, #tpu.memory_space<vmem>> -> memref<128x128xf32, #tpu.memory_space<vmem>>
      %dma_wait3A_70 = tpu.memref_slice %arg9[%mul3A_32] : memref<5120xi32, #tpu.memory_space<vmem>> -> memref<128xi32, #tpu.memory_space<vmem>>
      %dma_wait3A_71 = arith.constant 0 : i32
      %dma_wait3A_72 = arith.constant 0 : i32
      %dma_wait3A_73 = tpu.memref_slice %arg3[%dma_wait3A_71, %dma_wait3A_72] : memref<10000x128xf32, #tpu.memory_space<hbm>> -> memref<10000x128xf32, #tpu.memory_space<hbm>>
      tpu.wait_indirect_dma semaphore(%arg13 : memref<!tpu.dma_semaphore, #tpu.memory_space<semaphore_mem>>) src(%dma_wait3A_73 : memref<10000x128xf32, #tpu.memory_space<hbm>>) dst(%dma_wait3A_69 : memref<128x128xf32, #tpu.memory_space<vmem>>)
      %mul3A_74 = arith.constant 128 : i32
      %mul3A_75 = arith.muli %add3A_11, %mul3A_74 : i32
      %add3A_76 = arith.addi %mul3A_2, %mul3A_75 : i32
      "tpu.region"() ({
        %run_scoped3A = tpu.sem_alloc : memref<!tpu.dma_semaphore, #tpu.memory_space<semaphore_mem>>
        %dma_start3A_80 = arith.constant 0 : i32
        %dma_start3A_81 = tpu.memref_slice %arg6[%add3A_76, %dma_start3A_80] : memref<163840x128xf32, #tpu.memory_space<hbm>> -> memref<256x128xf32, #tpu.memory_space<hbm>>
        %dma_start3A_82 = arith.constant 0 : i32
        %dma_start3A_83 = tpu.memref_slice %arg6[%add3A_76, %dma_start3A_82] : memref<163840x128xf32, #tpu.memory_space<hbm>> -> memref<256x128xf32, #tpu.memory_space<hbm>>
        tpu.enqueue_dma source(%arg10 : memref<256x128xf32, #tpu.memory_space<vmem>>) target(%dma_start3A_83 : memref<256x128xf32, #tpu.memory_space<hbm>>) target_semaphore(%run_scoped3A : memref<!tpu.dma_semaphore, #tpu.memory_space<semaphore_mem>>)
        %dma_wait3A_84 = arith.constant 0 : i32
        %dma_wait3A_85 = tpu.memref_slice %arg6[%add3A_76, %dma_wait3A_84] : memref<163840x128xf32, #tpu.memory_space<hbm>> -> memref<256x128xf32, #tpu.memory_space<hbm>>
        %dma_wait3A_86 = arith.constant 0 : i32
        %dma_wait3A_87 = tpu.memref_slice %arg6[%add3A_76, %dma_wait3A_86] : memref<163840x128xf32, #tpu.memory_space<hbm>> -> memref<256x128xf32, #tpu.memory_space<hbm>>
        tpu.wait_dma2 semaphore(%run_scoped3A : memref<!tpu.dma_semaphore, #tpu.memory_space<semaphore_mem>>) src(%arg10 : memref<256x128xf32, #tpu.memory_space<vmem>>) dst(%dma_wait3A_87 : memref<256x128xf32, #tpu.memory_space<hbm>>)
        tpu.yield
      }) : () -> ()
      %mul3A_77 = arith.constant 128 : i32
      %mul3A_78 = arith.muli %add3A_11, %mul3A_77 : i32
      %add3A_79 = arith.addi %mul3A_2, %mul3A_78 : i32
      "tpu.region"() ({
        %run_scoped3A = tpu.sem_alloc : memref<!tpu.dma_semaphore, #tpu.memory_space<semaphore_mem>>
        %dma_start3A_80 = arith.constant 0 : i32
        %dma_start3A_81 = tpu.memref_slice %arg7[%add3A_79, %dma_start3A_80] : memref<163840x128xf32, #tpu.memory_space<hbm>> -> memref<256x128xf32, #tpu.memory_space<hbm>>
        %dma_start3A_82 = arith.constant 0 : i32
        %dma_start3A_83 = tpu.memref_slice %arg7[%add3A_79, %dma_start3A_82] : memref<163840x128xf32, #tpu.memory_space<hbm>> -> memref<256x128xf32, #tpu.memory_space<hbm>>
        tpu.enqueue_dma source(%arg11 : memref<256x128xf32, #tpu.memory_space<vmem>>) target(%dma_start3A_83 : memref<256x128xf32, #tpu.memory_space<hbm>>) target_semaphore(%run_scoped3A : memref<!tpu.dma_semaphore, #tpu.memory_space<semaphore_mem>>)
        %dma_wait3A_84 = arith.constant 0 : i32
        %dma_wait3A_85 = tpu.memref_slice %arg7[%add3A_79, %dma_wait3A_84] : memref<163840x128xf32, #tpu.memory_space<hbm>> -> memref<256x128xf32, #tpu.memory_space<hbm>>
        %dma_wait3A_86 = arith.constant 0 : i32
        %dma_wait3A_87 = tpu.memref_slice %arg7[%add3A_79, %dma_wait3A_86] : memref<163840x128xf32, #tpu.memory_space<hbm>> -> memref<256x128xf32, #tpu.memory_space<hbm>>
        tpu.wait_dma2 semaphore(%run_scoped3A : memref<!tpu.dma_semaphore, #tpu.memory_space<semaphore_mem>>) src(%arg11 : memref<256x128xf32, #tpu.memory_space<vmem>>) dst(%dma_wait3A_87 : memref<256x128xf32, #tpu.memory_space<hbm>>)
        tpu.yield
      }) : () -> ()
    }
    %scan3A_6 = arith.constant 20 : i32
    return
  }
}

#map = affine_map<(d0, d1) -> (0, 0)>
#map1 = affine_map<(d0, d1) -> (0)>
#map2 = affine_map<(d0, d1) -> (0, 0, 0)>
module attributes {stable_mosaic.version = 14 : i64} {
  func.func @sk(%arg0: i32, %arg1: i32, %arg2: memref<163840x128xf32, #tpu.memory_space<hbm>>, %arg3: memref<163840xi32, #tpu.memory_space<hbm>>, %arg4: memref<10240x128xf32, #tpu.memory_space<hbm>>, %arg5: memref<2x10240x128xf32, #tpu.memory_space<hbm>>, %arg6: memref<10240x128xf32, #tpu.memory_space<vmem_shared>>, %arg7: memref<128xi32, #tpu.memory_space<vmem>>, %arg8: memref<128x128xf32, #tpu.memory_space<vmem>>) attributes {dimension_semantics = [#tpu.dimension_semantics<core_parallel>, #tpu.dimension_semantics<subcore_parallel>], iteration_bounds = array<i64: 2, 16>, scalar_prefetch = 0 : i64, scratch_operands = 3 : i64, tpu.core_type = #tpu.core_type<sc_vector_subcore>, window_params = [{transform_indices = #map}, {transform_indices = #map1}, {transform_indices = #map}, {transform_indices = #map2}]} {
    %mul3A = arith.constant 2 : i32
    %mul3A_0 = arith.muli %arg1, %mul3A : i32
    %add3A = arith.addi %mul3A_0, %arg0 : i32
    %mul3A_1 = arith.constant 640 : i32
    %mul3A_2 = arith.muli %arg1, %mul3A_1 : i32
    %mul3A_3 = arith.constant 640 : i32
    %mul3A_4 = arith.muli %arg1, %mul3A_3 : i32
    "tpu.region"() ({
      %run_scoped3A = tpu.sem_alloc : memref<!tpu.dma_semaphore, #tpu.memory_space<semaphore_mem>>
      %dma_start3A = arith.constant 0 : i32
      %dma_start3A_14 = tpu.memref_slice %arg6[%mul3A_4, %dma_start3A] : memref<10240x128xf32, #tpu.memory_space<vmem_shared>> -> memref<640x128xf32, #tpu.memory_space<vmem_shared>>
      %dma_start3A_15 = arith.constant 0 : i32
      %dma_start3A_16 = tpu.memref_slice %arg4[%mul3A_2, %dma_start3A_15] : memref<10240x128xf32, #tpu.memory_space<hbm>> -> memref<640x128xf32, #tpu.memory_space<hbm>>
      tpu.enqueue_dma source(%dma_start3A_16 : memref<640x128xf32, #tpu.memory_space<hbm>>) target(%dma_start3A_14 : memref<640x128xf32, #tpu.memory_space<vmem_shared>>) target_semaphore(%run_scoped3A : memref<!tpu.dma_semaphore, #tpu.memory_space<semaphore_mem>>)
      %dma_wait3A = arith.constant 0 : i32
      %dma_wait3A_17 = tpu.memref_slice %arg6[%mul3A_4, %dma_wait3A] : memref<10240x128xf32, #tpu.memory_space<vmem_shared>> -> memref<640x128xf32, #tpu.memory_space<vmem_shared>>
      %dma_wait3A_18 = arith.constant 0 : i32
      %dma_wait3A_19 = tpu.memref_slice %arg4[%mul3A_2, %dma_wait3A_18] : memref<10240x128xf32, #tpu.memory_space<hbm>> -> memref<640x128xf32, #tpu.memory_space<hbm>>
      tpu.wait_dma2 semaphore(%run_scoped3A : memref<!tpu.dma_semaphore, #tpu.memory_space<semaphore_mem>>) src(%dma_wait3A_19 : memref<640x128xf32, #tpu.memory_space<hbm>>) dst(%dma_wait3A_17 : memref<640x128xf32, #tpu.memory_space<vmem_shared>>)
      tpu.yield
    }) : () -> ()
    %barrier3A = arith.constant 0 : index
    tpu.barrier barrier_id(%barrier3A)
    %scan3A = arith.constant 0 : i32
    %scan3A_5 = arith.constant 40 : i32
    %scan3A_6 = arith.addi %scan3A, %scan3A_5 : i32
    %scan3A_7 = arith.constant 1 : i32
    scf.for %scan3A_14 = %scan3A to %scan3A_6 step %scan3A_7  : i32 {
      %mul3A_15 = arith.constant 1 : i32
      %mul3A_16 = arith.muli %scan3A_14, %mul3A_15 : i32
      %add3A_17 = arith.constant 0 : i32
      %add3A_18 = arith.addi %add3A_17, %mul3A_16 : i32
      %mul3A_19 = arith.constant 40 : i32
      %mul3A_20 = arith.muli %add3A, %mul3A_19 : i32
      %add3A_21 = arith.addi %mul3A_20, %add3A_18 : i32
      %mul3A_22 = arith.constant 128 : i32
      %mul3A_23 = arith.muli %add3A_21, %mul3A_22 : i32
      "tpu.region"() ({
        %run_scoped3A = tpu.sem_alloc : memref<!tpu.dma_semaphore, #tpu.memory_space<semaphore_mem>>
        %dma_start3A = tpu.memref_slice %arg3[%mul3A_23] : memref<163840xi32, #tpu.memory_space<hbm>> -> memref<128xi32, #tpu.memory_space<hbm>>
        %dma_start3A_26 = tpu.memref_slice %arg3[%mul3A_23] : memref<163840xi32, #tpu.memory_space<hbm>> -> memref<128xi32, #tpu.memory_space<hbm>>
        tpu.enqueue_dma source(%dma_start3A_26 : memref<128xi32, #tpu.memory_space<hbm>>) target(%arg7 : memref<128xi32, #tpu.memory_space<vmem>>) target_semaphore(%run_scoped3A : memref<!tpu.dma_semaphore, #tpu.memory_space<semaphore_mem>>)
        %dma_wait3A = tpu.memref_slice %arg3[%mul3A_23] : memref<163840xi32, #tpu.memory_space<hbm>> -> memref<128xi32, #tpu.memory_space<hbm>>
        %dma_wait3A_27 = tpu.memref_slice %arg3[%mul3A_23] : memref<163840xi32, #tpu.memory_space<hbm>> -> memref<128xi32, #tpu.memory_space<hbm>>
        tpu.wait_dma2 semaphore(%run_scoped3A : memref<!tpu.dma_semaphore, #tpu.memory_space<semaphore_mem>>) src(%dma_wait3A_27 : memref<128xi32, #tpu.memory_space<hbm>>) dst(%arg7 : memref<128xi32, #tpu.memory_space<vmem>>)
        tpu.yield
      }) : () -> ()
      %mul3A_24 = arith.constant 128 : i32
      %mul3A_25 = arith.muli %add3A_21, %mul3A_24 : i32
      "tpu.region"() ({
        %run_scoped3A = tpu.sem_alloc : memref<!tpu.dma_semaphore, #tpu.memory_space<semaphore_mem>>
        %dma_start3A = arith.constant 0 : i32
        %dma_start3A_26 = tpu.memref_slice %arg2[%mul3A_25, %dma_start3A] : memref<163840x128xf32, #tpu.memory_space<hbm>> -> memref<128x128xf32, #tpu.memory_space<hbm>>
        %dma_start3A_27 = arith.constant 0 : i32
        %dma_start3A_28 = tpu.memref_slice %arg2[%mul3A_25, %dma_start3A_27] : memref<163840x128xf32, #tpu.memory_space<hbm>> -> memref<128x128xf32, #tpu.memory_space<hbm>>
        tpu.enqueue_dma source(%dma_start3A_28 : memref<128x128xf32, #tpu.memory_space<hbm>>) target(%arg8 : memref<128x128xf32, #tpu.memory_space<vmem>>) target_semaphore(%run_scoped3A : memref<!tpu.dma_semaphore, #tpu.memory_space<semaphore_mem>>)
        %dma_wait3A = arith.constant 0 : i32
        %dma_wait3A_29 = tpu.memref_slice %arg2[%mul3A_25, %dma_wait3A] : memref<163840x128xf32, #tpu.memory_space<hbm>> -> memref<128x128xf32, #tpu.memory_space<hbm>>
        %dma_wait3A_30 = arith.constant 0 : i32
        %dma_wait3A_31 = tpu.memref_slice %arg2[%mul3A_25, %dma_wait3A_30] : memref<163840x128xf32, #tpu.memory_space<hbm>> -> memref<128x128xf32, #tpu.memory_space<hbm>>
        tpu.wait_dma2 semaphore(%run_scoped3A : memref<!tpu.dma_semaphore, #tpu.memory_space<semaphore_mem>>) src(%dma_wait3A_31 : memref<128x128xf32, #tpu.memory_space<hbm>>) dst(%arg8 : memref<128x128xf32, #tpu.memory_space<vmem>>)
        tpu.yield
      }) : () -> ()
      "tpu.region"() ({
        %run_scoped3A = tpu.sem_alloc : memref<!tpu.dma_semaphore, #tpu.memory_space<semaphore_mem>>
        %dma_start3A = arith.constant 0 : i32
        %dma_start3A_26 = arith.constant 0 : i32
        %dma_start3A_27 = tpu.memref_slice %arg6[%dma_start3A, %dma_start3A_26] : memref<10240x128xf32, #tpu.memory_space<vmem_shared>> -> memref<10240x128xf32, #tpu.memory_space<vmem_shared>>
        tpu.enqueue_indirect_dma source(%arg8 : memref<128x128xf32, #tpu.memory_space<vmem>>) target(%dma_start3A_27 : memref<10240x128xf32, #tpu.memory_space<vmem_shared>>) offsets(%arg7 : memref<128xi32, #tpu.memory_space<vmem>>) semaphore(%run_scoped3A : memref<!tpu.dma_semaphore, #tpu.memory_space<semaphore_mem>>) {add = true}
        %dma_wait3A = arith.constant 0 : i32
        %dma_wait3A_28 = arith.constant 0 : i32
        %dma_wait3A_29 = tpu.memref_slice %arg6[%dma_wait3A, %dma_wait3A_28] : memref<10240x128xf32, #tpu.memory_space<vmem_shared>> -> memref<10240x128xf32, #tpu.memory_space<vmem_shared>>
        tpu.wait_indirect_dma semaphore(%run_scoped3A : memref<!tpu.dma_semaphore, #tpu.memory_space<semaphore_mem>>) src(%arg8 : memref<128x128xf32, #tpu.memory_space<vmem>>) dst(%dma_wait3A_29 : memref<10240x128xf32, #tpu.memory_space<vmem_shared>>)
        tpu.yield
      }) : () -> ()
    }
    %scan3A_8 = arith.constant 40 : i32
    %barrier3A_9 = arith.constant 0 : index
    tpu.barrier barrier_id(%barrier3A_9)
    %mul3A_10 = arith.constant 640 : i32
    %mul3A_11 = arith.muli %arg1, %mul3A_10 : i32
    %mul3A_12 = arith.constant 640 : i32
    %mul3A_13 = arith.muli %arg1, %mul3A_12 : i32
    "tpu.region"() ({
      %run_scoped3A = tpu.sem_alloc : memref<!tpu.dma_semaphore, #tpu.memory_space<semaphore_mem>>
      %dma_start3A = arith.constant 0 : i32
      %dma_start3A_14 = tpu.memref_slice %arg5[%arg0, %mul3A_13, %dma_start3A] : memref<2x10240x128xf32, #tpu.memory_space<hbm>> -> memref<1x640x128xf32, #tpu.memory_space<hbm>>
      %dma_start3A_15 = tpu.memref_squeeze %dma_start3A_14 : memref<1x640x128xf32, #tpu.memory_space<hbm>> -> memref<640x128xf32, #tpu.memory_space<hbm>>
      %dma_start3A_16 = arith.constant 0 : i32
      %dma_start3A_17 = tpu.memref_slice %arg6[%mul3A_11, %dma_start3A_16] : memref<10240x128xf32, #tpu.memory_space<vmem_shared>> -> memref<640x128xf32, #tpu.memory_space<vmem_shared>>
      tpu.enqueue_dma source(%dma_start3A_17 : memref<640x128xf32, #tpu.memory_space<vmem_shared>>) target(%dma_start3A_15 : memref<640x128xf32, #tpu.memory_space<hbm>>) target_semaphore(%run_scoped3A : memref<!tpu.dma_semaphore, #tpu.memory_space<semaphore_mem>>)
      %dma_wait3A = arith.constant 0 : i32
      %dma_wait3A_18 = tpu.memref_slice %arg5[%arg0, %mul3A_13, %dma_wait3A] : memref<2x10240x128xf32, #tpu.memory_space<hbm>> -> memref<1x640x128xf32, #tpu.memory_space<hbm>>
      %dma_wait3A_19 = tpu.memref_squeeze %dma_wait3A_18 : memref<1x640x128xf32, #tpu.memory_space<hbm>> -> memref<640x128xf32, #tpu.memory_space<hbm>>
      %dma_wait3A_20 = arith.constant 0 : i32
      %dma_wait3A_21 = tpu.memref_slice %arg6[%mul3A_11, %dma_wait3A_20] : memref<10240x128xf32, #tpu.memory_space<vmem_shared>> -> memref<640x128xf32, #tpu.memory_space<vmem_shared>>
      tpu.wait_dma2 semaphore(%run_scoped3A : memref<!tpu.dma_semaphore, #tpu.memory_space<semaphore_mem>>) src(%dma_wait3A_21 : memref<640x128xf32, #tpu.memory_space<vmem_shared>>) dst(%dma_wait3A_19 : memref<640x128xf32, #tpu.memory_space<hbm>>)
      tpu.yield
    }) : () -> ()
    return
  }
}

module attributes {stable_mosaic.version = 14 : i64} {
  func.func @body(%arg0: i32, %arg1: memref<1000x128xf32, #tpu.memory_space<vmem>>, %arg2: memref<128x128xf32, #tpu.memory_space<vmem>>, %arg3: memref<128x128xf32, #tpu.memory_space<vmem>>, %arg4: memref<1x128xf32, #tpu.memory_space<vmem>>, %arg5: memref<1x16xf32, #tpu.memory_space<vmem>>, %arg6: memref<128x128xf32, #tpu.memory_space<vmem>>, %arg7: memref<16x128xf32, #tpu.memory_space<vmem>>, %arg8: memref<1x128xf32, #tpu.memory_space<vmem>>, %arg9: memref<128x128xf32, #tpu.memory_space<vmem>>, %arg10: memref<16x128xf32, #tpu.memory_space<vmem>>, %arg11: memref<1x128xf32, #tpu.memory_space<vmem>>, %arg12: memref<1000x128xf32, #tpu.memory_space<vmem>>, %arg13: memref<1000x128xf32, #tpu.memory_space<vmem>>, %arg14: memref<1x128xf32, #tpu.memory_space<vmem>>, %arg15: memref<1x128xf32, #tpu.memory_space<vmem>>) attributes {dimension_semantics = [#tpu.dimension_semantics<arbitrary>], iteration_bounds = array<i64: 10>, scalar_prefetch = 0 : i64, scratch_operands = 0 : i64, tpu.core_type = #tpu.core_type<tc>, window_params = [{transform_indices = @transform_0, window_bounds = array<i64: 1000, 128>}, {pipeline_mode = #tpu.pipeline_mode<synchronous>, transform_indices = @transform_1, window_bounds = array<i64: 128, 128>}, {pipeline_mode = #tpu.pipeline_mode<synchronous>, transform_indices = @transform_2, window_bounds = array<i64: 128, 128>}, {pipeline_mode = #tpu.pipeline_mode<synchronous>, transform_indices = @transform_3, window_bounds = array<i64: 1, 128>}, {pipeline_mode = #tpu.pipeline_mode<synchronous>, transform_indices = @transform_4, window_bounds = array<i64: 1, 16>}, {pipeline_mode = #tpu.pipeline_mode<synchronous>, transform_indices = @transform_5, window_bounds = array<i64: 128, 128>}, {pipeline_mode = #tpu.pipeline_mode<synchronous>, transform_indices = @transform_6, window_bounds = array<i64: 16, 128>}, {pipeline_mode = #tpu.pipeline_mode<synchronous>, transform_indices = @transform_7, window_bounds = array<i64: 1, 128>}, {pipeline_mode = #tpu.pipeline_mode<synchronous>, transform_indices = @transform_8, window_bounds = array<i64: 128, 128>}, {pipeline_mode = #tpu.pipeline_mode<synchronous>, transform_indices = @transform_9, window_bounds = array<i64: 16, 128>}, {pipeline_mode = #tpu.pipeline_mode<synchronous>, transform_indices = @transform_10, window_bounds = array<i64: 1, 128>}, {transform_indices = @transform_11, window_bounds = array<i64: 1000, 128>}, {transform_indices = @transform_12, window_bounds = array<i64: 1000, 128>}, {pipeline_mode = #tpu.pipeline_mode<synchronous>, transform_indices = @transform_13, window_bounds = array<i64: 1, 128>}, {pipeline_mode = #tpu.pipeline_mode<synchronous>, transform_indices = @transform_14, window_bounds = array<i64: 1, 128>}]} {
    %get3A = arith.constant 0 : index
    %get3A_0 = arith.constant 0 : index
    %get3A_1 = vector.load %arg1[%get3A, %get3A_0] : memref<1000x128xf32, #tpu.memory_space<vmem>>, vector<1000x128xf32>
    %get3A_2 = arith.constant 0 : index
    %get3A_3 = arith.constant 0 : index
    %get3A_4 = vector.load %arg2[%get3A_2, %get3A_3] : memref<128x128xf32, #tpu.memory_space<vmem>>, vector<128x128xf32>
    %dot_general3A = arith.constant dense<0.000000e+00> : vector<1000x128xf32>
    %dot_general3A_5 = tpu.matmul %get3A_1, %get3A_4, %dot_general3A {dimension_numbers = #tpu.dot_dimension_numbers<[1], [0], [0], [1], [0, 0, 1, 1], [], []>, transpose_lhs_hint = false} : vector<1000x128xf32>, vector<128x128xf32>, vector<1000x128xf32> -> vector<1000x128xf32>
    %swap3A = arith.constant 0 : index
    %swap3A_6 = arith.constant 0 : index
    %swap3A_7 = vector.load %arg12[%swap3A, %swap3A_6] : memref<1000x128xf32, #tpu.memory_space<vmem>>, vector<1000x128xf32>
    tpu.vector_store %arg12[%swap3A, %swap3A_6], %dot_general3A_5 {strides = array<i32>} : memref<1000x128xf32, #tpu.memory_space<vmem>>, vector<1000x128xf32>,
    %get3A_8 = arith.constant 0 : index
    %get3A_9 = arith.constant 0 : index
    %get3A_10 = vector.load %arg3[%get3A_8, %get3A_9] : memref<128x128xf32, #tpu.memory_space<vmem>>, vector<128x128xf32>
    %dot_general3A_11 = arith.constant dense<0.000000e+00> : vector<1000x128xf32>
    %dot_general3A_12 = tpu.matmul %get3A_1, %get3A_10, %dot_general3A_11 {dimension_numbers = #tpu.dot_dimension_numbers<[1], [0], [0], [1], [0, 0, 1, 1], [], []>, transpose_lhs_hint = false} : vector<1000x128xf32>, vector<128x128xf32>, vector<1000x128xf32> -> vector<1000x128xf32>
    %swap3A_13 = arith.constant 0 : index
    %swap3A_14 = arith.constant 0 : index
    %swap3A_15 = vector.load %arg13[%swap3A_13, %swap3A_14] : memref<1000x128xf32, #tpu.memory_space<vmem>>, vector<1000x128xf32>
    tpu.vector_store %arg13[%swap3A_13, %swap3A_14], %dot_general3A_12 {strides = array<i32>} : memref<1000x128xf32, #tpu.memory_space<vmem>>, vector<1000x128xf32>,
    %eq3A = arith.constant 0 : i32
    %eq3A_16 = arith.cmpi eq, %arg0, %eq3A : i32
    %convert_element_type3A = arith.extui %eq3A_16 : i1 to i32
    %cond3A = arith.constant 0 : i32
    %cond3A_17 = arith.cmpi ne, %convert_element_type3A, %cond3A : i32
    scf.if %cond3A_17 {
      %get3A_18 = arith.constant 0 : index
      %get3A_19 = arith.constant 0 : index
      %get3A_20 = vector.load %arg4[%get3A_18, %get3A_19] : memref<1x128xf32, #tpu.memory_space<vmem>>, vector<1x128xf32>
      %get3A_21 = arith.constant 0 : index
      %get3A_22 = arith.constant 0 : index
      %get3A_23 = vector.load %arg5[%get3A_21, %get3A_22] : memref<1x16xf32, #tpu.memory_space<vmem>>, vector<1x16xf32>
      %get3A_24 = arith.constant 0 : index
      %get3A_25 = arith.constant 0 : index
      %get3A_26 = vector.load %arg6[%get3A_24, %get3A_25] : memref<128x128xf32, #tpu.memory_space<vmem>>, vector<128x128xf32>
      %dot_general3A_27 = arith.constant dense<0.000000e+00> : vector<1x128xf32>
      %dot_general3A_28 = tpu.matmul %get3A_20, %get3A_26, %dot_general3A_27 {dimension_numbers = #tpu.dot_dimension_numbers<[1], [0], [0], [1], [0, 0, 1, 1], [], []>, transpose_lhs_hint = false} : vector<1x128xf32>, vector<128x128xf32>, vector<1x128xf32> -> vector<1x128xf32>
      %get3A_29 = arith.constant 0 : index
      %get3A_30 = arith.constant 0 : index
      %get3A_31 = vector.load %arg7[%get3A_29, %get3A_30] : memref<16x128xf32, #tpu.memory_space<vmem>>, vector<16x128xf32>
      %dot_general3A_32 = arith.constant dense<0.000000e+00> : vector<1x128xf32>
      %dot_general3A_33 = tpu.matmul %get3A_23, %get3A_31, %dot_general3A_32 {dimension_numbers = #tpu.dot_dimension_numbers<[1], [0], [0], [1], [0, 0, 1, 1], [], []>, transpose_lhs_hint = false} : vector<1x16xf32>, vector<16x128xf32>, vector<1x128xf32> -> vector<1x128xf32>
      %add3A = arith.addf %dot_general3A_28, %dot_general3A_33 : vector<1x128xf32>
      %get3A_34 = arith.constant 0 : index
      %get3A_35 = arith.constant 0 : index
      %get3A_36 = vector.load %arg8[%get3A_34, %get3A_35] : memref<1x128xf32, #tpu.memory_space<vmem>>, vector<1x128xf32>
      %add3A_37 = arith.addf %add3A, %get3A_36 : vector<1x128xf32>
      %swap3A_38 = arith.constant 0 : index
      %swap3A_39 = arith.constant 0 : index
      %swap3A_40 = vector.load %arg14[%swap3A_38, %swap3A_39] : memref<1x128xf32, #tpu.memory_space<vmem>>, vector<1x128xf32>
      tpu.vector_store %arg14[%swap3A_38, %swap3A_39], %add3A_37 {strides = array<i32>} : memref<1x128xf32, #tpu.memory_space<vmem>>, vector<1x128xf32>,
      %get3A_41 = arith.constant 0 : index
      %get3A_42 = arith.constant 0 : index
      %get3A_43 = vector.load %arg9[%get3A_41, %get3A_42] : memref<128x128xf32, #tpu.memory_space<vmem>>, vector<128x128xf32>
      %dot_general3A_44 = arith.constant dense<0.000000e+00> : vector<1x128xf32>
      %dot_general3A_45 = tpu.matmul %get3A_20, %get3A_43, %dot_general3A_44 {dimension_numbers = #tpu.dot_dimension_numbers<[1], [0], [0], [1], [0, 0, 1, 1], [], []>, transpose_lhs_hint = false} : vector<1x128xf32>, vector<128x128xf32>, vector<1x128xf32> -> vector<1x128xf32>
      %get3A_46 = arith.constant 0 : index
      %get3A_47 = arith.constant 0 : index
      %get3A_48 = vector.load %arg10[%get3A_46, %get3A_47] : memref<16x128xf32, #tpu.memory_space<vmem>>, vector<16x128xf32>
      %dot_general3A_49 = arith.constant dense<0.000000e+00> : vector<1x128xf32>
      %dot_general3A_50 = tpu.matmul %get3A_23, %get3A_48, %dot_general3A_49 {dimension_numbers = #tpu.dot_dimension_numbers<[1], [0], [0], [1], [0, 0, 1, 1], [], []>, transpose_lhs_hint = false} : vector<1x16xf32>, vector<16x128xf32>, vector<1x128xf32> -> vector<1x128xf32>
      %add3A_51 = arith.addf %dot_general3A_45, %dot_general3A_50 : vector<1x128xf32>
      %get3A_52 = arith.constant 0 : index
      %get3A_53 = arith.constant 0 : index
      %get3A_54 = vector.load %arg11[%get3A_52, %get3A_53] : memref<1x128xf32, #tpu.memory_space<vmem>>, vector<1x128xf32>
      %add3A_55 = arith.addf %add3A_51, %get3A_54 : vector<1x128xf32>
      %swap3A_56 = arith.constant 0 : index
      %swap3A_57 = arith.constant 0 : index
      %swap3A_58 = vector.load %arg15[%swap3A_56, %swap3A_57] : memref<1x128xf32, #tpu.memory_space<vmem>>, vector<1x128xf32>
      tpu.vector_store %arg15[%swap3A_56, %swap3A_57], %add3A_55 {strides = array<i32>} : memref<1x128xf32, #tpu.memory_space<vmem>>, vector<1x128xf32>,
    } else {
    }
    return
  }
  func.func @transform_0(%arg0: i32) -> (i32, i32) {
    %c0_i32 = arith.constant 0 : i32
    %c0_i32_0 = arith.constant 0 : i32
    return %arg0, %c0_i32 : i32, i32
  }
  func.func @transform_1(%arg0: i32) -> (i32, i32) {
    %c0_i32 = arith.constant 0 : i32
    %c0_i32_0 = arith.constant 0 : i32
    %c0_i32_1 = arith.constant 0 : i32
    return %c0_i32, %c0_i32_0 : i32, i32
  }
  func.func @transform_2(%arg0: i32) -> (i32, i32) {
    %c0_i32 = arith.constant 0 : i32
    %c0_i32_0 = arith.constant 0 : i32
    %c0_i32_1 = arith.constant 0 : i32
    return %c0_i32, %c0_i32_0 : i32, i32
  }
  func.func @transform_3(%arg0: i32) -> (i32, i32) {
    %c0_i32 = arith.constant 0 : i32
    %c0_i32_0 = arith.constant 0 : i32
    %c0_i32_1 = arith.constant 0 : i32
    return %c0_i32, %c0_i32_0 : i32, i32
  }
  func.func @transform_4(%arg0: i32) -> (i32, i32) {
    %c0_i32 = arith.constant 0 : i32
    %c0_i32_0 = arith.constant 0 : i32
    %c0_i32_1 = arith.constant 0 : i32
    return %c0_i32, %c0_i32_0 : i32, i32
  }
  func.func @transform_5(%arg0: i32) -> (i32, i32) {
    %c0_i32 = arith.constant 0 : i32
    %c0_i32_0 = arith.constant 0 : i32
    %c0_i32_1 = arith.constant 0 : i32
    return %c0_i32, %c0_i32_0 : i32, i32
  }
  func.func @transform_6(%arg0: i32) -> (i32, i32) {
    %c0_i32 = arith.constant 0 : i32
    %c0_i32_0 = arith.constant 0 : i32
    %c0_i32_1 = arith.constant 0 : i32
    return %c0_i32, %c0_i32_0 : i32, i32
  }
  func.func @transform_7(%arg0: i32) -> (i32, i32) {
    %c0_i32 = arith.constant 0 : i32
    %c0_i32_0 = arith.constant 0 : i32
    %c0_i32_1 = arith.constant 0 : i32
    return %c0_i32, %c0_i32_0 : i32, i32
  }
  func.func @transform_8(%arg0: i32) -> (i32, i32) {
    %c0_i32 = arith.constant 0 : i32
    %c0_i32_0 = arith.constant 0 : i32
    %c0_i32_1 = arith.constant 0 : i32
    return %c0_i32, %c0_i32_0 : i32, i32
  }
  func.func @transform_9(%arg0: i32) -> (i32, i32) {
    %c0_i32 = arith.constant 0 : i32
    %c0_i32_0 = arith.constant 0 : i32
    %c0_i32_1 = arith.constant 0 : i32
    return %c0_i32, %c0_i32_0 : i32, i32
  }
  func.func @transform_10(%arg0: i32) -> (i32, i32) {
    %c0_i32 = arith.constant 0 : i32
    %c0_i32_0 = arith.constant 0 : i32
    %c0_i32_1 = arith.constant 0 : i32
    return %c0_i32, %c0_i32_0 : i32, i32
  }
  func.func @transform_11(%arg0: i32) -> (i32, i32) {
    %c0_i32 = arith.constant 0 : i32
    %c0_i32_0 = arith.constant 0 : i32
    return %arg0, %c0_i32 : i32, i32
  }
  func.func @transform_12(%arg0: i32) -> (i32, i32) {
    %c0_i32 = arith.constant 0 : i32
    %c0_i32_0 = arith.constant 0 : i32
    return %arg0, %c0_i32 : i32, i32
  }
  func.func @transform_13(%arg0: i32) -> (i32, i32) {
    %c0_i32 = arith.constant 0 : i32
    %c0_i32_0 = arith.constant 0 : i32
    %c0_i32_1 = arith.constant 0 : i32
    return %c0_i32, %c0_i32_0 : i32, i32
  }
  func.func @transform_14(%arg0: i32) -> (i32, i32) {
    %c0_i32 = arith.constant 0 : i32
    %c0_i32_0 = arith.constant 0 : i32
    %c0_i32_1 = arith.constant 0 : i32
    return %c0_i32, %c0_i32_0 : i32, i32
  }
}

module attributes {stable_mosaic.version = 14 : i64} {
  func.func @body(%arg0: i32, %arg1: memref<640x128xf32, #tpu.memory_space<vmem>>, %arg2: memref<640x128xf32, #tpu.memory_space<vmem>>, %arg3: memref<640x16xf32, #tpu.memory_space<vmem>>, %arg4: memref<640x16xf32, #tpu.memory_space<vmem>>, %arg5: memref<16x128xf32, #tpu.memory_space<vmem>>, %arg6: memref<16x128xf32, #tpu.memory_space<vmem>>, %arg7: memref<1x128xf32, #tpu.memory_space<vmem>>, %arg8: memref<128x16xf32, #tpu.memory_space<vmem>>, %arg9: memref<1x16xf32, #tpu.memory_space<vmem>>, %arg10: memref<640x16xf32, #tpu.memory_space<vmem>>, %arg11: memref<640x128xf32, #tpu.memory_space<vmem>>, %arg12: memref<1x16xf32, #tpu.memory_space<vmem>>, %arg13: memref<1x16xf32, #tpu.memory_space<vmem>>) attributes {dimension_semantics = [#tpu.dimension_semantics<arbitrary>], iteration_bounds = array<i64: 256>, scalar_prefetch = 0 : i64, scratch_operands = 1 : i64, tpu.core_type = #tpu.core_type<tc>, window_params = [{transform_indices = @transform_0, window_bounds = array<i64: 640, 128>}, {transform_indices = @transform_1, window_bounds = array<i64: 640, 128>}, {transform_indices = @transform_2, window_bounds = array<i64: 640, 16>}, {transform_indices = @transform_3, window_bounds = array<i64: 640, 16>}, {pipeline_mode = #tpu.pipeline_mode<synchronous>, transform_indices = @transform_4, window_bounds = array<i64: 16, 128>}, {pipeline_mode = #tpu.pipeline_mode<synchronous>, transform_indices = @transform_5, window_bounds = array<i64: 16, 128>}, {pipeline_mode = #tpu.pipeline_mode<synchronous>, transform_indices = @transform_6, window_bounds = array<i64: 1, 128>}, {pipeline_mode = #tpu.pipeline_mode<synchronous>, transform_indices = @transform_7, window_bounds = array<i64: 128, 16>}, {pipeline_mode = #tpu.pipeline_mode<synchronous>, transform_indices = @transform_8, window_bounds = array<i64: 1, 16>}, {transform_indices = @transform_9, window_bounds = array<i64: 640, 16>}, {transform_indices = @transform_10, window_bounds = array<i64: 640, 128>}, {pipeline_mode = #tpu.pipeline_mode<synchronous>, transform_indices = @transform_11, window_bounds = array<i64: 1, 16>}]} {
    %eq3A = arith.constant 0 : i32
    %eq3A_0 = arith.cmpi eq, %arg0, %eq3A : i32
    %convert_element_type3A = arith.extui %eq3A_0 : i1 to i32
    %cond3A = arith.constant 0 : i32
    %cond3A_1 = arith.cmpi ne, %convert_element_type3A, %cond3A : i32
    scf.if %cond3A_1 {
      %broadcast_in_dim3A = arith.constant 0.000000e+00 : f32
      %broadcast_in_dim3A_15 = vector.broadcast %broadcast_in_dim3A : f32 to vector<1x16xf32>
      %swap3A = arith.constant 0 : index
      %swap3A_16 = arith.constant 0 : index
      %swap3A_17 = vector.load %arg13[%swap3A, %swap3A_16] : memref<1x16xf32, #tpu.memory_space<vmem>>, vector<1x16xf32>
      tpu.vector_store %arg13[%swap3A, %swap3A_16], %broadcast_in_dim3A_15 {strides = array<i32>} : memref<1x16xf32, #tpu.memory_space<vmem>>, vector<1x16xf32>,
    } else {
    }
    %lt3A = arith.constant 250 : i32
    %lt3A_2 = arith.cmpi slt, %arg0, %lt3A : i32
    %convert_element_type3A_3 = arith.extui %lt3A_2 : i1 to i32
    %cond3A_4 = arith.constant 0 : i32
    %cond3A_5 = arith.cmpi ne, %convert_element_type3A_3, %cond3A_4 : i32
    scf.if %cond3A_5 {
      %get3A = arith.constant 0 : index
      %get3A_15 = arith.constant 0 : index
      %get3A_16 = vector.load %arg3[%get3A, %get3A_15] : memref<640x16xf32, #tpu.memory_space<vmem>>, vector<640x16xf32>
      %get3A_17 = arith.constant 0 : index
      %get3A_18 = arith.constant 0 : index
      %get3A_19 = vector.load %arg4[%get3A_17, %get3A_18] : memref<640x16xf32, #tpu.memory_space<vmem>>, vector<640x16xf32>
      %concatenate3A = tpu.concatenate %get3A_16, %get3A_19 in 1 : vector<640x16xf32>, vector<640x16xf32> -> vector<640x32xf32>
      %get3A_20 = arith.constant 0 : index
      %get3A_21 = arith.constant 0 : index
      %get3A_22 = vector.load %arg5[%get3A_20, %get3A_21] : memref<16x128xf32, #tpu.memory_space<vmem>>, vector<16x128xf32>
      %get3A_23 = arith.constant 0 : index
      %get3A_24 = arith.constant 0 : index
      %get3A_25 = vector.load %arg6[%get3A_23, %get3A_24] : memref<16x128xf32, #tpu.memory_space<vmem>>, vector<16x128xf32>
      %concatenate3A_26 = tpu.concatenate %get3A_22, %get3A_25 in 0 : vector<16x128xf32>, vector<16x128xf32> -> vector<32x128xf32>
      %get3A_27 = arith.constant 0 : index
      %get3A_28 = arith.constant 0 : index
      %get3A_29 = vector.load %arg1[%get3A_27, %get3A_28] : memref<640x128xf32, #tpu.memory_space<vmem>>, vector<640x128xf32>
      %get3A_30 = arith.constant 0 : index
      %get3A_31 = arith.constant 0 : index
      %get3A_32 = vector.load %arg2[%get3A_30, %get3A_31] : memref<640x128xf32, #tpu.memory_space<vmem>>, vector<640x128xf32>
      %add3A = arith.addf %get3A_29, %get3A_32 : vector<640x128xf32>
      %convert_element_type3A_33 = arith.truncf %concatenate3A : vector<640x32xf32> to vector<640x32xbf16>
      %convert_element_type3A_34 = arith.truncf %concatenate3A_26 : vector<32x128xf32> to vector<32x128xbf16>
      %dot_general3A = arith.constant dense<0.000000e+00> : vector<640x128xf32>
      %dot_general3A_35 = tpu.matmul %convert_element_type3A_33, %convert_element_type3A_34, %dot_general3A {dimension_numbers = #tpu.dot_dimension_numbers<[1], [0], [0], [1], [0, 0, 1, 1], [], []>, transpose_lhs_hint = false} : vector<640x32xbf16>, vector<32x128xbf16>, vector<640x128xf32> -> vector<640x128xf32>
      %add3A_36 = arith.addf %add3A, %dot_general3A_35 : vector<640x128xf32>
      %get3A_37 = arith.constant 0 : index
      %get3A_38 = arith.constant 0 : index
      %get3A_39 = vector.load %arg7[%get3A_37, %get3A_38] : memref<1x128xf32, #tpu.memory_space<vmem>>, vector<1x128xf32>
      %add3A_40 = vector.broadcast %get3A_39 : vector<1x128xf32> to vector<640x128xf32>
      %add3A_41 = arith.addf %add3A_36, %add3A_40 : vector<640x128xf32>
      %max3A = arith.constant 0.000000e+00 : f32
      %max3A_42 = vector.broadcast %max3A : f32 to vector<640x128xf32>
      %max3A_43 = arith.maximumf %add3A_41, %max3A_42 : vector<640x128xf32>
      %get3A_44 = arith.constant 0 : index
      %get3A_45 = arith.constant 0 : index
      %get3A_46 = vector.load %arg8[%get3A_44, %get3A_45] : memref<128x16xf32, #tpu.memory_space<vmem>>, vector<128x16xf32>
      %convert_element_type3A_47 = arith.truncf %max3A_43 : vector<640x128xf32> to vector<640x128xbf16>
      %convert_element_type3A_48 = arith.truncf %get3A_46 : vector<128x16xf32> to vector<128x16xbf16>
      %dot_general3A_49 = arith.constant dense<0.000000e+00> : vector<640x16xf32>
      %dot_general3A_50 = tpu.matmul %convert_element_type3A_47, %convert_element_type3A_48, %dot_general3A_49 {dimension_numbers = #tpu.dot_dimension_numbers<[1], [0], [0], [1], [0, 0, 1, 1], [], []>, transpose_lhs_hint = false} : vector<640x128xbf16>, vector<128x16xbf16>, vector<640x16xf32> -> vector<640x16xf32>
      %get3A_51 = arith.constant 0 : index
      %get3A_52 = arith.constant 0 : index
      %get3A_53 = vector.load %arg9[%get3A_51, %get3A_52] : memref<1x16xf32, #tpu.memory_space<vmem>>, vector<1x16xf32>
      %add3A_54 = vector.broadcast %get3A_53 : vector<1x16xf32> to vector<640x16xf32>
      %add3A_55 = arith.addf %dot_general3A_50, %add3A_54 : vector<640x16xf32>
      %swap3A = arith.constant 0 : index
      %swap3A_56 = arith.constant 0 : index
      %swap3A_57 = vector.load %arg11[%swap3A, %swap3A_56] : memref<640x128xf32, #tpu.memory_space<vmem>>, vector<640x128xf32>
      tpu.vector_store %arg11[%swap3A, %swap3A_56], %max3A_43 {strides = array<i32>} : memref<640x128xf32, #tpu.memory_space<vmem>>, vector<640x128xf32>,
      %swap3A_58 = arith.constant 0 : index
      %swap3A_59 = arith.constant 0 : index
      %swap3A_60 = vector.load %arg10[%swap3A_58, %swap3A_59] : memref<640x16xf32, #tpu.memory_space<vmem>>, vector<640x16xf32>
      tpu.vector_store %arg10[%swap3A_58, %swap3A_59], %add3A_55 {strides = array<i32>} : memref<640x16xf32, #tpu.memory_space<vmem>>, vector<640x16xf32>,
      %get3A_61 = arith.constant 0 : index
      %get3A_62 = arith.constant 0 : index
      %get3A_63 = vector.load %arg13[%get3A_61, %get3A_62] : memref<1x16xf32, #tpu.memory_space<vmem>>, vector<1x16xf32>
      %reduce_sum3A = arith.constant dense<0.000000e+00> : vector<16xf32>
      %reduce_sum3A_64 = vector.multi_reduction <add>, %add3A_55, %reduce_sum3A [0] : vector<640x16xf32> to vector<16xf32>
      %broadcast_in_dim3A = vector.shape_cast %reduce_sum3A_64 : vector<16xf32> to vector<1x16xf32>
      %add3A_65 = arith.addf %get3A_63, %broadcast_in_dim3A : vector<1x16xf32>
      %swap3A_66 = arith.constant 0 : index
      %swap3A_67 = arith.constant 0 : index
      %swap3A_68 = vector.load %arg13[%swap3A_66, %swap3A_67] : memref<1x16xf32, #tpu.memory_space<vmem>>, vector<1x16xf32>
      tpu.vector_store %arg13[%swap3A_66, %swap3A_67], %add3A_65 {strides = array<i32>} : memref<1x16xf32, #tpu.memory_space<vmem>>, vector<1x16xf32>,
    } else {
    }
    %ge3A = arith.constant 250 : i32
    %ge3A_6 = arith.cmpi sge, %arg0, %ge3A : i32
    %convert_element_type3A_7 = arith.extui %ge3A_6 : i1 to i32
    %cond3A_8 = arith.constant 0 : i32
    %cond3A_9 = arith.cmpi ne, %convert_element_type3A_7, %cond3A_8 : i32
    scf.if %cond3A_9 {
      %broadcast_in_dim3A = arith.constant 0.000000e+00 : f32
      %broadcast_in_dim3A_15 = vector.broadcast %broadcast_in_dim3A : f32 to vector<640x128xf32>
      %swap3A = arith.constant 0 : index
      %swap3A_16 = arith.constant 0 : index
      %swap3A_17 = vector.load %arg11[%swap3A, %swap3A_16] : memref<640x128xf32, #tpu.memory_space<vmem>>, vector<640x128xf32>
      tpu.vector_store %arg11[%swap3A, %swap3A_16], %broadcast_in_dim3A_15 {strides = array<i32>} : memref<640x128xf32, #tpu.memory_space<vmem>>, vector<640x128xf32>,
      %broadcast_in_dim3A_18 = arith.constant 0.000000e+00 : f32
      %broadcast_in_dim3A_19 = vector.broadcast %broadcast_in_dim3A_18 : f32 to vector<640x16xf32>
      %swap3A_20 = arith.constant 0 : index
      %swap3A_21 = arith.constant 0 : index
      %swap3A_22 = vector.load %arg10[%swap3A_20, %swap3A_21] : memref<640x16xf32, #tpu.memory_space<vmem>>, vector<640x16xf32>
      tpu.vector_store %arg10[%swap3A_20, %swap3A_21], %broadcast_in_dim3A_19 {strides = array<i32>} : memref<640x16xf32, #tpu.memory_space<vmem>>, vector<640x16xf32>,
    } else {
    }
    %eq3A_10 = arith.constant 255 : i32
    %eq3A_11 = arith.cmpi eq, %arg0, %eq3A_10 : i32
    %convert_element_type3A_12 = arith.extui %eq3A_11 : i1 to i32
    %cond3A_13 = arith.constant 0 : i32
    %cond3A_14 = arith.cmpi ne, %convert_element_type3A_12, %cond3A_13 : i32
    scf.if %cond3A_14 {
      %get3A = arith.constant 0 : index
      %get3A_15 = arith.constant 0 : index
      %get3A_16 = vector.load %arg13[%get3A, %get3A_15] : memref<1x16xf32, #tpu.memory_space<vmem>>, vector<1x16xf32>
      %swap3A = arith.constant 0 : index
      %swap3A_17 = arith.constant 0 : index
      %swap3A_18 = vector.load %arg12[%swap3A, %swap3A_17] : memref<1x16xf32, #tpu.memory_space<vmem>>, vector<1x16xf32>
      tpu.vector_store %arg12[%swap3A, %swap3A_17], %get3A_16 {strides = array<i32>} : memref<1x16xf32, #tpu.memory_space<vmem>>, vector<1x16xf32>,
    } else {
    }
    return
  }
  func.func @transform_0(%arg0: i32) -> (i32, i32) {
    %c0_i32 = arith.constant 0 : i32
    %c0_i32_0 = arith.constant 0 : i32
    return %arg0, %c0_i32 : i32, i32
  }
  func.func @transform_1(%arg0: i32) -> (i32, i32) {
    %c0_i32 = arith.constant 0 : i32
    %c0_i32_0 = arith.constant 0 : i32
    return %arg0, %c0_i32 : i32, i32
  }
  func.func @transform_2(%arg0: i32) -> (i32, i32) {
    %min3A = arith.constant 249 : i32
    %min3A_0 = arith.minsi %arg0, %min3A : i32
    %c0_i32 = arith.constant 0 : i32
    %c0_i32_1 = arith.constant 0 : i32
    return %min3A_0, %c0_i32 : i32, i32
  }
  func.func @transform_3(%arg0: i32) -> (i32, i32) {
    %min3A = arith.constant 249 : i32
    %min3A_0 = arith.minsi %arg0, %min3A : i32
    %c0_i32 = arith.constant 0 : i32
    %c0_i32_1 = arith.constant 0 : i32
    return %min3A_0, %c0_i32 : i32, i32
  }
  func.func @transform_4(%arg0: i32) -> (i32, i32) {
    %c0_i32 = arith.constant 0 : i32
    %c0_i32_0 = arith.constant 0 : i32
    %c0_i32_1 = arith.constant 0 : i32
    return %c0_i32, %c0_i32_0 : i32, i32
  }
  func.func @transform_5(%arg0: i32) -> (i32, i32) {
    %c0_i32 = arith.constant 0 : i32
    %c0_i32_0 = arith.constant 0 : i32
    %c0_i32_1 = arith.constant 0 : i32
    return %c0_i32, %c0_i32_0 : i32, i32
  }
  func.func @transform_6(%arg0: i32) -> (i32, i32) {
    %c0_i32 = arith.constant 0 : i32
    %c0_i32_0 = arith.constant 0 : i32
    %c0_i32_1 = arith.constant 0 : i32
    return %c0_i32, %c0_i32_0 : i32, i32
  }
  func.func @transform_7(%arg0: i32) -> (i32, i32) {
    %c0_i32 = arith.constant 0 : i32
    %c0_i32_0 = arith.constant 0 : i32
    %c0_i32_1 = arith.constant 0 : i32
    return %c0_i32, %c0_i32_0 : i32, i32
  }
  func.func @transform_8(%arg0: i32) -> (i32, i32) {
    %c0_i32 = arith.constant 0 : i32
    %c0_i32_0 = arith.constant 0 : i32
    %c0_i32_1 = arith.constant 0 : i32
    return %c0_i32, %c0_i32_0 : i32, i32
  }
  func.func @transform_9(%arg0: i32) -> (i32, i32) {
    %c0_i32 = arith.constant 0 : i32
    %c0_i32_0 = arith.constant 0 : i32
    return %arg0, %c0_i32 : i32, i32
  }
  func.func @transform_10(%arg0: i32) -> (i32, i32) {
    %c0_i32 = arith.constant 0 : i32
    %c0_i32_0 = arith.constant 0 : i32
    return %arg0, %c0_i32 : i32, i32
  }
  func.func @transform_11(%arg0: i32) -> (i32, i32) {
    %c0_i32 = arith.constant 0 : i32
    %c0_i32_0 = arith.constant 0 : i32
    %c0_i32_1 = arith.constant 0 : i32
    return %c0_i32, %c0_i32_0 : i32, i32
  }
}

module attributes {stable_mosaic.version = 14 : i64} {
  func.func @body(%arg0: i32, %arg1: memref<1000x128xf32, #tpu.memory_space<vmem>>, %arg2: memref<1000x128xf32, #tpu.memory_space<vmem>>, %arg3: memref<1000x128xf32, #tpu.memory_space<vmem>>, %arg4: memref<1x128xf32, #tpu.memory_space<vmem>>, %arg5: memref<128x128xf32, #tpu.memory_space<vmem>>, %arg6: memref<16x128xf32, #tpu.memory_space<vmem>>, %arg7: memref<128x128xf32, #tpu.memory_space<vmem>>, %arg8: memref<1x128xf32, #tpu.memory_space<vmem>>, %arg9: memref<1000x1xf32, #tpu.memory_space<vmem>>, %arg10: memref<128x16xf32, #tpu.memory_space<vmem>>, %arg11: memref<1x16xf32, #tpu.memory_space<vmem>>, %arg12: memref<1x16xf32, #tpu.memory_space<vmem>>, %arg13: memref<1x128xf32, #tpu.memory_space<vmem>>, %arg14: memref<1x16xf32, #tpu.memory_space<vmem>>, %arg15: memref<128x128xf32, #tpu.memory_space<vmem>>, %arg16: memref<16x128xf32, #tpu.memory_space<vmem>>, %arg17: memref<128x128xf32, #tpu.memory_space<vmem>>, %arg18: memref<16x128xf32, #tpu.memory_space<vmem>>, %arg19: memref<1x128xf32, #tpu.memory_space<vmem>>, %arg20: memref<128x128xf32, #tpu.memory_space<vmem>>, %arg21: memref<1x128xf32, #tpu.memory_space<vmem>>, %arg22: memref<128x128xf32, #tpu.memory_space<vmem>>, %arg23: memref<128x128xf32, #tpu.memory_space<vmem>>, %arg24: memref<128x128xf32, #tpu.memory_space<vmem>>, %arg25: memref<16x128xf32, #tpu.memory_space<vmem>>, %arg26: memref<1x128xf32, #tpu.memory_space<vmem>>, %arg27: memref<128x128xf32, #tpu.memory_space<vmem>>, %arg28: memref<16x128xf32, #tpu.memory_space<vmem>>, %arg29: memref<1x128xf32, #tpu.memory_space<vmem>>, %arg30: memref<1000x128xf32, #tpu.memory_space<vmem>>, %arg31: memref<1000x128xf32, #tpu.memory_space<vmem>>, %arg32: memref<1000x128xf32, #tpu.memory_space<vmem>>, %arg33: memref<1x128xf32, #tpu.memory_space<vmem>>, %arg34: memref<1x128xf32, #tpu.memory_space<vmem>>, %arg35: memref<1x128xf32, #tpu.memory_space<vmem>>, %arg36: memref<1x128xf32, #tpu.memory_space<vmem>>) attributes {dimension_semantics = [#tpu.dimension_semantics<arbitrary>], iteration_bounds = array<i64: 10>, scalar_prefetch = 0 : i64, scratch_operands = 1 : i64, tpu.core_type = #tpu.core_type<tc>, window_params = [{transform_indices = @transform_0, window_bounds = array<i64: 1000, 128>}, {transform_indices = @transform_1, window_bounds = array<i64: 1000, 128>}, {transform_indices = @transform_2, window_bounds = array<i64: 1000, 128>}, {pipeline_mode = #tpu.pipeline_mode<synchronous>, transform_indices = @transform_3, window_bounds = array<i64: 1, 128>}, {pipeline_mode = #tpu.pipeline_mode<synchronous>, transform_indices = @transform_4, window_bounds = array<i64: 128, 128>}, {pipeline_mode = #tpu.pipeline_mode<synchronous>, transform_indices = @transform_5, window_bounds = array<i64: 16, 128>}, {pipeline_mode = #tpu.pipeline_mode<synchronous>, transform_indices = @transform_6, window_bounds = array<i64: 128, 128>}, {pipeline_mode = #tpu.pipeline_mode<synchronous>, transform_indices = @transform_7, window_bounds = array<i64: 1, 128>}, {transform_indices = @transform_8, window_bounds = array<i64: 1000, 1>}, {pipeline_mode = #tpu.pipeline_mode<synchronous>, transform_indices = @transform_9, window_bounds = array<i64: 128, 16>}, {pipeline_mode = #tpu.pipeline_mode<synchronous>, transform_indices = @transform_10, window_bounds = array<i64: 1, 16>}, {pipeline_mode = #tpu.pipeline_mode<synchronous>, transform_indices = @transform_11, window_bounds = array<i64: 1, 16>}, {pipeline_mode = #tpu.pipeline_mode<synchronous>, transform_indices = @transform_12, window_bounds = array<i64: 1, 128>}, {pipeline_mode = #tpu.pipeline_mode<synchronous>, transform_indices = @transform_13, window_bounds = array<i64: 1, 16>}, {pipeline_mode = #tpu.pipeline_mode<synchronous>, transform_indices = @transform_14, window_bounds = array<i64: 128, 128>}, {pipeline_mode = #tpu.pipeline_mode<synchronous>, transform_indices = @transform_15, window_bounds = array<i64: 16, 128>}, {pipeline_mode = #tpu.pipeline_mode<synchronous>, transform_indices = @transform_16, window_bounds = array<i64: 128, 128>}, {pipeline_mode = #tpu.pipeline_mode<synchronous>, transform_indices = @transform_17, window_bounds = array<i64: 16, 128>}, {pipeline_mode = #tpu.pipeline_mode<synchronous>, transform_indices = @transform_18, window_bounds = array<i64: 1, 128>}, {pipeline_mode = #tpu.pipeline_mode<synchronous>, transform_indices = @transform_19, window_bounds = array<i64: 128, 128>}, {pipeline_mode = #tpu.pipeline_mode<synchronous>, transform_indices = @transform_20, window_bounds = array<i64: 1, 128>}, {pipeline_mode = #tpu.pipeline_mode<synchronous>, transform_indices = @transform_21, window_bounds = array<i64: 128, 128>}, {pipeline_mode = #tpu.pipeline_mode<synchronous>, transform_indices = @transform_22, window_bounds = array<i64: 128, 128>}, {pipeline_mode = #tpu.pipeline_mode<synchronous>, transform_indices = @transform_23, window_bounds = array<i64: 128, 128>}, {pipeline_mode = #tpu.pipeline_mode<synchronous>, transform_indices = @transform_24, window_bounds = array<i64: 16, 128>}, {pipeline_mode = #tpu.pipeline_mode<synchronous>, transform_indices = @transform_25, window_bounds = array<i64: 1, 128>}, {pipeline_mode = #tpu.pipeline_mode<synchronous>, transform_indices = @transform_26, window_bounds = array<i64: 128, 128>}, {pipeline_mode = #tpu.pipeline_mode<synchronous>, transform_indices = @transform_27, window_bounds = array<i64: 16, 128>}, {pipeline_mode = #tpu.pipeline_mode<synchronous>, transform_indices = @transform_28, window_bounds = array<i64: 1, 128>}, {transform_indices = @transform_29, window_bounds = array<i64: 1000, 128>}, {transform_indices = @transform_30, window_bounds = array<i64: 1000, 128>}, {transform_indices = @transform_31, window_bounds = array<i64: 1000, 128>}, {pipeline_mode = #tpu.pipeline_mode<synchronous>, transform_indices = @transform_32, window_bounds = array<i64: 1, 128>}, {pipeline_mode = #tpu.pipeline_mode<synchronous>, transform_indices = @transform_33, window_bounds = array<i64: 1, 128>}, {pipeline_mode = #tpu.pipeline_mode<synchronous>, transform_indices = @transform_34, window_bounds = array<i64: 1, 128>}]} {
    %eq3A = arith.constant 0 : i32
    %eq3A_0 = arith.cmpi eq, %arg0, %eq3A : i32
    %convert_element_type3A = arith.extui %eq3A_0 : i1 to i32
    %cond3A = arith.constant 0 : i32
    %cond3A_1 = arith.cmpi ne, %convert_element_type3A, %cond3A : i32
    scf.if %cond3A_1 {
      %broadcast_in_dim3A_82 = arith.constant 0.000000e+00 : f32
      %broadcast_in_dim3A_83 = vector.broadcast %broadcast_in_dim3A_82 : f32 to vector<1x128xf32>
      %swap3A_84 = arith.constant 0 : index
      %swap3A_85 = arith.constant 0 : index
      %swap3A_86 = vector.load %arg36[%swap3A_84, %swap3A_85] : memref<1x128xf32, #tpu.memory_space<vmem>>, vector<1x128xf32>
      tpu.vector_store %arg36[%swap3A_84, %swap3A_85], %broadcast_in_dim3A_83 {strides = array<i32>} : memref<1x128xf32, #tpu.memory_space<vmem>>, vector<1x128xf32>,
    } else {
    }
    %get3A = arith.constant 0 : index
    %get3A_2 = arith.constant 0 : index
    %get3A_3 = vector.load %arg2[%get3A, %get3A_2] : memref<1000x128xf32, #tpu.memory_space<vmem>>, vector<1000x128xf32>
    %get3A_4 = arith.constant 0 : index
    %get3A_5 = arith.constant 0 : index
    %get3A_6 = vector.load %arg3[%get3A_4, %get3A_5] : memref<1000x128xf32, #tpu.memory_space<vmem>>, vector<1000x128xf32>
    %add3A = arith.addf %get3A_3, %get3A_6 : vector<1000x128xf32>
    %get3A_7 = arith.constant 0 : index
    %get3A_8 = arith.constant 0 : index
    %get3A_9 = vector.load %arg10[%get3A_7, %get3A_8] : memref<128x16xf32, #tpu.memory_space<vmem>>, vector<128x16xf32>
    %dot_general3A = arith.constant dense<0.000000e+00> : vector<1000x16xf32>
    %dot_general3A_10 = tpu.matmul %add3A, %get3A_9, %dot_general3A {dimension_numbers = #tpu.dot_dimension_numbers<[1], [0], [0], [1], [0, 0, 1, 1], [], []>, transpose_lhs_hint = false} : vector<1000x128xf32>, vector<128x16xf32>, vector<1000x16xf32> -> vector<1000x16xf32>
    %get3A_11 = arith.constant 0 : index
    %get3A_12 = arith.constant 0 : index
    %get3A_13 = vector.load %arg9[%get3A_11, %get3A_12] : memref<1000x1xf32, #tpu.memory_space<vmem>>, vector<1000x1xf32>
    %get3A_14 = arith.constant 0 : index
    %get3A_15 = arith.constant 0 : index
    %get3A_16 = vector.load %arg11[%get3A_14, %get3A_15] : memref<1x16xf32, #tpu.memory_space<vmem>>, vector<1x16xf32>
    %mul3A = vector.broadcast %get3A_13 : vector<1000x1xf32> to vector<1000x16xf32>
    %mul3A_17 = vector.broadcast %get3A_16 : vector<1x16xf32> to vector<1000x16xf32>
    %mul3A_18 = arith.mulf %mul3A, %mul3A_17 : vector<1000x16xf32>
    %add3A_19 = arith.addf %dot_general3A_10, %mul3A_18 : vector<1000x16xf32>
    %get3A_20 = arith.constant 0 : index
    %get3A_21 = arith.constant 0 : index
    %get3A_22 = vector.load %arg1[%get3A_20, %get3A_21] : memref<1000x128xf32, #tpu.memory_space<vmem>>, vector<1000x128xf32>
    %get3A_23 = arith.constant 0 : index
    %get3A_24 = arith.constant 0 : index
    %get3A_25 = vector.load %arg5[%get3A_23, %get3A_24] : memref<128x128xf32, #tpu.memory_space<vmem>>, vector<128x128xf32>
    %dot_general3A_26 = arith.constant dense<0.000000e+00> : vector<1000x128xf32>
    %dot_general3A_27 = tpu.matmul %get3A_22, %get3A_25, %dot_general3A_26 {dimension_numbers = #tpu.dot_dimension_numbers<[1], [0], [0], [1], [0, 0, 1, 1], [], []>, transpose_lhs_hint = false} : vector<1000x128xf32>, vector<128x128xf32>, vector<1000x128xf32> -> vector<1000x128xf32>
    %get3A_28 = arith.constant 0 : index
    %get3A_29 = arith.constant 0 : index
    %get3A_30 = vector.load %arg6[%get3A_28, %get3A_29] : memref<16x128xf32, #tpu.memory_space<vmem>>, vector<16x128xf32>
    %dot_general3A_31 = arith.constant dense<0.000000e+00> : vector<1000x128xf32>
    %dot_general3A_32 = tpu.matmul %add3A_19, %get3A_30, %dot_general3A_31 {dimension_numbers = #tpu.dot_dimension_numbers<[1], [0], [0], [1], [0, 0, 1, 1], [], []>, transpose_lhs_hint = false} : vector<1000x16xf32>, vector<16x128xf32>, vector<1000x128xf32> -> vector<1000x128xf32>
    %add3A_33 = arith.addf %dot_general3A_27, %dot_general3A_32 : vector<1000x128xf32>
    %get3A_34 = arith.constant 0 : index
    %get3A_35 = arith.constant 0 : index
    %get3A_36 = vector.load %arg4[%get3A_34, %get3A_35] : memref<1x128xf32, #tpu.memory_space<vmem>>, vector<1x128xf32>
    %add3A_37 = vector.broadcast %get3A_36 : vector<1x128xf32> to vector<1000x128xf32>
    %add3A_38 = arith.addf %add3A_33, %add3A_37 : vector<1000x128xf32>
    %max3A = arith.constant 0.000000e+00 : f32
    %max3A_39 = vector.broadcast %max3A : f32 to vector<1000x128xf32>
    %max3A_40 = arith.maximumf %add3A_38, %max3A_39 : vector<1000x128xf32>
    %get3A_41 = arith.constant 0 : index
    %get3A_42 = arith.constant 0 : index
    %get3A_43 = vector.load %arg7[%get3A_41, %get3A_42] : memref<128x128xf32, #tpu.memory_space<vmem>>, vector<128x128xf32>
    %dot_general3A_44 = arith.constant dense<0.000000e+00> : vector<1000x128xf32>
    %dot_general3A_45 = tpu.matmul %max3A_40, %get3A_43, %dot_general3A_44 {dimension_numbers = #tpu.dot_dimension_numbers<[1], [0], [0], [1], [0, 0, 1, 1], [], []>, transpose_lhs_hint = false} : vector<1000x128xf32>, vector<128x128xf32>, vector<1000x128xf32> -> vector<1000x128xf32>
    %get3A_46 = arith.constant 0 : index
    %get3A_47 = arith.constant 0 : index
    %get3A_48 = vector.load %arg8[%get3A_46, %get3A_47] : memref<1x128xf32, #tpu.memory_space<vmem>>, vector<1x128xf32>
    %add3A_49 = vector.broadcast %get3A_48 : vector<1x128xf32> to vector<1000x128xf32>
    %add3A_50 = arith.addf %dot_general3A_45, %add3A_49 : vector<1000x128xf32>
    %get3A_51 = arith.constant 0 : index
    %get3A_52 = arith.constant 0 : index
    %get3A_53 = vector.load %arg36[%get3A_51, %get3A_52] : memref<1x128xf32, #tpu.memory_space<vmem>>, vector<1x128xf32>
    %reduce_sum3A = arith.constant dense<0.000000e+00> : vector<128xf32>
    %reduce_sum3A_54 = vector.multi_reduction <add>, %add3A_50, %reduce_sum3A [0] : vector<1000x128xf32> to vector<128xf32>
    %broadcast_in_dim3A = vector.shape_cast %reduce_sum3A_54 : vector<128xf32> to vector<1x128xf32>
    %add3A_55 = arith.addf %get3A_53, %broadcast_in_dim3A : vector<1x128xf32>
    %swap3A = arith.constant 0 : index
    %swap3A_56 = arith.constant 0 : index
    %swap3A_57 = vector.load %arg36[%swap3A, %swap3A_56] : memref<1x128xf32, #tpu.memory_space<vmem>>, vector<1x128xf32>
    tpu.vector_store %arg36[%swap3A, %swap3A_56], %add3A_55 {strides = array<i32>} : memref<1x128xf32, #tpu.memory_space<vmem>>, vector<1x128xf32>,
    %swap3A_58 = arith.constant 0 : index
    %swap3A_59 = arith.constant 0 : index
    %swap3A_60 = vector.load %arg30[%swap3A_58, %swap3A_59] : memref<1000x128xf32, #tpu.memory_space<vmem>>, vector<1000x128xf32>
    tpu.vector_store %arg30[%swap3A_58, %swap3A_59], %add3A_50 {strides = array<i32>} : memref<1000x128xf32, #tpu.memory_space<vmem>>, vector<1000x128xf32>,
    %get3A_61 = arith.constant 0 : index
    %get3A_62 = arith.constant 0 : index
    %get3A_63 = vector.load %arg22[%get3A_61, %get3A_62] : memref<128x128xf32, #tpu.memory_space<vmem>>, vector<128x128xf32>
    %dot_general3A_64 = arith.constant dense<0.000000e+00> : vector<1000x128xf32>
    %dot_general3A_65 = tpu.matmul %add3A_50, %get3A_63, %dot_general3A_64 {dimension_numbers = #tpu.dot_dimension_numbers<[1], [0], [0], [1], [0, 0, 1, 1], [], []>, transpose_lhs_hint = false} : vector<1000x128xf32>, vector<128x128xf32>, vector<1000x128xf32> -> vector<1000x128xf32>
    %swap3A_66 = arith.constant 0 : index
    %swap3A_67 = arith.constant 0 : index
    %swap3A_68 = vector.load %arg31[%swap3A_66, %swap3A_67] : memref<1000x128xf32, #tpu.memory_space<vmem>>, vector<1000x128xf32>
    tpu.vector_store %arg31[%swap3A_66, %swap3A_67], %dot_general3A_65 {strides = array<i32>} : memref<1000x128xf32, #tpu.memory_space<vmem>>, vector<1000x128xf32>,
    %get3A_69 = arith.constant 0 : index
    %get3A_70 = arith.constant 0 : index
    %get3A_71 = vector.load %arg23[%get3A_69, %get3A_70] : memref<128x128xf32, #tpu.memory_space<vmem>>, vector<128x128xf32>
    %dot_general3A_72 = arith.constant dense<0.000000e+00> : vector<1000x128xf32>
    %dot_general3A_73 = tpu.matmul %add3A_50, %get3A_71, %dot_general3A_72 {dimension_numbers = #tpu.dot_dimension_numbers<[1], [0], [0], [1], [0, 0, 1, 1], [], []>, transpose_lhs_hint = false} : vector<1000x128xf32>, vector<128x128xf32>, vector<1000x128xf32> -> vector<1000x128xf32>
    %swap3A_74 = arith.constant 0 : index
    %swap3A_75 = arith.constant 0 : index
    %swap3A_76 = vector.load %arg32[%swap3A_74, %swap3A_75] : memref<1000x128xf32, #tpu.memory_space<vmem>>, vector<1000x128xf32>
    tpu.vector_store %arg32[%swap3A_74, %swap3A_75], %dot_general3A_73 {strides = array<i32>} : memref<1000x128xf32, #tpu.memory_space<vmem>>, vector<1000x128xf32>,
    %eq3A_77 = arith.constant 9 : i32
    %eq3A_78 = arith.cmpi eq, %arg0, %eq3A_77 : i32
    %convert_element_type3A_79 = arith.extui %eq3A_78 : i1 to i32
    %cond3A_80 = arith.constant 0 : i32
    %cond3A_81 = arith.cmpi ne, %convert_element_type3A_79, %cond3A_80 : i32
    scf.if %cond3A_81 {
      %get3A_82 = arith.constant 0 : index
      %get3A_83 = arith.constant 0 : index
      %get3A_84 = vector.load %arg36[%get3A_82, %get3A_83] : memref<1x128xf32, #tpu.memory_space<vmem>>, vector<1x128xf32>
      %mul3A_85 = arith.constant 9.99999974E-5 : f32
      %mul3A_86 = vector.broadcast %mul3A_85 : f32 to vector<1x128xf32>
      %mul3A_87 = arith.mulf %get3A_84, %mul3A_86 : vector<1x128xf32>
      %get3A_88 = arith.constant 0 : index
      %get3A_89 = arith.constant 0 : index
      %get3A_90 = vector.load %arg12[%get3A_88, %get3A_89] : memref<1x16xf32, #tpu.memory_space<vmem>>, vector<1x16xf32>
      %mul3A_91 = arith.constant 6.250000e-06 : f32
      %mul3A_92 = vector.broadcast %mul3A_91 : f32 to vector<1x16xf32>
      %mul3A_93 = arith.mulf %get3A_90, %mul3A_92 : vector<1x16xf32>
      %get3A_94 = arith.constant 0 : index
      %get3A_95 = arith.constant 0 : index
      %get3A_96 = vector.load %arg15[%get3A_94, %get3A_95] : memref<128x128xf32, #tpu.memory_space<vmem>>, vector<128x128xf32>
      %dot_general3A_97 = arith.constant dense<0.000000e+00> : vector<1x128xf32>
      %dot_general3A_98 = tpu.matmul %mul3A_87, %get3A_96, %dot_general3A_97 {dimension_numbers = #tpu.dot_dimension_numbers<[1], [0], [0], [1], [0, 0, 1, 1], [], []>, transpose_lhs_hint = false} : vector<1x128xf32>, vector<128x128xf32>, vector<1x128xf32> -> vector<1x128xf32>
      %get3A_99 = arith.constant 0 : index
      %get3A_100 = arith.constant 0 : index
      %get3A_101 = vector.load %arg16[%get3A_99, %get3A_100] : memref<16x128xf32, #tpu.memory_space<vmem>>, vector<16x128xf32>
      %dot_general3A_102 = arith.constant dense<0.000000e+00> : vector<1x128xf32>
      %dot_general3A_103 = tpu.matmul %mul3A_93, %get3A_101, %dot_general3A_102 {dimension_numbers = #tpu.dot_dimension_numbers<[1], [0], [0], [1], [0, 0, 1, 1], [], []>, transpose_lhs_hint = false} : vector<1x16xf32>, vector<16x128xf32>, vector<1x128xf32> -> vector<1x128xf32>
      %add3A_104 = arith.addf %dot_general3A_98, %dot_general3A_103 : vector<1x128xf32>
      %get3A_105 = arith.constant 0 : index
      %get3A_106 = arith.constant 0 : index
      %get3A_107 = vector.load %arg13[%get3A_105, %get3A_106] : memref<1x128xf32, #tpu.memory_space<vmem>>, vector<1x128xf32>
      %get3A_108 = arith.constant 0 : index
      %get3A_109 = arith.constant 0 : index
      %get3A_110 = vector.load %arg17[%get3A_108, %get3A_109] : memref<128x128xf32, #tpu.memory_space<vmem>>, vector<128x128xf32>
      %dot_general3A_111 = arith.constant dense<0.000000e+00> : vector<1x128xf32>
      %dot_general3A_112 = tpu.matmul %get3A_107, %get3A_110, %dot_general3A_111 {dimension_numbers = #tpu.dot_dimension_numbers<[1], [0], [0], [1], [0, 0, 1, 1], [], []>, transpose_lhs_hint = false} : vector<1x128xf32>, vector<128x128xf32>, vector<1x128xf32> -> vector<1x128xf32>
      %add3A_113 = arith.addf %add3A_104, %dot_general3A_112 : vector<1x128xf32>
      %get3A_114 = arith.constant 0 : index
      %get3A_115 = arith.constant 0 : index
      %get3A_116 = vector.load %arg14[%get3A_114, %get3A_115] : memref<1x16xf32, #tpu.memory_space<vmem>>, vector<1x16xf32>
      %get3A_117 = arith.constant 0 : index
      %get3A_118 = arith.constant 0 : index
      %get3A_119 = vector.load %arg18[%get3A_117, %get3A_118] : memref<16x128xf32, #tpu.memory_space<vmem>>, vector<16x128xf32>
      %dot_general3A_120 = arith.constant dense<0.000000e+00> : vector<1x128xf32>
      %dot_general3A_121 = tpu.matmul %get3A_116, %get3A_119, %dot_general3A_120 {dimension_numbers = #tpu.dot_dimension_numbers<[1], [0], [0], [1], [0, 0, 1, 1], [], []>, transpose_lhs_hint = false} : vector<1x16xf32>, vector<16x128xf32>, vector<1x128xf32> -> vector<1x128xf32>
      %add3A_122 = arith.addf %add3A_113, %dot_general3A_121 : vector<1x128xf32>
      %get3A_123 = arith.constant 0 : index
      %get3A_124 = arith.constant 0 : index
      %get3A_125 = vector.load %arg19[%get3A_123, %get3A_124] : memref<1x128xf32, #tpu.memory_space<vmem>>, vector<1x128xf32>
      %add3A_126 = arith.addf %add3A_122, %get3A_125 : vector<1x128xf32>
      %max3A_127 = arith.constant 0.000000e+00 : f32
      %max3A_128 = vector.broadcast %max3A_127 : f32 to vector<1x128xf32>
      %max3A_129 = arith.maximumf %add3A_126, %max3A_128 : vector<1x128xf32>
      %get3A_130 = arith.constant 0 : index
      %get3A_131 = arith.constant 0 : index
      %get3A_132 = vector.load %arg20[%get3A_130, %get3A_131] : memref<128x128xf32, #tpu.memory_space<vmem>>, vector<128x128xf32>
      %dot_general3A_133 = arith.constant dense<0.000000e+00> : vector<1x128xf32>
      %dot_general3A_134 = tpu.matmul %max3A_129, %get3A_132, %dot_general3A_133 {dimension_numbers = #tpu.dot_dimension_numbers<[1], [0], [0], [1], [0, 0, 1, 1], [], []>, transpose_lhs_hint = false} : vector<1x128xf32>, vector<128x128xf32>, vector<1x128xf32> -> vector<1x128xf32>
      %get3A_135 = arith.constant 0 : index
      %get3A_136 = arith.constant 0 : index
      %get3A_137 = vector.load %arg21[%get3A_135, %get3A_136] : memref<1x128xf32, #tpu.memory_space<vmem>>, vector<1x128xf32>
      %add3A_138 = arith.addf %dot_general3A_134, %get3A_137 : vector<1x128xf32>
      %swap3A_139 = arith.constant 0 : index
      %swap3A_140 = arith.constant 0 : index
      %swap3A_141 = vector.load %arg33[%swap3A_139, %swap3A_140] : memref<1x128xf32, #tpu.memory_space<vmem>>, vector<1x128xf32>
      tpu.vector_store %arg33[%swap3A_139, %swap3A_140], %add3A_138 {strides = array<i32>} : memref<1x128xf32, #tpu.memory_space<vmem>>, vector<1x128xf32>,
      %get3A_142 = arith.constant 0 : index
      %get3A_143 = arith.constant 0 : index
      %get3A_144 = vector.load %arg14[%get3A_142, %get3A_143] : memref<1x16xf32, #tpu.memory_space<vmem>>, vector<1x16xf32>
      %get3A_145 = arith.constant 0 : index
      %get3A_146 = arith.constant 0 : index
      %get3A_147 = vector.load %arg24[%get3A_145, %get3A_146] : memref<128x128xf32, #tpu.memory_space<vmem>>, vector<128x128xf32>
      %dot_general3A_148 = arith.constant dense<0.000000e+00> : vector<1x128xf32>
      %dot_general3A_149 = tpu.matmul %add3A_138, %get3A_147, %dot_general3A_148 {dimension_numbers = #tpu.dot_dimension_numbers<[1], [0], [0], [1], [0, 0, 1, 1], [], []>, transpose_lhs_hint = false} : vector<1x128xf32>, vector<128x128xf32>, vector<1x128xf32> -> vector<1x128xf32>
      %get3A_150 = arith.constant 0 : index
      %get3A_151 = arith.constant 0 : index
      %get3A_152 = vector.load %arg25[%get3A_150, %get3A_151] : memref<16x128xf32, #tpu.memory_space<vmem>>, vector<16x128xf32>
      %dot_general3A_153 = arith.constant dense<0.000000e+00> : vector<1x128xf32>
      %dot_general3A_154 = tpu.matmul %get3A_144, %get3A_152, %dot_general3A_153 {dimension_numbers = #tpu.dot_dimension_numbers<[1], [0], [0], [1], [0, 0, 1, 1], [], []>, transpose_lhs_hint = false} : vector<1x16xf32>, vector<16x128xf32>, vector<1x128xf32> -> vector<1x128xf32>
      %add3A_155 = arith.addf %dot_general3A_149, %dot_general3A_154 : vector<1x128xf32>
      %get3A_156 = arith.constant 0 : index
      %get3A_157 = arith.constant 0 : index
      %get3A_158 = vector.load %arg26[%get3A_156, %get3A_157] : memref<1x128xf32, #tpu.memory_space<vmem>>, vector<1x128xf32>
      %add3A_159 = arith.addf %add3A_155, %get3A_158 : vector<1x128xf32>
      %swap3A_160 = arith.constant 0 : index
      %swap3A_161 = arith.constant 0 : index
      %swap3A_162 = vector.load %arg34[%swap3A_160, %swap3A_161] : memref<1x128xf32, #tpu.memory_space<vmem>>, vector<1x128xf32>
      tpu.vector_store %arg34[%swap3A_160, %swap3A_161], %add3A_159 {strides = array<i32>} : memref<1x128xf32, #tpu.memory_space<vmem>>, vector<1x128xf32>,
      %get3A_163 = arith.constant 0 : index
      %get3A_164 = arith.constant 0 : index
      %get3A_165 = vector.load %arg27[%get3A_163, %get3A_164] : memref<128x128xf32, #tpu.memory_space<vmem>>, vector<128x128xf32>
      %dot_general3A_166 = arith.constant dense<0.000000e+00> : vector<1x128xf32>
      %dot_general3A_167 = tpu.matmul %add3A_138, %get3A_165, %dot_general3A_166 {dimension_numbers = #tpu.dot_dimension_numbers<[1], [0], [0], [1], [0, 0, 1, 1], [], []>, transpose_lhs_hint = false} : vector<1x128xf32>, vector<128x128xf32>, vector<1x128xf32> -> vector<1x128xf32>
      %get3A_168 = arith.constant 0 : index
      %get3A_169 = arith.constant 0 : index
      %get3A_170 = vector.load %arg28[%get3A_168, %get3A_169] : memref<16x128xf32, #tpu.memory_space<vmem>>, vector<16x128xf32>
      %dot_general3A_171 = arith.constant dense<0.000000e+00> : vector<1x128xf32>
      %dot_general3A_172 = tpu.matmul %get3A_144, %get3A_170, %dot_general3A_171 {dimension_numbers = #tpu.dot_dimension_numbers<[1], [0], [0], [1], [0, 0, 1, 1], [], []>, transpose_lhs_hint = false} : vector<1x16xf32>, vector<16x128xf32>, vector<1x128xf32> -> vector<1x128xf32>
      %add3A_173 = arith.addf %dot_general3A_167, %dot_general3A_172 : vector<1x128xf32>
      %get3A_174 = arith.constant 0 : index
      %get3A_175 = arith.constant 0 : index
      %get3A_176 = vector.load %arg29[%get3A_174, %get3A_175] : memref<1x128xf32, #tpu.memory_space<vmem>>, vector<1x128xf32>
      %add3A_177 = arith.addf %add3A_173, %get3A_176 : vector<1x128xf32>
      %swap3A_178 = arith.constant 0 : index
      %swap3A_179 = arith.constant 0 : index
      %swap3A_180 = vector.load %arg35[%swap3A_178, %swap3A_179] : memref<1x128xf32, #tpu.memory_space<vmem>>, vector<1x128xf32>
      tpu.vector_store %arg35[%swap3A_178, %swap3A_179], %add3A_177 {strides = array<i32>} : memref<1x128xf32, #tpu.memory_space<vmem>>, vector<1x128xf32>,
    } else {
    }
    return
  }
  func.func @transform_0(%arg0: i32) -> (i32, i32) {
    %c0_i32 = arith.constant 0 : i32
    %c0_i32_0 = arith.constant 0 : i32
    return %arg0, %c0_i32 : i32, i32
  }
  func.func @transform_1(%arg0: i32) -> (i32, i32) {
    %c0_i32 = arith.constant 0 : i32
    %c0_i32_0 = arith.constant 0 : i32
    return %arg0, %c0_i32 : i32, i32
  }
  func.func @transform_2(%arg0: i32) -> (i32, i32) {
    %c0_i32 = arith.constant 0 : i32
    %c0_i32_0 = arith.constant 0 : i32
    return %arg0, %c0_i32 : i32, i32
  }
  func.func @transform_3(%arg0: i32) -> (i32, i32) {
    %c0_i32 = arith.constant 0 : i32
    %c0_i32_0 = arith.constant 0 : i32
    %c0_i32_1 = arith.constant 0 : i32
    return %c0_i32, %c0_i32_0 : i32, i32
  }
  func.func @transform_4(%arg0: i32) -> (i32, i32) {
    %c0_i32 = arith.constant 0 : i32
    %c0_i32_0 = arith.constant 0 : i32
    %c0_i32_1 = arith.constant 0 : i32
    return %c0_i32, %c0_i32_0 : i32, i32
  }
  func.func @transform_5(%arg0: i32) -> (i32, i32) {
    %c0_i32 = arith.constant 0 : i32
    %c0_i32_0 = arith.constant 0 : i32
    %c0_i32_1 = arith.constant 0 : i32
    return %c0_i32, %c0_i32_0 : i32, i32
  }
  func.func @transform_6(%arg0: i32) -> (i32, i32) {
    %c0_i32 = arith.constant 0 : i32
    %c0_i32_0 = arith.constant 0 : i32
    %c0_i32_1 = arith.constant 0 : i32
    return %c0_i32, %c0_i32_0 : i32, i32
  }
  func.func @transform_7(%arg0: i32) -> (i32, i32) {
    %c0_i32 = arith.constant 0 : i32
    %c0_i32_0 = arith.constant 0 : i32
    %c0_i32_1 = arith.constant 0 : i32
    return %c0_i32, %c0_i32_0 : i32, i32
  }
  func.func @transform_8(%arg0: i32) -> (i32, i32) {
    %c0_i32 = arith.constant 0 : i32
    %c0_i32_0 = arith.constant 0 : i32
    return %arg0, %c0_i32 : i32, i32
  }
  func.func @transform_9(%arg0: i32) -> (i32, i32) {
    %c0_i32 = arith.constant 0 : i32
    %c0_i32_0 = arith.constant 0 : i32
    %c0_i32_1 = arith.constant 0 : i32
    return %c0_i32, %c0_i32_0 : i32, i32
  }
  func.func @transform_10(%arg0: i32) -> (i32, i32) {
    %c0_i32 = arith.constant 0 : i32
    %c0_i32_0 = arith.constant 0 : i32
    %c0_i32_1 = arith.constant 0 : i32
    return %c0_i32, %c0_i32_0 : i32, i32
  }
  func.func @transform_11(%arg0: i32) -> (i32, i32) {
    %c0_i32 = arith.constant 0 : i32
    %c0_i32_0 = arith.constant 0 : i32
    %c0_i32_1 = arith.constant 0 : i32
    return %c0_i32, %c0_i32_0 : i32, i32
  }
  func.func @transform_12(%arg0: i32) -> (i32, i32) {
    %c0_i32 = arith.constant 0 : i32
    %c0_i32_0 = arith.constant 0 : i32
    %c0_i32_1 = arith.constant 0 : i32
    return %c0_i32, %c0_i32_0 : i32, i32
  }
  func.func @transform_13(%arg0: i32) -> (i32, i32) {
    %c0_i32 = arith.constant 0 : i32
    %c0_i32_0 = arith.constant 0 : i32
    %c0_i32_1 = arith.constant 0 : i32
    return %c0_i32, %c0_i32_0 : i32, i32
  }
  func.func @transform_14(%arg0: i32) -> (i32, i32) {
    %c0_i32 = arith.constant 0 : i32
    %c0_i32_0 = arith.constant 0 : i32
    %c0_i32_1 = arith.constant 0 : i32
    return %c0_i32, %c0_i32_0 : i32, i32
  }
  func.func @transform_15(%arg0: i32) -> (i32, i32) {
    %c0_i32 = arith.constant 0 : i32
    %c0_i32_0 = arith.constant 0 : i32
    %c0_i32_1 = arith.constant 0 : i32
    return %c0_i32, %c0_i32_0 : i32, i32
  }
  func.func @transform_16(%arg0: i32) -> (i32, i32) {
    %c0_i32 = arith.constant 0 : i32
    %c0_i32_0 = arith.constant 0 : i32
    %c0_i32_1 = arith.constant 0 : i32
    return %c0_i32, %c0_i32_0 : i32, i32
  }
  func.func @transform_17(%arg0: i32) -> (i32, i32) {
    %c0_i32 = arith.constant 0 : i32
    %c0_i32_0 = arith.constant 0 : i32
    %c0_i32_1 = arith.constant 0 : i32
    return %c0_i32, %c0_i32_0 : i32, i32
  }
  func.func @transform_18(%arg0: i32) -> (i32, i32) {
    %c0_i32 = arith.constant 0 : i32
    %c0_i32_0 = arith.constant 0 : i32
    %c0_i32_1 = arith.constant 0 : i32
    return %c0_i32, %c0_i32_0 : i32, i32
  }
  func.func @transform_19(%arg0: i32) -> (i32, i32) {
    %c0_i32 = arith.constant 0 : i32
    %c0_i32_0 = arith.constant 0 : i32
    %c0_i32_1 = arith.constant 0 : i32
    return %c0_i32, %c0_i32_0 : i32, i32
  }
  func.func @transform_20(%arg0: i32) -> (i32, i32) {
    %c0_i32 = arith.constant 0 : i32
    %c0_i32_0 = arith.constant 0 : i32
    %c0_i32_1 = arith.constant 0 : i32
    return %c0_i32, %c0_i32_0 : i32, i32
  }
  func.func @transform_21(%arg0: i32) -> (i32, i32) {
    %c0_i32 = arith.constant 0 : i32
    %c0_i32_0 = arith.constant 0 : i32
    %c0_i32_1 = arith.constant 0 : i32
    return %c0_i32, %c0_i32_0 : i32, i32
  }
  func.func @transform_22(%arg0: i32) -> (i32, i32) {
    %c0_i32 = arith.constant 0 : i32
    %c0_i32_0 = arith.constant 0 : i32
    %c0_i32_1 = arith.constant 0 : i32
    return %c0_i32, %c0_i32_0 : i32, i32
  }
  func.func @transform_23(%arg0: i32) -> (i32, i32) {
    %c0_i32 = arith.constant 0 : i32
    %c0_i32_0 = arith.constant 0 : i32
    %c0_i32_1 = arith.constant 0 : i32
    return %c0_i32, %c0_i32_0 : i32, i32
  }
  func.func @transform_24(%arg0: i32) -> (i32, i32) {
    %c0_i32 = arith.constant 0 : i32
    %c0_i32_0 = arith.constant 0 : i32
    %c0_i32_1 = arith.constant 0 : i32
    return %c0_i32, %c0_i32_0 : i32, i32
  }
  func.func @transform_25(%arg0: i32) -> (i32, i32) {
    %c0_i32 = arith.constant 0 : i32
    %c0_i32_0 = arith.constant 0 : i32
    %c0_i32_1 = arith.constant 0 : i32
    return %c0_i32, %c0_i32_0 : i32, i32
  }
  func.func @transform_26(%arg0: i32) -> (i32, i32) {
    %c0_i32 = arith.constant 0 : i32
    %c0_i32_0 = arith.constant 0 : i32
    %c0_i32_1 = arith.constant 0 : i32
    return %c0_i32, %c0_i32_0 : i32, i32
  }
  func.func @transform_27(%arg0: i32) -> (i32, i32) {
    %c0_i32 = arith.constant 0 : i32
    %c0_i32_0 = arith.constant 0 : i32
    %c0_i32_1 = arith.constant 0 : i32
    return %c0_i32, %c0_i32_0 : i32, i32
  }
  func.func @transform_28(%arg0: i32) -> (i32, i32) {
    %c0_i32 = arith.constant 0 : i32
    %c0_i32_0 = arith.constant 0 : i32
    %c0_i32_1 = arith.constant 0 : i32
    return %c0_i32, %c0_i32_0 : i32, i32
  }
  func.func @transform_29(%arg0: i32) -> (i32, i32) {
    %c0_i32 = arith.constant 0 : i32
    %c0_i32_0 = arith.constant 0 : i32
    return %arg0, %c0_i32 : i32, i32
  }
  func.func @transform_30(%arg0: i32) -> (i32, i32) {
    %c0_i32 = arith.constant 0 : i32
    %c0_i32_0 = arith.constant 0 : i32
    return %arg0, %c0_i32 : i32, i32
  }
  func.func @transform_31(%arg0: i32) -> (i32, i32) {
    %c0_i32 = arith.constant 0 : i32
    %c0_i32_0 = arith.constant 0 : i32
    return %arg0, %c0_i32 : i32, i32
  }
  func.func @transform_32(%arg0: i32) -> (i32, i32) {
    %c0_i32 = arith.constant 0 : i32
    %c0_i32_0 = arith.constant 0 : i32
    %c0_i32_1 = arith.constant 0 : i32
    return %c0_i32, %c0_i32_0 : i32, i32
  }
  func.func @transform_33(%arg0: i32) -> (i32, i32) {
    %c0_i32 = arith.constant 0 : i32
    %c0_i32_0 = arith.constant 0 : i32
    %c0_i32_1 = arith.constant 0 : i32
    return %c0_i32, %c0_i32_0 : i32, i32
  }
  func.func @transform_34(%arg0: i32) -> (i32, i32) {
    %c0_i32 = arith.constant 0 : i32
    %c0_i32_0 = arith.constant 0 : i32
    %c0_i32_1 = arith.constant 0 : i32
    return %c0_i32, %c0_i32_0 : i32, i32
  }
}

module attributes {stable_mosaic.version = 14 : i64} {
  func.func @body(%arg0: i32, %arg1: memref<640x128xf32, #tpu.memory_space<vmem>>, %arg2: memref<640x128xf32, #tpu.memory_space<vmem>>, %arg3: memref<640x16xf32, #tpu.memory_space<vmem>>, %arg4: memref<640x16xf32, #tpu.memory_space<vmem>>, %arg5: memref<16x128xf32, #tpu.memory_space<vmem>>, %arg6: memref<16x128xf32, #tpu.memory_space<vmem>>, %arg7: memref<1x128xf32, #tpu.memory_space<vmem>>, %arg8: memref<128x16xf32, #tpu.memory_space<vmem>>, %arg9: memref<1x16xf32, #tpu.memory_space<vmem>>, %arg10: memref<16x16xf32, #tpu.memory_space<vmem>>, %arg11: memref<16x16xf32, #tpu.memory_space<vmem>>, %arg12: memref<16x16xf32, #tpu.memory_space<vmem>>, %arg13: memref<1x16xf32, #tpu.memory_space<vmem>>, %arg14: memref<1x16xf32, #tpu.memory_space<vmem>>, %arg15: memref<1x16xf32, #tpu.memory_space<vmem>>, %arg16: memref<1x16xf32, #tpu.memory_space<vmem>>, %arg17: memref<640x128xf32, #tpu.memory_space<vmem>>, %arg18: memref<1x16xf32, #tpu.memory_space<vmem>>, %arg19: memref<1x16xf32, #tpu.memory_space<vmem>>) attributes {dimension_semantics = [#tpu.dimension_semantics<arbitrary>], iteration_bounds = array<i64: 256>, scalar_prefetch = 0 : i64, scratch_operands = 1 : i64, tpu.core_type = #tpu.core_type<tc>, window_params = [{transform_indices = @transform_0, window_bounds = array<i64: 640, 128>}, {transform_indices = @transform_1, window_bounds = array<i64: 640, 128>}, {transform_indices = @transform_2, window_bounds = array<i64: 640, 16>}, {transform_indices = @transform_3, window_bounds = array<i64: 640, 16>}, {pipeline_mode = #tpu.pipeline_mode<synchronous>, transform_indices = @transform_4, window_bounds = array<i64: 16, 128>}, {pipeline_mode = #tpu.pipeline_mode<synchronous>, transform_indices = @transform_5, window_bounds = array<i64: 16, 128>}, {pipeline_mode = #tpu.pipeline_mode<synchronous>, transform_indices = @transform_6, window_bounds = array<i64: 1, 128>}, {pipeline_mode = #tpu.pipeline_mode<synchronous>, transform_indices = @transform_7, window_bounds = array<i64: 128, 16>}, {pipeline_mode = #tpu.pipeline_mode<synchronous>, transform_indices = @transform_8, window_bounds = array<i64: 1, 16>}, {pipeline_mode = #tpu.pipeline_mode<synchronous>, transform_indices = @transform_9, window_bounds = array<i64: 16, 16>}, {pipeline_mode = #tpu.pipeline_mode<synchronous>, transform_indices = @transform_10, window_bounds = array<i64: 16, 16>}, {pipeline_mode = #tpu.pipeline_mode<synchronous>, transform_indices = @transform_11, window_bounds = array<i64: 16, 16>}, {pipeline_mode = #tpu.pipeline_mode<synchronous>, transform_indices = @transform_12, window_bounds = array<i64: 1, 16>}, {pipeline_mode = #tpu.pipeline_mode<synchronous>, transform_indices = @transform_13, window_bounds = array<i64: 1, 16>}, {pipeline_mode = #tpu.pipeline_mode<synchronous>, transform_indices = @transform_14, window_bounds = array<i64: 1, 16>}, {pipeline_mode = #tpu.pipeline_mode<synchronous>, transform_indices = @transform_15, window_bounds = array<i64: 1, 16>}, {transform_indices = @transform_16, window_bounds = array<i64: 640, 128>}, {pipeline_mode = #tpu.pipeline_mode<synchronous>, transform_indices = @transform_17, window_bounds = array<i64: 1, 16>}]} {
    %eq3A = arith.constant 0 : i32
    %eq3A_0 = arith.cmpi eq, %arg0, %eq3A : i32
    %convert_element_type3A = arith.extui %eq3A_0 : i1 to i32
    %cond3A = arith.constant 0 : i32
    %cond3A_1 = arith.cmpi ne, %convert_element_type3A, %cond3A : i32
    scf.if %cond3A_1 {
      %broadcast_in_dim3A = arith.constant 0.000000e+00 : f32
      %broadcast_in_dim3A_15 = vector.broadcast %broadcast_in_dim3A : f32 to vector<1x16xf32>
      %swap3A = arith.constant 0 : index
      %swap3A_16 = arith.constant 0 : index
      %swap3A_17 = vector.load %arg19[%swap3A, %swap3A_16] : memref<1x16xf32, #tpu.memory_space<vmem>>, vector<1x16xf32>
      tpu.vector_store %arg19[%swap3A, %swap3A_16], %broadcast_in_dim3A_15 {strides = array<i32>} : memref<1x16xf32, #tpu.memory_space<vmem>>, vector<1x16xf32>,
    } else {
    }
    %lt3A = arith.constant 250 : i32
    %lt3A_2 = arith.cmpi slt, %arg0, %lt3A : i32
    %convert_element_type3A_3 = arith.extui %lt3A_2 : i1 to i32
    %cond3A_4 = arith.constant 0 : i32
    %cond3A_5 = arith.cmpi ne, %convert_element_type3A_3, %cond3A_4 : i32
    scf.if %cond3A_5 {
      %get3A = arith.constant 0 : index
      %get3A_15 = arith.constant 0 : index
      %get3A_16 = vector.load %arg3[%get3A, %get3A_15] : memref<640x16xf32, #tpu.memory_space<vmem>>, vector<640x16xf32>
      %get3A_17 = arith.constant 0 : index
      %get3A_18 = arith.constant 0 : index
      %get3A_19 = vector.load %arg4[%get3A_17, %get3A_18] : memref<640x16xf32, #tpu.memory_space<vmem>>, vector<640x16xf32>
      %concatenate3A = tpu.concatenate %get3A_16, %get3A_19 in 1 : vector<640x16xf32>, vector<640x16xf32> -> vector<640x32xf32>
      %get3A_20 = arith.constant 0 : index
      %get3A_21 = arith.constant 0 : index
      %get3A_22 = vector.load %arg5[%get3A_20, %get3A_21] : memref<16x128xf32, #tpu.memory_space<vmem>>, vector<16x128xf32>
      %get3A_23 = arith.constant 0 : index
      %get3A_24 = arith.constant 0 : index
      %get3A_25 = vector.load %arg6[%get3A_23, %get3A_24] : memref<16x128xf32, #tpu.memory_space<vmem>>, vector<16x128xf32>
      %concatenate3A_26 = tpu.concatenate %get3A_22, %get3A_25 in 0 : vector<16x128xf32>, vector<16x128xf32> -> vector<32x128xf32>
      %get3A_27 = arith.constant 0 : index
      %get3A_28 = arith.constant 0 : index
      %get3A_29 = vector.load %arg1[%get3A_27, %get3A_28] : memref<640x128xf32, #tpu.memory_space<vmem>>, vector<640x128xf32>
      %get3A_30 = arith.constant 0 : index
      %get3A_31 = arith.constant 0 : index
      %get3A_32 = vector.load %arg2[%get3A_30, %get3A_31] : memref<640x128xf32, #tpu.memory_space<vmem>>, vector<640x128xf32>
      %add3A = arith.addf %get3A_29, %get3A_32 : vector<640x128xf32>
      %convert_element_type3A_33 = arith.truncf %concatenate3A : vector<640x32xf32> to vector<640x32xbf16>
      %convert_element_type3A_34 = arith.truncf %concatenate3A_26 : vector<32x128xf32> to vector<32x128xbf16>
      %dot_general3A = arith.constant dense<0.000000e+00> : vector<640x128xf32>
      %dot_general3A_35 = tpu.matmul %convert_element_type3A_33, %convert_element_type3A_34, %dot_general3A {dimension_numbers = #tpu.dot_dimension_numbers<[1], [0], [0], [1], [0, 0, 1, 1], [], []>, transpose_lhs_hint = false} : vector<640x32xbf16>, vector<32x128xbf16>, vector<640x128xf32> -> vector<640x128xf32>
      %add3A_36 = arith.addf %add3A, %dot_general3A_35 : vector<640x128xf32>
      %get3A_37 = arith.constant 0 : index
      %get3A_38 = arith.constant 0 : index
      %get3A_39 = vector.load %arg7[%get3A_37, %get3A_38] : memref<1x128xf32, #tpu.memory_space<vmem>>, vector<1x128xf32>
      %add3A_40 = vector.broadcast %get3A_39 : vector<1x128xf32> to vector<640x128xf32>
      %add3A_41 = arith.addf %add3A_36, %add3A_40 : vector<640x128xf32>
      %max3A = arith.constant 0.000000e+00 : f32
      %max3A_42 = vector.broadcast %max3A : f32 to vector<640x128xf32>
      %max3A_43 = arith.maximumf %add3A_41, %max3A_42 : vector<640x128xf32>
      %get3A_44 = arith.constant 0 : index
      %get3A_45 = arith.constant 0 : index
      %get3A_46 = vector.load %arg8[%get3A_44, %get3A_45] : memref<128x16xf32, #tpu.memory_space<vmem>>, vector<128x16xf32>
      %convert_element_type3A_47 = arith.truncf %max3A_43 : vector<640x128xf32> to vector<640x128xbf16>
      %convert_element_type3A_48 = arith.truncf %get3A_46 : vector<128x16xf32> to vector<128x16xbf16>
      %dot_general3A_49 = arith.constant dense<0.000000e+00> : vector<640x16xf32>
      %dot_general3A_50 = tpu.matmul %convert_element_type3A_47, %convert_element_type3A_48, %dot_general3A_49 {dimension_numbers = #tpu.dot_dimension_numbers<[1], [0], [0], [1], [0, 0, 1, 1], [], []>, transpose_lhs_hint = false} : vector<640x128xbf16>, vector<128x16xbf16>, vector<640x16xf32> -> vector<640x16xf32>
      %get3A_51 = arith.constant 0 : index
      %get3A_52 = arith.constant 0 : index
      %get3A_53 = vector.load %arg9[%get3A_51, %get3A_52] : memref<1x16xf32, #tpu.memory_space<vmem>>, vector<1x16xf32>
      %add3A_54 = vector.broadcast %get3A_53 : vector<1x16xf32> to vector<640x16xf32>
      %add3A_55 = arith.addf %dot_general3A_50, %add3A_54 : vector<640x16xf32>
      %get3A_56 = arith.constant 0 : index
      %get3A_57 = arith.constant 0 : index
      %get3A_58 = vector.load %arg10[%get3A_56, %get3A_57] : memref<16x16xf32, #tpu.memory_space<vmem>>, vector<16x16xf32>
      %convert_element_type3A_59 = arith.truncf %add3A_55 : vector<640x16xf32> to vector<640x16xbf16>
      %convert_element_type3A_60 = arith.truncf %get3A_58 : vector<16x16xf32> to vector<16x16xbf16>
      %dot_general3A_61 = arith.constant dense<0.000000e+00> : vector<640x16xf32>
      %dot_general3A_62 = tpu.matmul %convert_element_type3A_59, %convert_element_type3A_60, %dot_general3A_61 {dimension_numbers = #tpu.dot_dimension_numbers<[1], [0], [0], [1], [0, 0, 1, 1], [], []>, transpose_lhs_hint = false} : vector<640x16xbf16>, vector<16x16xbf16>, vector<640x16xf32> -> vector<640x16xf32>
      %get3A_63 = arith.constant 0 : index
      %get3A_64 = arith.constant 0 : index
      %get3A_65 = vector.load %arg13[%get3A_63, %get3A_64] : memref<1x16xf32, #tpu.memory_space<vmem>>, vector<1x16xf32>
      %add3A_66 = vector.broadcast %get3A_65 : vector<1x16xf32> to vector<640x16xf32>
      %add3A_67 = arith.addf %dot_general3A_62, %add3A_66 : vector<640x16xf32>
      %logistic3A = arith.negf %add3A_67 : vector<640x16xf32>
      %logistic3A_68 = math.exp %logistic3A : vector<640x16xf32>
      %logistic3A_69 = arith.constant 1.000000e+00 : f32
      %logistic3A_70 = vector.broadcast %logistic3A_69 : f32 to vector<640x16xf32>
      %logistic3A_71 = arith.addf %logistic3A_70, %logistic3A_68 : vector<640x16xf32>
      %logistic3A_72 = arith.divf %logistic3A_70, %logistic3A_71 : vector<640x16xf32>
      %get3A_73 = arith.constant 0 : index
      %get3A_74 = arith.constant 0 : index
      %get3A_75 = vector.load %arg11[%get3A_73, %get3A_74] : memref<16x16xf32, #tpu.memory_space<vmem>>, vector<16x16xf32>
      %convert_element_type3A_76 = arith.truncf %add3A_55 : vector<640x16xf32> to vector<640x16xbf16>
      %convert_element_type3A_77 = arith.truncf %get3A_75 : vector<16x16xf32> to vector<16x16xbf16>
      %dot_general3A_78 = arith.constant dense<0.000000e+00> : vector<640x16xf32>
      %dot_general3A_79 = tpu.matmul %convert_element_type3A_76, %convert_element_type3A_77, %dot_general3A_78 {dimension_numbers = #tpu.dot_dimension_numbers<[1], [0], [0], [1], [0, 0, 1, 1], [], []>, transpose_lhs_hint = false} : vector<640x16xbf16>, vector<16x16xbf16>, vector<640x16xf32> -> vector<640x16xf32>
      %get3A_80 = arith.constant 0 : index
      %get3A_81 = arith.constant 0 : index
      %get3A_82 = vector.load %arg14[%get3A_80, %get3A_81] : memref<1x16xf32, #tpu.memory_space<vmem>>, vector<1x16xf32>
      %add3A_83 = vector.broadcast %get3A_82 : vector<1x16xf32> to vector<640x16xf32>
      %add3A_84 = arith.addf %dot_general3A_79, %add3A_83 : vector<640x16xf32>
      %logistic3A_85 = arith.negf %add3A_84 : vector<640x16xf32>
      %logistic3A_86 = math.exp %logistic3A_85 : vector<640x16xf32>
      %logistic3A_87 = arith.constant 1.000000e+00 : f32
      %logistic3A_88 = vector.broadcast %logistic3A_87 : f32 to vector<640x16xf32>
      %logistic3A_89 = arith.addf %logistic3A_88, %logistic3A_86 : vector<640x16xf32>
      %logistic3A_90 = arith.divf %logistic3A_88, %logistic3A_89 : vector<640x16xf32>
      %get3A_91 = arith.constant 0 : index
      %get3A_92 = arith.constant 0 : index
      %get3A_93 = vector.load %arg12[%get3A_91, %get3A_92] : memref<16x16xf32, #tpu.memory_space<vmem>>, vector<16x16xf32>
      %convert_element_type3A_94 = arith.truncf %add3A_55 : vector<640x16xf32> to vector<640x16xbf16>
      %convert_element_type3A_95 = arith.truncf %get3A_93 : vector<16x16xf32> to vector<16x16xbf16>
      %dot_general3A_96 = arith.constant dense<0.000000e+00> : vector<640x16xf32>
      %dot_general3A_97 = tpu.matmul %convert_element_type3A_94, %convert_element_type3A_95, %dot_general3A_96 {dimension_numbers = #tpu.dot_dimension_numbers<[1], [0], [0], [1], [0, 0, 1, 1], [], []>, transpose_lhs_hint = false} : vector<640x16xbf16>, vector<16x16xbf16>, vector<640x16xf32> -> vector<640x16xf32>
      %get3A_98 = arith.constant 0 : index
      %get3A_99 = arith.constant 0 : index
      %get3A_100 = vector.load %arg15[%get3A_98, %get3A_99] : memref<1x16xf32, #tpu.memory_space<vmem>>, vector<1x16xf32>
      %add3A_101 = vector.broadcast %get3A_100 : vector<1x16xf32> to vector<640x16xf32>
      %add3A_102 = arith.addf %dot_general3A_97, %add3A_101 : vector<640x16xf32>
      %get3A_103 = arith.constant 0 : index
      %get3A_104 = arith.constant 0 : index
      %get3A_105 = vector.load %arg16[%get3A_103, %get3A_104] : memref<1x16xf32, #tpu.memory_space<vmem>>, vector<1x16xf32>
      %mul3A = vector.broadcast %get3A_105 : vector<1x16xf32> to vector<640x16xf32>
      %mul3A_106 = arith.mulf %logistic3A_72, %mul3A : vector<640x16xf32>
      %add3A_107 = arith.addf %add3A_102, %mul3A_106 : vector<640x16xf32>
      %tanh3A = math.tanh %add3A_107 : vector<640x16xf32>
      %sub3A = arith.constant 1.000000e+00 : f32
      %sub3A_108 = vector.broadcast %sub3A : f32 to vector<640x16xf32>
      %sub3A_109 = arith.subf %sub3A_108, %logistic3A_90 : vector<640x16xf32>
      %mul3A_110 = arith.mulf %sub3A_109, %tanh3A : vector<640x16xf32>
      %broadcast_in_dim3A = arith.constant 0.000000e+00 : f32
      %broadcast_in_dim3A_111 = vector.broadcast %broadcast_in_dim3A : f32 to vector<640x112xf32>
      %concatenate3A_112 = tpu.concatenate %mul3A_110, %broadcast_in_dim3A_111 in 1 : vector<640x16xf32>, vector<640x112xf32> -> vector<640x128xf32>
      %swap3A = arith.constant 0 : index
      %swap3A_113 = arith.constant 0 : index
      %swap3A_114 = vector.load %arg17[%swap3A, %swap3A_113] : memref<640x128xf32, #tpu.memory_space<vmem>>, vector<640x128xf32>
      tpu.vector_store %arg17[%swap3A, %swap3A_113], %concatenate3A_112 {strides = array<i32>} : memref<640x128xf32, #tpu.memory_space<vmem>>, vector<640x128xf32>,
      %get3A_115 = arith.constant 0 : index
      %get3A_116 = arith.constant 0 : index
      %get3A_117 = vector.load %arg19[%get3A_115, %get3A_116] : memref<1x16xf32, #tpu.memory_space<vmem>>, vector<1x16xf32>
      %reduce_sum3A = arith.constant dense<0.000000e+00> : vector<16xf32>
      %reduce_sum3A_118 = vector.multi_reduction <add>, %mul3A_110, %reduce_sum3A [0] : vector<640x16xf32> to vector<16xf32>
      %broadcast_in_dim3A_119 = vector.shape_cast %reduce_sum3A_118 : vector<16xf32> to vector<1x16xf32>
      %add3A_120 = arith.addf %get3A_117, %broadcast_in_dim3A_119 : vector<1x16xf32>
      %swap3A_121 = arith.constant 0 : index
      %swap3A_122 = arith.constant 0 : index
      %swap3A_123 = vector.load %arg19[%swap3A_121, %swap3A_122] : memref<1x16xf32, #tpu.memory_space<vmem>>, vector<1x16xf32>
      tpu.vector_store %arg19[%swap3A_121, %swap3A_122], %add3A_120 {strides = array<i32>} : memref<1x16xf32, #tpu.memory_space<vmem>>, vector<1x16xf32>,
    } else {
    }
    %ge3A = arith.constant 250 : i32
    %ge3A_6 = arith.cmpi sge, %arg0, %ge3A : i32
    %convert_element_type3A_7 = arith.extui %ge3A_6 : i1 to i32
    %cond3A_8 = arith.constant 0 : i32
    %cond3A_9 = arith.cmpi ne, %convert_element_type3A_7, %cond3A_8 : i32
    scf.if %cond3A_9 {
      %broadcast_in_dim3A = arith.constant 0.000000e+00 : f32
      %broadcast_in_dim3A_15 = vector.broadcast %broadcast_in_dim3A : f32 to vector<640x128xf32>
      %swap3A = arith.constant 0 : index
      %swap3A_16 = arith.constant 0 : index
      %swap3A_17 = vector.load %arg17[%swap3A, %swap3A_16] : memref<640x128xf32, #tpu.memory_space<vmem>>, vector<640x128xf32>
      tpu.vector_store %arg17[%swap3A, %swap3A_16], %broadcast_in_dim3A_15 {strides = array<i32>} : memref<640x128xf32, #tpu.memory_space<vmem>>, vector<640x128xf32>,
    } else {
    }
    %eq3A_10 = arith.constant 255 : i32
    %eq3A_11 = arith.cmpi eq, %arg0, %eq3A_10 : i32
    %convert_element_type3A_12 = arith.extui %eq3A_11 : i1 to i32
    %cond3A_13 = arith.constant 0 : i32
    %cond3A_14 = arith.cmpi ne, %convert_element_type3A_12, %cond3A_13 : i32
    scf.if %cond3A_14 {
      %get3A = arith.constant 0 : index
      %get3A_15 = arith.constant 0 : index
      %get3A_16 = vector.load %arg19[%get3A, %get3A_15] : memref<1x16xf32, #tpu.memory_space<vmem>>, vector<1x16xf32>
      %swap3A = arith.constant 0 : index
      %swap3A_17 = arith.constant 0 : index
      %swap3A_18 = vector.load %arg18[%swap3A, %swap3A_17] : memref<1x16xf32, #tpu.memory_space<vmem>>, vector<1x16xf32>
      tpu.vector_store %arg18[%swap3A, %swap3A_17], %get3A_16 {strides = array<i32>} : memref<1x16xf32, #tpu.memory_space<vmem>>, vector<1x16xf32>,
    } else {
    }
    return
  }
  func.func @transform_0(%arg0: i32) -> (i32, i32) {
    %c0_i32 = arith.constant 0 : i32
    %c0_i32_0 = arith.constant 0 : i32
    return %arg0, %c0_i32 : i32, i32
  }
  func.func @transform_1(%arg0: i32) -> (i32, i32) {
    %c0_i32 = arith.constant 0 : i32
    %c0_i32_0 = arith.constant 0 : i32
    return %arg0, %c0_i32 : i32, i32
  }
  func.func @transform_2(%arg0: i32) -> (i32, i32) {
    %c0_i32 = arith.constant 0 : i32
    %c0_i32_0 = arith.constant 0 : i32
    return %arg0, %c0_i32 : i32, i32
  }
  func.func @transform_3(%arg0: i32) -> (i32, i32) {
    %min3A = arith.constant 249 : i32
    %min3A_0 = arith.minsi %arg0, %min3A : i32
    %c0_i32 = arith.constant 0 : i32
    %c0_i32_1 = arith.constant 0 : i32
    return %min3A_0, %c0_i32 : i32, i32
  }
  func.func @transform_4(%arg0: i32) -> (i32, i32) {
    %c0_i32 = arith.constant 0 : i32
    %c0_i32_0 = arith.constant 0 : i32
    %c0_i32_1 = arith.constant 0 : i32
    return %c0_i32, %c0_i32_0 : i32, i32
  }
  func.func @transform_5(%arg0: i32) -> (i32, i32) {
    %c0_i32 = arith.constant 0 : i32
    %c0_i32_0 = arith.constant 0 : i32
    %c0_i32_1 = arith.constant 0 : i32
    return %c0_i32, %c0_i32_0 : i32, i32
  }
  func.func @transform_6(%arg0: i32) -> (i32, i32) {
    %c0_i32 = arith.constant 0 : i32
    %c0_i32_0 = arith.constant 0 : i32
    %c0_i32_1 = arith.constant 0 : i32
    return %c0_i32, %c0_i32_0 : i32, i32
  }
  func.func @transform_7(%arg0: i32) -> (i32, i32) {
    %c0_i32 = arith.constant 0 : i32
    %c0_i32_0 = arith.constant 0 : i32
    %c0_i32_1 = arith.constant 0 : i32
    return %c0_i32, %c0_i32_0 : i32, i32
  }
  func.func @transform_8(%arg0: i32) -> (i32, i32) {
    %c0_i32 = arith.constant 0 : i32
    %c0_i32_0 = arith.constant 0 : i32
    %c0_i32_1 = arith.constant 0 : i32
    return %c0_i32, %c0_i32_0 : i32, i32
  }
  func.func @transform_9(%arg0: i32) -> (i32, i32) {
    %c0_i32 = arith.constant 0 : i32
    %c0_i32_0 = arith.constant 0 : i32
    %c0_i32_1 = arith.constant 0 : i32
    return %c0_i32, %c0_i32_0 : i32, i32
  }
  func.func @transform_10(%arg0: i32) -> (i32, i32) {
    %c0_i32 = arith.constant 0 : i32
    %c0_i32_0 = arith.constant 0 : i32
    %c0_i32_1 = arith.constant 0 : i32
    return %c0_i32, %c0_i32_0 : i32, i32
  }
  func.func @transform_11(%arg0: i32) -> (i32, i32) {
    %c0_i32 = arith.constant 0 : i32
    %c0_i32_0 = arith.constant 0 : i32
    %c0_i32_1 = arith.constant 0 : i32
    return %c0_i32, %c0_i32_0 : i32, i32
  }
  func.func @transform_12(%arg0: i32) -> (i32, i32) {
    %c0_i32 = arith.constant 0 : i32
    %c0_i32_0 = arith.constant 0 : i32
    %c0_i32_1 = arith.constant 0 : i32
    return %c0_i32, %c0_i32_0 : i32, i32
  }
  func.func @transform_13(%arg0: i32) -> (i32, i32) {
    %c0_i32 = arith.constant 0 : i32
    %c0_i32_0 = arith.constant 0 : i32
    %c0_i32_1 = arith.constant 0 : i32
    return %c0_i32, %c0_i32_0 : i32, i32
  }
  func.func @transform_14(%arg0: i32) -> (i32, i32) {
    %c0_i32 = arith.constant 0 : i32
    %c0_i32_0 = arith.constant 0 : i32
    %c0_i32_1 = arith.constant 0 : i32
    return %c0_i32, %c0_i32_0 : i32, i32
  }
  func.func @transform_15(%arg0: i32) -> (i32, i32) {
    %c0_i32 = arith.constant 0 : i32
    %c0_i32_0 = arith.constant 0 : i32
    %c0_i32_1 = arith.constant 0 : i32
    return %c0_i32, %c0_i32_0 : i32, i32
  }
  func.func @transform_16(%arg0: i32) -> (i32, i32) {
    %c0_i32 = arith.constant 0 : i32
    %c0_i32_0 = arith.constant 0 : i32
    return %arg0, %c0_i32 : i32, i32
  }
  func.func @transform_17(%arg0: i32) -> (i32, i32) {
    %c0_i32 = arith.constant 0 : i32
    %c0_i32_0 = arith.constant 0 : i32
    %c0_i32_1 = arith.constant 0 : i32
    return %c0_i32, %c0_i32_0 : i32, i32
  }
}

module attributes {stable_mosaic.version = 14 : i64} {
  func.func @body(%arg0: i32, %arg1: memref<1000x128xf32, #tpu.memory_space<vmem>>, %arg2: memref<1000x128xf32, #tpu.memory_space<vmem>>, %arg3: memref<1000x128xf32, #tpu.memory_space<vmem>>, %arg4: memref<1x128xf32, #tpu.memory_space<vmem>>, %arg5: memref<128x128xf32, #tpu.memory_space<vmem>>, %arg6: memref<16x128xf32, #tpu.memory_space<vmem>>, %arg7: memref<128x128xf32, #tpu.memory_space<vmem>>, %arg8: memref<1x128xf32, #tpu.memory_space<vmem>>, %arg9: memref<1x16xf32, #tpu.memory_space<vmem>>, %arg10: memref<1x128xf32, #tpu.memory_space<vmem>>, %arg11: memref<1x16xf32, #tpu.memory_space<vmem>>, %arg12: memref<128x128xf32, #tpu.memory_space<vmem>>, %arg13: memref<16x128xf32, #tpu.memory_space<vmem>>, %arg14: memref<128x128xf32, #tpu.memory_space<vmem>>, %arg15: memref<16x128xf32, #tpu.memory_space<vmem>>, %arg16: memref<1x128xf32, #tpu.memory_space<vmem>>, %arg17: memref<128x128xf32, #tpu.memory_space<vmem>>, %arg18: memref<1x128xf32, #tpu.memory_space<vmem>>, %arg19: memref<128x128xf32, #tpu.memory_space<vmem>>, %arg20: memref<128x128xf32, #tpu.memory_space<vmem>>, %arg21: memref<128x128xf32, #tpu.memory_space<vmem>>, %arg22: memref<1x128xf32, #tpu.memory_space<vmem>>, %arg23: memref<1x128xf32, #tpu.memory_space<vmem>>, %arg24: memref<1x128xf32, #tpu.memory_space<vmem>>, %arg25: memref<1x128xf32, #tpu.memory_space<vmem>>, %arg26: memref<128x128xf32, #tpu.memory_space<vmem>>, %arg27: memref<128x128xf32, #tpu.memory_space<vmem>>, %arg28: memref<128x128xf32, #tpu.memory_space<vmem>>, %arg29: memref<1x128xf32, #tpu.memory_space<vmem>>, %arg30: memref<1x128xf32, #tpu.memory_space<vmem>>, %arg31: memref<1x128xf32, #tpu.memory_space<vmem>>, %arg32: memref<1x128xf32, #tpu.memory_space<vmem>>, %arg33: memref<128x128xf32, #tpu.memory_space<vmem>>, %arg34: memref<128x128xf32, #tpu.memory_space<vmem>>, %arg35: memref<128x128xf32, #tpu.memory_space<vmem>>, %arg36: memref<16x128xf32, #tpu.memory_space<vmem>>, %arg37: memref<1x128xf32, #tpu.memory_space<vmem>>, %arg38: memref<128x128xf32, #tpu.memory_space<vmem>>, %arg39: memref<16x128xf32, #tpu.memory_space<vmem>>, %arg40: memref<1x128xf32, #tpu.memory_space<vmem>>, %arg41: memref<1000x128xf32, #tpu.memory_space<vmem>>, %arg42: memref<1000x128xf32, #tpu.memory_space<vmem>>, %arg43: memref<1000x128xf32, #tpu.memory_space<vmem>>, %arg44: memref<1x128xf32, #tpu.memory_space<vmem>>, %arg45: memref<1x128xf32, #tpu.memory_space<vmem>>, %arg46: memref<1x128xf32, #tpu.memory_space<vmem>>, %arg47: memref<1x128xf32, #tpu.memory_space<vmem>>) attributes {dimension_semantics = [#tpu.dimension_semantics<arbitrary>], iteration_bounds = array<i64: 10>, scalar_prefetch = 0 : i64, scratch_operands = 1 : i64, tpu.core_type = #tpu.core_type<tc>, window_params = [{transform_indices = @transform_0, window_bounds = array<i64: 1000, 128>}, {transform_indices = @transform_1, window_bounds = array<i64: 1000, 128>}, {transform_indices = @transform_2, window_bounds = array<i64: 1000, 128>}, {pipeline_mode = #tpu.pipeline_mode<synchronous>, transform_indices = @transform_3, window_bounds = array<i64: 1, 128>}, {pipeline_mode = #tpu.pipeline_mode<synchronous>, transform_indices = @transform_4, window_bounds = array<i64: 128, 128>}, {pipeline_mode = #tpu.pipeline_mode<synchronous>, transform_indices = @transform_5, window_bounds = array<i64: 16, 128>}, {pipeline_mode = #tpu.pipeline_mode<synchronous>, transform_indices = @transform_6, window_bounds = array<i64: 128, 128>}, {pipeline_mode = #tpu.pipeline_mode<synchronous>, transform_indices = @transform_7, window_bounds = array<i64: 1, 128>}, {pipeline_mode = #tpu.pipeline_mode<synchronous>, transform_indices = @transform_8, window_bounds = array<i64: 1, 16>}, {pipeline_mode = #tpu.pipeline_mode<synchronous>, transform_indices = @transform_9, window_bounds = array<i64: 1, 128>}, {pipeline_mode = #tpu.pipeline_mode<synchronous>, transform_indices = @transform_10, window_bounds = array<i64: 1, 16>}, {pipeline_mode = #tpu.pipeline_mode<synchronous>, transform_indices = @transform_11, window_bounds = array<i64: 128, 128>}, {pipeline_mode = #tpu.pipeline_mode<synchronous>, transform_indices = @transform_12, window_bounds = array<i64: 16, 128>}, {pipeline_mode = #tpu.pipeline_mode<synchronous>, transform_indices = @transform_13, window_bounds = array<i64: 128, 128>}, {pipeline_mode = #tpu.pipeline_mode<synchronous>, transform_indices = @transform_14, window_bounds = array<i64: 16, 128>}, {pipeline_mode = #tpu.pipeline_mode<synchronous>, transform_indices = @transform_15, window_bounds = array<i64: 1, 128>}, {pipeline_mode = #tpu.pipeline_mode<synchronous>, transform_indices = @transform_16, window_bounds = array<i64: 128, 128>}, {pipeline_mode = #tpu.pipeline_mode<synchronous>, transform_indices = @transform_17, window_bounds = array<i64: 1, 128>}, {pipeline_mode = #tpu.pipeline_mode<synchronous>, transform_indices = @transform_18, window_bounds = array<i64: 128, 128>}, {pipeline_mode = #tpu.pipeline_mode<synchronous>, transform_indices = @transform_19, window_bounds = array<i64: 128, 128>}, {pipeline_mode = #tpu.pipeline_mode<synchronous>, transform_indices = @transform_20, window_bounds = array<i64: 128, 128>}, {pipeline_mode = #tpu.pipeline_mode<synchronous>, transform_indices = @transform_21, window_bounds = array<i64: 1, 128>}, {pipeline_mode = #tpu.pipeline_mode<synchronous>, transform_indices = @transform_22, window_bounds = array<i64: 1, 128>}, {pipeline_mode = #tpu.pipeline_mode<synchronous>, transform_indices = @transform_23, window_bounds = array<i64: 1, 128>}, {pipeline_mode = #tpu.pipeline_mode<synchronous>, transform_indices = @transform_24, window_bounds = array<i64: 1, 128>}, {pipeline_mode = #tpu.pipeline_mode<synchronous>, transform_indices = @transform_25, window_bounds = array<i64: 128, 128>}, {pipeline_mode = #tpu.pipeline_mode<synchronous>, transform_indices = @transform_26, window_bounds = array<i64: 128, 128>}, {pipeline_mode = #tpu.pipeline_mode<synchronous>, transform_indices = @transform_27, window_bounds = array<i64: 128, 128>}, {pipeline_mode = #tpu.pipeline_mode<synchronous>, transform_indices = @transform_28, window_bounds = array<i64: 1, 128>}, {pipeline_mode = #tpu.pipeline_mode<synchronous>, transform_indices = @transform_29, window_bounds = array<i64: 1, 128>}, {pipeline_mode = #tpu.pipeline_mode<synchronous>, transform_indices = @transform_30, window_bounds = array<i64: 1, 128>}, {pipeline_mode = #tpu.pipeline_mode<synchronous>, transform_indices = @transform_31, window_bounds = array<i64: 1, 128>}, {pipeline_mode = #tpu.pipeline_mode<synchronous>, transform_indices = @transform_32, window_bounds = array<i64: 128, 128>}, {pipeline_mode = #tpu.pipeline_mode<synchronous>, transform_indices = @transform_33, window_bounds = array<i64: 128, 128>}, {pipeline_mode = #tpu.pipeline_mode<synchronous>, transform_indices = @transform_34, window_bounds = array<i64: 128, 128>}, {pipeline_mode = #tpu.pipeline_mode<synchronous>, transform_indices = @transform_35, window_bounds = array<i64: 16, 128>}, {pipeline_mode = #tpu.pipeline_mode<synchronous>, transform_indices = @transform_36, window_bounds = array<i64: 1, 128>}, {pipeline_mode = #tpu.pipeline_mode<synchronous>, transform_indices = @transform_37, window_bounds = array<i64: 128, 128>}, {pipeline_mode = #tpu.pipeline_mode<synchronous>, transform_indices = @transform_38, window_bounds = array<i64: 16, 128>}, {pipeline_mode = #tpu.pipeline_mode<synchronous>, transform_indices = @transform_39, window_bounds = array<i64: 1, 128>}, {transform_indices = @transform_40, window_bounds = array<i64: 1000, 128>}, {transform_indices = @transform_41, window_bounds = array<i64: 1000, 128>}, {transform_indices = @transform_42, window_bounds = array<i64: 1000, 128>}, {pipeline_mode = #tpu.pipeline_mode<synchronous>, transform_indices = @transform_43, window_bounds = array<i64: 1, 128>}, {pipeline_mode = #tpu.pipeline_mode<synchronous>, transform_indices = @transform_44, window_bounds = array<i64: 1, 128>}, {pipeline_mode = #tpu.pipeline_mode<synchronous>, transform_indices = @transform_45, window_bounds = array<i64: 1, 128>}]} {
    %eq3A = arith.constant 0 : i32
    %eq3A_0 = arith.cmpi eq, %arg0, %eq3A : i32
    %convert_element_type3A = arith.extui %eq3A_0 : i1 to i32
    %cond3A = arith.constant 0 : i32
    %cond3A_1 = arith.cmpi ne, %convert_element_type3A, %cond3A : i32
    scf.if %cond3A_1 {
      %broadcast_in_dim3A_117 = arith.constant 0.000000e+00 : f32
      %broadcast_in_dim3A_118 = vector.broadcast %broadcast_in_dim3A_117 : f32 to vector<1x128xf32>
      %swap3A_119 = arith.constant 0 : index
      %swap3A_120 = arith.constant 0 : index
      %swap3A_121 = vector.load %arg47[%swap3A_119, %swap3A_120] : memref<1x128xf32, #tpu.memory_space<vmem>>, vector<1x128xf32>
      tpu.vector_store %arg47[%swap3A_119, %swap3A_120], %broadcast_in_dim3A_118 {strides = array<i32>} : memref<1x128xf32, #tpu.memory_space<vmem>>, vector<1x128xf32>,
    } else {
    }
    %get3A = arith.constant 0 : index
    %get3A_2 = arith.constant 0 : index
    %get3A_3 = vector.load %arg2[%get3A, %get3A_2] : memref<1000x128xf32, #tpu.memory_space<vmem>>, vector<1000x128xf32>
    %get3A_4 = arith.constant 0 : index
    %get3A_5 = arith.constant 0 : index
    %get3A_6 = vector.load %arg3[%get3A_4, %get3A_5] : memref<1000x128xf32, #tpu.memory_space<vmem>>, vector<1000x128xf32>
    %add3A = arith.addf %get3A_3, %get3A_6 : vector<1000x128xf32>
    %slice3A = vector.extract_strided_slice %add3A {offsets = [0, 0], sizes = [1000, 16], strides = [1, 1]} : vector<1000x128xf32> to vector<1000x16xf32>
    %get3A_7 = arith.constant 0 : index
    %get3A_8 = arith.constant 0 : index
    %get3A_9 = vector.load %arg1[%get3A_7, %get3A_8] : memref<1000x128xf32, #tpu.memory_space<vmem>>, vector<1000x128xf32>
    %get3A_10 = arith.constant 0 : index
    %get3A_11 = arith.constant 0 : index
    %get3A_12 = vector.load %arg5[%get3A_10, %get3A_11] : memref<128x128xf32, #tpu.memory_space<vmem>>, vector<128x128xf32>
    %dot_general3A = arith.constant dense<0.000000e+00> : vector<1000x128xf32>
    %dot_general3A_13 = tpu.matmul %get3A_9, %get3A_12, %dot_general3A {dimension_numbers = #tpu.dot_dimension_numbers<[1], [0], [0], [1], [0, 0, 1, 1], [], []>, transpose_lhs_hint = false} : vector<1000x128xf32>, vector<128x128xf32>, vector<1000x128xf32> -> vector<1000x128xf32>
    %get3A_14 = arith.constant 0 : index
    %get3A_15 = arith.constant 0 : index
    %get3A_16 = vector.load %arg6[%get3A_14, %get3A_15] : memref<16x128xf32, #tpu.memory_space<vmem>>, vector<16x128xf32>
    %dot_general3A_17 = arith.constant dense<0.000000e+00> : vector<1000x128xf32>
    %dot_general3A_18 = tpu.matmul %slice3A, %get3A_16, %dot_general3A_17 {dimension_numbers = #tpu.dot_dimension_numbers<[1], [0], [0], [1], [0, 0, 1, 1], [], []>, transpose_lhs_hint = false} : vector<1000x16xf32>, vector<16x128xf32>, vector<1000x128xf32> -> vector<1000x128xf32>
    %add3A_19 = arith.addf %dot_general3A_13, %dot_general3A_18 : vector<1000x128xf32>
    %get3A_20 = arith.constant 0 : index
    %get3A_21 = arith.constant 0 : index
    %get3A_22 = vector.load %arg4[%get3A_20, %get3A_21] : memref<1x128xf32, #tpu.memory_space<vmem>>, vector<1x128xf32>
    %add3A_23 = vector.broadcast %get3A_22 : vector<1x128xf32> to vector<1000x128xf32>
    %add3A_24 = arith.addf %add3A_19, %add3A_23 : vector<1000x128xf32>
    %max3A = arith.constant 0.000000e+00 : f32
    %max3A_25 = vector.broadcast %max3A : f32 to vector<1000x128xf32>
    %max3A_26 = arith.maximumf %add3A_24, %max3A_25 : vector<1000x128xf32>
    %get3A_27 = arith.constant 0 : index
    %get3A_28 = arith.constant 0 : index
    %get3A_29 = vector.load %arg7[%get3A_27, %get3A_28] : memref<128x128xf32, #tpu.memory_space<vmem>>, vector<128x128xf32>
    %dot_general3A_30 = arith.constant dense<0.000000e+00> : vector<1000x128xf32>
    %dot_general3A_31 = tpu.matmul %max3A_26, %get3A_29, %dot_general3A_30 {dimension_numbers = #tpu.dot_dimension_numbers<[1], [0], [0], [1], [0, 0, 1, 1], [], []>, transpose_lhs_hint = false} : vector<1000x128xf32>, vector<128x128xf32>, vector<1000x128xf32> -> vector<1000x128xf32>
    %get3A_32 = arith.constant 0 : index
    %get3A_33 = arith.constant 0 : index
    %get3A_34 = vector.load %arg8[%get3A_32, %get3A_33] : memref<1x128xf32, #tpu.memory_space<vmem>>, vector<1x128xf32>
    %add3A_35 = vector.broadcast %get3A_34 : vector<1x128xf32> to vector<1000x128xf32>
    %add3A_36 = arith.addf %dot_general3A_31, %add3A_35 : vector<1000x128xf32>
    %get3A_37 = arith.constant 0 : index
    %get3A_38 = arith.constant 0 : index
    %get3A_39 = vector.load %arg19[%get3A_37, %get3A_38] : memref<128x128xf32, #tpu.memory_space<vmem>>, vector<128x128xf32>
    %get3A_40 = arith.constant 0 : index
    %get3A_41 = arith.constant 0 : index
    %get3A_42 = vector.load %arg20[%get3A_40, %get3A_41] : memref<128x128xf32, #tpu.memory_space<vmem>>, vector<128x128xf32>
    %get3A_43 = arith.constant 0 : index
    %get3A_44 = arith.constant 0 : index
    %get3A_45 = vector.load %arg21[%get3A_43, %get3A_44] : memref<128x128xf32, #tpu.memory_space<vmem>>, vector<128x128xf32>
    %get3A_46 = arith.constant 0 : index
    %get3A_47 = arith.constant 0 : index
    %get3A_48 = vector.load %arg22[%get3A_46, %get3A_47] : memref<1x128xf32, #tpu.memory_space<vmem>>, vector<1x128xf32>
    %get3A_49 = arith.constant 0 : index
    %get3A_50 = arith.constant 0 : index
    %get3A_51 = vector.load %arg23[%get3A_49, %get3A_50] : memref<1x128xf32, #tpu.memory_space<vmem>>, vector<1x128xf32>
    %get3A_52 = arith.constant 0 : index
    %get3A_53 = arith.constant 0 : index
    %get3A_54 = vector.load %arg24[%get3A_52, %get3A_53] : memref<1x128xf32, #tpu.memory_space<vmem>>, vector<1x128xf32>
    %get3A_55 = arith.constant 0 : index
    %get3A_56 = arith.constant 0 : index
    %get3A_57 = vector.load %arg25[%get3A_55, %get3A_56] : memref<1x128xf32, #tpu.memory_space<vmem>>, vector<1x128xf32>
    %dot_general3A_58 = arith.constant dense<0.000000e+00> : vector<1000x128xf32>
    %dot_general3A_59 = tpu.matmul %add3A_36, %get3A_39, %dot_general3A_58 {dimension_numbers = #tpu.dot_dimension_numbers<[1], [0], [0], [1], [0, 0, 1, 1], [], []>, transpose_lhs_hint = false} : vector<1000x128xf32>, vector<128x128xf32>, vector<1000x128xf32> -> vector<1000x128xf32>
    %add3A_60 = vector.broadcast %get3A_48 : vector<1x128xf32> to vector<1000x128xf32>
    %add3A_61 = arith.addf %dot_general3A_59, %add3A_60 : vector<1000x128xf32>
    %logistic3A = arith.negf %add3A_61 : vector<1000x128xf32>
    %logistic3A_62 = math.exp %logistic3A : vector<1000x128xf32>
    %logistic3A_63 = arith.constant 1.000000e+00 : f32
    %logistic3A_64 = vector.broadcast %logistic3A_63 : f32 to vector<1000x128xf32>
    %logistic3A_65 = arith.addf %logistic3A_64, %logistic3A_62 : vector<1000x128xf32>
    %logistic3A_66 = arith.divf %logistic3A_64, %logistic3A_65 : vector<1000x128xf32>
    %dot_general3A_67 = arith.constant dense<0.000000e+00> : vector<1000x128xf32>
    %dot_general3A_68 = tpu.matmul %add3A_36, %get3A_42, %dot_general3A_67 {dimension_numbers = #tpu.dot_dimension_numbers<[1], [0], [0], [1], [0, 0, 1, 1], [], []>, transpose_lhs_hint = false} : vector<1000x128xf32>, vector<128x128xf32>, vector<1000x128xf32> -> vector<1000x128xf32>
    %add3A_69 = vector.broadcast %get3A_51 : vector<1x128xf32> to vector<1000x128xf32>
    %add3A_70 = arith.addf %dot_general3A_68, %add3A_69 : vector<1000x128xf32>
    %logistic3A_71 = arith.negf %add3A_70 : vector<1000x128xf32>
    %logistic3A_72 = math.exp %logistic3A_71 : vector<1000x128xf32>
    %logistic3A_73 = arith.constant 1.000000e+00 : f32
    %logistic3A_74 = vector.broadcast %logistic3A_73 : f32 to vector<1000x128xf32>
    %logistic3A_75 = arith.addf %logistic3A_74, %logistic3A_72 : vector<1000x128xf32>
    %logistic3A_76 = arith.divf %logistic3A_74, %logistic3A_75 : vector<1000x128xf32>
    %dot_general3A_77 = arith.constant dense<0.000000e+00> : vector<1000x128xf32>
    %dot_general3A_78 = tpu.matmul %add3A_36, %get3A_45, %dot_general3A_77 {dimension_numbers = #tpu.dot_dimension_numbers<[1], [0], [0], [1], [0, 0, 1, 1], [], []>, transpose_lhs_hint = false} : vector<1000x128xf32>, vector<128x128xf32>, vector<1000x128xf32> -> vector<1000x128xf32>
    %add3A_79 = vector.broadcast %get3A_54 : vector<1x128xf32> to vector<1000x128xf32>
    %add3A_80 = arith.addf %dot_general3A_78, %add3A_79 : vector<1000x128xf32>
    %mul3A = vector.broadcast %get3A_57 : vector<1x128xf32> to vector<1000x128xf32>
    %mul3A_81 = arith.mulf %logistic3A_66, %mul3A : vector<1000x128xf32>
    %add3A_82 = arith.addf %add3A_80, %mul3A_81 : vector<1000x128xf32>
    %tanh3A = math.tanh %add3A_82 : vector<1000x128xf32>
    %sub3A = arith.constant 1.000000e+00 : f32
    %sub3A_83 = vector.broadcast %sub3A : f32 to vector<1000x128xf32>
    %sub3A_84 = arith.subf %sub3A_83, %logistic3A_76 : vector<1000x128xf32>
    %mul3A_85 = arith.mulf %sub3A_84, %tanh3A : vector<1000x128xf32>
    %get3A_86 = arith.constant 0 : index
    %get3A_87 = arith.constant 0 : index
    %get3A_88 = vector.load %arg47[%get3A_86, %get3A_87] : memref<1x128xf32, #tpu.memory_space<vmem>>, vector<1x128xf32>
    %reduce_sum3A = arith.constant dense<0.000000e+00> : vector<128xf32>
    %reduce_sum3A_89 = vector.multi_reduction <add>, %mul3A_85, %reduce_sum3A [0] : vector<1000x128xf32> to vector<128xf32>
    %broadcast_in_dim3A = vector.shape_cast %reduce_sum3A_89 : vector<128xf32> to vector<1x128xf32>
    %add3A_90 = arith.addf %get3A_88, %broadcast_in_dim3A : vector<1x128xf32>
    %swap3A = arith.constant 0 : index
    %swap3A_91 = arith.constant 0 : index
    %swap3A_92 = vector.load %arg47[%swap3A, %swap3A_91] : memref<1x128xf32, #tpu.memory_space<vmem>>, vector<1x128xf32>
    tpu.vector_store %arg47[%swap3A, %swap3A_91], %add3A_90 {strides = array<i32>} : memref<1x128xf32, #tpu.memory_space<vmem>>, vector<1x128xf32>,
    %swap3A_93 = arith.constant 0 : index
    %swap3A_94 = arith.constant 0 : index
    %swap3A_95 = vector.load %arg41[%swap3A_93, %swap3A_94] : memref<1000x128xf32, #tpu.memory_space<vmem>>, vector<1000x128xf32>
    tpu.vector_store %arg41[%swap3A_93, %swap3A_94], %mul3A_85 {strides = array<i32>} : memref<1000x128xf32, #tpu.memory_space<vmem>>, vector<1000x128xf32>,
    %get3A_96 = arith.constant 0 : index
    %get3A_97 = arith.constant 0 : index
    %get3A_98 = vector.load %arg33[%get3A_96, %get3A_97] : memref<128x128xf32, #tpu.memory_space<vmem>>, vector<128x128xf32>
    %dot_general3A_99 = arith.constant dense<0.000000e+00> : vector<1000x128xf32>
    %dot_general3A_100 = tpu.matmul %mul3A_85, %get3A_98, %dot_general3A_99 {dimension_numbers = #tpu.dot_dimension_numbers<[1], [0], [0], [1], [0, 0, 1, 1], [], []>, transpose_lhs_hint = false} : vector<1000x128xf32>, vector<128x128xf32>, vector<1000x128xf32> -> vector<1000x128xf32>
    %swap3A_101 = arith.constant 0 : index
    %swap3A_102 = arith.constant 0 : index
    %swap3A_103 = vector.load %arg42[%swap3A_101, %swap3A_102] : memref<1000x128xf32, #tpu.memory_space<vmem>>, vector<1000x128xf32>
    tpu.vector_store %arg42[%swap3A_101, %swap3A_102], %dot_general3A_100 {strides = array<i32>} : memref<1000x128xf32, #tpu.memory_space<vmem>>, vector<1000x128xf32>,
    %get3A_104 = arith.constant 0 : index
    %get3A_105 = arith.constant 0 : index
    %get3A_106 = vector.load %arg34[%get3A_104, %get3A_105] : memref<128x128xf32, #tpu.memory_space<vmem>>, vector<128x128xf32>
    %dot_general3A_107 = arith.constant dense<0.000000e+00> : vector<1000x128xf32>
    %dot_general3A_108 = tpu.matmul %mul3A_85, %get3A_106, %dot_general3A_107 {dimension_numbers = #tpu.dot_dimension_numbers<[1], [0], [0], [1], [0, 0, 1, 1], [], []>, transpose_lhs_hint = false} : vector<1000x128xf32>, vector<128x128xf32>, vector<1000x128xf32> -> vector<1000x128xf32>
    %swap3A_109 = arith.constant 0 : index
    %swap3A_110 = arith.constant 0 : index
    %swap3A_111 = vector.load %arg43[%swap3A_109, %swap3A_110] : memref<1000x128xf32, #tpu.memory_space<vmem>>, vector<1000x128xf32>
    tpu.vector_store %arg43[%swap3A_109, %swap3A_110], %dot_general3A_108 {strides = array<i32>} : memref<1000x128xf32, #tpu.memory_space<vmem>>, vector<1000x128xf32>,
    %eq3A_112 = arith.constant 9 : i32
    %eq3A_113 = arith.cmpi eq, %arg0, %eq3A_112 : i32
    %convert_element_type3A_114 = arith.extui %eq3A_113 : i1 to i32
    %cond3A_115 = arith.constant 0 : i32
    %cond3A_116 = arith.cmpi ne, %convert_element_type3A_114, %cond3A_115 : i32
    scf.if %cond3A_116 {
      %get3A_117 = arith.constant 0 : index
      %get3A_118 = arith.constant 0 : index
      %get3A_119 = vector.load %arg47[%get3A_117, %get3A_118] : memref<1x128xf32, #tpu.memory_space<vmem>>, vector<1x128xf32>
      %mul3A_120 = arith.constant 9.99999974E-5 : f32
      %mul3A_121 = vector.broadcast %mul3A_120 : f32 to vector<1x128xf32>
      %mul3A_122 = arith.mulf %get3A_119, %mul3A_121 : vector<1x128xf32>
      %get3A_123 = arith.constant 0 : index
      %get3A_124 = arith.constant 0 : index
      %get3A_125 = vector.load %arg9[%get3A_123, %get3A_124] : memref<1x16xf32, #tpu.memory_space<vmem>>, vector<1x16xf32>
      %mul3A_126 = arith.constant 6.250000e-06 : f32
      %mul3A_127 = vector.broadcast %mul3A_126 : f32 to vector<1x16xf32>
      %mul3A_128 = arith.mulf %get3A_125, %mul3A_127 : vector<1x16xf32>
      %get3A_129 = arith.constant 0 : index
      %get3A_130 = arith.constant 0 : index
      %get3A_131 = vector.load %arg12[%get3A_129, %get3A_130] : memref<128x128xf32, #tpu.memory_space<vmem>>, vector<128x128xf32>
      %dot_general3A_132 = arith.constant dense<0.000000e+00> : vector<1x128xf32>
      %dot_general3A_133 = tpu.matmul %mul3A_122, %get3A_131, %dot_general3A_132 {dimension_numbers = #tpu.dot_dimension_numbers<[1], [0], [0], [1], [0, 0, 1, 1], [], []>, transpose_lhs_hint = false} : vector<1x128xf32>, vector<128x128xf32>, vector<1x128xf32> -> vector<1x128xf32>
      %get3A_134 = arith.constant 0 : index
      %get3A_135 = arith.constant 0 : index
      %get3A_136 = vector.load %arg13[%get3A_134, %get3A_135] : memref<16x128xf32, #tpu.memory_space<vmem>>, vector<16x128xf32>
      %dot_general3A_137 = arith.constant dense<0.000000e+00> : vector<1x128xf32>
      %dot_general3A_138 = tpu.matmul %mul3A_128, %get3A_136, %dot_general3A_137 {dimension_numbers = #tpu.dot_dimension_numbers<[1], [0], [0], [1], [0, 0, 1, 1], [], []>, transpose_lhs_hint = false} : vector<1x16xf32>, vector<16x128xf32>, vector<1x128xf32> -> vector<1x128xf32>
      %add3A_139 = arith.addf %dot_general3A_133, %dot_general3A_138 : vector<1x128xf32>
      %get3A_140 = arith.constant 0 : index
      %get3A_141 = arith.constant 0 : index
      %get3A_142 = vector.load %arg10[%get3A_140, %get3A_141] : memref<1x128xf32, #tpu.memory_space<vmem>>, vector<1x128xf32>
      %get3A_143 = arith.constant 0 : index
      %get3A_144 = arith.constant 0 : index
      %get3A_145 = vector.load %arg14[%get3A_143, %get3A_144] : memref<128x128xf32, #tpu.memory_space<vmem>>, vector<128x128xf32>
      %dot_general3A_146 = arith.constant dense<0.000000e+00> : vector<1x128xf32>
      %dot_general3A_147 = tpu.matmul %get3A_142, %get3A_145, %dot_general3A_146 {dimension_numbers = #tpu.dot_dimension_numbers<[1], [0], [0], [1], [0, 0, 1, 1], [], []>, transpose_lhs_hint = false} : vector<1x128xf32>, vector<128x128xf32>, vector<1x128xf32> -> vector<1x128xf32>
      %add3A_148 = arith.addf %add3A_139, %dot_general3A_147 : vector<1x128xf32>
      %get3A_149 = arith.constant 0 : index
      %get3A_150 = arith.constant 0 : index
      %get3A_151 = vector.load %arg11[%get3A_149, %get3A_150] : memref<1x16xf32, #tpu.memory_space<vmem>>, vector<1x16xf32>
      %get3A_152 = arith.constant 0 : index
      %get3A_153 = arith.constant 0 : index
      %get3A_154 = vector.load %arg15[%get3A_152, %get3A_153] : memref<16x128xf32, #tpu.memory_space<vmem>>, vector<16x128xf32>
      %dot_general3A_155 = arith.constant dense<0.000000e+00> : vector<1x128xf32>
      %dot_general3A_156 = tpu.matmul %get3A_151, %get3A_154, %dot_general3A_155 {dimension_numbers = #tpu.dot_dimension_numbers<[1], [0], [0], [1], [0, 0, 1, 1], [], []>, transpose_lhs_hint = false} : vector<1x16xf32>, vector<16x128xf32>, vector<1x128xf32> -> vector<1x128xf32>
      %add3A_157 = arith.addf %add3A_148, %dot_general3A_156 : vector<1x128xf32>
      %get3A_158 = arith.constant 0 : index
      %get3A_159 = arith.constant 0 : index
      %get3A_160 = vector.load %arg16[%get3A_158, %get3A_159] : memref<1x128xf32, #tpu.memory_space<vmem>>, vector<1x128xf32>
      %add3A_161 = arith.addf %add3A_157, %get3A_160 : vector<1x128xf32>
      %max3A_162 = arith.constant 0.000000e+00 : f32
      %max3A_163 = vector.broadcast %max3A_162 : f32 to vector<1x128xf32>
      %max3A_164 = arith.maximumf %add3A_161, %max3A_163 : vector<1x128xf32>
      %get3A_165 = arith.constant 0 : index
      %get3A_166 = arith.constant 0 : index
      %get3A_167 = vector.load %arg17[%get3A_165, %get3A_166] : memref<128x128xf32, #tpu.memory_space<vmem>>, vector<128x128xf32>
      %dot_general3A_168 = arith.constant dense<0.000000e+00> : vector<1x128xf32>
      %dot_general3A_169 = tpu.matmul %max3A_164, %get3A_167, %dot_general3A_168 {dimension_numbers = #tpu.dot_dimension_numbers<[1], [0], [0], [1], [0, 0, 1, 1], [], []>, transpose_lhs_hint = false} : vector<1x128xf32>, vector<128x128xf32>, vector<1x128xf32> -> vector<1x128xf32>
      %get3A_170 = arith.constant 0 : index
      %get3A_171 = arith.constant 0 : index
      %get3A_172 = vector.load %arg18[%get3A_170, %get3A_171] : memref<1x128xf32, #tpu.memory_space<vmem>>, vector<1x128xf32>
      %add3A_173 = arith.addf %dot_general3A_169, %get3A_172 : vector<1x128xf32>
      %get3A_174 = arith.constant 0 : index
      %get3A_175 = arith.constant 0 : index
      %get3A_176 = vector.load %arg26[%get3A_174, %get3A_175] : memref<128x128xf32, #tpu.memory_space<vmem>>, vector<128x128xf32>
      %get3A_177 = arith.constant 0 : index
      %get3A_178 = arith.constant 0 : index
      %get3A_179 = vector.load %arg27[%get3A_177, %get3A_178] : memref<128x128xf32, #tpu.memory_space<vmem>>, vector<128x128xf32>
      %get3A_180 = arith.constant 0 : index
      %get3A_181 = arith.constant 0 : index
      %get3A_182 = vector.load %arg28[%get3A_180, %get3A_181] : memref<128x128xf32, #tpu.memory_space<vmem>>, vector<128x128xf32>
      %get3A_183 = arith.constant 0 : index
      %get3A_184 = arith.constant 0 : index
      %get3A_185 = vector.load %arg29[%get3A_183, %get3A_184] : memref<1x128xf32, #tpu.memory_space<vmem>>, vector<1x128xf32>
      %get3A_186 = arith.constant 0 : index
      %get3A_187 = arith.constant 0 : index
      %get3A_188 = vector.load %arg30[%get3A_186, %get3A_187] : memref<1x128xf32, #tpu.memory_space<vmem>>, vector<1x128xf32>
      %get3A_189 = arith.constant 0 : index
      %get3A_190 = arith.constant 0 : index
      %get3A_191 = vector.load %arg31[%get3A_189, %get3A_190] : memref<1x128xf32, #tpu.memory_space<vmem>>, vector<1x128xf32>
      %get3A_192 = arith.constant 0 : index
      %get3A_193 = arith.constant 0 : index
      %get3A_194 = vector.load %arg32[%get3A_192, %get3A_193] : memref<1x128xf32, #tpu.memory_space<vmem>>, vector<1x128xf32>
      %dot_general3A_195 = arith.constant dense<0.000000e+00> : vector<1x128xf32>
      %dot_general3A_196 = tpu.matmul %add3A_173, %get3A_176, %dot_general3A_195 {dimension_numbers = #tpu.dot_dimension_numbers<[1], [0], [0], [1], [0, 0, 1, 1], [], []>, transpose_lhs_hint = false} : vector<1x128xf32>, vector<128x128xf32>, vector<1x128xf32> -> vector<1x128xf32>
      %add3A_197 = arith.addf %dot_general3A_196, %get3A_185 : vector<1x128xf32>
      %logistic3A_198 = arith.negf %add3A_197 : vector<1x128xf32>
      %logistic3A_199 = math.exp %logistic3A_198 : vector<1x128xf32>
      %logistic3A_200 = arith.constant 1.000000e+00 : f32
      %logistic3A_201 = vector.broadcast %logistic3A_200 : f32 to vector<1x128xf32>
      %logistic3A_202 = arith.addf %logistic3A_201, %logistic3A_199 : vector<1x128xf32>
      %logistic3A_203 = arith.divf %logistic3A_201, %logistic3A_202 : vector<1x128xf32>
      %dot_general3A_204 = arith.constant dense<0.000000e+00> : vector<1x128xf32>
      %dot_general3A_205 = tpu.matmul %add3A_173, %get3A_179, %dot_general3A_204 {dimension_numbers = #tpu.dot_dimension_numbers<[1], [0], [0], [1], [0, 0, 1, 1], [], []>, transpose_lhs_hint = false} : vector<1x128xf32>, vector<128x128xf32>, vector<1x128xf32> -> vector<1x128xf32>
      %add3A_206 = arith.addf %dot_general3A_205, %get3A_188 : vector<1x128xf32>
      %logistic3A_207 = arith.negf %add3A_206 : vector<1x128xf32>
      %logistic3A_208 = math.exp %logistic3A_207 : vector<1x128xf32>
      %logistic3A_209 = arith.constant 1.000000e+00 : f32
      %logistic3A_210 = vector.broadcast %logistic3A_209 : f32 to vector<1x128xf32>
      %logistic3A_211 = arith.addf %logistic3A_210, %logistic3A_208 : vector<1x128xf32>
      %logistic3A_212 = arith.divf %logistic3A_210, %logistic3A_211 : vector<1x128xf32>
      %dot_general3A_213 = arith.constant dense<0.000000e+00> : vector<1x128xf32>
      %dot_general3A_214 = tpu.matmul %add3A_173, %get3A_182, %dot_general3A_213 {dimension_numbers = #tpu.dot_dimension_numbers<[1], [0], [0], [1], [0, 0, 1, 1], [], []>, transpose_lhs_hint = false} : vector<1x128xf32>, vector<128x128xf32>, vector<1x128xf32> -> vector<1x128xf32>
      %add3A_215 = arith.addf %dot_general3A_214, %get3A_191 : vector<1x128xf32>
      %mul3A_216 = arith.mulf %logistic3A_203, %get3A_194 : vector<1x128xf32>
      %add3A_217 = arith.addf %add3A_215, %mul3A_216 : vector<1x128xf32>
      %tanh3A_218 = math.tanh %add3A_217 : vector<1x128xf32>
      %sub3A_219 = arith.constant 1.000000e+00 : f32
      %sub3A_220 = vector.broadcast %sub3A_219 : f32 to vector<1x128xf32>
      %sub3A_221 = arith.subf %sub3A_220, %logistic3A_212 : vector<1x128xf32>
      %mul3A_222 = arith.mulf %sub3A_221, %tanh3A_218 : vector<1x128xf32>
      %swap3A_223 = arith.constant 0 : index
      %swap3A_224 = arith.constant 0 : index
      %swap3A_225 = vector.load %arg44[%swap3A_223, %swap3A_224] : memref<1x128xf32, #tpu.memory_space<vmem>>, vector<1x128xf32>
      tpu.vector_store %arg44[%swap3A_223, %swap3A_224], %mul3A_222 {strides = array<i32>} : memref<1x128xf32, #tpu.memory_space<vmem>>, vector<1x128xf32>,
      %get3A_226 = arith.constant 0 : index
      %get3A_227 = arith.constant 0 : index
      %get3A_228 = vector.load %arg11[%get3A_226, %get3A_227] : memref<1x16xf32, #tpu.memory_space<vmem>>, vector<1x16xf32>
      %get3A_229 = arith.constant 0 : index
      %get3A_230 = arith.constant 0 : index
      %get3A_231 = vector.load %arg35[%get3A_229, %get3A_230] : memref<128x128xf32, #tpu.memory_space<vmem>>, vector<128x128xf32>
      %dot_general3A_232 = arith.constant dense<0.000000e+00> : vector<1x128xf32>
      %dot_general3A_233 = tpu.matmul %mul3A_222, %get3A_231, %dot_general3A_232 {dimension_numbers = #tpu.dot_dimension_numbers<[1], [0], [0], [1], [0, 0, 1, 1], [], []>, transpose_lhs_hint = false} : vector<1x128xf32>, vector<128x128xf32>, vector<1x128xf32> -> vector<1x128xf32>
      %get3A_234 = arith.constant 0 : index
      %get3A_235 = arith.constant 0 : index
      %get3A_236 = vector.load %arg36[%get3A_234, %get3A_235] : memref<16x128xf32, #tpu.memory_space<vmem>>, vector<16x128xf32>
      %dot_general3A_237 = arith.constant dense<0.000000e+00> : vector<1x128xf32>
      %dot_general3A_238 = tpu.matmul %get3A_228, %get3A_236, %dot_general3A_237 {dimension_numbers = #tpu.dot_dimension_numbers<[1], [0], [0], [1], [0, 0, 1, 1], [], []>, transpose_lhs_hint = false} : vector<1x16xf32>, vector<16x128xf32>, vector<1x128xf32> -> vector<1x128xf32>
      %add3A_239 = arith.addf %dot_general3A_233, %dot_general3A_238 : vector<1x128xf32>
      %get3A_240 = arith.constant 0 : index
      %get3A_241 = arith.constant 0 : index
      %get3A_242 = vector.load %arg37[%get3A_240, %get3A_241] : memref<1x128xf32, #tpu.memory_space<vmem>>, vector<1x128xf32>
      %add3A_243 = arith.addf %add3A_239, %get3A_242 : vector<1x128xf32>
      %swap3A_244 = arith.constant 0 : index
      %swap3A_245 = arith.constant 0 : index
      %swap3A_246 = vector.load %arg45[%swap3A_244, %swap3A_245] : memref<1x128xf32, #tpu.memory_space<vmem>>, vector<1x128xf32>
      tpu.vector_store %arg45[%swap3A_244, %swap3A_245], %add3A_243 {strides = array<i32>} : memref<1x128xf32, #tpu.memory_space<vmem>>, vector<1x128xf32>,
      %get3A_247 = arith.constant 0 : index
      %get3A_248 = arith.constant 0 : index
      %get3A_249 = vector.load %arg38[%get3A_247, %get3A_248] : memref<128x128xf32, #tpu.memory_space<vmem>>, vector<128x128xf32>
      %dot_general3A_250 = arith.constant dense<0.000000e+00> : vector<1x128xf32>
      %dot_general3A_251 = tpu.matmul %mul3A_222, %get3A_249, %dot_general3A_250 {dimension_numbers = #tpu.dot_dimension_numbers<[1], [0], [0], [1], [0, 0, 1, 1], [], []>, transpose_lhs_hint = false} : vector<1x128xf32>, vector<128x128xf32>, vector<1x128xf32> -> vector<1x128xf32>
      %get3A_252 = arith.constant 0 : index
      %get3A_253 = arith.constant 0 : index
      %get3A_254 = vector.load %arg39[%get3A_252, %get3A_253] : memref<16x128xf32, #tpu.memory_space<vmem>>, vector<16x128xf32>
      %dot_general3A_255 = arith.constant dense<0.000000e+00> : vector<1x128xf32>
      %dot_general3A_256 = tpu.matmul %get3A_228, %get3A_254, %dot_general3A_255 {dimension_numbers = #tpu.dot_dimension_numbers<[1], [0], [0], [1], [0, 0, 1, 1], [], []>, transpose_lhs_hint = false} : vector<1x16xf32>, vector<16x128xf32>, vector<1x128xf32> -> vector<1x128xf32>
      %add3A_257 = arith.addf %dot_general3A_251, %dot_general3A_256 : vector<1x128xf32>
      %get3A_258 = arith.constant 0 : index
      %get3A_259 = arith.constant 0 : index
      %get3A_260 = vector.load %arg40[%get3A_258, %get3A_259] : memref<1x128xf32, #tpu.memory_space<vmem>>, vector<1x128xf32>
      %add3A_261 = arith.addf %add3A_257, %get3A_260 : vector<1x128xf32>
      %swap3A_262 = arith.constant 0 : index
      %swap3A_263 = arith.constant 0 : index
      %swap3A_264 = vector.load %arg46[%swap3A_262, %swap3A_263] : memref<1x128xf32, #tpu.memory_space<vmem>>, vector<1x128xf32>
      tpu.vector_store %arg46[%swap3A_262, %swap3A_263], %add3A_261 {strides = array<i32>} : memref<1x128xf32, #tpu.memory_space<vmem>>, vector<1x128xf32>,
    } else {
    }
    return
  }
  func.func @transform_0(%arg0: i32) -> (i32, i32) {
    %c0_i32 = arith.constant 0 : i32
    %c0_i32_0 = arith.constant 0 : i32
    return %arg0, %c0_i32 : i32, i32
  }
  func.func @transform_1(%arg0: i32) -> (i32, i32) {
    %c0_i32 = arith.constant 0 : i32
    %c0_i32_0 = arith.constant 0 : i32
    return %arg0, %c0_i32 : i32, i32
  }
  func.func @transform_2(%arg0: i32) -> (i32, i32) {
    %c0_i32 = arith.constant 0 : i32
    %c0_i32_0 = arith.constant 0 : i32
    return %arg0, %c0_i32 : i32, i32
  }
  func.func @transform_3(%arg0: i32) -> (i32, i32) {
    %c0_i32 = arith.constant 0 : i32
    %c0_i32_0 = arith.constant 0 : i32
    %c0_i32_1 = arith.constant 0 : i32
    return %c0_i32, %c0_i32_0 : i32, i32
  }
  func.func @transform_4(%arg0: i32) -> (i32, i32) {
    %c0_i32 = arith.constant 0 : i32
    %c0_i32_0 = arith.constant 0 : i32
    %c0_i32_1 = arith.constant 0 : i32
    return %c0_i32, %c0_i32_0 : i32, i32
  }
  func.func @transform_5(%arg0: i32) -> (i32, i32) {
    %c0_i32 = arith.constant 0 : i32
    %c0_i32_0 = arith.constant 0 : i32
    %c0_i32_1 = arith.constant 0 : i32
    return %c0_i32, %c0_i32_0 : i32, i32
  }
  func.func @transform_6(%arg0: i32) -> (i32, i32) {
    %c0_i32 = arith.constant 0 : i32
    %c0_i32_0 = arith.constant 0 : i32
    %c0_i32_1 = arith.constant 0 : i32
    return %c0_i32, %c0_i32_0 : i32, i32
  }
  func.func @transform_7(%arg0: i32) -> (i32, i32) {
    %c0_i32 = arith.constant 0 : i32
    %c0_i32_0 = arith.constant 0 : i32
    %c0_i32_1 = arith.constant 0 : i32
    return %c0_i32, %c0_i32_0 : i32, i32
  }
  func.func @transform_8(%arg0: i32) -> (i32, i32) {
    %c0_i32 = arith.constant 0 : i32
    %c0_i32_0 = arith.constant 0 : i32
    %c0_i32_1 = arith.constant 0 : i32
    return %c0_i32, %c0_i32_0 : i32, i32
  }
  func.func @transform_9(%arg0: i32) -> (i32, i32) {
    %c0_i32 = arith.constant 0 : i32
    %c0_i32_0 = arith.constant 0 : i32
    %c0_i32_1 = arith.constant 0 : i32
    return %c0_i32, %c0_i32_0 : i32, i32
  }
  func.func @transform_10(%arg0: i32) -> (i32, i32) {
    %c0_i32 = arith.constant 0 : i32
    %c0_i32_0 = arith.constant 0 : i32
    %c0_i32_1 = arith.constant 0 : i32
    return %c0_i32, %c0_i32_0 : i32, i32
  }
  func.func @transform_11(%arg0: i32) -> (i32, i32) {
    %c0_i32 = arith.constant 0 : i32
    %c0_i32_0 = arith.constant 0 : i32
    %c0_i32_1 = arith.constant 0 : i32
    return %c0_i32, %c0_i32_0 : i32, i32
  }
  func.func @transform_12(%arg0: i32) -> (i32, i32) {
    %c0_i32 = arith.constant 0 : i32
    %c0_i32_0 = arith.constant 0 : i32
    %c0_i32_1 = arith.constant 0 : i32
    return %c0_i32, %c0_i32_0 : i32, i32
  }
  func.func @transform_13(%arg0: i32) -> (i32, i32) {
    %c0_i32 = arith.constant 0 : i32
    %c0_i32_0 = arith.constant 0 : i32
    %c0_i32_1 = arith.constant 0 : i32
    return %c0_i32, %c0_i32_0 : i32, i32
  }
  func.func @transform_14(%arg0: i32) -> (i32, i32) {
    %c0_i32 = arith.constant 0 : i32
    %c0_i32_0 = arith.constant 0 : i32
    %c0_i32_1 = arith.constant 0 : i32
    return %c0_i32, %c0_i32_0 : i32, i32
  }
  func.func @transform_15(%arg0: i32) -> (i32, i32) {
    %c0_i32 = arith.constant 0 : i32
    %c0_i32_0 = arith.constant 0 : i32
    %c0_i32_1 = arith.constant 0 : i32
    return %c0_i32, %c0_i32_0 : i32, i32
  }
  func.func @transform_16(%arg0: i32) -> (i32, i32) {
    %c0_i32 = arith.constant 0 : i32
    %c0_i32_0 = arith.constant 0 : i32
    %c0_i32_1 = arith.constant 0 : i32
    return %c0_i32, %c0_i32_0 : i32, i32
  }
  func.func @transform_17(%arg0: i32) -> (i32, i32) {
    %c0_i32 = arith.constant 0 : i32
    %c0_i32_0 = arith.constant 0 : i32
    %c0_i32_1 = arith.constant 0 : i32
    return %c0_i32, %c0_i32_0 : i32, i32
  }
  func.func @transform_18(%arg0: i32) -> (i32, i32) {
    %c0_i32 = arith.constant 0 : i32
    %c0_i32_0 = arith.constant 0 : i32
    %c0_i32_1 = arith.constant 0 : i32
    return %c0_i32, %c0_i32_0 : i32, i32
  }
  func.func @transform_19(%arg0: i32) -> (i32, i32) {
    %c0_i32 = arith.constant 0 : i32
    %c0_i32_0 = arith.constant 0 : i32
    %c0_i32_1 = arith.constant 0 : i32
    return %c0_i32, %c0_i32_0 : i32, i32
  }
  func.func @transform_20(%arg0: i32) -> (i32, i32) {
    %c0_i32 = arith.constant 0 : i32
    %c0_i32_0 = arith.constant 0 : i32
    %c0_i32_1 = arith.constant 0 : i32
    return %c0_i32, %c0_i32_0 : i32, i32
  }
  func.func @transform_21(%arg0: i32) -> (i32, i32) {
    %c0_i32 = arith.constant 0 : i32
    %c0_i32_0 = arith.constant 0 : i32
    %c0_i32_1 = arith.constant 0 : i32
    return %c0_i32, %c0_i32_0 : i32, i32
  }
  func.func @transform_22(%arg0: i32) -> (i32, i32) {
    %c0_i32 = arith.constant 0 : i32
    %c0_i32_0 = arith.constant 0 : i32
    %c0_i32_1 = arith.constant 0 : i32
    return %c0_i32, %c0_i32_0 : i32, i32
  }
  func.func @transform_23(%arg0: i32) -> (i32, i32) {
    %c0_i32 = arith.constant 0 : i32
    %c0_i32_0 = arith.constant 0 : i32
    %c0_i32_1 = arith.constant 0 : i32
    return %c0_i32, %c0_i32_0 : i32, i32
  }
  func.func @transform_24(%arg0: i32) -> (i32, i32) {
    %c0_i32 = arith.constant 0 : i32
    %c0_i32_0 = arith.constant 0 : i32
    %c0_i32_1 = arith.constant 0 : i32
    return %c0_i32, %c0_i32_0 : i32, i32
  }
  func.func @transform_25(%arg0: i32) -> (i32, i32) {
    %c0_i32 = arith.constant 0 : i32
    %c0_i32_0 = arith.constant 0 : i32
    %c0_i32_1 = arith.constant 0 : i32
    return %c0_i32, %c0_i32_0 : i32, i32
  }
  func.func @transform_26(%arg0: i32) -> (i32, i32) {
    %c0_i32 = arith.constant 0 : i32
    %c0_i32_0 = arith.constant 0 : i32
    %c0_i32_1 = arith.constant 0 : i32
    return %c0_i32, %c0_i32_0 : i32, i32
  }
  func.func @transform_27(%arg0: i32) -> (i32, i32) {
    %c0_i32 = arith.constant 0 : i32
    %c0_i32_0 = arith.constant 0 : i32
    %c0_i32_1 = arith.constant 0 : i32
    return %c0_i32, %c0_i32_0 : i32, i32
  }
  func.func @transform_28(%arg0: i32) -> (i32, i32) {
    %c0_i32 = arith.constant 0 : i32
    %c0_i32_0 = arith.constant 0 : i32
    %c0_i32_1 = arith.constant 0 : i32
    return %c0_i32, %c0_i32_0 : i32, i32
  }
  func.func @transform_29(%arg0: i32) -> (i32, i32) {
    %c0_i32 = arith.constant 0 : i32
    %c0_i32_0 = arith.constant 0 : i32
    %c0_i32_1 = arith.constant 0 : i32
    return %c0_i32, %c0_i32_0 : i32, i32
  }
  func.func @transform_30(%arg0: i32) -> (i32, i32) {
    %c0_i32 = arith.constant 0 : i32
    %c0_i32_0 = arith.constant 0 : i32
    %c0_i32_1 = arith.constant 0 : i32
    return %c0_i32, %c0_i32_0 : i32, i32
  }
  func.func @transform_31(%arg0: i32) -> (i32, i32) {
    %c0_i32 = arith.constant 0 : i32
    %c0_i32_0 = arith.constant 0 : i32
    %c0_i32_1 = arith.constant 0 : i32
    return %c0_i32, %c0_i32_0 : i32, i32
  }
  func.func @transform_32(%arg0: i32) -> (i32, i32) {
    %c0_i32 = arith.constant 0 : i32
    %c0_i32_0 = arith.constant 0 : i32
    %c0_i32_1 = arith.constant 0 : i32
    return %c0_i32, %c0_i32_0 : i32, i32
  }
  func.func @transform_33(%arg0: i32) -> (i32, i32) {
    %c0_i32 = arith.constant 0 : i32
    %c0_i32_0 = arith.constant 0 : i32
    %c0_i32_1 = arith.constant 0 : i32
    return %c0_i32, %c0_i32_0 : i32, i32
  }
  func.func @transform_34(%arg0: i32) -> (i32, i32) {
    %c0_i32 = arith.constant 0 : i32
    %c0_i32_0 = arith.constant 0 : i32
    %c0_i32_1 = arith.constant 0 : i32
    return %c0_i32, %c0_i32_0 : i32, i32
  }
  func.func @transform_35(%arg0: i32) -> (i32, i32) {
    %c0_i32 = arith.constant 0 : i32
    %c0_i32_0 = arith.constant 0 : i32
    %c0_i32_1 = arith.constant 0 : i32
    return %c0_i32, %c0_i32_0 : i32, i32
  }
  func.func @transform_36(%arg0: i32) -> (i32, i32) {
    %c0_i32 = arith.constant 0 : i32
    %c0_i32_0 = arith.constant 0 : i32
    %c0_i32_1 = arith.constant 0 : i32
    return %c0_i32, %c0_i32_0 : i32, i32
  }
  func.func @transform_37(%arg0: i32) -> (i32, i32) {
    %c0_i32 = arith.constant 0 : i32
    %c0_i32_0 = arith.constant 0 : i32
    %c0_i32_1 = arith.constant 0 : i32
    return %c0_i32, %c0_i32_0 : i32, i32
  }
  func.func @transform_38(%arg0: i32) -> (i32, i32) {
    %c0_i32 = arith.constant 0 : i32
    %c0_i32_0 = arith.constant 0 : i32
    %c0_i32_1 = arith.constant 0 : i32
    return %c0_i32, %c0_i32_0 : i32, i32
  }
  func.func @transform_39(%arg0: i32) -> (i32, i32) {
    %c0_i32 = arith.constant 0 : i32
    %c0_i32_0 = arith.constant 0 : i32
    %c0_i32_1 = arith.constant 0 : i32
    return %c0_i32, %c0_i32_0 : i32, i32
  }
  func.func @transform_40(%arg0: i32) -> (i32, i32) {
    %c0_i32 = arith.constant 0 : i32
    %c0_i32_0 = arith.constant 0 : i32
    return %arg0, %c0_i32 : i32, i32
  }
  func.func @transform_41(%arg0: i32) -> (i32, i32) {
    %c0_i32 = arith.constant 0 : i32
    %c0_i32_0 = arith.constant 0 : i32
    return %arg0, %c0_i32 : i32, i32
  }
  func.func @transform_42(%arg0: i32) -> (i32, i32) {
    %c0_i32 = arith.constant 0 : i32
    %c0_i32_0 = arith.constant 0 : i32
    return %arg0, %c0_i32 : i32, i32
  }
  func.func @transform_43(%arg0: i32) -> (i32, i32) {
    %c0_i32 = arith.constant 0 : i32
    %c0_i32_0 = arith.constant 0 : i32
    %c0_i32_1 = arith.constant 0 : i32
    return %c0_i32, %c0_i32_0 : i32, i32
  }
  func.func @transform_44(%arg0: i32) -> (i32, i32) {
    %c0_i32 = arith.constant 0 : i32
    %c0_i32_0 = arith.constant 0 : i32
    %c0_i32_1 = arith.constant 0 : i32
    return %c0_i32, %c0_i32_0 : i32, i32
  }
  func.func @transform_45(%arg0: i32) -> (i32, i32) {
    %c0_i32 = arith.constant 0 : i32
    %c0_i32_0 = arith.constant 0 : i32
    %c0_i32_1 = arith.constant 0 : i32
    return %c0_i32, %c0_i32_0 : i32, i32
  }
}

module attributes {stable_mosaic.version = 14 : i64} {
  func.func @body(%arg0: i32, %arg1: memref<640x128xf32, #tpu.memory_space<vmem>>, %arg2: memref<640x128xf32, #tpu.memory_space<vmem>>, %arg3: memref<640x16xf32, #tpu.memory_space<vmem>>, %arg4: memref<640x16xf32, #tpu.memory_space<vmem>>, %arg5: memref<16x128xf32, #tpu.memory_space<vmem>>, %arg6: memref<16x128xf32, #tpu.memory_space<vmem>>, %arg7: memref<1x128xf32, #tpu.memory_space<vmem>>, %arg8: memref<128x16xf32, #tpu.memory_space<vmem>>, %arg9: memref<1x16xf32, #tpu.memory_space<vmem>>, %arg10: memref<640x16xf32, #tpu.memory_space<vmem>>, %arg11: memref<640x16xf32, #tpu.memory_space<vmem>>, %arg12: memref<640x128xf32, #tpu.memory_space<vmem>>, %arg13: memref<1x16xf32, #tpu.memory_space<vmem>>, %arg14: memref<1x16xf32, #tpu.memory_space<vmem>>) attributes {dimension_semantics = [#tpu.dimension_semantics<arbitrary>], iteration_bounds = array<i64: 256>, scalar_prefetch = 0 : i64, scratch_operands = 1 : i64, tpu.core_type = #tpu.core_type<tc>, window_params = [{transform_indices = @transform_0, window_bounds = array<i64: 640, 128>}, {transform_indices = @transform_1, window_bounds = array<i64: 640, 128>}, {transform_indices = @transform_2, window_bounds = array<i64: 640, 16>}, {transform_indices = @transform_3, window_bounds = array<i64: 640, 16>}, {pipeline_mode = #tpu.pipeline_mode<synchronous>, transform_indices = @transform_4, window_bounds = array<i64: 16, 128>}, {pipeline_mode = #tpu.pipeline_mode<synchronous>, transform_indices = @transform_5, window_bounds = array<i64: 16, 128>}, {pipeline_mode = #tpu.pipeline_mode<synchronous>, transform_indices = @transform_6, window_bounds = array<i64: 1, 128>}, {pipeline_mode = #tpu.pipeline_mode<synchronous>, transform_indices = @transform_7, window_bounds = array<i64: 128, 16>}, {pipeline_mode = #tpu.pipeline_mode<synchronous>, transform_indices = @transform_8, window_bounds = array<i64: 1, 16>}, {transform_indices = @transform_9, window_bounds = array<i64: 640, 16>}, {transform_indices = @transform_10, window_bounds = array<i64: 640, 16>}, {transform_indices = @transform_11, window_bounds = array<i64: 640, 128>}, {pipeline_mode = #tpu.pipeline_mode<synchronous>, transform_indices = @transform_12, window_bounds = array<i64: 1, 16>}]} {
    %eq3A = arith.constant 0 : i32
    %eq3A_0 = arith.cmpi eq, %arg0, %eq3A : i32
    %convert_element_type3A = arith.extui %eq3A_0 : i1 to i32
    %cond3A = arith.constant 0 : i32
    %cond3A_1 = arith.cmpi ne, %convert_element_type3A, %cond3A : i32
    scf.if %cond3A_1 {
      %broadcast_in_dim3A = arith.constant 0.000000e+00 : f32
      %broadcast_in_dim3A_15 = vector.broadcast %broadcast_in_dim3A : f32 to vector<1x16xf32>
      %swap3A = arith.constant 0 : index
      %swap3A_16 = arith.constant 0 : index
      %swap3A_17 = vector.load %arg14[%swap3A, %swap3A_16] : memref<1x16xf32, #tpu.memory_space<vmem>>, vector<1x16xf32>
      tpu.vector_store %arg14[%swap3A, %swap3A_16], %broadcast_in_dim3A_15 {strides = array<i32>} : memref<1x16xf32, #tpu.memory_space<vmem>>, vector<1x16xf32>,
    } else {
    }
    %lt3A = arith.constant 250 : i32
    %lt3A_2 = arith.cmpi slt, %arg0, %lt3A : i32
    %convert_element_type3A_3 = arith.extui %lt3A_2 : i1 to i32
    %cond3A_4 = arith.constant 0 : i32
    %cond3A_5 = arith.cmpi ne, %convert_element_type3A_3, %cond3A_4 : i32
    scf.if %cond3A_5 {
      %get3A = arith.constant 0 : index
      %get3A_15 = arith.constant 0 : index
      %get3A_16 = vector.load %arg3[%get3A, %get3A_15] : memref<640x16xf32, #tpu.memory_space<vmem>>, vector<640x16xf32>
      %get3A_17 = arith.constant 0 : index
      %get3A_18 = arith.constant 0 : index
      %get3A_19 = vector.load %arg4[%get3A_17, %get3A_18] : memref<640x16xf32, #tpu.memory_space<vmem>>, vector<640x16xf32>
      %concatenate3A = tpu.concatenate %get3A_16, %get3A_19 in 1 : vector<640x16xf32>, vector<640x16xf32> -> vector<640x32xf32>
      %get3A_20 = arith.constant 0 : index
      %get3A_21 = arith.constant 0 : index
      %get3A_22 = vector.load %arg5[%get3A_20, %get3A_21] : memref<16x128xf32, #tpu.memory_space<vmem>>, vector<16x128xf32>
      %get3A_23 = arith.constant 0 : index
      %get3A_24 = arith.constant 0 : index
      %get3A_25 = vector.load %arg6[%get3A_23, %get3A_24] : memref<16x128xf32, #tpu.memory_space<vmem>>, vector<16x128xf32>
      %concatenate3A_26 = tpu.concatenate %get3A_22, %get3A_25 in 0 : vector<16x128xf32>, vector<16x128xf32> -> vector<32x128xf32>
      %get3A_27 = arith.constant 0 : index
      %get3A_28 = arith.constant 0 : index
      %get3A_29 = vector.load %arg1[%get3A_27, %get3A_28] : memref<640x128xf32, #tpu.memory_space<vmem>>, vector<640x128xf32>
      %get3A_30 = arith.constant 0 : index
      %get3A_31 = arith.constant 0 : index
      %get3A_32 = vector.load %arg2[%get3A_30, %get3A_31] : memref<640x128xf32, #tpu.memory_space<vmem>>, vector<640x128xf32>
      %add3A = arith.addf %get3A_29, %get3A_32 : vector<640x128xf32>
      %convert_element_type3A_33 = arith.truncf %concatenate3A : vector<640x32xf32> to vector<640x32xbf16>
      %convert_element_type3A_34 = arith.truncf %concatenate3A_26 : vector<32x128xf32> to vector<32x128xbf16>
      %dot_general3A = arith.constant dense<0.000000e+00> : vector<640x128xf32>
      %dot_general3A_35 = tpu.matmul %convert_element_type3A_33, %convert_element_type3A_34, %dot_general3A {dimension_numbers = #tpu.dot_dimension_numbers<[1], [0], [0], [1], [0, 0, 1, 1], [], []>, transpose_lhs_hint = false} : vector<640x32xbf16>, vector<32x128xbf16>, vector<640x128xf32> -> vector<640x128xf32>
      %add3A_36 = arith.addf %add3A, %dot_general3A_35 : vector<640x128xf32>
      %get3A_37 = arith.constant 0 : index
      %get3A_38 = arith.constant 0 : index
      %get3A_39 = vector.load %arg7[%get3A_37, %get3A_38] : memref<1x128xf32, #tpu.memory_space<vmem>>, vector<1x128xf32>
      %add3A_40 = vector.broadcast %get3A_39 : vector<1x128xf32> to vector<640x128xf32>
      %add3A_41 = arith.addf %add3A_36, %add3A_40 : vector<640x128xf32>
      %max3A = arith.constant 0.000000e+00 : f32
      %max3A_42 = vector.broadcast %max3A : f32 to vector<640x128xf32>
      %max3A_43 = arith.maximumf %add3A_41, %max3A_42 : vector<640x128xf32>
      %get3A_44 = arith.constant 0 : index
      %get3A_45 = arith.constant 0 : index
      %get3A_46 = vector.load %arg8[%get3A_44, %get3A_45] : memref<128x16xf32, #tpu.memory_space<vmem>>, vector<128x16xf32>
      %convert_element_type3A_47 = arith.truncf %max3A_43 : vector<640x128xf32> to vector<640x128xbf16>
      %convert_element_type3A_48 = arith.truncf %get3A_46 : vector<128x16xf32> to vector<128x16xbf16>
      %dot_general3A_49 = arith.constant dense<0.000000e+00> : vector<640x16xf32>
      %dot_general3A_50 = tpu.matmul %convert_element_type3A_47, %convert_element_type3A_48, %dot_general3A_49 {dimension_numbers = #tpu.dot_dimension_numbers<[1], [0], [0], [1], [0, 0, 1, 1], [], []>, transpose_lhs_hint = false} : vector<640x128xbf16>, vector<128x16xbf16>, vector<640x16xf32> -> vector<640x16xf32>
      %get3A_51 = arith.constant 0 : index
      %get3A_52 = arith.constant 0 : index
      %get3A_53 = vector.load %arg9[%get3A_51, %get3A_52] : memref<1x16xf32, #tpu.memory_space<vmem>>, vector<1x16xf32>
      %add3A_54 = vector.broadcast %get3A_53 : vector<1x16xf32> to vector<640x16xf32>
      %add3A_55 = arith.addf %dot_general3A_50, %add3A_54 : vector<640x16xf32>
      %swap3A = arith.constant 0 : index
      %swap3A_56 = arith.constant 0 : index
      %swap3A_57 = vector.load %arg12[%swap3A, %swap3A_56] : memref<640x128xf32, #tpu.memory_space<vmem>>, vector<640x128xf32>
      tpu.vector_store %arg12[%swap3A, %swap3A_56], %max3A_43 {strides = array<i32>} : memref<640x128xf32, #tpu.memory_space<vmem>>, vector<640x128xf32>,
      %get3A_58 = arith.constant 0 : index
      %get3A_59 = arith.constant 0 : index
      %get3A_60 = vector.load %arg10[%get3A_58, %get3A_59] : memref<640x16xf32, #tpu.memory_space<vmem>>, vector<640x16xf32>
      %add3A_61 = arith.addf %get3A_60, %add3A_55 : vector<640x16xf32>
      %swap3A_62 = arith.constant 0 : index
      %swap3A_63 = arith.constant 0 : index
      %swap3A_64 = vector.load %arg11[%swap3A_62, %swap3A_63] : memref<640x16xf32, #tpu.memory_space<vmem>>, vector<640x16xf32>
      tpu.vector_store %arg11[%swap3A_62, %swap3A_63], %add3A_61 {strides = array<i32>} : memref<640x16xf32, #tpu.memory_space<vmem>>, vector<640x16xf32>,
      %get3A_65 = arith.constant 0 : index
      %get3A_66 = arith.constant 0 : index
      %get3A_67 = vector.load %arg14[%get3A_65, %get3A_66] : memref<1x16xf32, #tpu.memory_space<vmem>>, vector<1x16xf32>
      %reduce_sum3A = arith.constant dense<0.000000e+00> : vector<16xf32>
      %reduce_sum3A_68 = vector.multi_reduction <add>, %add3A_55, %reduce_sum3A [0] : vector<640x16xf32> to vector<16xf32>
      %broadcast_in_dim3A = vector.shape_cast %reduce_sum3A_68 : vector<16xf32> to vector<1x16xf32>
      %add3A_69 = arith.addf %get3A_67, %broadcast_in_dim3A : vector<1x16xf32>
      %swap3A_70 = arith.constant 0 : index
      %swap3A_71 = arith.constant 0 : index
      %swap3A_72 = vector.load %arg14[%swap3A_70, %swap3A_71] : memref<1x16xf32, #tpu.memory_space<vmem>>, vector<1x16xf32>
      tpu.vector_store %arg14[%swap3A_70, %swap3A_71], %add3A_69 {strides = array<i32>} : memref<1x16xf32, #tpu.memory_space<vmem>>, vector<1x16xf32>,
    } else {
    }
    %ge3A = arith.constant 250 : i32
    %ge3A_6 = arith.cmpi sge, %arg0, %ge3A : i32
    %convert_element_type3A_7 = arith.extui %ge3A_6 : i1 to i32
    %cond3A_8 = arith.constant 0 : i32
    %cond3A_9 = arith.cmpi ne, %convert_element_type3A_7, %cond3A_8 : i32
    scf.if %cond3A_9 {
      %broadcast_in_dim3A = arith.constant 0.000000e+00 : f32
      %broadcast_in_dim3A_15 = vector.broadcast %broadcast_in_dim3A : f32 to vector<640x128xf32>
      %swap3A = arith.constant 0 : index
      %swap3A_16 = arith.constant 0 : index
      %swap3A_17 = vector.load %arg12[%swap3A, %swap3A_16] : memref<640x128xf32, #tpu.memory_space<vmem>>, vector<640x128xf32>
      tpu.vector_store %arg12[%swap3A, %swap3A_16], %broadcast_in_dim3A_15 {strides = array<i32>} : memref<640x128xf32, #tpu.memory_space<vmem>>, vector<640x128xf32>,
      %broadcast_in_dim3A_18 = arith.constant 0.000000e+00 : f32
      %broadcast_in_dim3A_19 = vector.broadcast %broadcast_in_dim3A_18 : f32 to vector<640x16xf32>
      %swap3A_20 = arith.constant 0 : index
      %swap3A_21 = arith.constant 0 : index
      %swap3A_22 = vector.load %arg11[%swap3A_20, %swap3A_21] : memref<640x16xf32, #tpu.memory_space<vmem>>, vector<640x16xf32>
      tpu.vector_store %arg11[%swap3A_20, %swap3A_21], %broadcast_in_dim3A_19 {strides = array<i32>} : memref<640x16xf32, #tpu.memory_space<vmem>>, vector<640x16xf32>,
    } else {
    }
    %eq3A_10 = arith.constant 255 : i32
    %eq3A_11 = arith.cmpi eq, %arg0, %eq3A_10 : i32
    %convert_element_type3A_12 = arith.extui %eq3A_11 : i1 to i32
    %cond3A_13 = arith.constant 0 : i32
    %cond3A_14 = arith.cmpi ne, %convert_element_type3A_12, %cond3A_13 : i32
    scf.if %cond3A_14 {
      %get3A = arith.constant 0 : index
      %get3A_15 = arith.constant 0 : index
      %get3A_16 = vector.load %arg14[%get3A, %get3A_15] : memref<1x16xf32, #tpu.memory_space<vmem>>, vector<1x16xf32>
      %swap3A = arith.constant 0 : index
      %swap3A_17 = arith.constant 0 : index
      %swap3A_18 = vector.load %arg13[%swap3A, %swap3A_17] : memref<1x16xf32, #tpu.memory_space<vmem>>, vector<1x16xf32>
      tpu.vector_store %arg13[%swap3A, %swap3A_17], %get3A_16 {strides = array<i32>} : memref<1x16xf32, #tpu.memory_space<vmem>>, vector<1x16xf32>,
    } else {
    }
    return
  }
  func.func @transform_0(%arg0: i32) -> (i32, i32) {
    %c0_i32 = arith.constant 0 : i32
    %c0_i32_0 = arith.constant 0 : i32
    return %arg0, %c0_i32 : i32, i32
  }
  func.func @transform_1(%arg0: i32) -> (i32, i32) {
    %c0_i32 = arith.constant 0 : i32
    %c0_i32_0 = arith.constant 0 : i32
    return %arg0, %c0_i32 : i32, i32
  }
  func.func @transform_2(%arg0: i32) -> (i32, i32) {
    %c0_i32 = arith.constant 0 : i32
    %c0_i32_0 = arith.constant 0 : i32
    return %arg0, %c0_i32 : i32, i32
  }
  func.func @transform_3(%arg0: i32) -> (i32, i32) {
    %min3A = arith.constant 249 : i32
    %min3A_0 = arith.minsi %arg0, %min3A : i32
    %c0_i32 = arith.constant 0 : i32
    %c0_i32_1 = arith.constant 0 : i32
    return %min3A_0, %c0_i32 : i32, i32
  }
  func.func @transform_4(%arg0: i32) -> (i32, i32) {
    %c0_i32 = arith.constant 0 : i32
    %c0_i32_0 = arith.constant 0 : i32
    %c0_i32_1 = arith.constant 0 : i32
    return %c0_i32, %c0_i32_0 : i32, i32
  }
  func.func @transform_5(%arg0: i32) -> (i32, i32) {
    %c0_i32 = arith.constant 0 : i32
    %c0_i32_0 = arith.constant 0 : i32
    %c0_i32_1 = arith.constant 0 : i32
    return %c0_i32, %c0_i32_0 : i32, i32
  }
  func.func @transform_6(%arg0: i32) -> (i32, i32) {
    %c0_i32 = arith.constant 0 : i32
    %c0_i32_0 = arith.constant 0 : i32
    %c0_i32_1 = arith.constant 0 : i32
    return %c0_i32, %c0_i32_0 : i32, i32
  }
  func.func @transform_7(%arg0: i32) -> (i32, i32) {
    %c0_i32 = arith.constant 0 : i32
    %c0_i32_0 = arith.constant 0 : i32
    %c0_i32_1 = arith.constant 0 : i32
    return %c0_i32, %c0_i32_0 : i32, i32
  }
  func.func @transform_8(%arg0: i32) -> (i32, i32) {
    %c0_i32 = arith.constant 0 : i32
    %c0_i32_0 = arith.constant 0 : i32
    %c0_i32_1 = arith.constant 0 : i32
    return %c0_i32, %c0_i32_0 : i32, i32
  }
  func.func @transform_9(%arg0: i32) -> (i32, i32) {
    %min3A = arith.constant 249 : i32
    %min3A_0 = arith.minsi %arg0, %min3A : i32
    %c0_i32 = arith.constant 0 : i32
    %c0_i32_1 = arith.constant 0 : i32
    return %min3A_0, %c0_i32 : i32, i32
  }
  func.func @transform_10(%arg0: i32) -> (i32, i32) {
    %c0_i32 = arith.constant 0 : i32
    %c0_i32_0 = arith.constant 0 : i32
    return %arg0, %c0_i32 : i32, i32
  }
  func.func @transform_11(%arg0: i32) -> (i32, i32) {
    %c0_i32 = arith.constant 0 : i32
    %c0_i32_0 = arith.constant 0 : i32
    return %arg0, %c0_i32 : i32, i32
  }
  func.func @transform_12(%arg0: i32) -> (i32, i32) {
    %c0_i32 = arith.constant 0 : i32
    %c0_i32_0 = arith.constant 0 : i32
    %c0_i32_1 = arith.constant 0 : i32
    return %c0_i32, %c0_i32_0 : i32, i32
  }
}

module attributes {stable_mosaic.version = 14 : i64} {
  func.func @body(%arg0: i32, %arg1: memref<1000x128xf32, #tpu.memory_space<vmem>>, %arg2: memref<1000x128xf32, #tpu.memory_space<vmem>>, %arg3: memref<1000x128xf32, #tpu.memory_space<vmem>>, %arg4: memref<1x128xf32, #tpu.memory_space<vmem>>, %arg5: memref<128x128xf32, #tpu.memory_space<vmem>>, %arg6: memref<16x128xf32, #tpu.memory_space<vmem>>, %arg7: memref<128x128xf32, #tpu.memory_space<vmem>>, %arg8: memref<1x128xf32, #tpu.memory_space<vmem>>, %arg9: memref<1000x1xf32, #tpu.memory_space<vmem>>, %arg10: memref<128x16xf32, #tpu.memory_space<vmem>>, %arg11: memref<1x16xf32, #tpu.memory_space<vmem>>, %arg12: memref<1x16xf32, #tpu.memory_space<vmem>>, %arg13: memref<1x128xf32, #tpu.memory_space<vmem>>, %arg14: memref<1x16xf32, #tpu.memory_space<vmem>>, %arg15: memref<128x128xf32, #tpu.memory_space<vmem>>, %arg16: memref<16x128xf32, #tpu.memory_space<vmem>>, %arg17: memref<128x128xf32, #tpu.memory_space<vmem>>, %arg18: memref<16x128xf32, #tpu.memory_space<vmem>>, %arg19: memref<1x128xf32, #tpu.memory_space<vmem>>, %arg20: memref<128x128xf32, #tpu.memory_space<vmem>>, %arg21: memref<1x128xf32, #tpu.memory_space<vmem>>, %arg22: memref<1000x128xf32, #tpu.memory_space<vmem>>, %arg23: memref<1x128xf32, #tpu.memory_space<vmem>>, %arg24: memref<1000x128xf32, #tpu.memory_space<vmem>>, %arg25: memref<1x128xf32, #tpu.memory_space<vmem>>, %arg26: memref<1x128xf32, #tpu.memory_space<vmem>>) attributes {dimension_semantics = [#tpu.dimension_semantics<arbitrary>], iteration_bounds = array<i64: 10>, scalar_prefetch = 0 : i64, scratch_operands = 1 : i64, tpu.core_type = #tpu.core_type<tc>, window_params = [{transform_indices = @transform_0, window_bounds = array<i64: 1000, 128>}, {transform_indices = @transform_1, window_bounds = array<i64: 1000, 128>}, {transform_indices = @transform_2, window_bounds = array<i64: 1000, 128>}, {pipeline_mode = #tpu.pipeline_mode<synchronous>, transform_indices = @transform_3, window_bounds = array<i64: 1, 128>}, {pipeline_mode = #tpu.pipeline_mode<synchronous>, transform_indices = @transform_4, window_bounds = array<i64: 128, 128>}, {pipeline_mode = #tpu.pipeline_mode<synchronous>, transform_indices = @transform_5, window_bounds = array<i64: 16, 128>}, {pipeline_mode = #tpu.pipeline_mode<synchronous>, transform_indices = @transform_6, window_bounds = array<i64: 128, 128>}, {pipeline_mode = #tpu.pipeline_mode<synchronous>, transform_indices = @transform_7, window_bounds = array<i64: 1, 128>}, {transform_indices = @transform_8, window_bounds = array<i64: 1000, 1>}, {pipeline_mode = #tpu.pipeline_mode<synchronous>, transform_indices = @transform_9, window_bounds = array<i64: 128, 16>}, {pipeline_mode = #tpu.pipeline_mode<synchronous>, transform_indices = @transform_10, window_bounds = array<i64: 1, 16>}, {pipeline_mode = #tpu.pipeline_mode<synchronous>, transform_indices = @transform_11, window_bounds = array<i64: 1, 16>}, {pipeline_mode = #tpu.pipeline_mode<synchronous>, transform_indices = @transform_12, window_bounds = array<i64: 1, 128>}, {pipeline_mode = #tpu.pipeline_mode<synchronous>, transform_indices = @transform_13, window_bounds = array<i64: 1, 16>}, {pipeline_mode = #tpu.pipeline_mode<synchronous>, transform_indices = @transform_14, window_bounds = array<i64: 128, 128>}, {pipeline_mode = #tpu.pipeline_mode<synchronous>, transform_indices = @transform_15, window_bounds = array<i64: 16, 128>}, {pipeline_mode = #tpu.pipeline_mode<synchronous>, transform_indices = @transform_16, window_bounds = array<i64: 128, 128>}, {pipeline_mode = #tpu.pipeline_mode<synchronous>, transform_indices = @transform_17, window_bounds = array<i64: 16, 128>}, {pipeline_mode = #tpu.pipeline_mode<synchronous>, transform_indices = @transform_18, window_bounds = array<i64: 1, 128>}, {pipeline_mode = #tpu.pipeline_mode<synchronous>, transform_indices = @transform_19, window_bounds = array<i64: 128, 128>}, {pipeline_mode = #tpu.pipeline_mode<synchronous>, transform_indices = @transform_20, window_bounds = array<i64: 1, 128>}, {transform_indices = @transform_21, window_bounds = array<i64: 1000, 128>}, {pipeline_mode = #tpu.pipeline_mode<synchronous>, transform_indices = @transform_22, window_bounds = array<i64: 1, 128>}, {transform_indices = @transform_23, window_bounds = array<i64: 1000, 128>}, {pipeline_mode = #tpu.pipeline_mode<synchronous>, transform_indices = @transform_24, window_bounds = array<i64: 1, 128>}]} {
    %eq3A = arith.constant 0 : i32
    %eq3A_0 = arith.cmpi eq, %arg0, %eq3A : i32
    %convert_element_type3A = arith.extui %eq3A_0 : i1 to i32
    %cond3A = arith.constant 0 : i32
    %cond3A_1 = arith.cmpi ne, %convert_element_type3A, %cond3A : i32
    scf.if %cond3A_1 {
      %broadcast_in_dim3A_70 = arith.constant 0.000000e+00 : f32
      %broadcast_in_dim3A_71 = vector.broadcast %broadcast_in_dim3A_70 : f32 to vector<1x128xf32>
      %swap3A_72 = arith.constant 0 : index
      %swap3A_73 = arith.constant 0 : index
      %swap3A_74 = vector.load %arg26[%swap3A_72, %swap3A_73] : memref<1x128xf32, #tpu.memory_space<vmem>>, vector<1x128xf32>
      tpu.vector_store %arg26[%swap3A_72, %swap3A_73], %broadcast_in_dim3A_71 {strides = array<i32>} : memref<1x128xf32, #tpu.memory_space<vmem>>, vector<1x128xf32>,
    } else {
    }
    %get3A = arith.constant 0 : index
    %get3A_2 = arith.constant 0 : index
    %get3A_3 = vector.load %arg2[%get3A, %get3A_2] : memref<1000x128xf32, #tpu.memory_space<vmem>>, vector<1000x128xf32>
    %get3A_4 = arith.constant 0 : index
    %get3A_5 = arith.constant 0 : index
    %get3A_6 = vector.load %arg3[%get3A_4, %get3A_5] : memref<1000x128xf32, #tpu.memory_space<vmem>>, vector<1000x128xf32>
    %add3A = arith.addf %get3A_3, %get3A_6 : vector<1000x128xf32>
    %get3A_7 = arith.constant 0 : index
    %get3A_8 = arith.constant 0 : index
    %get3A_9 = vector.load %arg10[%get3A_7, %get3A_8] : memref<128x16xf32, #tpu.memory_space<vmem>>, vector<128x16xf32>
    %dot_general3A = arith.constant dense<0.000000e+00> : vector<1000x16xf32>
    %dot_general3A_10 = tpu.matmul %add3A, %get3A_9, %dot_general3A {dimension_numbers = #tpu.dot_dimension_numbers<[1], [0], [0], [1], [0, 0, 1, 1], [], []>, transpose_lhs_hint = false} : vector<1000x128xf32>, vector<128x16xf32>, vector<1000x16xf32> -> vector<1000x16xf32>
    %get3A_11 = arith.constant 0 : index
    %get3A_12 = arith.constant 0 : index
    %get3A_13 = vector.load %arg9[%get3A_11, %get3A_12] : memref<1000x1xf32, #tpu.memory_space<vmem>>, vector<1000x1xf32>
    %get3A_14 = arith.constant 0 : index
    %get3A_15 = arith.constant 0 : index
    %get3A_16 = vector.load %arg11[%get3A_14, %get3A_15] : memref<1x16xf32, #tpu.memory_space<vmem>>, vector<1x16xf32>
    %mul3A = vector.broadcast %get3A_13 : vector<1000x1xf32> to vector<1000x16xf32>
    %mul3A_17 = vector.broadcast %get3A_16 : vector<1x16xf32> to vector<1000x16xf32>
    %mul3A_18 = arith.mulf %mul3A, %mul3A_17 : vector<1000x16xf32>
    %add3A_19 = arith.addf %dot_general3A_10, %mul3A_18 : vector<1000x16xf32>
    %get3A_20 = arith.constant 0 : index
    %get3A_21 = arith.constant 0 : index
    %get3A_22 = vector.load %arg1[%get3A_20, %get3A_21] : memref<1000x128xf32, #tpu.memory_space<vmem>>, vector<1000x128xf32>
    %get3A_23 = arith.constant 0 : index
    %get3A_24 = arith.constant 0 : index
    %get3A_25 = vector.load %arg5[%get3A_23, %get3A_24] : memref<128x128xf32, #tpu.memory_space<vmem>>, vector<128x128xf32>
    %dot_general3A_26 = arith.constant dense<0.000000e+00> : vector<1000x128xf32>
    %dot_general3A_27 = tpu.matmul %get3A_22, %get3A_25, %dot_general3A_26 {dimension_numbers = #tpu.dot_dimension_numbers<[1], [0], [0], [1], [0, 0, 1, 1], [], []>, transpose_lhs_hint = false} : vector<1000x128xf32>, vector<128x128xf32>, vector<1000x128xf32> -> vector<1000x128xf32>
    %get3A_28 = arith.constant 0 : index
    %get3A_29 = arith.constant 0 : index
    %get3A_30 = vector.load %arg6[%get3A_28, %get3A_29] : memref<16x128xf32, #tpu.memory_space<vmem>>, vector<16x128xf32>
    %dot_general3A_31 = arith.constant dense<0.000000e+00> : vector<1000x128xf32>
    %dot_general3A_32 = tpu.matmul %add3A_19, %get3A_30, %dot_general3A_31 {dimension_numbers = #tpu.dot_dimension_numbers<[1], [0], [0], [1], [0, 0, 1, 1], [], []>, transpose_lhs_hint = false} : vector<1000x16xf32>, vector<16x128xf32>, vector<1000x128xf32> -> vector<1000x128xf32>
    %add3A_33 = arith.addf %dot_general3A_27, %dot_general3A_32 : vector<1000x128xf32>
    %get3A_34 = arith.constant 0 : index
    %get3A_35 = arith.constant 0 : index
    %get3A_36 = vector.load %arg4[%get3A_34, %get3A_35] : memref<1x128xf32, #tpu.memory_space<vmem>>, vector<1x128xf32>
    %add3A_37 = vector.broadcast %get3A_36 : vector<1x128xf32> to vector<1000x128xf32>
    %add3A_38 = arith.addf %add3A_33, %add3A_37 : vector<1000x128xf32>
    %max3A = arith.constant 0.000000e+00 : f32
    %max3A_39 = vector.broadcast %max3A : f32 to vector<1000x128xf32>
    %max3A_40 = arith.maximumf %add3A_38, %max3A_39 : vector<1000x128xf32>
    %get3A_41 = arith.constant 0 : index
    %get3A_42 = arith.constant 0 : index
    %get3A_43 = vector.load %arg7[%get3A_41, %get3A_42] : memref<128x128xf32, #tpu.memory_space<vmem>>, vector<128x128xf32>
    %dot_general3A_44 = arith.constant dense<0.000000e+00> : vector<1000x128xf32>
    %dot_general3A_45 = tpu.matmul %max3A_40, %get3A_43, %dot_general3A_44 {dimension_numbers = #tpu.dot_dimension_numbers<[1], [0], [0], [1], [0, 0, 1, 1], [], []>, transpose_lhs_hint = false} : vector<1000x128xf32>, vector<128x128xf32>, vector<1000x128xf32> -> vector<1000x128xf32>
    %get3A_46 = arith.constant 0 : index
    %get3A_47 = arith.constant 0 : index
    %get3A_48 = vector.load %arg8[%get3A_46, %get3A_47] : memref<1x128xf32, #tpu.memory_space<vmem>>, vector<1x128xf32>
    %add3A_49 = vector.broadcast %get3A_48 : vector<1x128xf32> to vector<1000x128xf32>
    %add3A_50 = arith.addf %dot_general3A_45, %add3A_49 : vector<1000x128xf32>
    %get3A_51 = arith.constant 0 : index
    %get3A_52 = arith.constant 0 : index
    %get3A_53 = vector.load %arg26[%get3A_51, %get3A_52] : memref<1x128xf32, #tpu.memory_space<vmem>>, vector<1x128xf32>
    %reduce_sum3A = arith.constant dense<0.000000e+00> : vector<128xf32>
    %reduce_sum3A_54 = vector.multi_reduction <add>, %add3A_50, %reduce_sum3A [0] : vector<1000x128xf32> to vector<128xf32>
    %broadcast_in_dim3A = vector.shape_cast %reduce_sum3A_54 : vector<128xf32> to vector<1x128xf32>
    %add3A_55 = arith.addf %get3A_53, %broadcast_in_dim3A : vector<1x128xf32>
    %swap3A = arith.constant 0 : index
    %swap3A_56 = arith.constant 0 : index
    %swap3A_57 = vector.load %arg26[%swap3A, %swap3A_56] : memref<1x128xf32, #tpu.memory_space<vmem>>, vector<1x128xf32>
    tpu.vector_store %arg26[%swap3A, %swap3A_56], %add3A_55 {strides = array<i32>} : memref<1x128xf32, #tpu.memory_space<vmem>>, vector<1x128xf32>,
    %get3A_58 = arith.constant 0 : index
    %get3A_59 = arith.constant 0 : index
    %get3A_60 = vector.load %arg22[%get3A_58, %get3A_59] : memref<1000x128xf32, #tpu.memory_space<vmem>>, vector<1000x128xf32>
    %add3A_61 = arith.addf %add3A_50, %get3A_60 : vector<1000x128xf32>
    %swap3A_62 = arith.constant 0 : index
    %swap3A_63 = arith.constant 0 : index
    %swap3A_64 = vector.load %arg24[%swap3A_62, %swap3A_63] : memref<1000x128xf32, #tpu.memory_space<vmem>>, vector<1000x128xf32>
    tpu.vector_store %arg24[%swap3A_62, %swap3A_63], %add3A_61 {strides = array<i32>} : memref<1000x128xf32, #tpu.memory_space<vmem>>, vector<1000x128xf32>,
    %eq3A_65 = arith.constant 9 : i32
    %eq3A_66 = arith.cmpi eq, %arg0, %eq3A_65 : i32
    %convert_element_type3A_67 = arith.extui %eq3A_66 : i1 to i32
    %cond3A_68 = arith.constant 0 : i32
    %cond3A_69 = arith.cmpi ne, %convert_element_type3A_67, %cond3A_68 : i32
    scf.if %cond3A_69 {
      %get3A_70 = arith.constant 0 : index
      %get3A_71 = arith.constant 0 : index
      %get3A_72 = vector.load %arg26[%get3A_70, %get3A_71] : memref<1x128xf32, #tpu.memory_space<vmem>>, vector<1x128xf32>
      %mul3A_73 = arith.constant 9.99999974E-5 : f32
      %mul3A_74 = vector.broadcast %mul3A_73 : f32 to vector<1x128xf32>
      %mul3A_75 = arith.mulf %get3A_72, %mul3A_74 : vector<1x128xf32>
      %get3A_76 = arith.constant 0 : index
      %get3A_77 = arith.constant 0 : index
      %get3A_78 = vector.load %arg12[%get3A_76, %get3A_77] : memref<1x16xf32, #tpu.memory_space<vmem>>, vector<1x16xf32>
      %mul3A_79 = arith.constant 6.250000e-06 : f32
      %mul3A_80 = vector.broadcast %mul3A_79 : f32 to vector<1x16xf32>
      %mul3A_81 = arith.mulf %get3A_78, %mul3A_80 : vector<1x16xf32>
      %get3A_82 = arith.constant 0 : index
      %get3A_83 = arith.constant 0 : index
      %get3A_84 = vector.load %arg15[%get3A_82, %get3A_83] : memref<128x128xf32, #tpu.memory_space<vmem>>, vector<128x128xf32>
      %dot_general3A_85 = arith.constant dense<0.000000e+00> : vector<1x128xf32>
      %dot_general3A_86 = tpu.matmul %mul3A_75, %get3A_84, %dot_general3A_85 {dimension_numbers = #tpu.dot_dimension_numbers<[1], [0], [0], [1], [0, 0, 1, 1], [], []>, transpose_lhs_hint = false} : vector<1x128xf32>, vector<128x128xf32>, vector<1x128xf32> -> vector<1x128xf32>
      %get3A_87 = arith.constant 0 : index
      %get3A_88 = arith.constant 0 : index
      %get3A_89 = vector.load %arg16[%get3A_87, %get3A_88] : memref<16x128xf32, #tpu.memory_space<vmem>>, vector<16x128xf32>
      %dot_general3A_90 = arith.constant dense<0.000000e+00> : vector<1x128xf32>
      %dot_general3A_91 = tpu.matmul %mul3A_81, %get3A_89, %dot_general3A_90 {dimension_numbers = #tpu.dot_dimension_numbers<[1], [0], [0], [1], [0, 0, 1, 1], [], []>, transpose_lhs_hint = false} : vector<1x16xf32>, vector<16x128xf32>, vector<1x128xf32> -> vector<1x128xf32>
      %add3A_92 = arith.addf %dot_general3A_86, %dot_general3A_91 : vector<1x128xf32>
      %get3A_93 = arith.constant 0 : index
      %get3A_94 = arith.constant 0 : index
      %get3A_95 = vector.load %arg13[%get3A_93, %get3A_94] : memref<1x128xf32, #tpu.memory_space<vmem>>, vector<1x128xf32>
      %get3A_96 = arith.constant 0 : index
      %get3A_97 = arith.constant 0 : index
      %get3A_98 = vector.load %arg17[%get3A_96, %get3A_97] : memref<128x128xf32, #tpu.memory_space<vmem>>, vector<128x128xf32>
      %dot_general3A_99 = arith.constant dense<0.000000e+00> : vector<1x128xf32>
      %dot_general3A_100 = tpu.matmul %get3A_95, %get3A_98, %dot_general3A_99 {dimension_numbers = #tpu.dot_dimension_numbers<[1], [0], [0], [1], [0, 0, 1, 1], [], []>, transpose_lhs_hint = false} : vector<1x128xf32>, vector<128x128xf32>, vector<1x128xf32> -> vector<1x128xf32>
      %add3A_101 = arith.addf %add3A_92, %dot_general3A_100 : vector<1x128xf32>
      %get3A_102 = arith.constant 0 : index
      %get3A_103 = arith.constant 0 : index
      %get3A_104 = vector.load %arg14[%get3A_102, %get3A_103] : memref<1x16xf32, #tpu.memory_space<vmem>>, vector<1x16xf32>
      %get3A_105 = arith.constant 0 : index
      %get3A_106 = arith.constant 0 : index
      %get3A_107 = vector.load %arg18[%get3A_105, %get3A_106] : memref<16x128xf32, #tpu.memory_space<vmem>>, vector<16x128xf32>
      %dot_general3A_108 = arith.constant dense<0.000000e+00> : vector<1x128xf32>
      %dot_general3A_109 = tpu.matmul %get3A_104, %get3A_107, %dot_general3A_108 {dimension_numbers = #tpu.dot_dimension_numbers<[1], [0], [0], [1], [0, 0, 1, 1], [], []>, transpose_lhs_hint = false} : vector<1x16xf32>, vector<16x128xf32>, vector<1x128xf32> -> vector<1x128xf32>
      %add3A_110 = arith.addf %add3A_101, %dot_general3A_109 : vector<1x128xf32>
      %get3A_111 = arith.constant 0 : index
      %get3A_112 = arith.constant 0 : index
      %get3A_113 = vector.load %arg19[%get3A_111, %get3A_112] : memref<1x128xf32, #tpu.memory_space<vmem>>, vector<1x128xf32>
      %add3A_114 = arith.addf %add3A_110, %get3A_113 : vector<1x128xf32>
      %max3A_115 = arith.constant 0.000000e+00 : f32
      %max3A_116 = vector.broadcast %max3A_115 : f32 to vector<1x128xf32>
      %max3A_117 = arith.maximumf %add3A_114, %max3A_116 : vector<1x128xf32>
      %get3A_118 = arith.constant 0 : index
      %get3A_119 = arith.constant 0 : index
      %get3A_120 = vector.load %arg20[%get3A_118, %get3A_119] : memref<128x128xf32, #tpu.memory_space<vmem>>, vector<128x128xf32>
      %dot_general3A_121 = arith.constant dense<0.000000e+00> : vector<1x128xf32>
      %dot_general3A_122 = tpu.matmul %max3A_117, %get3A_120, %dot_general3A_121 {dimension_numbers = #tpu.dot_dimension_numbers<[1], [0], [0], [1], [0, 0, 1, 1], [], []>, transpose_lhs_hint = false} : vector<1x128xf32>, vector<128x128xf32>, vector<1x128xf32> -> vector<1x128xf32>
      %get3A_123 = arith.constant 0 : index
      %get3A_124 = arith.constant 0 : index
      %get3A_125 = vector.load %arg21[%get3A_123, %get3A_124] : memref<1x128xf32, #tpu.memory_space<vmem>>, vector<1x128xf32>
      %add3A_126 = arith.addf %dot_general3A_122, %get3A_125 : vector<1x128xf32>
      %get3A_127 = arith.constant 0 : index
      %get3A_128 = arith.constant 0 : index
      %get3A_129 = vector.load %arg23[%get3A_127, %get3A_128] : memref<1x128xf32, #tpu.memory_space<vmem>>, vector<1x128xf32>
      %add3A_130 = arith.addf %add3A_126, %get3A_129 : vector<1x128xf32>
      %swap3A_131 = arith.constant 0 : index
      %swap3A_132 = arith.constant 0 : index
      %swap3A_133 = vector.load %arg25[%swap3A_131, %swap3A_132] : memref<1x128xf32, #tpu.memory_space<vmem>>, vector<1x128xf32>
      tpu.vector_store %arg25[%swap3A_131, %swap3A_132], %add3A_130 {strides = array<i32>} : memref<1x128xf32, #tpu.memory_space<vmem>>, vector<1x128xf32>,
    } else {
    }
    return
  }
  func.func @transform_0(%arg0: i32) -> (i32, i32) {
    %c0_i32 = arith.constant 0 : i32
    %c0_i32_0 = arith.constant 0 : i32
    return %arg0, %c0_i32 : i32, i32
  }
  func.func @transform_1(%arg0: i32) -> (i32, i32) {
    %c0_i32 = arith.constant 0 : i32
    %c0_i32_0 = arith.constant 0 : i32
    return %arg0, %c0_i32 : i32, i32
  }
  func.func @transform_2(%arg0: i32) -> (i32, i32) {
    %c0_i32 = arith.constant 0 : i32
    %c0_i32_0 = arith.constant 0 : i32
    return %arg0, %c0_i32 : i32, i32
  }
  func.func @transform_3(%arg0: i32) -> (i32, i32) {
    %c0_i32 = arith.constant 0 : i32
    %c0_i32_0 = arith.constant 0 : i32
    %c0_i32_1 = arith.constant 0 : i32
    return %c0_i32, %c0_i32_0 : i32, i32
  }
  func.func @transform_4(%arg0: i32) -> (i32, i32) {
    %c0_i32 = arith.constant 0 : i32
    %c0_i32_0 = arith.constant 0 : i32
    %c0_i32_1 = arith.constant 0 : i32
    return %c0_i32, %c0_i32_0 : i32, i32
  }
  func.func @transform_5(%arg0: i32) -> (i32, i32) {
    %c0_i32 = arith.constant 0 : i32
    %c0_i32_0 = arith.constant 0 : i32
    %c0_i32_1 = arith.constant 0 : i32
    return %c0_i32, %c0_i32_0 : i32, i32
  }
  func.func @transform_6(%arg0: i32) -> (i32, i32) {
    %c0_i32 = arith.constant 0 : i32
    %c0_i32_0 = arith.constant 0 : i32
    %c0_i32_1 = arith.constant 0 : i32
    return %c0_i32, %c0_i32_0 : i32, i32
  }
  func.func @transform_7(%arg0: i32) -> (i32, i32) {
    %c0_i32 = arith.constant 0 : i32
    %c0_i32_0 = arith.constant 0 : i32
    %c0_i32_1 = arith.constant 0 : i32
    return %c0_i32, %c0_i32_0 : i32, i32
  }
  func.func @transform_8(%arg0: i32) -> (i32, i32) {
    %c0_i32 = arith.constant 0 : i32
    %c0_i32_0 = arith.constant 0 : i32
    return %arg0, %c0_i32 : i32, i32
  }
  func.func @transform_9(%arg0: i32) -> (i32, i32) {
    %c0_i32 = arith.constant 0 : i32
    %c0_i32_0 = arith.constant 0 : i32
    %c0_i32_1 = arith.constant 0 : i32
    return %c0_i32, %c0_i32_0 : i32, i32
  }
  func.func @transform_10(%arg0: i32) -> (i32, i32) {
    %c0_i32 = arith.constant 0 : i32
    %c0_i32_0 = arith.constant 0 : i32
    %c0_i32_1 = arith.constant 0 : i32
    return %c0_i32, %c0_i32_0 : i32, i32
  }
  func.func @transform_11(%arg0: i32) -> (i32, i32) {
    %c0_i32 = arith.constant 0 : i32
    %c0_i32_0 = arith.constant 0 : i32
    %c0_i32_1 = arith.constant 0 : i32
    return %c0_i32, %c0_i32_0 : i32, i32
  }
  func.func @transform_12(%arg0: i32) -> (i32, i32) {
    %c0_i32 = arith.constant 0 : i32
    %c0_i32_0 = arith.constant 0 : i32
    %c0_i32_1 = arith.constant 0 : i32
    return %c0_i32, %c0_i32_0 : i32, i32
  }
  func.func @transform_13(%arg0: i32) -> (i32, i32) {
    %c0_i32 = arith.constant 0 : i32
    %c0_i32_0 = arith.constant 0 : i32
    %c0_i32_1 = arith.constant 0 : i32
    return %c0_i32, %c0_i32_0 : i32, i32
  }
  func.func @transform_14(%arg0: i32) -> (i32, i32) {
    %c0_i32 = arith.constant 0 : i32
    %c0_i32_0 = arith.constant 0 : i32
    %c0_i32_1 = arith.constant 0 : i32
    return %c0_i32, %c0_i32_0 : i32, i32
  }
  func.func @transform_15(%arg0: i32) -> (i32, i32) {
    %c0_i32 = arith.constant 0 : i32
    %c0_i32_0 = arith.constant 0 : i32
    %c0_i32_1 = arith.constant 0 : i32
    return %c0_i32, %c0_i32_0 : i32, i32
  }
  func.func @transform_16(%arg0: i32) -> (i32, i32) {
    %c0_i32 = arith.constant 0 : i32
    %c0_i32_0 = arith.constant 0 : i32
    %c0_i32_1 = arith.constant 0 : i32
    return %c0_i32, %c0_i32_0 : i32, i32
  }
  func.func @transform_17(%arg0: i32) -> (i32, i32) {
    %c0_i32 = arith.constant 0 : i32
    %c0_i32_0 = arith.constant 0 : i32
    %c0_i32_1 = arith.constant 0 : i32
    return %c0_i32, %c0_i32_0 : i32, i32
  }
  func.func @transform_18(%arg0: i32) -> (i32, i32) {
    %c0_i32 = arith.constant 0 : i32
    %c0_i32_0 = arith.constant 0 : i32
    %c0_i32_1 = arith.constant 0 : i32
    return %c0_i32, %c0_i32_0 : i32, i32
  }
  func.func @transform_19(%arg0: i32) -> (i32, i32) {
    %c0_i32 = arith.constant 0 : i32
    %c0_i32_0 = arith.constant 0 : i32
    %c0_i32_1 = arith.constant 0 : i32
    return %c0_i32, %c0_i32_0 : i32, i32
  }
  func.func @transform_20(%arg0: i32) -> (i32, i32) {
    %c0_i32 = arith.constant 0 : i32
    %c0_i32_0 = arith.constant 0 : i32
    %c0_i32_1 = arith.constant 0 : i32
    return %c0_i32, %c0_i32_0 : i32, i32
  }
  func.func @transform_21(%arg0: i32) -> (i32, i32) {
    %c0_i32 = arith.constant 0 : i32
    %c0_i32_0 = arith.constant 0 : i32
    return %arg0, %c0_i32 : i32, i32
  }
  func.func @transform_22(%arg0: i32) -> (i32, i32) {
    %c0_i32 = arith.constant 0 : i32
    %c0_i32_0 = arith.constant 0 : i32
    %c0_i32_1 = arith.constant 0 : i32
    return %c0_i32, %c0_i32_0 : i32, i32
  }
  func.func @transform_23(%arg0: i32) -> (i32, i32) {
    %c0_i32 = arith.constant 0 : i32
    %c0_i32_0 = arith.constant 0 : i32
    return %arg0, %c0_i32 : i32, i32
  }
  func.func @transform_24(%arg0: i32) -> (i32, i32) {
    %c0_i32 = arith.constant 0 : i32
    %c0_i32_0 = arith.constant 0 : i32
    %c0_i32_1 = arith.constant 0 : i32
    return %c0_i32, %c0_i32_0 : i32, i32
  }
}

</mosaic_0001>

<sc_bundles>
// kernel: kernel.16.cloned.1.call-start
scs
__scs_entry_jumppad:
0x0: {  	(pc) =	sbr.rel $0x88, $3  }
0x1: {  	(tag) =	ssettag $0x0;
	lr =	simm.s32 $0x1  }
0x2: {  	[smem:$0x3F6E] =	sst lr;
	_ =	strace $0xD0000000  }
0x3: {  	_ = 	snop  }
0x4: {  	_ = 	snop  }
0x5: {  	_ = 	snop  }
0x6: {  	_ = 	snop  }
0x7: {  	_ = 	snop  }
__scs_overlays_trampoline_lowered:
0x8: {  	[smem:$0x3F7D] =	sst s0  }
0x9: {  	[smem:$0x3F7E] =	sst s1  }
0xa: {  	[smem:$0x3F7F] =	sst s2  }
0xb: {  	[smem:$0x3F80] =	sst s3  }
0xc: {  	[smem:$0x3F81] =	sst s4  }
0xd: {  	[smem:$0x3F82] =	sst s5  }
0xe: {  	[smem:$0x3F83] =	sst s6  }
0xf: {  	[smem:$0x3F84] =	sst s7  }
0x10: {  	[smem:$0x3F85] =	sst s8  }
0x11: {  	[smem:$0x3F86] =	sst s9;
	s0 =	simm.s32 @!p0 $0x0  }
0x12: {  	s1 =	sld [smem:$0x3F6C];
	s0 =	simm.s32 @p0 $0x1  }
0x13: {  	[smem:$0x3F87] =	sst s0;
	s0 =	simm.s32 @!p1 $0x0  }
0x14: {  	s2 =	sld [smem:$0x3F6B];
	s0 =	simm.s32 @p1 $0x1  }
0x15: {  	[smem:$0x3F88] =	sst s0;
	s0 =	simm.s32 @!p2 $0x0  }
0x16: {  	s3 =	sld [smem:$0x3FDB];
	s0 =	simm.s32 @p2 $0x1  }
0x17: {  	s4 =	simm.s32 $0x1BF5;
	[smem:$0x3F8A] =	sst s0  }
0x18: {  	s0 =	sld [smem:$0x3F6D];
	_ =	swait.ge [sflag:s4], $0x0  }
0x19: {  	s7 =	sld [smem:$0x3F6E]  }
0x1a: {  	s8 =	sadd.s32 $0xFFFFE003, lr  }
0x1b: {  	s9 =	sadd.s32 $0xFFFFFEF7, lr;
	s5 =	simm.s32 $0xFFFFFFFF;
	p2 =	slt.u32 s8, $0xFFFFF086  }
0x1c: {  	p1 =	slt.u32 s9, $0xF7A;
	s5 =	simm.s32 @!p2 $0x0  }
0x1d: {  	s5 =	simm.s32 @p1 $0x1;
	p0 =	seq.s32 s7, s2  }
0x1e: {  	s7 =	smul.u32 @!p0 $0xF7A, s2;
	p2 =	seq.s32 @!p0 s5, $0x0  }
0x1f: {  	s9 =	smul.u32 $0xF7A, s1;
	s8 =	simm.s32 @!p0 $0x1BF5;
	p2 =	por !p2, p0  }
0x20: {  	[sflag:s8] =	ssyncset.s32 @!p0 $0xFFFFF086;
	s6 =	sadd.s32 @!p0 s3, s7;
	s7 =	simm.s32 @!p0 $0x108  }
0x21: {  	s3 =	sadd.s32 s3, s9;
	s6 =	sadd.s32 @!p0 $0x88, s6;
	s7 =	simm.s32 @p2 $0x1082  }
0x22: {  	[simem:s7], [sflag:s8] =	dma.local @!p0 [hbm:s6], $0xF7A  }
0x23: {  	s9 =	sor.u32 $0xD0000000, s2;
	s6 =	simm.s32 $0x108;
	_ =	swait.ge @!p0 [sflag:s8], $0x0  }
0x24: {  	s3 =	sadd.s32 $0x88, s3;
	s6 =	simm.s32 @!p1 $0x1082;
	[sflag:s4] =	ssyncset.s32 $0xFFFFF086  }
0x25: {  	[simem:s6], [sflag:s4] =	dma.local [hbm:s3], $0xF7A  }
0x26: {  	[smem:$0x3F6E] =	sst s1;
	(tag) =	ssettag s2;
	_ =	strace s9  }
0x27: {  	s1 =	sld [smem:$0x3F7E]  }
0x28: {  	s2 =	sld [smem:$0x3F7F]  }
0x29: {  	s4 =	sld [smem:$0x3F81]  }
0x2a: {  	p0 =	seq.s32 s5, $0x0;
	s5 =	sld [smem:$0x3F82]  }
0x2b: {  	s6 =	sld [smem:$0x3F83]  }
0x2c: {  	s7 =	sld [smem:$0x3F84]  }
0x2d: {  	s3 =	simm.s32 $0x108;
	s8 =	sld [smem:$0x3F85]  }
0x2e: {  	s3 =	simm.s32 @!p0 $0x1082;
	s9 =	sld [smem:$0x3F86]  }
0x2f: {  	lr =	sadd.s32 s0, s3;
	s0 =	sld [smem:$0x3F7D]  }
0x30: {  	s3 =	sld [smem:$0x3F80]  }
0x31: {  	[smem:$0x3F89] =	sst s10  }
0x32: {  	s10 =	sld [smem:$0x3F87];
	_ =	sdelay $0x3  }
0x33: {  	p0 =	seq.s32 s10, $0x1;
	s10 =	sld [smem:$0x3F89];
	_ =	sdelay $0x3  }
0x34: {  	[smem:$0x3F89] =	sst s10  }
0x35: {  	s10 =	sld [smem:$0x3F88];
	_ =	sdelay $0x3  }
0x36: {  	p1 =	seq.s32 s10, $0x1;
	s10 =	sld [smem:$0x3F89];
	_ =	sdelay $0x3  }
0x37: {  	[smem:$0x3F89] =	sst s10  }
0x38: {  	s10 =	sld [smem:$0x3F8A]  }
0x39: {  	_ = 	snop;
	(pc) =	sbr.ind lr, $3  }
0x3a: {  	_ = 	snop  }
0x3b: {  	_ = 	snop  }
0x3c: {  	p2 =	seq.s32 s10, $0x1;
	s10 =	sld [smem:$0x3F89]  }
0x3d: {  	_ =	shalt  }
0x3e: {  	_ =	shalt  }
0x3f: {  	_ =	shalt  }
0x40: {  	_ =	shalt  }
0x41: {  	_ =	shalt  }
0x42: {  	_ =	shalt  }
0x43: {  	_ =	shalt  }
0x44: {  	_ =	shalt  }
0x45: {  	_ =	shalt  }
0x46: {  	_ =	shalt  }
0x47: {  	_ =	shalt  }
0x48: {  	_ =	shalt  }
0x49: {  	_ =	shalt  }
0x4a: {  	_ =	shalt  }
0x4b: {  	_ =	shalt  }
0x4c: {  	_ =	shalt  }
0x4d: {  	_ =	shalt  }
0x4e: {  	_ =	shalt  }
0x4f: {  	_ =	shalt  }
0x50: {  	_ =	shalt  }
0x51: {  	_ =	shalt  }
0x52: {  	_ =	shalt  }
0x53: {  	_ =	shalt  }
0x54: {  	_ =	shalt  }
0x55: {  	_ =	shalt  }
0x56: {  	_ =	shalt  }
0x57: {  	_ =	shalt  }
0x58: {  	_ =	shalt  }
0x59: {  	_ =	shalt  }
0x5a: {  	_ =	shalt  }
0x5b: {  	_ =	shalt  }
0x5c: {  	_ =	shalt  }
0x5d: {  	_ =	shalt  }
0x5e: {  	_ =	shalt  }
0x5f: {  	_ =	shalt  }
0x60: {  	_ =	shalt  }
0x61: {  	_ =	shalt  }
0x62: {  	_ =	shalt  }
0x63: {  	_ =	shalt  }
0x64: {  	_ =	shalt  }
0x65: {  	_ =	shalt  }
0x66: {  	_ =	shalt  }
0x67: {  	_ =	shalt  }
0x68: {  	_ =	shalt  }
0x69: {  	_ =	shalt  }
0x6a: {  	_ =	shalt  }
0x6b: {  	_ =	shalt  }
0x6c: {  	_ =	shalt  }
0x6d: {  	_ =	shalt  }
0x6e: {  	_ =	shalt  }
0x6f: {  	_ =	shalt  }
0x70: {  	_ =	shalt  }
0x71: {  	_ =	shalt  }
0x72: {  	_ =	shalt  }
0x73: {  	_ =	shalt  }
0x74: {  	_ =	shalt  }
0x75: {  	_ =	shalt  }
0x76: {  	_ =	shalt  }
0x77: {  	_ =	shalt  }
0x78: {  	_ =	shalt  }
0x79: {  	_ =	shalt  }
0x7a: {  	_ =	shalt  }
0x7b: {  	_ =	shalt  }
0x7c: {  	_ =	shalt  }
0x7d: {  	_ =	shalt  }
0x7e: {  	_ =	shalt  }
0x7f: {  	_ =	shalt  }
0x80: {  	_ =	shalt  }
0x81: {  	_ =	shalt  }
0x82: {  	_ =	shalt  }
0x83: {  	_ =	shalt  }
0x84: {  	_ =	shalt  }
0x85: {  	_ =	shalt  }
0x86: {  	_ =	shalt  }
0x87: {  	_ =	shalt  }
.Lfunc_end0:
.L_simem_size_0:
called_computation_lowered:
.L_overlay_start_0:
0x88: {  	s2 =	sld [smem:$0x3FD9]  }
0x89: {  	s3 =	sld [smem:$0x3FFE];
	_ =	sdelay $0x1  }
0x8a: {  	s1 =	srdreg.scid  }
0x8b: {  	s0 =	sand.u32 $0x1, s1  }
0x8c: {  	s15 =	sshll.u32 s0, $0xA;
	s2 =	sadd.s32 s3, s2  }
0x8d: {  	s2 =	sadd.s32 s2, s15  }
0x8e: {  	[smem:$0x3F95] =	sst s2  }
0x8f: {  	_ = 	snop  }
0x90: {  	s2 =	sld [smem:$0x3FD0];
	_ =	sdelay $0x2  }
0x91: {  	s4 =	simm.s32 $0xB;
	s16 =	simm.s32 $0x10  }
0x92: {  	[smem:s16], [sflag:s4] =	dma.local [hbm:s2], $0x1  }
0x93: {  	_ =	swait.eq [sflag:s4], $0x1  }
0x94: {  	[sflag:s4] =	ssyncset.done $0x0  }
0x95: {  	s17 =	sld [smem:$0x11];
	[sflag:s4] =	ssyncadd.s32 $0xFFFFFFFF  }
0x96: {  	s18 =	sld [smem:$0x14];
	(tm) =	ssettm $0x1  }
0x97: {  	s19 =	sld [smem:$0x3FFB];
	_ =	sdelay $0x3  }
0x98: {  	_ =	strace s19  }
0x99: {  	s2 =	sld [smem:$0x3FFC];
	_ =	sdelay $0x3  }
0x9a: {  	_ =	strace s2  }
0x9b: {  	s2 =	sld [smem:$0x3FFD];
	_ =	sdelay $0x3  }
0x9c: {  	_ =	strace s2  }
0x9d: {  	_ =	strace $0x8FFFFFFF  }
0x9e: {  	s20 =	sld [smem:$0x3FDB];
	_ =	sdelay $0x1  }
0x9f: {  	s5 =	simm.s32 $_scs_section_size  }
0xa0: {  	s6 =	simm.s32 $_size__tile_overlayer_lowered;
	s7 =	simm.s32 $_tile_overlayer_lowered  }
0xa1: {  	s8 =	simm.s32 $0x1BFF;
	s21 =	sshll.u32 s7, $0x1;
	s5 =	sadd.s32 s5, s20  }
0xa2: {  	s22 =	simm.s32 $0x0;
	s6 =	sshll.u32 s6, $0x1;
	s7 =	sadd.s32 s21, s5  }
0xa3: {  	[timem:s22], [sflag:s8] =	dma.local [hbm:s7], s6  }
0xa4: {  	_ =	swait.ge [sflag:s8], s6  }
0xa5: {  	s6 =	ssub.s32 $0x0, s6;
	[sflag:s8] =	ssyncset.done $0x0  }
0xa6: {  	[sflag:s8] =	ssyncadd.s32 s6;
	_ =	sdelay $0x1  }
0xa7: {  	s23 =	simm.s32 $0x1B8B  }
0xa8: {  	_ =	swait.ge [sflag:s23], $0x1  }
0xa9: {  	[sflag:s23] =	ssyncset.done $0x0  }
0xaa: {  	[sflag:s23] =	ssyncadd.s32 $0xFFFFFFFF  }
0xab: {  	s6 =	sld [smem:$0x0]  }
0xac: {  	s7 =	sand.u32 $0xFFFFFFFE, s1  }
0xad: {  	p0 =	sne.s32 s1, s7  }
0xae: {  	s7 =	sshll.u32 @p0 s7, $0xE  }
0xaf: {  	s7 =	sadd.s32 @p0 $0x11B8D, s7;
	s8 =	sshll.u32 @p0 s6, $0x11  }
0xb0: {  	s7 =	sor.u32 @p0 s8, s7  }
0xb1: {  	[sflag:s7] =	ssyncadd.remote.s32 @p0 $0x1;
	_ =	sdelay $0x1  }
0xb2: {  	s7 =	simm.s32 @p0 $0x1B8D  }
0xb3: {  	_ =	swait.eq @p0 [sflag:s7], $0x1  }
0xb4: {  	[sflag:s7] =	ssyncadd.s32 @p0 $0xFFFFFFFF  }
0xb5: {  	s8 =	sshll.u32 @!p0 s1, $0xE  }
0xb6: {  	s8 =	sor.u32 @!p0 $0x4000, s8;
	s7 =	simm.s32 @!p0 $0x1B8D  }
0xb7: {  	s6 =	sshll.u32 @!p0 s6, $0x11;
	s8 =	sadd.s32 @!p0 $0x11B8D, s8;
	_ =	swait.eq @!p0 [sflag:s7], $0x1  }
0xb8: {  	s6 =	sor.u32 @!p0 s6, s8;
	[sflag:s7] =	ssyncadd.s32 @!p0 $0xFFFFFFFF  }
0xb9: {  	s25 =	simm.s32 $0x1B8E;
	s24 =	sld [smem:$0x3FFE];
	[sflag:s6] =	ssyncadd.remote.s32 @!p0 $0x1  }
0xba: {  	s26 =	simm.s32 $execute0_lowered;
	[smem:$0x3FD2] =	sst s25  }
0xbb: {  	s7 =	sshll.u32 s26, $0x1;
	_ =	strace $0x80000049;
	[dreg:$0x1] =	wrdreg $0xFFFFFFFF  }
0xbc: {  	s28 =	simm.s32 $_size_execute0_lowered;
	s5 =	sadd.s32 s5, s7;
	[dreg:$0x0] =	wrdreg $0x0  }
0xbd: {  	s7 =	sshll.u32 s28, $0x1;
	[dreg:$0x2] =	wrdreg s5  }
0xbe: {  	[dreg:$0x3] =	wrdreg s7  }
0xbf: {  	[dreg:$0x4] =	wrdreg $0xC0  }
0xc0: {  	_ =	task [dreg:s22], $0x5FFFF  }
0xc1: {  	[dreg:$0x1] =	wrdreg $0xFFFFFFFF  }
0xc2: {  	[dreg:$0x0] =	wrdreg $0x60  }
0xc3: {  	[dreg:$0x2] =	wrdreg s24  }
0xc4: {  	[dreg:$0x3] =	wrdreg s17  }
0xc5: {  	[dreg:$0x4] =	wrdreg s18  }
0xc6: {  	[dreg:$0x5] =	wrdreg $0x9  }
0xc7: {  	_ =	task.clear_ibuf [dreg:s22], $0x6FFFF;
	_ =	strace $0x90000049  }
0xc8: {  	s29 =	simm.s32 $0x9;
	_ =	strace $0x8000004B  }
0xc9: {  	_ =	swait.ge [sflag:s29], $0x1  }
0xca: {  	[sflag:s29] =	ssyncadd.s32 $0xFFFFFFFF  }
0xcb: {  	_ =	strace $0x9000004B  }
0xcc: {  	_ =	sfence  }
0xcd: {  	s30 =	sld [smem:$0x0];
	_ =	sdelay $0x2  }
0xce: {  	s31 =	sshll.u32 s1, $0xD;
	s1 =	sshrl.u32 s1, $0x2  }
0xcf: {  	s4 =	sand.u32 $0x4000, s31;
	s1 =	sadd.s32 s1, s30  }
0xd0: {  	s0 =	sor.u32 s4, s0;
	s1 =	sshll.u32 s1, $0x11  }
0xd1: {  	s0 =	sor.u32 s1, s0  }
0xd2: {  	s0 =	sadd.s32 $0x8F2B, s0  }
0xd3: {  	[sflag:s0] =	ssyncadd.remote.s32 $0x1  }
0xd4: {  	_ =	sfence.sel $0xFFFF  }
0xd5: {  	[dreg:$0x0] =	wrdreg $0xFFFFFFFF;
	(pc) =	sbr.abs _section_cstart, $3  }
0xd6: {  	[dreg:$0x1] =	wrdreg $0xFFFFFFFF  }
0xd7: {  	_ =	task.clear_ibuf [dreg:s22], $0x2FFFF;
	_ =	strace $0x9FFFFFFF  }
0xd8: {  	(tm) =	ssettm $0x7FFFFFFF  }
0xd9: {  	_ =	shalt  }
tec
execute0_lowered:
.L_overlay_start_1:
0x0: {  	(tag) =	ssettag $0x1  }
0x1: {  	s4 =	rddreg [dreg:$0x0]  }
0x2: {  	s2 =	rddreg [dreg:$0x1]  }
0x3: {  	s1 =	srdreg.scid;
	s0 =	stileid.u32  }
0x4: {  	s5 =	rddreg [dreg:$0x2];
	s10 =	simm.s32 $0x400;
	s11 =	simm.s32 $0x0  }
0x5: {  	s6 =	sand.u32 $0x1, s1;
	s3 =	sshll.u32 s0, $0x1;
	s1 =	rddreg [dreg:$0x3]  }
0x6: {  	s8 =	sshrl.u32 s0, $0x2;
	s7 =	sor.u32 s6, s3;
	s3 =	simm.s32 $0x0  }
0x7: {  	s8 =	smul.u32 $0x14000, s8;
	s6 =	ssub.s32 $0x2, s6;
	s9 =	sshll.u32 s7, $0x7  }
0x8: {  	[smem:$0x7FF] =	sst s3;
	s7 =	smul.u32 $0x280, s7;
	s31 =	sshrl.u32 s6, $0x1  }
0x9: {  	s9 =	sand.u32 $0x380, s9;
	_ =	strace $0x8000004A;
	s6 =	ssub.s32 s6, s31  }
0xa: {  	s8 =	sor.u32 s8, s9;
	s4 =	sadd.s32 s7, s4;
	s6 =	smax.u32 s6, $0x1  }
0xb: {  	s7 =	simm.s32 $0x1;
	s9 =	simm.s32 $0x80;
	s8 =	sshrl.u32 s8, $0x3  }
0xc: {  	v0 =	vimm.f32 $1.000000000e+00;
	s4 =	sadd.s32 $0x17E00, s4;
	s5 =	sadd.s32 s5, s8;
	s8 =	simm.s32 $0x2800  }
.LBB2_1:
0xd: {  	[tilespmem:s3], [sflag:$0x1] =	stream.linear.gather [hbm4b:s2+s3], $0x2800, $0x38;
	[tilespmem:$0x3C00] =	vst v63  }
0xe: {  	_ =	swait.ge [sflag:s7], $0x2800  }
0xf: {  	[sflag:s7] =	ssyncset.done $0x0  }
0x10: {  	[sflag:s7] =	ssyncadd.s32 $0xFFFFD800  }
0x11: {  	[tilespmem:s8], [sflag:$0x1] =	stream.linear.gather [hbm4b:s4+s3], $0x1400, $0x38;
	[tilespmem:$0x3C00] =	vst v63  }
0x12: {  	_ =	swait.ge [sflag:s7], $0x1400  }
0x13: {  	[sflag:s7] =	ssyncset.done $0x0  }
0x14: {  	s13 =	simm.s32 $0x0;
	s12 =	simm.s32 $0x40;
	[sflag:s7] =	ssyncadd.s32 $0xFFFFEC00  }
.LBB2_2:
0x15: {  	p0 =	sne.s32 s12, $0x4FC0;
	v1 =	vld [tilespmem:s13+$0x2800];
	_ =	sdelay $0x3  }
.Ltmp0:
0x16: {  	(pc) =	sbr.rel @p0 .LBB2_2-.Ltmp0, $2  }
0x17: {  	_ =	sdelay $0x2  }
0x18: {  	s13 =	sshra.s32 s12, $0x2;
	s12 =	sadd.s32 $0x40, s12;
	[tilespmem:v1+s3+$0x0] =	vst.idx.add.f32.msk $0xffff, v0  }
0x19: {  	v1 =	vld [tilespmem:s13+$0x2800];
	_ =	sdelay $0x5  }
0x1a: {  	s11 =	sadd.s32 $0x1, s11  }
0x1b: {  	p0 =	sne.s32 s11, s6  }
.Ltmp1:
0x1c: {  	[tilespmem:v1+s3+$0x0] =	vst.idx.add.f32.msk $0xffff, v0;
	(pc) =	sbr.rel @p0 .LBB2_1-.Ltmp1, $4  }
0x1d: {  	[hbm4b:s5+s9] =	stream.strided.scatter [tilespmem:s3], [sflag:$0x1], $0x2800, s10, s9, $0x38;
	[tilespmem:$0x3C00] =	vst v63  }
0x1e: {  	_ =	swait.ge [sflag:s7], $0x2800  }
0x1f: {  	[sflag:s7] =	ssyncset.done $0x0  }
0x20: {  	[sflag:s7] =	ssyncadd.s32 $0xFFFFD800  }
0x21: {  	_ =	sfence.sel $0x180000  }
0x22: {  	[bflag:$0x0] =	sbarrier.arrive $0xFFFF  }
0x23: {  	p0 =	sne.s32 s0, $0x0;
	_ =	strace $0x9000004A  }
0x24: {  	s0 =	sadd.s32 @!p0 $0x100000, s1;
	[bflag:$0x2] =	sbarrier.arrive $0xFFFF  }
0x25: {  	[sflag:s0] =	ssyncadd.tile.s32 @!p0 $0x1;
	_ =	shalt  }
.Lfunc_end2:
_tile_overlayer_lowered:
.L_overlay_start_2:
0x26: {  	(tag) =	ssettag $0x2  }
0x27: {  	s0 =	rddreg [dreg:$0x0];
	s2 =	stileid.u32  }
0x28: {  	s1 =	rddreg [dreg:$0x1];
	p0 =	sne.s32 s2, $0x0  }
0x29: {  	s3 =	rddreg [dreg:$0x2];
	[bflag:$0x3] =	sbarrier.arrive $0xFFFF;
	s2 =	simm.s32 @!p0 $0x1C01  }
0x2a: {  	[timem:s3], [sflag:s2] =	dma.local @!p0 [hbm:s0], s1  }
0x2b: {  	s0 =	simm.s32 @!p0 $0x1  }
0x2c: {  	_ =	swait.ge @!p0 [sflag:s0], s1  }
0x2d: {  	s1 =	ssub.s32 @!p0 $0x0, s1;
	[sflag:s0] =	ssyncset.done @!p0 $0x0  }
0x2e: {  	[sflag:s0] =	ssyncadd.s32 @!p0 s1  }
0x2f: {  	[bflag:$0x3] =	sbarrier.arrive $0xFFFF  }
0x30: {  	_ =	shalt  }

// kernel: kernel.19.cloned.1.call-start
scs
__scs_entry_jumppad:
0x0: {  	(pc) =	sbr.rel $0x88, $3  }
0x1: {  	(tag) =	ssettag $0x0;
	lr =	simm.s32 $0x1  }
0x2: {  	[smem:$0x3F6E] =	sst lr;
	_ =	strace $0xD0000000  }
0x3: {  	_ = 	snop  }
0x4: {  	_ = 	snop  }
0x5: {  	_ = 	snop  }
0x6: {  	_ = 	snop  }
0x7: {  	_ = 	snop  }
__scs_overlays_trampoline_lowered:
0x8: {  	[smem:$0x3F7D] =	sst s0  }
0x9: {  	[smem:$0x3F7E] =	sst s1  }
0xa: {  	[smem:$0x3F7F] =	sst s2  }
0xb: {  	[smem:$0x3F80] =	sst s3  }
0xc: {  	[smem:$0x3F81] =	sst s4  }
0xd: {  	[smem:$0x3F82] =	sst s5  }
0xe: {  	[smem:$0x3F83] =	sst s6  }
0xf: {  	[smem:$0x3F84] =	sst s7  }
0x10: {  	[smem:$0x3F85] =	sst s8  }
0x11: {  	[smem:$0x3F86] =	sst s9;
	s0 =	simm.s32 @!p0 $0x0  }
0x12: {  	s1 =	sld [smem:$0x3F6C];
	s0 =	simm.s32 @p0 $0x1  }
0x13: {  	[smem:$0x3F87] =	sst s0;
	s0 =	simm.s32 @!p1 $0x0  }
0x14: {  	s2 =	sld [smem:$0x3F6B];
	s0 =	simm.s32 @p1 $0x1  }
0x15: {  	[smem:$0x3F88] =	sst s0;
	s0 =	simm.s32 @!p2 $0x0  }
0x16: {  	s3 =	sld [smem:$0x3FDB];
	s0 =	simm.s32 @p2 $0x1  }
0x17: {  	s4 =	simm.s32 $0x1BF5;
	[smem:$0x3F8A] =	sst s0  }
0x18: {  	s0 =	sld [smem:$0x3F6D];
	_ =	swait.ge [sflag:s4], $0x0  }
0x19: {  	s7 =	sld [smem:$0x3F6E]  }
0x1a: {  	s8 =	sadd.s32 $0xFFFFE003, lr  }
0x1b: {  	s9 =	sadd.s32 $0xFFFFFEF7, lr;
	s5 =	simm.s32 $0xFFFFFFFF;
	p2 =	slt.u32 s8, $0xFFFFF086  }
0x1c: {  	p1 =	slt.u32 s9, $0xF7A;
	s5 =	simm.s32 @!p2 $0x0  }
0x1d: {  	s5 =	simm.s32 @p1 $0x1;
	p0 =	seq.s32 s7, s2  }
0x1e: {  	s7 =	smul.u32 @!p0 $0xF7A, s2;
	p2 =	seq.s32 @!p0 s5, $0x0  }
0x1f: {  	s9 =	smul.u32 $0xF7A, s1;
	s8 =	simm.s32 @!p0 $0x1BF5;
	p2 =	por !p2, p0  }
0x20: {  	[sflag:s8] =	ssyncset.s32 @!p0 $0xFFFFF086;
	s6 =	sadd.s32 @!p0 s3, s7;
	s7 =	simm.s32 @!p0 $0x108  }
0x21: {  	s3 =	sadd.s32 s3, s9;
	s6 =	sadd.s32 @!p0 $0x88, s6;
	s7 =	simm.s32 @p2 $0x1082  }
0x22: {  	[simem:s7], [sflag:s8] =	dma.local @!p0 [hbm:s6], $0xF7A  }
0x23: {  	s9 =	sor.u32 $0xD0000000, s2;
	s6 =	simm.s32 $0x108;
	_ =	swait.ge @!p0 [sflag:s8], $0x0  }
0x24: {  	s3 =	sadd.s32 $0x88, s3;
	s6 =	simm.s32 @!p1 $0x1082;
	[sflag:s4] =	ssyncset.s32 $0xFFFFF086  }
0x25: {  	[simem:s6], [sflag:s4] =	dma.local [hbm:s3], $0xF7A  }
0x26: {  	[smem:$0x3F6E] =	sst s1;
	(tag) =	ssettag s2;
	_ =	strace s9  }
0x27: {  	s1 =	sld [smem:$0x3F7E]  }
0x28: {  	s2 =	sld [smem:$0x3F7F]  }
0x29: {  	s4 =	sld [smem:$0x3F81]  }
0x2a: {  	p0 =	seq.s32 s5, $0x0;
	s5 =	sld [smem:$0x3F82]  }
0x2b: {  	s6 =	sld [smem:$0x3F83]  }
0x2c: {  	s7 =	sld [smem:$0x3F84]  }
0x2d: {  	s3 =	simm.s32 $0x108;
	s8 =	sld [smem:$0x3F85]  }
0x2e: {  	s3 =	simm.s32 @!p0 $0x1082;
	s9 =	sld [smem:$0x3F86]  }
0x2f: {  	lr =	sadd.s32 s0, s3;
	s0 =	sld [smem:$0x3F7D]  }
0x30: {  	s3 =	sld [smem:$0x3F80]  }
0x31: {  	[smem:$0x3F89] =	sst s10  }
0x32: {  	s10 =	sld [smem:$0x3F87];
	_ =	sdelay $0x3  }
0x33: {  	p0 =	seq.s32 s10, $0x1;
	s10 =	sld [smem:$0x3F89];
	_ =	sdelay $0x3  }
0x34: {  	[smem:$0x3F89] =	sst s10  }
0x35: {  	s10 =	sld [smem:$0x3F88];
	_ =	sdelay $0x3  }
0x36: {  	p1 =	seq.s32 s10, $0x1;
	s10 =	sld [smem:$0x3F89];
	_ =	sdelay $0x3  }
0x37: {  	[smem:$0x3F89] =	sst s10  }
0x38: {  	s10 =	sld [smem:$0x3F8A]  }
0x39: {  	_ = 	snop;
	(pc) =	sbr.ind lr, $3  }
0x3a: {  	_ = 	snop  }
0x3b: {  	_ = 	snop  }
0x3c: {  	p2 =	seq.s32 s10, $0x1;
	s10 =	sld [smem:$0x3F89]  }
0x3d: {  	_ =	shalt  }
0x3e: {  	_ =	shalt  }
0x3f: {  	_ =	shalt  }
0x40: {  	_ =	shalt  }
0x41: {  	_ =	shalt  }
0x42: {  	_ =	shalt  }
0x43: {  	_ =	shalt  }
0x44: {  	_ =	shalt  }
0x45: {  	_ =	shalt  }
0x46: {  	_ =	shalt  }
0x47: {  	_ =	shalt  }
0x48: {  	_ =	shalt  }
0x49: {  	_ =	shalt  }
0x4a: {  	_ =	shalt  }
0x4b: {  	_ =	shalt  }
0x4c: {  	_ =	shalt  }
0x4d: {  	_ =	shalt  }
0x4e: {  	_ =	shalt  }
0x4f: {  	_ =	shalt  }
0x50: {  	_ =	shalt  }
0x51: {  	_ =	shalt  }
0x52: {  	_ =	shalt  }
0x53: {  	_ =	shalt  }
0x54: {  	_ =	shalt  }
0x55: {  	_ =	shalt  }
0x56: {  	_ =	shalt  }
0x57: {  	_ =	shalt  }
0x58: {  	_ =	shalt  }
0x59: {  	_ =	shalt  }
0x5a: {  	_ =	shalt  }
0x5b: {  	_ =	shalt  }
0x5c: {  	_ =	shalt  }
0x5d: {  	_ =	shalt  }
0x5e: {  	_ =	shalt  }
0x5f: {  	_ =	shalt  }
0x60: {  	_ =	shalt  }
0x61: {  	_ =	shalt  }
0x62: {  	_ =	shalt  }
0x63: {  	_ =	shalt  }
0x64: {  	_ =	shalt  }
0x65: {  	_ =	shalt  }
0x66: {  	_ =	shalt  }
0x67: {  	_ =	shalt  }
0x68: {  	_ =	shalt  }
0x69: {  	_ =	shalt  }
0x6a: {  	_ =	shalt  }
0x6b: {  	_ =	shalt  }
0x6c: {  	_ =	shalt  }
0x6d: {  	_ =	shalt  }
0x6e: {  	_ =	shalt  }
0x6f: {  	_ =	shalt  }
0x70: {  	_ =	shalt  }
0x71: {  	_ =	shalt  }
0x72: {  	_ =	shalt  }
0x73: {  	_ =	shalt  }
0x74: {  	_ =	shalt  }
0x75: {  	_ =	shalt  }
0x76: {  	_ =	shalt  }
0x77: {  	_ =	shalt  }
0x78: {  	_ =	shalt  }
0x79: {  	_ =	shalt  }
0x7a: {  	_ =	shalt  }
0x7b: {  	_ =	shalt  }
0x7c: {  	_ =	shalt  }
0x7d: {  	_ =	shalt  }
0x7e: {  	_ =	shalt  }
0x7f: {  	_ =	shalt  }
0x80: {  	_ =	shalt  }
0x81: {  	_ =	shalt  }
0x82: {  	_ =	shalt  }
0x83: {  	_ =	shalt  }
0x84: {  	_ =	shalt  }
0x85: {  	_ =	shalt  }
0x86: {  	_ =	shalt  }
0x87: {  	_ =	shalt  }
.Lfunc_end0:
.L_simem_size_0:
called_computation.1_lowered:
.L_overlay_start_0:
0x88: {  	s2 =	sld [smem:$0x3FD9]  }
0x89: {  	s3 =	sld [smem:$0x3FFE];
	_ =	sdelay $0x1  }
0x8a: {  	s1 =	srdreg.scid  }
0x8b: {  	s0 =	sand.u32 $0x1, s1  }
0x8c: {  	s14 =	sshll.u32 s0, $0xA;
	s2 =	sadd.s32 s3, s2  }
0x8d: {  	s2 =	sadd.s32 s2, s14  }
0x8e: {  	[smem:$0x3F95] =	sst s2  }
0x8f: {  	_ = 	snop  }
0x90: {  	s2 =	sld [smem:$0x3FD0];
	_ =	sdelay $0x2  }
0x91: {  	s15 =	simm.s32 $0xB;
	s4 =	simm.s32 $0x10  }
0x92: {  	[smem:s4], [sflag:s15] =	dma.local [hbm:s2], $0x1  }
0x93: {  	_ =	swait.eq [sflag:s15], $0x1  }
0x94: {  	[sflag:s15] =	ssyncset.done $0x0  }
0x95: {  	s16 =	sld [smem:$0x10];
	[sflag:s15] =	ssyncadd.s32 $0xFFFFFFFF  }
0x96: {  	s17 =	sld [smem:$0x13];
	(tm) =	ssettm $0x1  }
0x97: {  	s18 =	sld [smem:$0x3FFB];
	_ =	sdelay $0x3  }
0x98: {  	_ =	strace s18  }
0x99: {  	s4 =	sld [smem:$0x3FFC];
	_ =	sdelay $0x3  }
0x9a: {  	_ =	strace s4  }
0x9b: {  	s4 =	sld [smem:$0x3FFD];
	_ =	sdelay $0x3  }
0x9c: {  	_ =	strace s4  }
0x9d: {  	_ =	strace $0x8FFFFFFF  }
0x9e: {  	s19 =	sld [smem:$0x3FDB];
	_ =	sdelay $0x1  }
0x9f: {  	s5 =	simm.s32 $_scs_section_size  }
0xa0: {  	s6 =	simm.s32 $_size__tile_overlayer_lowered;
	s7 =	simm.s32 $_tile_overlayer_lowered  }
0xa1: {  	s22 =	simm.s32 $0x1BFF;
	s21 =	sshll.u32 s7, $0x1;
	s4 =	sadd.s32 s5, s19  }
0xa2: {  	s8 =	simm.s32 $0x0;
	s20 =	sshll.u32 s6, $0x1;
	s6 =	sadd.s32 s21, s4  }
0xa3: {  	[timem:s8], [sflag:s22] =	dma.local [hbm:s6], s20  }
0xa4: {  	_ =	swait.ge [sflag:s22], s20  }
0xa5: {  	s5 =	ssub.s32 $0x0, s20;
	[sflag:s22] =	ssyncset.done $0x0  }
0xa6: {  	[sflag:s22] =	ssyncadd.s32 s5;
	_ =	sdelay $0x1  }
0xa7: {  	s23 =	simm.s32 $0x1B8B  }
0xa8: {  	_ =	swait.ge [sflag:s23], $0x1  }
0xa9: {  	[sflag:s23] =	ssyncset.done $0x0  }
0xaa: {  	s25 =	simm.s32 $0x1B8E;
	s24 =	sld [smem:$0x3FFE];
	[sflag:s23] =	ssyncadd.s32 $0xFFFFFFFF  }
0xab: {  	s26 =	simm.s32 $execute0_lowered;
	[smem:$0x3FD2] =	sst s25  }
0xac: {  	s6 =	sshll.u32 s26, $0x1;
	_ =	strace $0x80000046;
	[dreg:$0x1] =	wrdreg $0xFFFFFFFF  }
0xad: {  	s28 =	simm.s32 $_size_execute0_lowered;
	s4 =	sadd.s32 s4, s6;
	[dreg:$0x0] =	wrdreg $0x0  }
0xae: {  	s6 =	sshll.u32 s28, $0x1;
	[dreg:$0x2] =	wrdreg s4  }
0xaf: {  	[dreg:$0x3] =	wrdreg s6  }
0xb0: {  	[dreg:$0x4] =	wrdreg $0xC0  }
0xb1: {  	_ =	task [dreg:s8], $0x5FFFF  }
0xb2: {  	[dreg:$0x1] =	wrdreg $0xFFFFFFFF  }
0xb3: {  	[dreg:$0x0] =	wrdreg $0x60  }
0xb4: {  	[dreg:$0x2] =	wrdreg s16  }
0xb5: {  	[dreg:$0x3] =	wrdreg s17  }
0xb6: {  	[dreg:$0x4] =	wrdreg s24  }
0xb7: {  	[dreg:$0x5] =	wrdreg $0xA  }
0xb8: {  	_ =	task.clear_ibuf [dreg:s8], $0x6FFFF;
	_ =	strace $0x90000046  }
0xb9: {  	s29 =	simm.s32 $0xA;
	_ =	strace $0x80000048  }
0xba: {  	_ =	swait.ge [sflag:s29], $0x1  }
0xbb: {  	[sflag:s29] =	ssyncadd.s32 $0xFFFFFFFF  }
0xbc: {  	_ =	strace $0x90000048  }
0xbd: {  	_ =	sfence  }
0xbe: {  	s30 =	sld [smem:$0x0];
	_ =	sdelay $0x2  }
0xbf: {  	s31 =	sshll.u32 s1, $0xD;
	s1 =	sshrl.u32 s1, $0x2  }
0xc0: {  	s3 =	sand.u32 $0x4000, s31;
	s1 =	sadd.s32 s1, s30  }
0xc1: {  	s0 =	sor.u32 s3, s0;
	s1 =	sshll.u32 s1, $0x11  }
0xc2: {  	s0 =	sor.u32 s1, s0  }
0xc3: {  	s0 =	sadd.s32 $0x8F2B, s0  }
0xc4: {  	[sflag:s0] =	ssyncadd.remote.s32 $0x1  }
0xc5: {  	_ =	sfence.sel $0xFFFF  }
0xc6: {  	[dreg:$0x0] =	wrdreg $0xFFFFFFFF;
	(pc) =	sbr.abs _section_cstart, $3  }
0xc7: {  	[dreg:$0x1] =	wrdreg $0xFFFFFFFF  }
0xc8: {  	_ =	task.clear_ibuf [dreg:s8], $0x2FFFF;
	_ =	strace $0x9FFFFFFF  }
0xc9: {  	(tm) =	ssettm $0x7FFFFFFF  }
tec
execute0_lowered:
.L_overlay_start_1:
0x0: {  	(tag) =	ssettag $0x1  }
0x1: {  	s1 =	rddreg [dreg:$0x0]  }
0x2: {  	s3 =	rddreg [dreg:$0x1]  }
0x3: {  	s2 =	srdreg.scid;
	s0 =	stileid.u32  }
0x4: {  	s5 =	rddreg [dreg:$0x2];
	s4 =	simm.s32 $0x0;
	s12 =	simm.s32 $0x80  }
0x5: {  	s13 =	simm.s32 $0x2800;
	s14 =	simm.s32 $0xA800;
	s15 =	simm.s32 $0x6800  }
0x6: {  	s16 =	simm.s32 $0xE800;
	s17 =	simm.s32 $0x1;
	s18 =	simm.s32 $0x2  }
0x7: {  	s19 =	simm.s32 $0x0;
	s6 =	sand.u32 $0x1, s2;
	s7 =	sshll.u32 s0, $0x1  }
0x8: {  	s2 =	rddreg [dreg:$0x3];
	s8 =	smul.u32 $0x28000, s0;
	s7 =	sor.u32 s6, s7  }
0x9: {  	[smem:$0x7FF] =	sst s4;
	s9 =	ssub.s32 $0x2, s6;
	s7 =	smul.u32 $0x1400, s7  }
0xa: {  	_ =	strace $0x80000047;
	s11 =	smul.u32 $0x14000, s6;
	s10 =	sshrl.u32 s9, $0x1  }
0xb: {  	s8 =	sadd.s32 s8, s5;
	s9 =	ssub.s32 s9, s10;
	s7 =	sshrl.u32 s7, $0x3  }
0xc: {  	s31 =	sadd.s32 s11, s8;
	s10 =	simm.s32 $0x3;
	s7 =	sadd.s32 s7, s5  }
0xd: {  	s11 =	simm.s32 $0x1400;
	s8 =	sadd.s32 $0x21E00, s31;
	s5 =	sadd.s32 $0x1CE00, s7  }
0xe: {  	s6 =	sadd.s32 $0x12E00, s7;
	s7 =	smax.u32 s9, $0x1;
	s9 =	sadd.s32 $0x2A1E00, s31  }
.LBB2_1:
0xf: {  	[tilespmem:s4], [sflag:$0x3] =	stream.linear.gather [hbm4b:s5+s4], $0x1400, $0x38;
	[tilespmem:$0x12800] =	vst v63  }
0x10: {  	_ =	swait.ge [sflag:s10], $0x1400  }
0x11: {  	[sflag:s10] =	ssyncset.done $0x0  }
0x12: {  	[sflag:s10] =	ssyncadd.s32 $0xFFFFEC00  }
0x13: {  	[tilespmem:s11], [sflag:$0x3] =	stream.linear.gather [hbm4b:s6+s4], $0x1400, $0x38;
	[tilespmem:$0x12800] =	vst v63  }
0x14: {  	_ =	swait.ge [sflag:s10], $0x1400  }
0x15: {  	[sflag:s10] =	ssyncset.done $0x0  }
0x16: {  	s20 =	simm.s32 $0x0;
	[sflag:s10] =	ssyncadd.s32 $0xFFFFEC00  }
0x17: {  	[tilespmem:s13], [sflag:$0x1] =	stream.indirect.gather [hbm4b:s1+s12], $0x80, s20, s12, $0xb8;
	[tilespmem:$0x12800] =	vst v63  }
0x18: {  	s29 =	simm.s32 $0x1400  }
0x19: {  	[tilespmem:s14], [sflag:$0x2] =	stream.indirect.gather [hbm4b:s3+s12], $0x80, s29, s12, $0xb8;
	[tilespmem:$0x12800] =	vst v63  }
0x1a: {  	s30 =	simm.s32 $0x80  }
0x1b: {  	[tilespmem:s15], [sflag:$0x1] =	stream.indirect.gather [hbm4b:s1+s12], $0x80, s30, s12, $0xb8;
	[tilespmem:$0x12800] =	vst v63  }
0x1c: {  	s31 =	simm.s32 $0x1480  }
0x1d: {  	[tilespmem:s16], [sflag:$0x2] =	stream.indirect.gather [hbm4b:s3+s12], $0x80, s31, s12, $0xb8;
	[tilespmem:$0x12800] =	vst v63  }
0x1e: {  	_ =	swait.ge [sflag:s17], $0x4000  }
0x1f: {  	[sflag:s17] =	ssyncset.done $0x0  }
0x20: {  	[sflag:s17] =	ssyncadd.s32 $0xFFFFC000  }
0x21: {  	_ =	swait.ge [sflag:s18], $0x4000  }
0x22: {  	[sflag:s18] =	ssyncset.done $0x0  }
0x23: {  	[sflag:s18] =	ssyncadd.s32 $0xFFFFC000  }
0x24: {  	_ =	swait.ge [sflag:s17], $0x4000  }
0x25: {  	[sflag:s17] =	ssyncset.done $0x0  }
0x26: {  	[sflag:s17] =	ssyncadd.s32 $0xFFFFC000  }
0x27: {  	_ =	swait.ge [sflag:s18], $0x4000  }
0x28: {  	[sflag:s18] =	ssyncset.done $0x0  }
0x29: {  	[sflag:s18] =	ssyncadd.s32 $0xFFFFC000  }
0x2a: {  	[hbm4b:s8+s4] =	stream.linear.scatter [tilespmem:s13], [sflag:$0x3], $0x8000, $0x38;
	[tilespmem:$0x12800] =	vst v63  }
0x2b: {  	_ =	swait.ge [sflag:s10], $0x8000  }
0x2c: {  	[sflag:s10] =	ssyncset.done $0x0  }
0x2d: {  	[sflag:s10] =	ssyncadd.s32 $0xFFFF8000  }
0x2e: {  	[hbm4b:s9+s4] =	stream.linear.scatter [tilespmem:s14], [sflag:$0x3], $0x8000, $0x38;
	[tilespmem:$0x12800] =	vst v63  }
0x2f: {  	s22 =	simm.s32 $0x400;
	s23 =	simm.s32 $0x800;
	_ =	swait.ge [sflag:s10], $0x8000  }
0x30: {  	s21 =	sadd.s32 $0x1000, s8;
	s20 =	sadd.s32 $0x1000, s9;
	[sflag:s10] =	ssyncset.done $0x0  }
.LBB2_2:
0x31: {  	s24 =	sshra.s32 s22, $0x2  }
0x32: {  	[sflag:s10] =	ssyncadd.s32 $0xFFFF8000;
	s22 =	smov.u32 s23;
	s25 =	sadd.s32 $0x400, s23  }
0x33: {  	[tilespmem:s13], [sflag:$0x1] =	stream.indirect.gather [hbm4b:s1+s12], $0x80, s24, s12, $0xb8;
	[tilespmem:$0x12800] =	vst v63  }
0x34: {  	p0 =	sne.s32 s23, $0x4C00;
	s23 =	sadd.s32 $0x1400, s24  }
0x35: {  	[tilespmem:s14], [sflag:$0x2] =	stream.indirect.gather [hbm4b:s3+s12], $0x80, s23, s12, $0xb8;
	[tilespmem:$0x12800] =	vst v63  }
0x36: {  	s23 =	sadd.s32 $0x80, s24  }
0x37: {  	[tilespmem:s15], [sflag:$0x1] =	stream.indirect.gather [hbm4b:s1+s12], $0x80, s23, s12, $0xb8;
	[tilespmem:$0x12800] =	vst v63  }
0x38: {  	s23 =	sadd.s32 $0x1480, s24  }
0x39: {  	[tilespmem:s16], [sflag:$0x2] =	stream.indirect.gather [hbm4b:s3+s12], $0x80, s23, s12, $0xb8;
	[tilespmem:$0x12800] =	vst v63  }
0x3a: {  	_ =	swait.ge [sflag:s17], $0x4000  }
0x3b: {  	[sflag:s17] =	ssyncset.done $0x0  }
0x3c: {  	[sflag:s17] =	ssyncadd.s32 $0xFFFFC000  }
0x3d: {  	_ =	swait.ge [sflag:s18], $0x4000  }
0x3e: {  	[sflag:s18] =	ssyncset.done $0x0  }
0x3f: {  	[sflag:s18] =	ssyncadd.s32 $0xFFFFC000  }
0x40: {  	_ =	swait.ge [sflag:s17], $0x4000  }
0x41: {  	[sflag:s17] =	ssyncset.done $0x0  }
0x42: {  	[sflag:s17] =	ssyncadd.s32 $0xFFFFC000  }
0x43: {  	_ =	swait.ge [sflag:s18], $0x4000  }
0x44: {  	[sflag:s18] =	ssyncset.done $0x0  }
0x45: {  	[sflag:s18] =	ssyncadd.s32 $0xFFFFC000  }
0x46: {  	[hbm4b:s21+s4] =	stream.linear.scatter [tilespmem:s13], [sflag:$0x3], $0x8000, $0x38;
	[tilespmem:$0x12800] =	vst v63  }
0x47: {  	_ =	swait.ge [sflag:s10], $0x8000  }
.Ltmp0:
0x48: {  	[sflag:s10] =	ssyncset.done $0x0;
	(pc) =	sbr.rel @p0 .LBB2_2-.Ltmp0, $4  }
0x49: {  	[sflag:s10] =	ssyncadd.s32 $0xFFFF8000  }
0x4a: {  	[hbm4b:s20+s4] =	stream.linear.scatter [tilespmem:s14], [sflag:$0x3], $0x8000, $0x38;
	[tilespmem:$0x12800] =	vst v63  }
0x4b: {  	s23 =	smov.u32 s25;
	_ =	swait.ge [sflag:s10], $0x8000  }
0x4c: {  	s21 =	sadd.s32 $0x1000, s21;
	s20 =	sadd.s32 $0x1000, s20;
	[sflag:s10] =	ssyncset.done $0x0  }
0x4d: {  	s22 =	sshra.s32 s22, $0x2;
	[sflag:s10] =	ssyncadd.s32 $0xFFFF8000  }
0x4e: {  	[tilespmem:s13], [sflag:$0x1] =	stream.indirect.gather [hbm4b:s1+s12], $0x80, s22, s12, $0xb8;
	[tilespmem:$0x12800] =	vst v63  }
0x4f: {  	s23 =	sadd.s32 $0x1400, s22  }
0x50: {  	[tilespmem:s14], [sflag:$0x2] =	stream.indirect.gather [hbm4b:s3+s12], $0x80, s23, s12, $0xb8;
	[tilespmem:$0x12800] =	vst v63  }
0x51: {  	s31 =	sadd.s32 $0x80, s22  }
0x52: {  	[tilespmem:s15], [sflag:$0x1] =	stream.indirect.gather [hbm4b:s1+s12], $0x80, s31, s12, $0xb8;
	[tilespmem:$0x12800] =	vst v63  }
0x53: {  	s22 =	sadd.s32 $0x1480, s22  }
0x54: {  	[tilespmem:s16], [sflag:$0x2] =	stream.indirect.gather [hbm4b:s3+s12], $0x80, s22, s12, $0xb8;
	[tilespmem:$0x12800] =	vst v63  }
0x55: {  	_ =	swait.ge [sflag:s17], $0x4000  }
0x56: {  	[sflag:s17] =	ssyncset.done $0x0  }
0x57: {  	[sflag:s17] =	ssyncadd.s32 $0xFFFFC000  }
0x58: {  	_ =	swait.ge [sflag:s18], $0x4000  }
0x59: {  	[sflag:s18] =	ssyncset.done $0x0  }
0x5a: {  	[sflag:s18] =	ssyncadd.s32 $0xFFFFC000  }
0x5b: {  	_ =	swait.ge [sflag:s17], $0x4000  }
0x5c: {  	[sflag:s17] =	ssyncset.done $0x0  }
0x5d: {  	[sflag:s17] =	ssyncadd.s32 $0xFFFFC000  }
0x5e: {  	_ =	swait.ge [sflag:s18], $0x4000  }
0x5f: {  	[sflag:s18] =	ssyncset.done $0x0  }
0x60: {  	[sflag:s18] =	ssyncadd.s32 $0xFFFFC000  }
0x61: {  	[hbm4b:s21+s4] =	stream.linear.scatter [tilespmem:s13], [sflag:$0x3], $0x8000, $0x38;
	[tilespmem:$0x12800] =	vst v63  }
0x62: {  	s19 =	sadd.s32 $0x1, s19;
	_ =	swait.ge [sflag:s10], $0x8000  }
0x63: {  	p0 =	sne.s32 s19, s7;
	[sflag:s10] =	ssyncset.done $0x0  }
.Ltmp1:
0x64: {  	[sflag:s10] =	ssyncadd.s32 $0xFFFF8000;
	(pc) =	sbr.rel @p0 .LBB2_1-.Ltmp1, $4  }
0x65: {  	[hbm4b:s20+s4] =	stream.linear.scatter [tilespmem:s14], [sflag:$0x3], $0x8000, $0x38;
	[tilespmem:$0x12800] =	vst v63  }
0x66: {  	_ =	swait.ge [sflag:s10], $0x8000  }
0x67: {  	[sflag:s10] =	ssyncset.done $0x0  }
0x68: {  	[sflag:s10] =	ssyncadd.s32 $0xFFFF8000  }
0x69: {  	_ =	sfence.sel $0x180000  }
0x6a: {  	[bflag:$0x0] =	sbarrier.arrive $0xFFFF  }
0x6b: {  	p0 =	sne.s32 s0, $0x0;
	_ =	strace $0x90000047  }
0x6c: {  	s0 =	sadd.s32 @!p0 $0x100000, s2;
	[bflag:$0x2] =	sbarrier.arrive $0xFFFF  }
0x6d: {  	[sflag:s0] =	ssyncadd.tile.s32 @!p0 $0x1;
	_ =	shalt  }
.Lfunc_end2:
_tile_overlayer_lowered:
.L_overlay_start_2:
0x6e: {  	(tag) =	ssettag $0x2  }
0x6f: {  	s0 =	rddreg [dreg:$0x0];
	s2 =	stileid.u32  }
0x70: {  	s1 =	rddreg [dreg:$0x1];
	p0 =	sne.s32 s2, $0x0  }
0x71: {  	s3 =	rddreg [dreg:$0x2];
	[bflag:$0x3] =	sbarrier.arrive $0xFFFF;
	s2 =	simm.s32 @!p0 $0x1C03  }
0x72: {  	[timem:s3], [sflag:s2] =	dma.local @!p0 [hbm:s0], s1  }
0x73: {  	s0 =	simm.s32 @!p0 $0x3  }
0x74: {  	_ =	swait.ge @!p0 [sflag:s0], s1  }
0x75: {  	s1 =	ssub.s32 @!p0 $0x0, s1;
	[sflag:s0] =	ssyncset.done @!p0 $0x0  }
0x76: {  	[sflag:s0] =	ssyncadd.s32 @!p0 s1  }
0x77: {  	[bflag:$0x3] =	sbarrier.arrive $0xFFFF  }
0x78: {  	_ =	shalt  }

// kernel: kernel.22.cloned.1.call-start
scs
__scs_entry_jumppad:
0x0: {  	(pc) =	sbr.rel $0x88, $3  }
0x1: {  	(tag) =	ssettag $0x0;
	lr =	simm.s32 $0x1  }
0x2: {  	[smem:$0x3F6E] =	sst lr;
	_ =	strace $0xD0000000  }
0x3: {  	_ = 	snop  }
0x4: {  	_ = 	snop  }
0x5: {  	_ = 	snop  }
0x6: {  	_ = 	snop  }
0x7: {  	_ = 	snop  }
__scs_overlays_trampoline_lowered:
0x8: {  	[smem:$0x3F7D] =	sst s0  }
0x9: {  	[smem:$0x3F7E] =	sst s1  }
0xa: {  	[smem:$0x3F7F] =	sst s2  }
0xb: {  	[smem:$0x3F80] =	sst s3  }
0xc: {  	[smem:$0x3F81] =	sst s4  }
0xd: {  	[smem:$0x3F82] =	sst s5  }
0xe: {  	[smem:$0x3F83] =	sst s6  }
0xf: {  	[smem:$0x3F84] =	sst s7  }
0x10: {  	[smem:$0x3F85] =	sst s8  }
0x11: {  	[smem:$0x3F86] =	sst s9;
	s0 =	simm.s32 @!p0 $0x0  }
0x12: {  	s1 =	sld [smem:$0x3F6C];
	s0 =	simm.s32 @p0 $0x1  }
0x13: {  	[smem:$0x3F87] =	sst s0;
	s0 =	simm.s32 @!p1 $0x0  }
0x14: {  	s2 =	sld [smem:$0x3F6B];
	s0 =	simm.s32 @p1 $0x1  }
0x15: {  	[smem:$0x3F88] =	sst s0;
	s0 =	simm.s32 @!p2 $0x0  }
0x16: {  	s3 =	sld [smem:$0x3FDB];
	s0 =	simm.s32 @p2 $0x1  }
0x17: {  	s4 =	simm.s32 $0x1BF5;
	[smem:$0x3F8A] =	sst s0  }
0x18: {  	s0 =	sld [smem:$0x3F6D];
	_ =	swait.ge [sflag:s4], $0x0  }
0x19: {  	s7 =	sld [smem:$0x3F6E]  }
0x1a: {  	s8 =	sadd.s32 $0xFFFFE003, lr  }
0x1b: {  	s9 =	sadd.s32 $0xFFFFFEF7, lr;
	s5 =	simm.s32 $0xFFFFFFFF;
	p2 =	slt.u32 s8, $0xFFFFF086  }
0x1c: {  	p1 =	slt.u32 s9, $0xF7A;
	s5 =	simm.s32 @!p2 $0x0  }
0x1d: {  	s5 =	simm.s32 @p1 $0x1;
	p0 =	seq.s32 s7, s2  }
0x1e: {  	s7 =	smul.u32 @!p0 $0xF7A, s2;
	p2 =	seq.s32 @!p0 s5, $0x0  }
0x1f: {  	s9 =	smul.u32 $0xF7A, s1;
	s8 =	simm.s32 @!p0 $0x1BF5;
	p2 =	por !p2, p0  }
0x20: {  	[sflag:s8] =	ssyncset.s32 @!p0 $0xFFFFF086;
	s6 =	sadd.s32 @!p0 s3, s7;
	s7 =	simm.s32 @!p0 $0x108  }
0x21: {  	s3 =	sadd.s32 s3, s9;
	s6 =	sadd.s32 @!p0 $0x88, s6;
	s7 =	simm.s32 @p2 $0x1082  }
0x22: {  	[simem:s7], [sflag:s8] =	dma.local @!p0 [hbm:s6], $0xF7A  }
0x23: {  	s9 =	sor.u32 $0xD0000000, s2;
	s6 =	simm.s32 $0x108;
	_ =	swait.ge @!p0 [sflag:s8], $0x0  }
0x24: {  	s3 =	sadd.s32 $0x88, s3;
	s6 =	simm.s32 @!p1 $0x1082;
	[sflag:s4] =	ssyncset.s32 $0xFFFFF086  }
0x25: {  	[simem:s6], [sflag:s4] =	dma.local [hbm:s3], $0xF7A  }
0x26: {  	[smem:$0x3F6E] =	sst s1;
	(tag) =	ssettag s2;
	_ =	strace s9  }
0x27: {  	s1 =	sld [smem:$0x3F7E]  }
0x28: {  	s2 =	sld [smem:$0x3F7F]  }
0x29: {  	s4 =	sld [smem:$0x3F81]  }
0x2a: {  	p0 =	seq.s32 s5, $0x0;
	s5 =	sld [smem:$0x3F82]  }
0x2b: {  	s6 =	sld [smem:$0x3F83]  }
0x2c: {  	s7 =	sld [smem:$0x3F84]  }
0x2d: {  	s3 =	simm.s32 $0x108;
	s8 =	sld [smem:$0x3F85]  }
0x2e: {  	s3 =	simm.s32 @!p0 $0x1082;
	s9 =	sld [smem:$0x3F86]  }
0x2f: {  	lr =	sadd.s32 s0, s3;
	s0 =	sld [smem:$0x3F7D]  }
0x30: {  	s3 =	sld [smem:$0x3F80]  }
0x31: {  	[smem:$0x3F89] =	sst s10  }
0x32: {  	s10 =	sld [smem:$0x3F87];
	_ =	sdelay $0x3  }
0x33: {  	p0 =	seq.s32 s10, $0x1;
	s10 =	sld [smem:$0x3F89];
	_ =	sdelay $0x3  }
0x34: {  	[smem:$0x3F89] =	sst s10  }
0x35: {  	s10 =	sld [smem:$0x3F88];
	_ =	sdelay $0x3  }
0x36: {  	p1 =	seq.s32 s10, $0x1;
	s10 =	sld [smem:$0x3F89];
	_ =	sdelay $0x3  }
0x37: {  	[smem:$0x3F89] =	sst s10  }
0x38: {  	s10 =	sld [smem:$0x3F8A]  }
0x39: {  	_ = 	snop;
	(pc) =	sbr.ind lr, $3  }
0x3a: {  	_ = 	snop  }
0x3b: {  	_ = 	snop  }
0x3c: {  	p2 =	seq.s32 s10, $0x1;
	s10 =	sld [smem:$0x3F89]  }
0x3d: {  	_ =	shalt  }
0x3e: {  	_ =	shalt  }
0x3f: {  	_ =	shalt  }
0x40: {  	_ =	shalt  }
0x41: {  	_ =	shalt  }
0x42: {  	_ =	shalt  }
0x43: {  	_ =	shalt  }
0x44: {  	_ =	shalt  }
0x45: {  	_ =	shalt  }
0x46: {  	_ =	shalt  }
0x47: {  	_ =	shalt  }
0x48: {  	_ =	shalt  }
0x49: {  	_ =	shalt  }
0x4a: {  	_ =	shalt  }
0x4b: {  	_ =	shalt  }
0x4c: {  	_ =	shalt  }
0x4d: {  	_ =	shalt  }
0x4e: {  	_ =	shalt  }
0x4f: {  	_ =	shalt  }
0x50: {  	_ =	shalt  }
0x51: {  	_ =	shalt  }
0x52: {  	_ =	shalt  }
0x53: {  	_ =	shalt  }
0x54: {  	_ =	shalt  }
0x55: {  	_ =	shalt  }
0x56: {  	_ =	shalt  }
0x57: {  	_ =	shalt  }
0x58: {  	_ =	shalt  }
0x59: {  	_ =	shalt  }
0x5a: {  	_ =	shalt  }
0x5b: {  	_ =	shalt  }
0x5c: {  	_ =	shalt  }
0x5d: {  	_ =	shalt  }
0x5e: {  	_ =	shalt  }
0x5f: {  	_ =	shalt  }
0x60: {  	_ =	shalt  }
0x61: {  	_ =	shalt  }
0x62: {  	_ =	shalt  }
0x63: {  	_ =	shalt  }
0x64: {  	_ =	shalt  }
0x65: {  	_ =	shalt  }
0x66: {  	_ =	shalt  }
0x67: {  	_ =	shalt  }
0x68: {  	_ =	shalt  }
0x69: {  	_ =	shalt  }
0x6a: {  	_ =	shalt  }
0x6b: {  	_ =	shalt  }
0x6c: {  	_ =	shalt  }
0x6d: {  	_ =	shalt  }
0x6e: {  	_ =	shalt  }
0x6f: {  	_ =	shalt  }
0x70: {  	_ =	shalt  }
0x71: {  	_ =	shalt  }
0x72: {  	_ =	shalt  }
0x73: {  	_ =	shalt  }
0x74: {  	_ =	shalt  }
0x75: {  	_ =	shalt  }
0x76: {  	_ =	shalt  }
0x77: {  	_ =	shalt  }
0x78: {  	_ =	shalt  }
0x79: {  	_ =	shalt  }
0x7a: {  	_ =	shalt  }
0x7b: {  	_ =	shalt  }
0x7c: {  	_ =	shalt  }
0x7d: {  	_ =	shalt  }
0x7e: {  	_ =	shalt  }
0x7f: {  	_ =	shalt  }
0x80: {  	_ =	shalt  }
0x81: {  	_ =	shalt  }
0x82: {  	_ =	shalt  }
0x83: {  	_ =	shalt  }
0x84: {  	_ =	shalt  }
0x85: {  	_ =	shalt  }
0x86: {  	_ =	shalt  }
0x87: {  	_ =	shalt  }
.Lfunc_end0:
.L_simem_size_0:
called_computation.2_lowered:
.L_overlay_start_0:
0x88: {  	s2 =	sld [smem:$0x3FD9]  }
0x89: {  	s3 =	sld [smem:$0x3FFE];
	_ =	sdelay $0x1  }
0x8a: {  	s1 =	srdreg.scid  }
0x8b: {  	s0 =	sand.u32 $0x1, s1  }
0x8c: {  	s17 =	sshll.u32 s0, $0xA;
	s2 =	sadd.s32 s3, s2  }
0x8d: {  	s2 =	sadd.s32 s2, s17  }
0x8e: {  	[smem:$0x3F95] =	sst s2  }
0x8f: {  	_ = 	snop  }
0x90: {  	(tm) =	ssettm $0x1  }
0x91: {  	s18 =	sld [smem:$0x3FFB];
	_ =	sdelay $0x3  }
0x92: {  	_ =	strace s18  }
0x93: {  	s2 =	sld [smem:$0x3FFC];
	_ =	sdelay $0x3  }
0x94: {  	_ =	strace s2  }
0x95: {  	s2 =	sld [smem:$0x3FFD];
	_ =	sdelay $0x3  }
0x96: {  	_ =	strace s2  }
0x97: {  	_ =	strace $0x8FFFFFFF  }
0x98: {  	s19 =	sld [smem:$0x3FDB];
	_ =	sdelay $0x1  }
0x99: {  	s20 =	simm.s32 $_scs_section_size  }
0x9a: {  	s4 =	simm.s32 $_size__tile_overlayer_lowered;
	s5 =	simm.s32 $_tile_overlayer_lowered  }
0x9b: {  	s6 =	simm.s32 $0x1BFF;
	s21 =	sshll.u32 s5, $0x1;
	s3 =	sadd.s32 s20, s19  }
0x9c: {  	s22 =	simm.s32 $0x0;
	s4 =	sshll.u32 s4, $0x1;
	s5 =	sadd.s32 s21, s3  }
0x9d: {  	[timem:s22], [sflag:s6] =	dma.local [hbm:s5], s4  }
0x9e: {  	_ =	swait.ge [sflag:s6], s4  }
0x9f: {  	s4 =	ssub.s32 $0x0, s4;
	[sflag:s6] =	ssyncset.done $0x0  }
0xa0: {  	[sflag:s6] =	ssyncadd.s32 s4;
	_ =	sdelay $0x1  }
0xa1: {  	s23 =	simm.s32 $0x1B8B  }
0xa2: {  	_ =	swait.ge [sflag:s23], $0x1  }
0xa3: {  	[sflag:s23] =	ssyncset.done $0x0  }
0xa4: {  	[sflag:s23] =	ssyncadd.s32 $0xFFFFFFFF  }
0xa5: {  	s4 =	sld [smem:$0x0]  }
0xa6: {  	s5 =	sand.u32 $0xFFFFFFFE, s1  }
0xa7: {  	p0 =	sne.s32 s1, s5  }
0xa8: {  	s5 =	sshll.u32 @p0 s5, $0xE  }
0xa9: {  	s5 =	sadd.s32 @p0 $0x11B8D, s5;
	s6 =	sshll.u32 @p0 s4, $0x11  }
0xaa: {  	s5 =	sor.u32 @p0 s6, s5  }
0xab: {  	[sflag:s5] =	ssyncadd.remote.s32 @p0 $0x1;
	_ =	sdelay $0x1  }
0xac: {  	s5 =	simm.s32 @p0 $0x1B8D  }
0xad: {  	_ =	swait.eq @p0 [sflag:s5], $0x1  }
0xae: {  	[sflag:s5] =	ssyncadd.s32 @p0 $0xFFFFFFFF  }
0xaf: {  	s6 =	sshll.u32 @!p0 s1, $0xE  }
0xb0: {  	s6 =	sor.u32 @!p0 $0x4000, s6;
	s5 =	simm.s32 @!p0 $0x1B8D  }
0xb1: {  	s4 =	sshll.u32 @!p0 s4, $0x11;
	s6 =	sadd.s32 @!p0 $0x11B8D, s6;
	_ =	swait.eq @!p0 [sflag:s5], $0x1  }
0xb2: {  	s4 =	sor.u32 @!p0 s4, s6;
	[sflag:s5] =	ssyncadd.s32 @!p0 $0xFFFFFFFF  }
0xb3: {  	s25 =	simm.s32 $0x1B8E;
	s24 =	sld [smem:$0x3FFE];
	[sflag:s4] =	ssyncadd.remote.s32 @!p0 $0x1  }
0xb4: {  	s26 =	simm.s32 $execute0_lowered;
	[smem:$0x3FD2] =	sst s25  }
0xb5: {  	s5 =	sshll.u32 s26, $0x1;
	_ =	strace $0x8000004C;
	[dreg:$0x1] =	wrdreg $0xFFFFFFFF  }
0xb6: {  	s28 =	simm.s32 $_size_execute0_lowered;
	s3 =	sadd.s32 s3, s5;
	[dreg:$0x0] =	wrdreg $0x0  }
0xb7: {  	s5 =	sshll.u32 s28, $0x1;
	[dreg:$0x2] =	wrdreg s3  }
0xb8: {  	[dreg:$0x3] =	wrdreg s5  }
0xb9: {  	[dreg:$0x4] =	wrdreg $0xC0  }
0xba: {  	_ =	task [dreg:s22], $0x5FFFF  }
0xbb: {  	[dreg:$0x1] =	wrdreg $0xFFFFFFFF  }
0xbc: {  	[dreg:$0x0] =	wrdreg $0x60  }
0xbd: {  	[dreg:$0x2] =	wrdreg s24  }
0xbe: {  	[dreg:$0x3] =	wrdreg $0x0  }
0xbf: {  	[dreg:$0x4] =	wrdreg $0xA  }
0xc0: {  	_ =	task.clear_ibuf [dreg:s22], $0x5FFFF;
	_ =	strace $0x9000004C  }
0xc1: {  	s29 =	simm.s32 $0xA;
	_ =	strace $0x8000004E  }
0xc2: {  	_ =	swait.ge [sflag:s29], $0x1  }
0xc3: {  	[sflag:s29] =	ssyncadd.s32 $0xFFFFFFFF  }
0xc4: {  	_ =	strace $0x9000004E  }
0xc5: {  	_ =	sfence  }
0xc6: {  	s30 =	sld [smem:$0x0];
	_ =	sdelay $0x2  }
0xc7: {  	s31 =	sshll.u32 s1, $0xD;
	s1 =	sshrl.u32 s1, $0x2  }
0xc8: {  	s4 =	sand.u32 $0x4000, s31;
	s1 =	sadd.s32 s1, s30  }
0xc9: {  	s0 =	sor.u32 s4, s0;
	s1 =	sshll.u32 s1, $0x11  }
0xca: {  	s0 =	sor.u32 s1, s0  }
0xcb: {  	s0 =	sadd.s32 $0x8F2B, s0  }
0xcc: {  	[sflag:s0] =	ssyncadd.remote.s32 $0x1  }
0xcd: {  	_ =	sfence.sel $0xFFFF  }
0xce: {  	[dreg:$0x0] =	wrdreg $0xFFFFFFFF;
	(pc) =	sbr.abs _section_cstart, $3  }
0xcf: {  	[dreg:$0x1] =	wrdreg $0xFFFFFFFF  }
0xd0: {  	_ =	task.clear_ibuf [dreg:s22], $0x2FFFF;
	_ =	strace $0x9FFFFFFF  }
0xd1: {  	(tm) =	ssettm $0x7FFFFFFF  }
tec
execute0_lowered:
.L_overlay_start_1:
0x0: {  	(tag) =	ssettag $0x1  }
0x1: {  	s4 =	rddreg [dreg:$0x0];
	s1 =	stileid.u32  }
0x2: {  	s2 =	rddreg [dreg:$0x1];
	s5 =	smul.u32 $0x28000, s1  }
0x3: {  	s0 =	rddreg [dreg:$0x2];
	s3 =	simm.s32 $0x0;
	s6 =	smul.u32 $0x500, s1  }
0x4: {  	s7 =	srdreg.scid;
	s14 =	simm.s32 $0x80;
	s8 =	smul.u32 $0x14000, s1  }
0x5: {  	s15 =	simm.s32 $0x0;
	s7 =	sand.u32 $0x1, s7;
	s12 =	smul.u32 $0x50000, s1  }
0x6: {  	[smem:$0x7FF] =	sst s3;
	s30 =	sshll.u32 s1, $0x6;
	s9 =	smul.u32 $0x140000, s7  }
0x7: {  	_ =	strace $0x8000004D;
	s25 =	ssub.s32 $0x2, s7;
	s28 =	smul.u32 $0x14000, s7  }
0x8: {  	s7 =	smul.u32 $0x280, s7;
	s10 =	sadd.s32 s5, s4;
	s11 =	sadd.s32 s6, s4  }
0x9: {  	s23 =	sshrl.u32 s8, $0x3;
	s26 =	sshrl.u32 s25, $0x1;
	s29 =	sshrl.u32 s12, $0x2  }
0xa: {  	s12 =	simm.s32 $0x14000;
	s5 =	sadd.s32 s23, s4;
	s24 =	sadd.s32 s8, s9  }
0xb: {  	s8 =	ssub.s32 s25, s26;
	s13 =	sadd.s32 s29, s2;
	s9 =	sadd.s32 s28, s10  }
0xc: {  	s31 =	sadd.s32 s7, s11;
	s11 =	simm.s32 $0x1;
	s6 =	sshrl.u32 s24, $0x3  }
0xd: {  	s7 =	smax.u32 s8, $0x1;
	s8 =	sadd.s32 $0xA03E00, s9;
	s9 =	sadd.s32 $0x17E00, s31  }
0xe: {  	s10 =	sshrl.u32 s13, $0x3;
	s13 =	simm.s32 $0x14080;
	s6 =	sadd.s32 s6, s4  }
0xf: {  	s4 =	sadd.s32 $0x21E00, s5;
	s5 =	sor.u32 $0x1C01, s30;
	s6 =	sadd.s32 $0x49E00, s6  }
.LBB2_1:
0x10: {  	[spmem:s10], [sflag:s5] =	dma.local [hbm:s4], $0x2800  }
0x11: {  	_ =	swait.ge [sflag:s11], $0x2800  }
0x12: {  	[sflag:s11] =	ssyncset.done $0x0  }
0x13: {  	[sflag:s11] =	ssyncadd.s32 $0xFFFFD800  }
0x14: {  	s16 =	sadd.s32 $0x0, s9;
	[bflag:$0x0] =	sbarrier.arrive $0xFFFF  }
0x15: {  	[tilespmem:s12], [sflag:$0x1] =	stream.linear.gather [hbm4b:s16+s3], $0x80, $0x38;
	[tilespmem:$0x18080] =	vst v63  }
0x16: {  	_ =	swait.ge [sflag:s11], $0x80  }
0x17: {  	[sflag:s11] =	ssyncset.done $0x0  }
0x18: {  	[sflag:s11] =	ssyncadd.s32 $0xFFFFFF80  }
0x19: {  	[tilespmem:s13], [sflag:$0x1] =	stream.linear.gather [hbm4b:s8+s3], $0x4000, $0x38;
	[tilespmem:$0x18080] =	vst v63  }
0x1a: {  	_ =	swait.ge [sflag:s11], $0x4000  }
0x1b: {  	[sflag:s11] =	ssyncset.done $0x0  }
0x1c: {  	[sflag:s11] =	ssyncadd.s32 $0xFFFFC000  }
0x1d: {  	[spmem:s2] =	stream.indirect.scatter.add.f32 [tilespmem:s13], [sflag:$0x1], $0x80, s12, s14, $0xb8;
	[tilespmem:$0x18080] =	vst v63  }
0x1e: {  	s17 =	simm.s32 $0x10;
	_ =	swait.ge [sflag:s11], $0x4000  }
0x1f: {  	s18 =	simm.s32 $0x20;
	s16 =	sadd.s32 $0x800, s8;
	[sflag:s11] =	ssyncset.done $0x0  }
.LBB2_2:
0x20: {  	s19 =	sadd.s32 s17, s9  }
0x21: {  	[sflag:s11] =	ssyncadd.s32 $0xFFFFC000;
	s17 =	smov.u32 s18;
	s20 =	sadd.s32 $0x10, s18  }
0x22: {  	[tilespmem:s12], [sflag:$0x1] =	stream.linear.gather [hbm4b:s19+s3], $0x80, $0x38;
	[tilespmem:$0x18080] =	vst v63  }
0x23: {  	p0 =	sne.s32 s18, $0x270;
	_ =	swait.ge [sflag:s11], $0x80  }
0x24: {  	[sflag:s11] =	ssyncset.done $0x0  }
0x25: {  	[sflag:s11] =	ssyncadd.s32 $0xFFFFFF80  }
0x26: {  	[tilespmem:s13], [sflag:$0x1] =	stream.linear.gather [hbm4b:s16+s3], $0x4000, $0x38;
	[tilespmem:$0x18080] =	vst v63  }
0x27: {  	_ =	swait.ge [sflag:s11], $0x4000  }
.Ltmp0:
0x28: {  	[sflag:s11] =	ssyncset.done $0x0;
	(pc) =	sbr.rel @p0 .LBB2_2-.Ltmp0, $4  }
0x29: {  	[sflag:s11] =	ssyncadd.s32 $0xFFFFC000  }
0x2a: {  	[spmem:s2] =	stream.indirect.scatter.add.f32 [tilespmem:s13], [sflag:$0x1], $0x80, s12, s14, $0xb8;
	[tilespmem:$0x18080] =	vst v63  }
0x2b: {  	_ =	swait.ge [sflag:s11], $0x4000  }
0x2c: {  	s18 =	smov.u32 s20;
	s16 =	sadd.s32 $0x800, s16;
	[sflag:s11] =	ssyncset.done $0x0  }
0x2d: {  	s17 =	sadd.s32 s17, s9;
	[sflag:s11] =	ssyncadd.s32 $0xFFFFC000  }
0x2e: {  	[tilespmem:s12], [sflag:$0x1] =	stream.linear.gather [hbm4b:s17+s3], $0x80, $0x38;
	[tilespmem:$0x18080] =	vst v63  }
0x2f: {  	_ =	swait.ge [sflag:s11], $0x80  }
0x30: {  	[sflag:s11] =	ssyncset.done $0x0  }
0x31: {  	[sflag:s11] =	ssyncadd.s32 $0xFFFFFF80  }
0x32: {  	[tilespmem:s13], [sflag:$0x1] =	stream.linear.gather [hbm4b:s16+s3], $0x4000, $0x38;
	[tilespmem:$0x18080] =	vst v63  }
0x33: {  	_ =	swait.ge [sflag:s11], $0x4000  }
0x34: {  	[sflag:s11] =	ssyncset.done $0x0  }
0x35: {  	[sflag:s11] =	ssyncadd.s32 $0xFFFFC000  }
0x36: {  	[spmem:s2] =	stream.indirect.scatter.add.f32 [tilespmem:s13], [sflag:$0x1], $0x80, s12, s14, $0xb8;
	[tilespmem:$0x18080] =	vst v63  }
0x37: {  	_ =	swait.ge [sflag:s11], $0x4000  }
0x38: {  	s15 =	sadd.s32 $0x1, s15;
	[sflag:s11] =	ssyncset.done $0x0  }
0x39: {  	p0 =	sne.s32 s15, s7;
	[sflag:s11] =	ssyncadd.s32 $0xFFFFC000  }
.Ltmp1:
0x3a: {  	[bflag:$0x0] =	sbarrier.arrive $0xFFFF;
	(pc) =	sbr.rel @p0 .LBB2_1-.Ltmp1, $4  }
0x3b: {  	[hbm:s6], [sflag:s5] =	dma.local [spmem:s10], $0x2800  }
0x3c: {  	_ =	swait.ge [sflag:s11], $0x2800  }
0x3d: {  	[sflag:s11] =	ssyncset.done $0x0  }
0x3e: {  	[sflag:s11] =	ssyncadd.s32 $0xFFFFD800  }
0x3f: {  	_ =	sfence.sel $0x180000  }
0x40: {  	[bflag:$0x0] =	sbarrier.arrive $0xFFFF  }
0x41: {  	p0 =	sne.s32 s1, $0x0;
	_ =	strace $0x9000004D  }
0x42: {  	s0 =	sadd.s32 @!p0 $0x100000, s0;
	[bflag:$0x2] =	sbarrier.arrive $0xFFFF  }
0x43: {  	[sflag:s0] =	ssyncadd.tile.s32 @!p0 $0x1;
	_ =	shalt  }
.Lfunc_end2:
_tile_overlayer_lowered:
.L_overlay_start_2:
0x44: {  	(tag) =	ssettag $0x2  }
0x45: {  	s0 =	rddreg [dreg:$0x0];
	s2 =	stileid.u32  }
0x46: {  	s1 =	rddreg [dreg:$0x1];
	p0 =	sne.s32 s2, $0x0  }
0x47: {  	s3 =	rddreg [dreg:$0x2];
	[bflag:$0x3] =	sbarrier.arrive $0xFFFF;
	s2 =	simm.s32 @!p0 $0x1C01  }
0x48: {  	[timem:s3], [sflag:s2] =	dma.local @!p0 [hbm:s0], s1  }
0x49: {  	s0 =	simm.s32 @!p0 $0x1  }
0x4a: {  	_ =	swait.ge @!p0 [sflag:s0], s1  }
0x4b: {  	s1 =	ssub.s32 @!p0 $0x0, s1;
	[sflag:s0] =	ssyncset.done @!p0 $0x0  }
0x4c: {  	[sflag:s0] =	ssyncadd.s32 @!p0 s1  }
0x4d: {  	[bflag:$0x3] =	sbarrier.arrive $0xFFFF  }
0x4e: {  	_ =	shalt  }

// kernel: kernel.25.cloned.1.call-start
scs
__scs_entry_jumppad:
0x0: {  	(pc) =	sbr.rel $0x88, $3  }
0x1: {  	(tag) =	ssettag $0x0;
	lr =	simm.s32 $0x1  }
0x2: {  	[smem:$0x3F6E] =	sst lr;
	_ =	strace $0xD0000000  }
0x3: {  	_ = 	snop  }
0x4: {  	_ = 	snop  }
0x5: {  	_ = 	snop  }
0x6: {  	_ = 	snop  }
0x7: {  	_ = 	snop  }
__scs_overlays_trampoline_lowered:
0x8: {  	[smem:$0x3F7D] =	sst s0  }
0x9: {  	[smem:$0x3F7E] =	sst s1  }
0xa: {  	[smem:$0x3F7F] =	sst s2  }
0xb: {  	[smem:$0x3F80] =	sst s3  }
0xc: {  	[smem:$0x3F81] =	sst s4  }
0xd: {  	[smem:$0x3F82] =	sst s5  }
0xe: {  	[smem:$0x3F83] =	sst s6  }
0xf: {  	[smem:$0x3F84] =	sst s7  }
0x10: {  	[smem:$0x3F85] =	sst s8  }
0x11: {  	[smem:$0x3F86] =	sst s9;
	s0 =	simm.s32 @!p0 $0x0  }
0x12: {  	s1 =	sld [smem:$0x3F6C];
	s0 =	simm.s32 @p0 $0x1  }
0x13: {  	[smem:$0x3F87] =	sst s0;
	s0 =	simm.s32 @!p1 $0x0  }
0x14: {  	s2 =	sld [smem:$0x3F6B];
	s0 =	simm.s32 @p1 $0x1  }
0x15: {  	[smem:$0x3F88] =	sst s0;
	s0 =	simm.s32 @!p2 $0x0  }
0x16: {  	s3 =	sld [smem:$0x3FDB];
	s0 =	simm.s32 @p2 $0x1  }
0x17: {  	s4 =	simm.s32 $0x1BF5;
	[smem:$0x3F8A] =	sst s0  }
0x18: {  	s0 =	sld [smem:$0x3F6D];
	_ =	swait.ge [sflag:s4], $0x0  }
0x19: {  	s7 =	sld [smem:$0x3F6E]  }
0x1a: {  	s8 =	sadd.s32 $0xFFFFE003, lr  }
0x1b: {  	s9 =	sadd.s32 $0xFFFFFEF7, lr;
	s5 =	simm.s32 $0xFFFFFFFF;
	p2 =	slt.u32 s8, $0xFFFFF086  }
0x1c: {  	p1 =	slt.u32 s9, $0xF7A;
	s5 =	simm.s32 @!p2 $0x0  }
0x1d: {  	s5 =	simm.s32 @p1 $0x1;
	p0 =	seq.s32 s7, s2  }
0x1e: {  	s7 =	smul.u32 @!p0 $0xF7A, s2;
	p2 =	seq.s32 @!p0 s5, $0x0  }
0x1f: {  	s9 =	smul.u32 $0xF7A, s1;
	s8 =	simm.s32 @!p0 $0x1BF5;
	p2 =	por !p2, p0  }
0x20: {  	[sflag:s8] =	ssyncset.s32 @!p0 $0xFFFFF086;
	s6 =	sadd.s32 @!p0 s3, s7;
	s7 =	simm.s32 @!p0 $0x108  }
0x21: {  	s3 =	sadd.s32 s3, s9;
	s6 =	sadd.s32 @!p0 $0x88, s6;
	s7 =	simm.s32 @p2 $0x1082  }
0x22: {  	[simem:s7], [sflag:s8] =	dma.local @!p0 [hbm:s6], $0xF7A  }
0x23: {  	s9 =	sor.u32 $0xD0000000, s2;
	s6 =	simm.s32 $0x108;
	_ =	swait.ge @!p0 [sflag:s8], $0x0  }
0x24: {  	s3 =	sadd.s32 $0x88, s3;
	s6 =	simm.s32 @!p1 $0x1082;
	[sflag:s4] =	ssyncset.s32 $0xFFFFF086  }
0x25: {  	[simem:s6], [sflag:s4] =	dma.local [hbm:s3], $0xF7A  }
0x26: {  	[smem:$0x3F6E] =	sst s1;
	(tag) =	ssettag s2;
	_ =	strace s9  }
0x27: {  	s1 =	sld [smem:$0x3F7E]  }
0x28: {  	s2 =	sld [smem:$0x3F7F]  }
0x29: {  	s4 =	sld [smem:$0x3F81]  }
0x2a: {  	p0 =	seq.s32 s5, $0x0;
	s5 =	sld [smem:$0x3F82]  }
0x2b: {  	s6 =	sld [smem:$0x3F83]  }
0x2c: {  	s7 =	sld [smem:$0x3F84]  }
0x2d: {  	s3 =	simm.s32 $0x108;
	s8 =	sld [smem:$0x3F85]  }
0x2e: {  	s3 =	simm.s32 @!p0 $0x1082;
	s9 =	sld [smem:$0x3F86]  }
0x2f: {  	lr =	sadd.s32 s0, s3;
	s0 =	sld [smem:$0x3F7D]  }
0x30: {  	s3 =	sld [smem:$0x3F80]  }
0x31: {  	[smem:$0x3F89] =	sst s10  }
0x32: {  	s10 =	sld [smem:$0x3F87];
	_ =	sdelay $0x3  }
0x33: {  	p0 =	seq.s32 s10, $0x1;
	s10 =	sld [smem:$0x3F89];
	_ =	sdelay $0x3  }
0x34: {  	[smem:$0x3F89] =	sst s10  }
0x35: {  	s10 =	sld [smem:$0x3F88];
	_ =	sdelay $0x3  }
0x36: {  	p1 =	seq.s32 s10, $0x1;
	s10 =	sld [smem:$0x3F89];
	_ =	sdelay $0x3  }
0x37: {  	[smem:$0x3F89] =	sst s10  }
0x38: {  	s10 =	sld [smem:$0x3F8A]  }
0x39: {  	_ = 	snop;
	(pc) =	sbr.ind lr, $3  }
0x3a: {  	_ = 	snop  }
0x3b: {  	_ = 	snop  }
0x3c: {  	p2 =	seq.s32 s10, $0x1;
	s10 =	sld [smem:$0x3F89]  }
0x3d: {  	_ =	shalt  }
0x3e: {  	_ =	shalt  }
0x3f: {  	_ =	shalt  }
0x40: {  	_ =	shalt  }
0x41: {  	_ =	shalt  }
0x42: {  	_ =	shalt  }
0x43: {  	_ =	shalt  }
0x44: {  	_ =	shalt  }
0x45: {  	_ =	shalt  }
0x46: {  	_ =	shalt  }
0x47: {  	_ =	shalt  }
0x48: {  	_ =	shalt  }
0x49: {  	_ =	shalt  }
0x4a: {  	_ =	shalt  }
0x4b: {  	_ =	shalt  }
0x4c: {  	_ =	shalt  }
0x4d: {  	_ =	shalt  }
0x4e: {  	_ =	shalt  }
0x4f: {  	_ =	shalt  }
0x50: {  	_ =	shalt  }
0x51: {  	_ =	shalt  }
0x52: {  	_ =	shalt  }
0x53: {  	_ =	shalt  }
0x54: {  	_ =	shalt  }
0x55: {  	_ =	shalt  }
0x56: {  	_ =	shalt  }
0x57: {  	_ =	shalt  }
0x58: {  	_ =	shalt  }
0x59: {  	_ =	shalt  }
0x5a: {  	_ =	shalt  }
0x5b: {  	_ =	shalt  }
0x5c: {  	_ =	shalt  }
0x5d: {  	_ =	shalt  }
0x5e: {  	_ =	shalt  }
0x5f: {  	_ =	shalt  }
0x60: {  	_ =	shalt  }
0x61: {  	_ =	shalt  }
0x62: {  	_ =	shalt  }
0x63: {  	_ =	shalt  }
0x64: {  	_ =	shalt  }
0x65: {  	_ =	shalt  }
0x66: {  	_ =	shalt  }
0x67: {  	_ =	shalt  }
0x68: {  	_ =	shalt  }
0x69: {  	_ =	shalt  }
0x6a: {  	_ =	shalt  }
0x6b: {  	_ =	shalt  }
0x6c: {  	_ =	shalt  }
0x6d: {  	_ =	shalt  }
0x6e: {  	_ =	shalt  }
0x6f: {  	_ =	shalt  }
0x70: {  	_ =	shalt  }
0x71: {  	_ =	shalt  }
0x72: {  	_ =	shalt  }
0x73: {  	_ =	shalt  }
0x74: {  	_ =	shalt  }
0x75: {  	_ =	shalt  }
0x76: {  	_ =	shalt  }
0x77: {  	_ =	shalt  }
0x78: {  	_ =	shalt  }
0x79: {  	_ =	shalt  }
0x7a: {  	_ =	shalt  }
0x7b: {  	_ =	shalt  }
0x7c: {  	_ =	shalt  }
0x7d: {  	_ =	shalt  }
0x7e: {  	_ =	shalt  }
0x7f: {  	_ =	shalt  }
0x80: {  	_ =	shalt  }
0x81: {  	_ =	shalt  }
0x82: {  	_ =	shalt  }
0x83: {  	_ =	shalt  }
0x84: {  	_ =	shalt  }
0x85: {  	_ =	shalt  }
0x86: {  	_ =	shalt  }
0x87: {  	_ =	shalt  }
.Lfunc_end0:
.L_simem_size_0:
called_computation.3_lowered:
.L_overlay_start_0:
0x88: {  	s2 =	sld [smem:$0x3FD9]  }
0x89: {  	s3 =	sld [smem:$0x3FFE];
	_ =	sdelay $0x1  }
0x8a: {  	s1 =	srdreg.scid  }
0x8b: {  	s0 =	sand.u32 $0x1, s1  }
0x8c: {  	s14 =	sshll.u32 s0, $0xA;
	s2 =	sadd.s32 s3, s2  }
0x8d: {  	s2 =	sadd.s32 s2, s14  }
0x8e: {  	[smem:$0x3F95] =	sst s2  }
0x8f: {  	_ = 	snop  }
0x90: {  	s2 =	sld [smem:$0x3FD0];
	_ =	sdelay $0x2  }
0x91: {  	s15 =	simm.s32 $0xB;
	s4 =	simm.s32 $0x10  }
0x92: {  	[smem:s4], [sflag:s15] =	dma.local [hbm:s2], $0x1  }
0x93: {  	_ =	swait.eq [sflag:s15], $0x1  }
0x94: {  	[sflag:s15] =	ssyncset.done $0x0  }
0x95: {  	s16 =	sld [smem:$0x13];
	[sflag:s15] =	ssyncadd.s32 $0xFFFFFFFF  }
0x96: {  	s17 =	sld [smem:$0x14];
	(tm) =	ssettm $0x1  }
0x97: {  	s18 =	sld [smem:$0x3FFB];
	_ =	sdelay $0x3  }
0x98: {  	_ =	strace s18  }
0x99: {  	s4 =	sld [smem:$0x3FFC];
	_ =	sdelay $0x3  }
0x9a: {  	_ =	strace s4  }
0x9b: {  	s4 =	sld [smem:$0x3FFD];
	_ =	sdelay $0x3  }
0x9c: {  	_ =	strace s4  }
0x9d: {  	_ =	strace $0x8FFFFFFF  }
0x9e: {  	s19 =	sld [smem:$0x3FDB];
	_ =	sdelay $0x1  }
0x9f: {  	s5 =	simm.s32 $_scs_section_size  }
0xa0: {  	s6 =	simm.s32 $_size__tile_overlayer_lowered;
	s7 =	simm.s32 $_tile_overlayer_lowered  }
0xa1: {  	s22 =	simm.s32 $0x1BFF;
	s21 =	sshll.u32 s7, $0x1;
	s4 =	sadd.s32 s5, s19  }
0xa2: {  	s8 =	simm.s32 $0x0;
	s20 =	sshll.u32 s6, $0x1;
	s6 =	sadd.s32 s21, s4  }
0xa3: {  	[timem:s8], [sflag:s22] =	dma.local [hbm:s6], s20  }
0xa4: {  	_ =	swait.ge [sflag:s22], s20  }
0xa5: {  	s5 =	ssub.s32 $0x0, s20;
	[sflag:s22] =	ssyncset.done $0x0  }
0xa6: {  	[sflag:s22] =	ssyncadd.s32 s5;
	_ =	sdelay $0x1  }
0xa7: {  	s23 =	simm.s32 $0x1B8B  }
0xa8: {  	_ =	swait.ge [sflag:s23], $0x1  }
0xa9: {  	[sflag:s23] =	ssyncset.done $0x0  }
0xaa: {  	s25 =	simm.s32 $0x1B8E;
	s24 =	sld [smem:$0x3FFE];
	[sflag:s23] =	ssyncadd.s32 $0xFFFFFFFF  }
0xab: {  	s26 =	simm.s32 $execute0_lowered;
	[smem:$0x3FD2] =	sst s25  }
0xac: {  	s6 =	sshll.u32 s26, $0x1;
	_ =	strace $0x8000004F;
	[dreg:$0x1] =	wrdreg $0xFFFFFFFF  }
0xad: {  	s28 =	simm.s32 $_size_execute0_lowered;
	s4 =	sadd.s32 s4, s6;
	[dreg:$0x0] =	wrdreg $0x0  }
0xae: {  	s6 =	sshll.u32 s28, $0x1;
	[dreg:$0x2] =	wrdreg s4  }
0xaf: {  	[dreg:$0x3] =	wrdreg s6  }
0xb0: {  	[dreg:$0x4] =	wrdreg $0xC0  }
0xb1: {  	_ =	task [dreg:s8], $0x5FFFF  }
0xb2: {  	[dreg:$0x1] =	wrdreg $0xFFFFFFFF  }
0xb3: {  	[dreg:$0x0] =	wrdreg $0x60  }
0xb4: {  	[dreg:$0x2] =	wrdreg s16  }
0xb5: {  	[dreg:$0x3] =	wrdreg s17  }
0xb6: {  	[dreg:$0x4] =	wrdreg s24  }
0xb7: {  	[dreg:$0x5] =	wrdreg $0x9  }
0xb8: {  	_ =	task.clear_ibuf [dreg:s8], $0x6FFFF;
	_ =	strace $0x9000004F  }
0xb9: {  	s29 =	simm.s32 $0x9;
	_ =	strace $0x80000051  }
0xba: {  	_ =	swait.ge [sflag:s29], $0x1  }
0xbb: {  	[sflag:s29] =	ssyncadd.s32 $0xFFFFFFFF  }
0xbc: {  	_ =	strace $0x90000051  }
0xbd: {  	_ =	sfence  }
0xbe: {  	s30 =	sld [smem:$0x0];
	_ =	sdelay $0x2  }
0xbf: {  	s31 =	sshll.u32 s1, $0xD;
	s1 =	sshrl.u32 s1, $0x2  }
0xc0: {  	s3 =	sand.u32 $0x4000, s31;
	s1 =	sadd.s32 s1, s30  }
0xc1: {  	s0 =	sor.u32 s3, s0;
	s1 =	sshll.u32 s1, $0x11  }
0xc2: {  	s0 =	sor.u32 s1, s0  }
0xc3: {  	s0 =	sadd.s32 $0x8F2B, s0  }
0xc4: {  	[sflag:s0] =	ssyncadd.remote.s32 $0x1  }
0xc5: {  	_ =	sfence.sel $0xFFFF  }
0xc6: {  	[dreg:$0x0] =	wrdreg $0xFFFFFFFF;
	(pc) =	sbr.abs _section_cstart, $3  }
0xc7: {  	[dreg:$0x1] =	wrdreg $0xFFFFFFFF  }
0xc8: {  	_ =	task.clear_ibuf [dreg:s8], $0x2FFFF;
	_ =	strace $0x9FFFFFFF  }
0xc9: {  	(tm) =	ssettm $0x7FFFFFFF  }
tec
execute0_lowered:
.L_overlay_start_1:
0x0: {  	(tag) =	ssettag $0x1  }
0x1: {  	s1 =	rddreg [dreg:$0x0]  }
0x2: {  	s3 =	rddreg [dreg:$0x1]  }
0x3: {  	s2 =	srdreg.scid;
	s0 =	stileid.u32  }
0x4: {  	s5 =	rddreg [dreg:$0x2];
	s4 =	simm.s32 $0x0;
	s12 =	simm.s32 $0x80  }
0x5: {  	s13 =	simm.s32 $0x2800;
	s14 =	simm.s32 $0xA800;
	s15 =	simm.s32 $0x6800  }
0x6: {  	s16 =	simm.s32 $0xE800;
	s17 =	simm.s32 $0x1;
	s18 =	simm.s32 $0x2  }
0x7: {  	s19 =	simm.s32 $0x0;
	s6 =	sand.u32 $0x1, s2;
	s7 =	sshll.u32 s0, $0x1  }
0x8: {  	s2 =	rddreg [dreg:$0x3];
	s8 =	smul.u32 $0x28000, s0;
	s7 =	sor.u32 s6, s7  }
0x9: {  	[smem:$0x7FF] =	sst s4;
	s9 =	ssub.s32 $0x2, s6;
	s7 =	smul.u32 $0x1400, s7  }
0xa: {  	_ =	strace $0x80000050;
	s11 =	smul.u32 $0x14000, s6;
	s10 =	sshrl.u32 s9, $0x1  }
0xb: {  	s8 =	sadd.s32 s8, s5;
	s9 =	ssub.s32 s9, s10;
	s7 =	sshrl.u32 s7, $0x3  }
0xc: {  	s31 =	sadd.s32 s11, s8;
	s10 =	simm.s32 $0x3;
	s7 =	sadd.s32 s7, s5  }
0xd: {  	s11 =	simm.s32 $0x1400;
	s8 =	sadd.s32 $0xA03E00, s31;
	s5 =	sadd.s32 $0x1CE00, s7  }
0xe: {  	s6 =	sadd.s32 $0x12E00, s7;
	s7 =	smax.u32 s9, $0x1;
	s9 =	sadd.s32 $0xC2800, s31  }
.LBB2_1:
0xf: {  	[tilespmem:s4], [sflag:$0x3] =	stream.linear.gather [hbm4b:s5+s4], $0x1400, $0x38;
	[tilespmem:$0x12800] =	vst v63  }
0x10: {  	_ =	swait.ge [sflag:s10], $0x1400  }
0x11: {  	[sflag:s10] =	ssyncset.done $0x0  }
0x12: {  	[sflag:s10] =	ssyncadd.s32 $0xFFFFEC00  }
0x13: {  	[tilespmem:s11], [sflag:$0x3] =	stream.linear.gather [hbm4b:s6+s4], $0x1400, $0x38;
	[tilespmem:$0x12800] =	vst v63  }
0x14: {  	_ =	swait.ge [sflag:s10], $0x1400  }
0x15: {  	[sflag:s10] =	ssyncset.done $0x0  }
0x16: {  	s20 =	simm.s32 $0x0;
	[sflag:s10] =	ssyncadd.s32 $0xFFFFEC00  }
0x17: {  	[tilespmem:s13], [sflag:$0x1] =	stream.indirect.gather [hbm4b:s1+s12], $0x80, s20, s12, $0xb8;
	[tilespmem:$0x12800] =	vst v63  }
0x18: {  	s29 =	simm.s32 $0x1400  }
0x19: {  	[tilespmem:s14], [sflag:$0x2] =	stream.indirect.gather [hbm4b:s3+s12], $0x80, s29, s12, $0xb8;
	[tilespmem:$0x12800] =	vst v63  }
0x1a: {  	s30 =	simm.s32 $0x80  }
0x1b: {  	[tilespmem:s15], [sflag:$0x1] =	stream.indirect.gather [hbm4b:s1+s12], $0x80, s30, s12, $0xb8;
	[tilespmem:$0x12800] =	vst v63  }
0x1c: {  	s31 =	simm.s32 $0x1480  }
0x1d: {  	[tilespmem:s16], [sflag:$0x2] =	stream.indirect.gather [hbm4b:s3+s12], $0x80, s31, s12, $0xb8;
	[tilespmem:$0x12800] =	vst v63  }
0x1e: {  	_ =	swait.ge [sflag:s17], $0x4000  }
0x1f: {  	[sflag:s17] =	ssyncset.done $0x0  }
0x20: {  	[sflag:s17] =	ssyncadd.s32 $0xFFFFC000  }
0x21: {  	_ =	swait.ge [sflag:s18], $0x4000  }
0x22: {  	[sflag:s18] =	ssyncset.done $0x0  }
0x23: {  	[sflag:s18] =	ssyncadd.s32 $0xFFFFC000  }
0x24: {  	_ =	swait.ge [sflag:s17], $0x4000  }
0x25: {  	[sflag:s17] =	ssyncset.done $0x0  }
0x26: {  	[sflag:s17] =	ssyncadd.s32 $0xFFFFC000  }
0x27: {  	_ =	swait.ge [sflag:s18], $0x4000  }
0x28: {  	[sflag:s18] =	ssyncset.done $0x0  }
0x29: {  	[sflag:s18] =	ssyncadd.s32 $0xFFFFC000  }
0x2a: {  	[hbm4b:s8+s4] =	stream.linear.scatter [tilespmem:s13], [sflag:$0x3], $0x8000, $0x38;
	[tilespmem:$0x12800] =	vst v63  }
0x2b: {  	_ =	swait.ge [sflag:s10], $0x8000  }
0x2c: {  	[sflag:s10] =	ssyncset.done $0x0  }
0x2d: {  	[sflag:s10] =	ssyncadd.s32 $0xFFFF8000  }
0x2e: {  	[hbm4b:s9+s4] =	stream.linear.scatter [tilespmem:s14], [sflag:$0x3], $0x8000, $0x38;
	[tilespmem:$0x12800] =	vst v63  }
0x2f: {  	s22 =	simm.s32 $0x400;
	s23 =	simm.s32 $0x800;
	_ =	swait.ge [sflag:s10], $0x8000  }
0x30: {  	s21 =	sadd.s32 $0x1000, s8;
	s20 =	sadd.s32 $0x1000, s9;
	[sflag:s10] =	ssyncset.done $0x0  }
.LBB2_2:
0x31: {  	s24 =	sshra.s32 s22, $0x2  }
0x32: {  	[sflag:s10] =	ssyncadd.s32 $0xFFFF8000;
	s22 =	smov.u32 s23;
	s25 =	sadd.s32 $0x400, s23  }
0x33: {  	[tilespmem:s13], [sflag:$0x1] =	stream.indirect.gather [hbm4b:s1+s12], $0x80, s24, s12, $0xb8;
	[tilespmem:$0x12800] =	vst v63  }
0x34: {  	p0 =	sne.s32 s23, $0x4C00;
	s23 =	sadd.s32 $0x1400, s24  }
0x35: {  	[tilespmem:s14], [sflag:$0x2] =	stream.indirect.gather [hbm4b:s3+s12], $0x80, s23, s12, $0xb8;
	[tilespmem:$0x12800] =	vst v63  }
0x36: {  	s23 =	sadd.s32 $0x80, s24  }
0x37: {  	[tilespmem:s15], [sflag:$0x1] =	stream.indirect.gather [hbm4b:s1+s12], $0x80, s23, s12, $0xb8;
	[tilespmem:$0x12800] =	vst v63  }
0x38: {  	s23 =	sadd.s32 $0x1480, s24  }
0x39: {  	[tilespmem:s16], [sflag:$0x2] =	stream.indirect.gather [hbm4b:s3+s12], $0x80, s23, s12, $0xb8;
	[tilespmem:$0x12800] =	vst v63  }
0x3a: {  	_ =	swait.ge [sflag:s17], $0x4000  }
0x3b: {  	[sflag:s17] =	ssyncset.done $0x0  }
0x3c: {  	[sflag:s17] =	ssyncadd.s32 $0xFFFFC000  }
0x3d: {  	_ =	swait.ge [sflag:s18], $0x4000  }
0x3e: {  	[sflag:s18] =	ssyncset.done $0x0  }
0x3f: {  	[sflag:s18] =	ssyncadd.s32 $0xFFFFC000  }
0x40: {  	_ =	swait.ge [sflag:s17], $0x4000  }
0x41: {  	[sflag:s17] =	ssyncset.done $0x0  }
0x42: {  	[sflag:s17] =	ssyncadd.s32 $0xFFFFC000  }
0x43: {  	_ =	swait.ge [sflag:s18], $0x4000  }
0x44: {  	[sflag:s18] =	ssyncset.done $0x0  }
0x45: {  	[sflag:s18] =	ssyncadd.s32 $0xFFFFC000  }
0x46: {  	[hbm4b:s21+s4] =	stream.linear.scatter [tilespmem:s13], [sflag:$0x3], $0x8000, $0x38;
	[tilespmem:$0x12800] =	vst v63  }
0x47: {  	_ =	swait.ge [sflag:s10], $0x8000  }
.Ltmp0:
0x48: {  	[sflag:s10] =	ssyncset.done $0x0;
	(pc) =	sbr.rel @p0 .LBB2_2-.Ltmp0, $4  }
0x49: {  	[sflag:s10] =	ssyncadd.s32 $0xFFFF8000  }
0x4a: {  	[hbm4b:s20+s4] =	stream.linear.scatter [tilespmem:s14], [sflag:$0x3], $0x8000, $0x38;
	[tilespmem:$0x12800] =	vst v63  }
0x4b: {  	s23 =	smov.u32 s25;
	_ =	swait.ge [sflag:s10], $0x8000  }
0x4c: {  	s21 =	sadd.s32 $0x1000, s21;
	s20 =	sadd.s32 $0x1000, s20;
	[sflag:s10] =	ssyncset.done $0x0  }
0x4d: {  	s22 =	sshra.s32 s22, $0x2;
	[sflag:s10] =	ssyncadd.s32 $0xFFFF8000  }
0x4e: {  	[tilespmem:s13], [sflag:$0x1] =	stream.indirect.gather [hbm4b:s1+s12], $0x80, s22, s12, $0xb8;
	[tilespmem:$0x12800] =	vst v63  }
0x4f: {  	s23 =	sadd.s32 $0x1400, s22  }
0x50: {  	[tilespmem:s14], [sflag:$0x2] =	stream.indirect.gather [hbm4b:s3+s12], $0x80, s23, s12, $0xb8;
	[tilespmem:$0x12800] =	vst v63  }
0x51: {  	s31 =	sadd.s32 $0x80, s22  }
0x52: {  	[tilespmem:s15], [sflag:$0x1] =	stream.indirect.gather [hbm4b:s1+s12], $0x80, s31, s12, $0xb8;
	[tilespmem:$0x12800] =	vst v63  }
0x53: {  	s22 =	sadd.s32 $0x1480, s22  }
0x54: {  	[tilespmem:s16], [sflag:$0x2] =	stream.indirect.gather [hbm4b:s3+s12], $0x80, s22, s12, $0xb8;
	[tilespmem:$0x12800] =	vst v63  }
0x55: {  	_ =	swait.ge [sflag:s17], $0x4000  }
0x56: {  	[sflag:s17] =	ssyncset.done $0x0  }
0x57: {  	[sflag:s17] =	ssyncadd.s32 $0xFFFFC000  }
0x58: {  	_ =	swait.ge [sflag:s18], $0x4000  }
0x59: {  	[sflag:s18] =	ssyncset.done $0x0  }
0x5a: {  	[sflag:s18] =	ssyncadd.s32 $0xFFFFC000  }
0x5b: {  	_ =	swait.ge [sflag:s17], $0x4000  }
0x5c: {  	[sflag:s17] =	ssyncset.done $0x0  }
0x5d: {  	[sflag:s17] =	ssyncadd.s32 $0xFFFFC000  }
0x5e: {  	_ =	swait.ge [sflag:s18], $0x4000  }
0x5f: {  	[sflag:s18] =	ssyncset.done $0x0  }
0x60: {  	[sflag:s18] =	ssyncadd.s32 $0xFFFFC000  }
0x61: {  	[hbm4b:s21+s4] =	stream.linear.scatter [tilespmem:s13], [sflag:$0x3], $0x8000, $0x38;
	[tilespmem:$0x12800] =	vst v63  }
0x62: {  	s19 =	sadd.s32 $0x1, s19;
	_ =	swait.ge [sflag:s10], $0x8000  }
0x63: {  	p0 =	sne.s32 s19, s7;
	[sflag:s10] =	ssyncset.done $0x0  }
.Ltmp1:
0x64: {  	[sflag:s10] =	ssyncadd.s32 $0xFFFF8000;
	(pc) =	sbr.rel @p0 .LBB2_1-.Ltmp1, $4  }
0x65: {  	[hbm4b:s20+s4] =	stream.linear.scatter [tilespmem:s14], [sflag:$0x3], $0x8000, $0x38;
	[tilespmem:$0x12800] =	vst v63  }
0x66: {  	_ =	swait.ge [sflag:s10], $0x8000  }
0x67: {  	[sflag:s10] =	ssyncset.done $0x0  }
0x68: {  	[sflag:s10] =	ssyncadd.s32 $0xFFFF8000  }
0x69: {  	_ =	sfence.sel $0x180000  }
0x6a: {  	[bflag:$0x0] =	sbarrier.arrive $0xFFFF  }
0x6b: {  	p0 =	sne.s32 s0, $0x0;
	_ =	strace $0x90000050  }
0x6c: {  	s0 =	sadd.s32 @!p0 $0x100000, s2;
	[bflag:$0x2] =	sbarrier.arrive $0xFFFF  }
0x6d: {  	[sflag:s0] =	ssyncadd.tile.s32 @!p0 $0x1;
	_ =	shalt  }
.Lfunc_end2:
_tile_overlayer_lowered:
.L_overlay_start_2:
0x6e: {  	(tag) =	ssettag $0x2  }
0x6f: {  	s0 =	rddreg [dreg:$0x0];
	s2 =	stileid.u32  }
0x70: {  	s1 =	rddreg [dreg:$0x1];
	p0 =	sne.s32 s2, $0x0  }
0x71: {  	s3 =	rddreg [dreg:$0x2];
	[bflag:$0x3] =	sbarrier.arrive $0xFFFF;
	s2 =	simm.s32 @!p0 $0x1C03  }
0x72: {  	[timem:s3], [sflag:s2] =	dma.local @!p0 [hbm:s0], s1  }
0x73: {  	s0 =	simm.s32 @!p0 $0x3  }
0x74: {  	_ =	swait.ge @!p0 [sflag:s0], s1  }
0x75: {  	s1 =	ssub.s32 @!p0 $0x0, s1;
	[sflag:s0] =	ssyncset.done @!p0 $0x0  }
0x76: {  	[sflag:s0] =	ssyncadd.s32 @!p0 s1  }
0x77: {  	[bflag:$0x3] =	sbarrier.arrive $0xFFFF  }
0x78: {  	_ =	shalt  }

// kernel: kernel.28.cloned.1.call-start
scs
__scs_entry_jumppad:
0x0: {  	(pc) =	sbr.rel $0x88, $3  }
0x1: {  	(tag) =	ssettag $0x0;
	lr =	simm.s32 $0x1  }
0x2: {  	[smem:$0x3F6E] =	sst lr;
	_ =	strace $0xD0000000  }
0x3: {  	_ = 	snop  }
0x4: {  	_ = 	snop  }
0x5: {  	_ = 	snop  }
0x6: {  	_ = 	snop  }
0x7: {  	_ = 	snop  }
__scs_overlays_trampoline_lowered:
0x8: {  	[smem:$0x3F7D] =	sst s0  }
0x9: {  	[smem:$0x3F7E] =	sst s1  }
0xa: {  	[smem:$0x3F7F] =	sst s2  }
0xb: {  	[smem:$0x3F80] =	sst s3  }
0xc: {  	[smem:$0x3F81] =	sst s4  }
0xd: {  	[smem:$0x3F82] =	sst s5  }
0xe: {  	[smem:$0x3F83] =	sst s6  }
0xf: {  	[smem:$0x3F84] =	sst s7  }
0x10: {  	[smem:$0x3F85] =	sst s8  }
0x11: {  	[smem:$0x3F86] =	sst s9;
	s0 =	simm.s32 @!p0 $0x0  }
0x12: {  	s1 =	sld [smem:$0x3F6C];
	s0 =	simm.s32 @p0 $0x1  }
0x13: {  	[smem:$0x3F87] =	sst s0;
	s0 =	simm.s32 @!p1 $0x0  }
0x14: {  	s2 =	sld [smem:$0x3F6B];
	s0 =	simm.s32 @p1 $0x1  }
0x15: {  	[smem:$0x3F88] =	sst s0;
	s0 =	simm.s32 @!p2 $0x0  }
0x16: {  	s3 =	sld [smem:$0x3FDB];
	s0 =	simm.s32 @p2 $0x1  }
0x17: {  	s4 =	simm.s32 $0x1BF5;
	[smem:$0x3F8A] =	sst s0  }
0x18: {  	s0 =	sld [smem:$0x3F6D];
	_ =	swait.ge [sflag:s4], $0x0  }
0x19: {  	s7 =	sld [smem:$0x3F6E]  }
0x1a: {  	s8 =	sadd.s32 $0xFFFFE003, lr  }
0x1b: {  	s9 =	sadd.s32 $0xFFFFFEF7, lr;
	s5 =	simm.s32 $0xFFFFFFFF;
	p2 =	slt.u32 s8, $0xFFFFF086  }
0x1c: {  	p1 =	slt.u32 s9, $0xF7A;
	s5 =	simm.s32 @!p2 $0x0  }
0x1d: {  	s5 =	simm.s32 @p1 $0x1;
	p0 =	seq.s32 s7, s2  }
0x1e: {  	s7 =	smul.u32 @!p0 $0xF7A, s2;
	p2 =	seq.s32 @!p0 s5, $0x0  }
0x1f: {  	s9 =	smul.u32 $0xF7A, s1;
	s8 =	simm.s32 @!p0 $0x1BF5;
	p2 =	por !p2, p0  }
0x20: {  	[sflag:s8] =	ssyncset.s32 @!p0 $0xFFFFF086;
	s6 =	sadd.s32 @!p0 s3, s7;
	s7 =	simm.s32 @!p0 $0x108  }
0x21: {  	s3 =	sadd.s32 s3, s9;
	s6 =	sadd.s32 @!p0 $0x88, s6;
	s7 =	simm.s32 @p2 $0x1082  }
0x22: {  	[simem:s7], [sflag:s8] =	dma.local @!p0 [hbm:s6], $0xF7A  }
0x23: {  	s9 =	sor.u32 $0xD0000000, s2;
	s6 =	simm.s32 $0x108;
	_ =	swait.ge @!p0 [sflag:s8], $0x0  }
0x24: {  	s3 =	sadd.s32 $0x88, s3;
	s6 =	simm.s32 @!p1 $0x1082;
	[sflag:s4] =	ssyncset.s32 $0xFFFFF086  }
0x25: {  	[simem:s6], [sflag:s4] =	dma.local [hbm:s3], $0xF7A  }
0x26: {  	[smem:$0x3F6E] =	sst s1;
	(tag) =	ssettag s2;
	_ =	strace s9  }
0x27: {  	s1 =	sld [smem:$0x3F7E]  }
0x28: {  	s2 =	sld [smem:$0x3F7F]  }
0x29: {  	s4 =	sld [smem:$0x3F81]  }
0x2a: {  	p0 =	seq.s32 s5, $0x0;
	s5 =	sld [smem:$0x3F82]  }
0x2b: {  	s6 =	sld [smem:$0x3F83]  }
0x2c: {  	s7 =	sld [smem:$0x3F84]  }
0x2d: {  	s3 =	simm.s32 $0x108;
	s8 =	sld [smem:$0x3F85]  }
0x2e: {  	s3 =	simm.s32 @!p0 $0x1082;
	s9 =	sld [smem:$0x3F86]  }
0x2f: {  	lr =	sadd.s32 s0, s3;
	s0 =	sld [smem:$0x3F7D]  }
0x30: {  	s3 =	sld [smem:$0x3F80]  }
0x31: {  	[smem:$0x3F89] =	sst s10  }
0x32: {  	s10 =	sld [smem:$0x3F87];
	_ =	sdelay $0x3  }
0x33: {  	p0 =	seq.s32 s10, $0x1;
	s10 =	sld [smem:$0x3F89];
	_ =	sdelay $0x3  }
0x34: {  	[smem:$0x3F89] =	sst s10  }
0x35: {  	s10 =	sld [smem:$0x3F88];
	_ =	sdelay $0x3  }
0x36: {  	p1 =	seq.s32 s10, $0x1;
	s10 =	sld [smem:$0x3F89];
	_ =	sdelay $0x3  }
0x37: {  	[smem:$0x3F89] =	sst s10  }
0x38: {  	s10 =	sld [smem:$0x3F8A]  }
0x39: {  	_ = 	snop;
	(pc) =	sbr.ind lr, $3  }
0x3a: {  	_ = 	snop  }
0x3b: {  	_ = 	snop  }
0x3c: {  	p2 =	seq.s32 s10, $0x1;
	s10 =	sld [smem:$0x3F89]  }
0x3d: {  	_ =	shalt  }
0x3e: {  	_ =	shalt  }
0x3f: {  	_ =	shalt  }
0x40: {  	_ =	shalt  }
0x41: {  	_ =	shalt  }
0x42: {  	_ =	shalt  }
0x43: {  	_ =	shalt  }
0x44: {  	_ =	shalt  }
0x45: {  	_ =	shalt  }
0x46: {  	_ =	shalt  }
0x47: {  	_ =	shalt  }
0x48: {  	_ =	shalt  }
0x49: {  	_ =	shalt  }
0x4a: {  	_ =	shalt  }
0x4b: {  	_ =	shalt  }
0x4c: {  	_ =	shalt  }
0x4d: {  	_ =	shalt  }
0x4e: {  	_ =	shalt  }
0x4f: {  	_ =	shalt  }
0x50: {  	_ =	shalt  }
0x51: {  	_ =	shalt  }
0x52: {  	_ =	shalt  }
0x53: {  	_ =	shalt  }
0x54: {  	_ =	shalt  }
0x55: {  	_ =	shalt  }
0x56: {  	_ =	shalt  }
0x57: {  	_ =	shalt  }
0x58: {  	_ =	shalt  }
0x59: {  	_ =	shalt  }
0x5a: {  	_ =	shalt  }
0x5b: {  	_ =	shalt  }
0x5c: {  	_ =	shalt  }
0x5d: {  	_ =	shalt  }
0x5e: {  	_ =	shalt  }
0x5f: {  	_ =	shalt  }
0x60: {  	_ =	shalt  }
0x61: {  	_ =	shalt  }
0x62: {  	_ =	shalt  }
0x63: {  	_ =	shalt  }
0x64: {  	_ =	shalt  }
0x65: {  	_ =	shalt  }
0x66: {  	_ =	shalt  }
0x67: {  	_ =	shalt  }
0x68: {  	_ =	shalt  }
0x69: {  	_ =	shalt  }
0x6a: {  	_ =	shalt  }
0x6b: {  	_ =	shalt  }
0x6c: {  	_ =	shalt  }
0x6d: {  	_ =	shalt  }
0x6e: {  	_ =	shalt  }
0x6f: {  	_ =	shalt  }
0x70: {  	_ =	shalt  }
0x71: {  	_ =	shalt  }
0x72: {  	_ =	shalt  }
0x73: {  	_ =	shalt  }
0x74: {  	_ =	shalt  }
0x75: {  	_ =	shalt  }
0x76: {  	_ =	shalt  }
0x77: {  	_ =	shalt  }
0x78: {  	_ =	shalt  }
0x79: {  	_ =	shalt  }
0x7a: {  	_ =	shalt  }
0x7b: {  	_ =	shalt  }
0x7c: {  	_ =	shalt  }
0x7d: {  	_ =	shalt  }
0x7e: {  	_ =	shalt  }
0x7f: {  	_ =	shalt  }
0x80: {  	_ =	shalt  }
0x81: {  	_ =	shalt  }
0x82: {  	_ =	shalt  }
0x83: {  	_ =	shalt  }
0x84: {  	_ =	shalt  }
0x85: {  	_ =	shalt  }
0x86: {  	_ =	shalt  }
0x87: {  	_ =	shalt  }
.Lfunc_end0:
.L_simem_size_0:
called_computation.4_lowered:
.L_overlay_start_0:
0x88: {  	s2 =	sld [smem:$0x3FD9]  }
0x89: {  	s3 =	sld [smem:$0x3FFE];
	_ =	sdelay $0x1  }
0x8a: {  	s1 =	srdreg.scid  }
0x8b: {  	s0 =	sand.u32 $0x1, s1  }
0x8c: {  	s16 =	sshll.u32 s0, $0xA;
	s2 =	sadd.s32 s3, s2  }
0x8d: {  	s2 =	sadd.s32 s2, s16  }
0x8e: {  	[smem:$0x3F95] =	sst s2  }
0x8f: {  	_ = 	snop  }
0x90: {  	(tm) =	ssettm $0x1  }
0x91: {  	s17 =	sld [smem:$0x3FFB];
	_ =	sdelay $0x3  }
0x92: {  	_ =	strace s17  }
0x93: {  	s2 =	sld [smem:$0x3FFC];
	_ =	sdelay $0x3  }
0x94: {  	_ =	strace s2  }
0x95: {  	s2 =	sld [smem:$0x3FFD];
	_ =	sdelay $0x3  }
0x96: {  	_ =	strace s2  }
0x97: {  	_ =	strace $0x8FFFFFFF  }
0x98: {  	s18 =	sld [smem:$0x3FDB];
	_ =	sdelay $0x1  }
0x99: {  	s19 =	simm.s32 $_scs_section_size  }
0x9a: {  	s4 =	simm.s32 $_size__tile_overlayer_lowered;
	s5 =	simm.s32 $_tile_overlayer_lowered  }
0x9b: {  	s22 =	simm.s32 $0x1BFF;
	s21 =	sshll.u32 s5, $0x1;
	s2 =	sadd.s32 s19, s18  }
0x9c: {  	s6 =	simm.s32 $0x0;
	s20 =	sshll.u32 s4, $0x1;
	s4 =	sadd.s32 s21, s2  }
0x9d: {  	[timem:s6], [sflag:s22] =	dma.local [hbm:s4], s20  }
0x9e: {  	_ =	swait.ge [sflag:s22], s20  }
0x9f: {  	s3 =	ssub.s32 $0x0, s20;
	[sflag:s22] =	ssyncset.done $0x0  }
0xa0: {  	[sflag:s22] =	ssyncadd.s32 s3;
	_ =	sdelay $0x1  }
0xa1: {  	s23 =	simm.s32 $0x1B8B  }
0xa2: {  	_ =	swait.ge [sflag:s23], $0x1  }
0xa3: {  	[sflag:s23] =	ssyncset.done $0x0  }
0xa4: {  	s25 =	simm.s32 $0x1B8E;
	s24 =	sld [smem:$0x3FFE];
	[sflag:s23] =	ssyncadd.s32 $0xFFFFFFFF  }
0xa5: {  	s26 =	simm.s32 $execute0_lowered;
	[smem:$0x3FD2] =	sst s25  }
0xa6: {  	s4 =	sshll.u32 s26, $0x1;
	_ =	strace $0x80000052;
	[dreg:$0x1] =	wrdreg $0xFFFFFFFF  }
0xa7: {  	s28 =	simm.s32 $_size_execute0_lowered;
	s2 =	sadd.s32 s2, s4;
	[dreg:$0x0] =	wrdreg $0x0  }
0xa8: {  	s4 =	sshll.u32 s28, $0x1;
	[dreg:$0x2] =	wrdreg s2  }
0xa9: {  	[dreg:$0x3] =	wrdreg s4  }
0xaa: {  	[dreg:$0x4] =	wrdreg $0xC0  }
0xab: {  	_ =	task [dreg:s6], $0x5FFFF  }
0xac: {  	[dreg:$0x1] =	wrdreg $0xFFFFFFFF  }
0xad: {  	[dreg:$0x0] =	wrdreg $0x60  }
0xae: {  	[dreg:$0x2] =	wrdreg s24  }
0xaf: {  	[dreg:$0x3] =	wrdreg $0x0  }
0xb0: {  	[dreg:$0x4] =	wrdreg $0x9  }
0xb1: {  	_ =	task.clear_ibuf [dreg:s6], $0x5FFFF;
	_ =	strace $0x90000052  }
0xb2: {  	s29 =	simm.s32 $0x9;
	_ =	strace $0x80000054  }
0xb3: {  	_ =	swait.ge [sflag:s29], $0x1  }
0xb4: {  	[sflag:s29] =	ssyncadd.s32 $0xFFFFFFFF  }
0xb5: {  	_ =	strace $0x90000054  }
0xb6: {  	_ =	sfence  }
0xb7: {  	s30 =	sld [smem:$0x0];
	_ =	sdelay $0x2  }
0xb8: {  	s31 =	sshll.u32 s1, $0xD;
	s1 =	sshrl.u32 s1, $0x2  }
0xb9: {  	s3 =	sand.u32 $0x4000, s31;
	s1 =	sadd.s32 s1, s30  }
0xba: {  	s0 =	sor.u32 s3, s0;
	s1 =	sshll.u32 s1, $0x11  }
0xbb: {  	s0 =	sor.u32 s1, s0  }
0xbc: {  	s0 =	sadd.s32 $0x8F2B, s0  }
0xbd: {  	[sflag:s0] =	ssyncadd.remote.s32 $0x1  }
0xbe: {  	_ =	sfence.sel $0xFFFF  }
0xbf: {  	[dreg:$0x0] =	wrdreg $0xFFFFFFFF;
	(pc) =	sbr.abs _section_cstart, $3  }
0xc0: {  	[dreg:$0x1] =	wrdreg $0xFFFFFFFF  }
0xc1: {  	_ =	task.clear_ibuf [dreg:s6], $0x2FFFF;
	_ =	strace $0x9FFFFFFF  }
0xc2: {  	(tm) =	ssettm $0x7FFFFFFF  }
0xc3: {  	_ =	shalt  }
tec
execute0_lowered:
.L_overlay_start_1:
0x0: {  	(tag) =	ssettag $0x1  }
0x1: {  	s4 =	rddreg [dreg:$0x0];
	s1 =	stileid.u32  }
0x2: {  	s2 =	rddreg [dreg:$0x1];
	s5 =	smul.u32 $0x28000, s1  }
0x3: {  	s0 =	rddreg [dreg:$0x2];
	s3 =	simm.s32 $0x0;
	s6 =	smul.u32 $0x500, s1  }
0x4: {  	s7 =	srdreg.scid;
	s14 =	simm.s32 $0x80;
	s8 =	smul.u32 $0x14000, s1  }
0x5: {  	s15 =	simm.s32 $0x0;
	s7 =	sand.u32 $0x1, s7;
	s12 =	smul.u32 $0x50000, s1  }
0x6: {  	[smem:$0x7FF] =	sst s3;
	s30 =	sshll.u32 s1, $0x6;
	s9 =	smul.u32 $0x140000, s7  }
0x7: {  	_ =	strace $0x80000053;
	s25 =	ssub.s32 $0x2, s7;
	s28 =	smul.u32 $0x14000, s7  }
0x8: {  	s7 =	smul.u32 $0x280, s7;
	s10 =	sadd.s32 s5, s4;
	s11 =	sadd.s32 s6, s4  }
0x9: {  	s23 =	sshrl.u32 s8, $0x3;
	s26 =	sshrl.u32 s25, $0x1;
	s29 =	sshrl.u32 s12, $0x2  }
0xa: {  	s12 =	simm.s32 $0x14000;
	s5 =	sadd.s32 s23, s4;
	s24 =	sadd.s32 s8, s9  }
0xb: {  	s8 =	ssub.s32 s25, s26;
	s13 =	sadd.s32 s29, s2;
	s9 =	sadd.s32 s28, s10  }
0xc: {  	s31 =	sadd.s32 s7, s11;
	s11 =	simm.s32 $0x1;
	s6 =	sshrl.u32 s24, $0x3  }
0xd: {  	s7 =	smax.u32 s8, $0x1;
	s8 =	sadd.s32 $0xF03E00, s9;
	s9 =	sadd.s32 $0x17E00, s31  }
0xe: {  	s10 =	sshrl.u32 s13, $0x3;
	s13 =	simm.s32 $0x14080;
	s6 =	sadd.s32 s6, s4  }
0xf: {  	s4 =	sadd.s32 $0x21E00, s5;
	s5 =	sor.u32 $0x1C01, s30;
	s6 =	sadd.s32 $0x49E00, s6  }
.LBB2_1:
0x10: {  	[spmem:s10], [sflag:s5] =	dma.local [hbm:s4], $0x2800  }
0x11: {  	_ =	swait.ge [sflag:s11], $0x2800  }
0x12: {  	[sflag:s11] =	ssyncset.done $0x0  }
0x13: {  	[sflag:s11] =	ssyncadd.s32 $0xFFFFD800  }
0x14: {  	s16 =	sadd.s32 $0x0, s9;
	[bflag:$0x0] =	sbarrier.arrive $0xFFFF  }
0x15: {  	[tilespmem:s12], [sflag:$0x1] =	stream.linear.gather [hbm4b:s16+s3], $0x80, $0x38;
	[tilespmem:$0x18080] =	vst v63  }
0x16: {  	_ =	swait.ge [sflag:s11], $0x80  }
0x17: {  	[sflag:s11] =	ssyncset.done $0x0  }
0x18: {  	[sflag:s11] =	ssyncadd.s32 $0xFFFFFF80  }
0x19: {  	[tilespmem:s13], [sflag:$0x1] =	stream.linear.gather [hbm4b:s8+s3], $0x4000, $0x38;
	[tilespmem:$0x18080] =	vst v63  }
0x1a: {  	_ =	swait.ge [sflag:s11], $0x4000  }
0x1b: {  	[sflag:s11] =	ssyncset.done $0x0  }
0x1c: {  	[sflag:s11] =	ssyncadd.s32 $0xFFFFC000  }
0x1d: {  	[spmem:s2] =	stream.indirect.scatter.add.f32 [tilespmem:s13], [sflag:$0x1], $0x80, s12, s14, $0xb8;
	[tilespmem:$0x18080] =	vst v63  }
0x1e: {  	s17 =	simm.s32 $0x10;
	_ =	swait.ge [sflag:s11], $0x4000  }
0x1f: {  	s18 =	simm.s32 $0x20;
	s16 =	sadd.s32 $0x800, s8;
	[sflag:s11] =	ssyncset.done $0x0  }
.LBB2_2:
0x20: {  	s19 =	sadd.s32 s17, s9  }
0x21: {  	[sflag:s11] =	ssyncadd.s32 $0xFFFFC000;
	s17 =	smov.u32 s18;
	s20 =	sadd.s32 $0x10, s18  }
0x22: {  	[tilespmem:s12], [sflag:$0x1] =	stream.linear.gather [hbm4b:s19+s3], $0x80, $0x38;
	[tilespmem:$0x18080] =	vst v63  }
0x23: {  	p0 =	sne.s32 s18, $0x270;
	_ =	swait.ge [sflag:s11], $0x80  }
0x24: {  	[sflag:s11] =	ssyncset.done $0x0  }
0x25: {  	[sflag:s11] =	ssyncadd.s32 $0xFFFFFF80  }
0x26: {  	[tilespmem:s13], [sflag:$0x1] =	stream.linear.gather [hbm4b:s16+s3], $0x4000, $0x38;
	[tilespmem:$0x18080] =	vst v63  }
0x27: {  	_ =	swait.ge [sflag:s11], $0x4000  }
.Ltmp0:
0x28: {  	[sflag:s11] =	ssyncset.done $0x0;
	(pc) =	sbr.rel @p0 .LBB2_2-.Ltmp0, $4  }
0x29: {  	[sflag:s11] =	ssyncadd.s32 $0xFFFFC000  }
0x2a: {  	[spmem:s2] =	stream.indirect.scatter.add.f32 [tilespmem:s13], [sflag:$0x1], $0x80, s12, s14, $0xb8;
	[tilespmem:$0x18080] =	vst v63  }
0x2b: {  	_ =	swait.ge [sflag:s11], $0x4000  }
0x2c: {  	s18 =	smov.u32 s20;
	s16 =	sadd.s32 $0x800, s16;
	[sflag:s11] =	ssyncset.done $0x0  }
0x2d: {  	s17 =	sadd.s32 s17, s9;
	[sflag:s11] =	ssyncadd.s32 $0xFFFFC000  }
0x2e: {  	[tilespmem:s12], [sflag:$0x1] =	stream.linear.gather [hbm4b:s17+s3], $0x80, $0x38;
	[tilespmem:$0x18080] =	vst v63  }
0x2f: {  	_ =	swait.ge [sflag:s11], $0x80  }
0x30: {  	[sflag:s11] =	ssyncset.done $0x0  }
0x31: {  	[sflag:s11] =	ssyncadd.s32 $0xFFFFFF80  }
0x32: {  	[tilespmem:s13], [sflag:$0x1] =	stream.linear.gather [hbm4b:s16+s3], $0x4000, $0x38;
	[tilespmem:$0x18080] =	vst v63  }
0x33: {  	_ =	swait.ge [sflag:s11], $0x4000  }
0x34: {  	[sflag:s11] =	ssyncset.done $0x0  }
0x35: {  	[sflag:s11] =	ssyncadd.s32 $0xFFFFC000  }
0x36: {  	[spmem:s2] =	stream.indirect.scatter.add.f32 [tilespmem:s13], [sflag:$0x1], $0x80, s12, s14, $0xb8;
	[tilespmem:$0x18080] =	vst v63  }
0x37: {  	_ =	swait.ge [sflag:s11], $0x4000  }
0x38: {  	s15 =	sadd.s32 $0x1, s15;
	[sflag:s11] =	ssyncset.done $0x0  }
0x39: {  	p0 =	sne.s32 s15, s7;
	[sflag:s11] =	ssyncadd.s32 $0xFFFFC000  }
.Ltmp1:
0x3a: {  	[bflag:$0x0] =	sbarrier.arrive $0xFFFF;
	(pc) =	sbr.rel @p0 .LBB2_1-.Ltmp1, $4  }
0x3b: {  	[hbm:s6], [sflag:s5] =	dma.local [spmem:s10], $0x2800  }
0x3c: {  	_ =	swait.ge [sflag:s11], $0x2800  }
0x3d: {  	[sflag:s11] =	ssyncset.done $0x0  }
0x3e: {  	[sflag:s11] =	ssyncadd.s32 $0xFFFFD800  }
0x3f: {  	_ =	sfence.sel $0x180000  }
0x40: {  	[bflag:$0x0] =	sbarrier.arrive $0xFFFF  }
0x41: {  	p0 =	sne.s32 s1, $0x0;
	_ =	strace $0x90000053  }
0x42: {  	s0 =	sadd.s32 @!p0 $0x100000, s0;
	[bflag:$0x2] =	sbarrier.arrive $0xFFFF  }
0x43: {  	[sflag:s0] =	ssyncadd.tile.s32 @!p0 $0x1;
	_ =	shalt  }
.Lfunc_end2:
_tile_overlayer_lowered:
.L_overlay_start_2:
0x44: {  	(tag) =	ssettag $0x2  }
0x45: {  	s0 =	rddreg [dreg:$0x0];
	s2 =	stileid.u32  }
0x46: {  	s1 =	rddreg [dreg:$0x1];
	p0 =	sne.s32 s2, $0x0  }
0x47: {  	s3 =	rddreg [dreg:$0x2];
	[bflag:$0x3] =	sbarrier.arrive $0xFFFF;
	s2 =	simm.s32 @!p0 $0x1C01  }
0x48: {  	[timem:s3], [sflag:s2] =	dma.local @!p0 [hbm:s0], s1  }
0x49: {  	s0 =	simm.s32 @!p0 $0x1  }
0x4a: {  	_ =	swait.ge @!p0 [sflag:s0], s1  }
0x4b: {  	s1 =	ssub.s32 @!p0 $0x0, s1;
	[sflag:s0] =	ssyncset.done @!p0 $0x0  }
0x4c: {  	[sflag:s0] =	ssyncadd.s32 @!p0 s1  }
0x4d: {  	[bflag:$0x3] =	sbarrier.arrive $0xFFFF  }
0x4e: {  	_ =	shalt  }

// kernel: kernel.31.cloned.1.call-start
scs
__scs_entry_jumppad:
0x0: {  	(pc) =	sbr.rel $0x88, $3  }
0x1: {  	(tag) =	ssettag $0x0;
	lr =	simm.s32 $0x1  }
0x2: {  	[smem:$0x3F6E] =	sst lr;
	_ =	strace $0xD0000000  }
0x3: {  	_ = 	snop  }
0x4: {  	_ = 	snop  }
0x5: {  	_ = 	snop  }
0x6: {  	_ = 	snop  }
0x7: {  	_ = 	snop  }
__scs_overlays_trampoline_lowered:
0x8: {  	[smem:$0x3F7D] =	sst s0  }
0x9: {  	[smem:$0x3F7E] =	sst s1  }
0xa: {  	[smem:$0x3F7F] =	sst s2  }
0xb: {  	[smem:$0x3F80] =	sst s3  }
0xc: {  	[smem:$0x3F81] =	sst s4  }
0xd: {  	[smem:$0x3F82] =	sst s5  }
0xe: {  	[smem:$0x3F83] =	sst s6  }
0xf: {  	[smem:$0x3F84] =	sst s7  }
0x10: {  	[smem:$0x3F85] =	sst s8  }
0x11: {  	[smem:$0x3F86] =	sst s9;
	s0 =	simm.s32 @!p0 $0x0  }
0x12: {  	s1 =	sld [smem:$0x3F6C];
	s0 =	simm.s32 @p0 $0x1  }
0x13: {  	[smem:$0x3F87] =	sst s0;
	s0 =	simm.s32 @!p1 $0x0  }
0x14: {  	s2 =	sld [smem:$0x3F6B];
	s0 =	simm.s32 @p1 $0x1  }
0x15: {  	[smem:$0x3F88] =	sst s0;
	s0 =	simm.s32 @!p2 $0x0  }
0x16: {  	s3 =	sld [smem:$0x3FDB];
	s0 =	simm.s32 @p2 $0x1  }
0x17: {  	s4 =	simm.s32 $0x1BF5;
	[smem:$0x3F8A] =	sst s0  }
0x18: {  	s0 =	sld [smem:$0x3F6D];
	_ =	swait.ge [sflag:s4], $0x0  }
0x19: {  	s7 =	sld [smem:$0x3F6E]  }
0x1a: {  	s8 =	sadd.s32 $0xFFFFE003, lr  }
0x1b: {  	s9 =	sadd.s32 $0xFFFFFEF7, lr;
	s5 =	simm.s32 $0xFFFFFFFF;
	p2 =	slt.u32 s8, $0xFFFFF086  }
0x1c: {  	p1 =	slt.u32 s9, $0xF7A;
	s5 =	simm.s32 @!p2 $0x0  }
0x1d: {  	s5 =	simm.s32 @p1 $0x1;
	p0 =	seq.s32 s7, s2  }
0x1e: {  	s7 =	smul.u32 @!p0 $0xF7A, s2;
	p2 =	seq.s32 @!p0 s5, $0x0  }
0x1f: {  	s9 =	smul.u32 $0xF7A, s1;
	s8 =	simm.s32 @!p0 $0x1BF5;
	p2 =	por !p2, p0  }
0x20: {  	[sflag:s8] =	ssyncset.s32 @!p0 $0xFFFFF086;
	s6 =	sadd.s32 @!p0 s3, s7;
	s7 =	simm.s32 @!p0 $0x108  }
0x21: {  	s3 =	sadd.s32 s3, s9;
	s6 =	sadd.s32 @!p0 $0x88, s6;
	s7 =	simm.s32 @p2 $0x1082  }
0x22: {  	[simem:s7], [sflag:s8] =	dma.local @!p0 [hbm:s6], $0xF7A  }
0x23: {  	s9 =	sor.u32 $0xD0000000, s2;
	s6 =	simm.s32 $0x108;
	_ =	swait.ge @!p0 [sflag:s8], $0x0  }
0x24: {  	s3 =	sadd.s32 $0x88, s3;
	s6 =	simm.s32 @!p1 $0x1082;
	[sflag:s4] =	ssyncset.s32 $0xFFFFF086  }
0x25: {  	[simem:s6], [sflag:s4] =	dma.local [hbm:s3], $0xF7A  }
0x26: {  	[smem:$0x3F6E] =	sst s1;
	(tag) =	ssettag s2;
	_ =	strace s9  }
0x27: {  	s1 =	sld [smem:$0x3F7E]  }
0x28: {  	s2 =	sld [smem:$0x3F7F]  }
0x29: {  	s4 =	sld [smem:$0x3F81]  }
0x2a: {  	p0 =	seq.s32 s5, $0x0;
	s5 =	sld [smem:$0x3F82]  }
0x2b: {  	s6 =	sld [smem:$0x3F83]  }
0x2c: {  	s7 =	sld [smem:$0x3F84]  }
0x2d: {  	s3 =	simm.s32 $0x108;
	s8 =	sld [smem:$0x3F85]  }
0x2e: {  	s3 =	simm.s32 @!p0 $0x1082;
	s9 =	sld [smem:$0x3F86]  }
0x2f: {  	lr =	sadd.s32 s0, s3;
	s0 =	sld [smem:$0x3F7D]  }
0x30: {  	s3 =	sld [smem:$0x3F80]  }
0x31: {  	[smem:$0x3F89] =	sst s10  }
0x32: {  	s10 =	sld [smem:$0x3F87];
	_ =	sdelay $0x3  }
0x33: {  	p0 =	seq.s32 s10, $0x1;
	s10 =	sld [smem:$0x3F89];
	_ =	sdelay $0x3  }
0x34: {  	[smem:$0x3F89] =	sst s10  }
0x35: {  	s10 =	sld [smem:$0x3F88];
	_ =	sdelay $0x3  }
0x36: {  	p1 =	seq.s32 s10, $0x1;
	s10 =	sld [smem:$0x3F89];
	_ =	sdelay $0x3  }
0x37: {  	[smem:$0x3F89] =	sst s10  }
0x38: {  	s10 =	sld [smem:$0x3F8A]  }
0x39: {  	_ = 	snop;
	(pc) =	sbr.ind lr, $3  }
0x3a: {  	_ = 	snop  }
0x3b: {  	_ = 	snop  }
0x3c: {  	p2 =	seq.s32 s10, $0x1;
	s10 =	sld [smem:$0x3F89]  }
0x3d: {  	_ =	shalt  }
0x3e: {  	_ =	shalt  }
0x3f: {  	_ =	shalt  }
0x40: {  	_ =	shalt  }
0x41: {  	_ =	shalt  }
0x42: {  	_ =	shalt  }
0x43: {  	_ =	shalt  }
0x44: {  	_ =	shalt  }
0x45: {  	_ =	shalt  }
0x46: {  	_ =	shalt  }
0x47: {  	_ =	shalt  }
0x48: {  	_ =	shalt  }
0x49: {  	_ =	shalt  }
0x4a: {  	_ =	shalt  }
0x4b: {  	_ =	shalt  }
0x4c: {  	_ =	shalt  }
0x4d: {  	_ =	shalt  }
0x4e: {  	_ =	shalt  }
0x4f: {  	_ =	shalt  }
0x50: {  	_ =	shalt  }
0x51: {  	_ =	shalt  }
0x52: {  	_ =	shalt  }
0x53: {  	_ =	shalt  }
0x54: {  	_ =	shalt  }
0x55: {  	_ =	shalt  }
0x56: {  	_ =	shalt  }
0x57: {  	_ =	shalt  }
0x58: {  	_ =	shalt  }
0x59: {  	_ =	shalt  }
0x5a: {  	_ =	shalt  }
0x5b: {  	_ =	shalt  }
0x5c: {  	_ =	shalt  }
0x5d: {  	_ =	shalt  }
0x5e: {  	_ =	shalt  }
0x5f: {  	_ =	shalt  }
0x60: {  	_ =	shalt  }
0x61: {  	_ =	shalt  }
0x62: {  	_ =	shalt  }
0x63: {  	_ =	shalt  }
0x64: {  	_ =	shalt  }
0x65: {  	_ =	shalt  }
0x66: {  	_ =	shalt  }
0x67: {  	_ =	shalt  }
0x68: {  	_ =	shalt  }
0x69: {  	_ =	shalt  }
0x6a: {  	_ =	shalt  }
0x6b: {  	_ =	shalt  }
0x6c: {  	_ =	shalt  }
0x6d: {  	_ =	shalt  }
0x6e: {  	_ =	shalt  }
0x6f: {  	_ =	shalt  }
0x70: {  	_ =	shalt  }
0x71: {  	_ =	shalt  }
0x72: {  	_ =	shalt  }
0x73: {  	_ =	shalt  }
0x74: {  	_ =	shalt  }
0x75: {  	_ =	shalt  }
0x76: {  	_ =	shalt  }
0x77: {  	_ =	shalt  }
0x78: {  	_ =	shalt  }
0x79: {  	_ =	shalt  }
0x7a: {  	_ =	shalt  }
0x7b: {  	_ =	shalt  }
0x7c: {  	_ =	shalt  }
0x7d: {  	_ =	shalt  }
0x7e: {  	_ =	shalt  }
0x7f: {  	_ =	shalt  }
0x80: {  	_ =	shalt  }
0x81: {  	_ =	shalt  }
0x82: {  	_ =	shalt  }
0x83: {  	_ =	shalt  }
0x84: {  	_ =	shalt  }
0x85: {  	_ =	shalt  }
0x86: {  	_ =	shalt  }
0x87: {  	_ =	shalt  }
.Lfunc_end0:
.L_simem_size_0:
called_computation.5_lowered:
.L_overlay_start_0:
0x88: {  	s2 =	sld [smem:$0x3FD9]  }
0x89: {  	s3 =	sld [smem:$0x3FFE];
	_ =	sdelay $0x1  }
0x8a: {  	s1 =	srdreg.scid  }
0x8b: {  	s0 =	sand.u32 $0x1, s1  }
0x8c: {  	s14 =	sshll.u32 s0, $0xA;
	s2 =	sadd.s32 s3, s2  }
0x8d: {  	s2 =	sadd.s32 s2, s14  }
0x8e: {  	[smem:$0x3F95] =	sst s2  }
0x8f: {  	_ = 	snop  }
0x90: {  	s2 =	sld [smem:$0x3FD0];
	_ =	sdelay $0x2  }
0x91: {  	s15 =	simm.s32 $0xB;
	s4 =	simm.s32 $0x10  }
0x92: {  	[smem:s4], [sflag:s15] =	dma.local [hbm:s2], $0x1  }
0x93: {  	_ =	swait.eq [sflag:s15], $0x1  }
0x94: {  	[sflag:s15] =	ssyncset.done $0x0  }
0x95: {  	s16 =	sld [smem:$0x10];
	[sflag:s15] =	ssyncadd.s32 $0xFFFFFFFF  }
0x96: {  	s17 =	sld [smem:$0x14];
	(tm) =	ssettm $0x1  }
0x97: {  	s18 =	sld [smem:$0x3FFB];
	_ =	sdelay $0x3  }
0x98: {  	_ =	strace s18  }
0x99: {  	s4 =	sld [smem:$0x3FFC];
	_ =	sdelay $0x3  }
0x9a: {  	_ =	strace s4  }
0x9b: {  	s4 =	sld [smem:$0x3FFD];
	_ =	sdelay $0x3  }
0x9c: {  	_ =	strace s4  }
0x9d: {  	_ =	strace $0x8FFFFFFF  }
0x9e: {  	s19 =	sld [smem:$0x3FDB];
	_ =	sdelay $0x1  }
0x9f: {  	s5 =	simm.s32 $_scs_section_size  }
0xa0: {  	s6 =	simm.s32 $_size__tile_overlayer_lowered;
	s7 =	simm.s32 $_tile_overlayer_lowered  }
0xa1: {  	s22 =	simm.s32 $0x1BFF;
	s21 =	sshll.u32 s7, $0x1;
	s4 =	sadd.s32 s5, s19  }
0xa2: {  	s8 =	simm.s32 $0x0;
	s20 =	sshll.u32 s6, $0x1;
	s6 =	sadd.s32 s21, s4  }
0xa3: {  	[timem:s8], [sflag:s22] =	dma.local [hbm:s6], s20  }
0xa4: {  	_ =	swait.ge [sflag:s22], s20  }
0xa5: {  	s5 =	ssub.s32 $0x0, s20;
	[sflag:s22] =	ssyncset.done $0x0  }
0xa6: {  	[sflag:s22] =	ssyncadd.s32 s5;
	_ =	sdelay $0x1  }
0xa7: {  	s23 =	simm.s32 $0x1B8B  }
0xa8: {  	_ =	swait.ge [sflag:s23], $0x1  }
0xa9: {  	[sflag:s23] =	ssyncset.done $0x0  }
0xaa: {  	s25 =	simm.s32 $0x1B8E;
	s24 =	sld [smem:$0x3FFE];
	[sflag:s23] =	ssyncadd.s32 $0xFFFFFFFF  }
0xab: {  	s26 =	simm.s32 $execute0_lowered;
	[smem:$0x3FD2] =	sst s25  }
0xac: {  	s6 =	sshll.u32 s26, $0x1;
	_ =	strace $0x80000055;
	[dreg:$0x1] =	wrdreg $0xFFFFFFFF  }
0xad: {  	s28 =	simm.s32 $_size_execute0_lowered;
	s4 =	sadd.s32 s4, s6;
	[dreg:$0x0] =	wrdreg $0x0  }
0xae: {  	s6 =	sshll.u32 s28, $0x1;
	[dreg:$0x2] =	wrdreg s4  }
0xaf: {  	[dreg:$0x3] =	wrdreg s6  }
0xb0: {  	[dreg:$0x4] =	wrdreg $0xC0  }
0xb1: {  	_ =	task [dreg:s8], $0x5FFFF  }
0xb2: {  	[dreg:$0x1] =	wrdreg $0xFFFFFFFF  }
0xb3: {  	[dreg:$0x0] =	wrdreg $0x60  }
0xb4: {  	[dreg:$0x2] =	wrdreg s16  }
0xb5: {  	[dreg:$0x3] =	wrdreg s17  }
0xb6: {  	[dreg:$0x4] =	wrdreg s24  }
0xb7: {  	[dreg:$0x5] =	wrdreg $0x9  }
0xb8: {  	_ =	task.clear_ibuf [dreg:s8], $0x6FFFF;
	_ =	strace $0x90000055  }
0xb9: {  	s29 =	simm.s32 $0x9;
	_ =	strace $0x80000057  }
0xba: {  	_ =	swait.ge [sflag:s29], $0x1  }
0xbb: {  	[sflag:s29] =	ssyncadd.s32 $0xFFFFFFFF  }
0xbc: {  	_ =	strace $0x90000057  }
0xbd: {  	_ =	sfence  }
0xbe: {  	s30 =	sld [smem:$0x0];
	_ =	sdelay $0x2  }
0xbf: {  	s31 =	sshll.u32 s1, $0xD;
	s1 =	sshrl.u32 s1, $0x2  }
0xc0: {  	s3 =	sand.u32 $0x4000, s31;
	s1 =	sadd.s32 s1, s30  }
0xc1: {  	s0 =	sor.u32 s3, s0;
	s1 =	sshll.u32 s1, $0x11  }
0xc2: {  	s0 =	sor.u32 s1, s0  }
0xc3: {  	s0 =	sadd.s32 $0x8F2B, s0  }
0xc4: {  	[sflag:s0] =	ssyncadd.remote.s32 $0x1  }
0xc5: {  	_ =	sfence.sel $0xFFFF  }
0xc6: {  	[dreg:$0x0] =	wrdreg $0xFFFFFFFF;
	(pc) =	sbr.abs _section_cstart, $3  }
0xc7: {  	[dreg:$0x1] =	wrdreg $0xFFFFFFFF  }
0xc8: {  	_ =	task.clear_ibuf [dreg:s8], $0x2FFFF;
	_ =	strace $0x9FFFFFFF  }
0xc9: {  	(tm) =	ssettm $0x7FFFFFFF  }
tec
execute0_lowered:
.L_overlay_start_1:
0x0: {  	(tag) =	ssettag $0x1  }
0x1: {  	s1 =	rddreg [dreg:$0x0]  }
0x2: {  	s3 =	rddreg [dreg:$0x1]  }
0x3: {  	s2 =	srdreg.scid;
	s0 =	stileid.u32  }
0x4: {  	s5 =	rddreg [dreg:$0x2];
	s4 =	simm.s32 $0x0;
	s12 =	simm.s32 $0x80  }
0x5: {  	s13 =	simm.s32 $0x2800;
	s14 =	simm.s32 $0xA800;
	s15 =	simm.s32 $0x6800  }
0x6: {  	s16 =	simm.s32 $0xE800;
	s17 =	simm.s32 $0x1;
	s18 =	simm.s32 $0x2  }
0x7: {  	s19 =	simm.s32 $0x0;
	s6 =	sand.u32 $0x1, s2;
	s7 =	sshll.u32 s0, $0x1  }
0x8: {  	s2 =	rddreg [dreg:$0x3];
	s8 =	smul.u32 $0x28000, s0;
	s7 =	sor.u32 s6, s7  }
0x9: {  	[smem:$0x7FF] =	sst s4;
	s9 =	ssub.s32 $0x2, s6;
	s7 =	smul.u32 $0x1400, s7  }
0xa: {  	_ =	strace $0x80000056;
	s11 =	smul.u32 $0x14000, s6;
	s10 =	sshrl.u32 s9, $0x1  }
0xb: {  	s8 =	sadd.s32 s8, s5;
	s9 =	ssub.s32 s9, s10;
	s7 =	sshrl.u32 s7, $0x3  }
0xc: {  	s31 =	sadd.s32 s11, s8;
	s10 =	simm.s32 $0x3;
	s7 =	sadd.s32 s7, s5  }
0xd: {  	s11 =	simm.s32 $0x1400;
	s8 =	sadd.s32 $0xC3000, s31;
	s5 =	sadd.s32 $0x1CE00, s7  }
0xe: {  	s6 =	sadd.s32 $0x12E00, s7;
	s7 =	smax.u32 s9, $0x1;
	s9 =	sadd.s32 $0xA03E00, s31  }
.LBB2_1:
0xf: {  	[tilespmem:s4], [sflag:$0x3] =	stream.linear.gather [hbm4b:s5+s4], $0x1400, $0x38;
	[tilespmem:$0x12800] =	vst v63  }
0x10: {  	_ =	swait.ge [sflag:s10], $0x1400  }
0x11: {  	[sflag:s10] =	ssyncset.done $0x0  }
0x12: {  	[sflag:s10] =	ssyncadd.s32 $0xFFFFEC00  }
0x13: {  	[tilespmem:s11], [sflag:$0x3] =	stream.linear.gather [hbm4b:s6+s4], $0x1400, $0x38;
	[tilespmem:$0x12800] =	vst v63  }
0x14: {  	_ =	swait.ge [sflag:s10], $0x1400  }
0x15: {  	[sflag:s10] =	ssyncset.done $0x0  }
0x16: {  	s20 =	simm.s32 $0x0;
	[sflag:s10] =	ssyncadd.s32 $0xFFFFEC00  }
0x17: {  	[tilespmem:s13], [sflag:$0x1] =	stream.indirect.gather [hbm4b:s1+s12], $0x80, s20, s12, $0xb8;
	[tilespmem:$0x12800] =	vst v63  }
0x18: {  	s29 =	simm.s32 $0x1400  }
0x19: {  	[tilespmem:s14], [sflag:$0x2] =	stream.indirect.gather [hbm4b:s3+s12], $0x80, s29, s12, $0xb8;
	[tilespmem:$0x12800] =	vst v63  }
0x1a: {  	s30 =	simm.s32 $0x80  }
0x1b: {  	[tilespmem:s15], [sflag:$0x1] =	stream.indirect.gather [hbm4b:s1+s12], $0x80, s30, s12, $0xb8;
	[tilespmem:$0x12800] =	vst v63  }
0x1c: {  	s31 =	simm.s32 $0x1480  }
0x1d: {  	[tilespmem:s16], [sflag:$0x2] =	stream.indirect.gather [hbm4b:s3+s12], $0x80, s31, s12, $0xb8;
	[tilespmem:$0x12800] =	vst v63  }
0x1e: {  	_ =	swait.ge [sflag:s17], $0x4000  }
0x1f: {  	[sflag:s17] =	ssyncset.done $0x0  }
0x20: {  	[sflag:s17] =	ssyncadd.s32 $0xFFFFC000  }
0x21: {  	_ =	swait.ge [sflag:s18], $0x4000  }
0x22: {  	[sflag:s18] =	ssyncset.done $0x0  }
0x23: {  	[sflag:s18] =	ssyncadd.s32 $0xFFFFC000  }
0x24: {  	_ =	swait.ge [sflag:s17], $0x4000  }
0x25: {  	[sflag:s17] =	ssyncset.done $0x0  }
0x26: {  	[sflag:s17] =	ssyncadd.s32 $0xFFFFC000  }
0x27: {  	_ =	swait.ge [sflag:s18], $0x4000  }
0x28: {  	[sflag:s18] =	ssyncset.done $0x0  }
0x29: {  	[sflag:s18] =	ssyncadd.s32 $0xFFFFC000  }
0x2a: {  	[hbm4b:s8+s4] =	stream.linear.scatter [tilespmem:s13], [sflag:$0x3], $0x8000, $0x38;
	[tilespmem:$0x12800] =	vst v63  }
0x2b: {  	_ =	swait.ge [sflag:s10], $0x8000  }
0x2c: {  	[sflag:s10] =	ssyncset.done $0x0  }
0x2d: {  	[sflag:s10] =	ssyncadd.s32 $0xFFFF8000  }
0x2e: {  	[hbm4b:s9+s4] =	stream.linear.scatter [tilespmem:s14], [sflag:$0x3], $0x8000, $0x38;
	[tilespmem:$0x12800] =	vst v63  }
0x2f: {  	s22 =	simm.s32 $0x400;
	s23 =	simm.s32 $0x800;
	_ =	swait.ge [sflag:s10], $0x8000  }
0x30: {  	s21 =	sadd.s32 $0x1000, s8;
	s20 =	sadd.s32 $0x1000, s9;
	[sflag:s10] =	ssyncset.done $0x0  }
.LBB2_2:
0x31: {  	s24 =	sshra.s32 s22, $0x2  }
0x32: {  	[sflag:s10] =	ssyncadd.s32 $0xFFFF8000;
	s22 =	smov.u32 s23;
	s25 =	sadd.s32 $0x400, s23  }
0x33: {  	[tilespmem:s13], [sflag:$0x1] =	stream.indirect.gather [hbm4b:s1+s12], $0x80, s24, s12, $0xb8;
	[tilespmem:$0x12800] =	vst v63  }
0x34: {  	p0 =	sne.s32 s23, $0x4C00;
	s23 =	sadd.s32 $0x1400, s24  }
0x35: {  	[tilespmem:s14], [sflag:$0x2] =	stream.indirect.gather [hbm4b:s3+s12], $0x80, s23, s12, $0xb8;
	[tilespmem:$0x12800] =	vst v63  }
0x36: {  	s23 =	sadd.s32 $0x80, s24  }
0x37: {  	[tilespmem:s15], [sflag:$0x1] =	stream.indirect.gather [hbm4b:s1+s12], $0x80, s23, s12, $0xb8;
	[tilespmem:$0x12800] =	vst v63  }
0x38: {  	s23 =	sadd.s32 $0x1480, s24  }
0x39: {  	[tilespmem:s16], [sflag:$0x2] =	stream.indirect.gather [hbm4b:s3+s12], $0x80, s23, s12, $0xb8;
	[tilespmem:$0x12800] =	vst v63  }
0x3a: {  	_ =	swait.ge [sflag:s17], $0x4000  }
0x3b: {  	[sflag:s17] =	ssyncset.done $0x0  }
0x3c: {  	[sflag:s17] =	ssyncadd.s32 $0xFFFFC000  }
0x3d: {  	_ =	swait.ge [sflag:s18], $0x4000  }
0x3e: {  	[sflag:s18] =	ssyncset.done $0x0  }
0x3f: {  	[sflag:s18] =	ssyncadd.s32 $0xFFFFC000  }
0x40: {  	_ =	swait.ge [sflag:s17], $0x4000  }
0x41: {  	[sflag:s17] =	ssyncset.done $0x0  }
0x42: {  	[sflag:s17] =	ssyncadd.s32 $0xFFFFC000  }
0x43: {  	_ =	swait.ge [sflag:s18], $0x4000  }
0x44: {  	[sflag:s18] =	ssyncset.done $0x0  }
0x45: {  	[sflag:s18] =	ssyncadd.s32 $0xFFFFC000  }
0x46: {  	[hbm4b:s21+s4] =	stream.linear.scatter [tilespmem:s13], [sflag:$0x3], $0x8000, $0x38;
	[tilespmem:$0x12800] =	vst v63  }
0x47: {  	_ =	swait.ge [sflag:s10], $0x8000  }
.Ltmp0:
0x48: {  	[sflag:s10] =	ssyncset.done $0x0;
	(pc) =	sbr.rel @p0 .LBB2_2-.Ltmp0, $4  }
0x49: {  	[sflag:s10] =	ssyncadd.s32 $0xFFFF8000  }
0x4a: {  	[hbm4b:s20+s4] =	stream.linear.scatter [tilespmem:s14], [sflag:$0x3], $0x8000, $0x38;
	[tilespmem:$0x12800] =	vst v63  }
0x4b: {  	s23 =	smov.u32 s25;
	_ =	swait.ge [sflag:s10], $0x8000  }
0x4c: {  	s21 =	sadd.s32 $0x1000, s21;
	s20 =	sadd.s32 $0x1000, s20;
	[sflag:s10] =	ssyncset.done $0x0  }
0x4d: {  	s22 =	sshra.s32 s22, $0x2;
	[sflag:s10] =	ssyncadd.s32 $0xFFFF8000  }
0x4e: {  	[tilespmem:s13], [sflag:$0x1] =	stream.indirect.gather [hbm4b:s1+s12], $0x80, s22, s12, $0xb8;
	[tilespmem:$0x12800] =	vst v63  }
0x4f: {  	s23 =	sadd.s32 $0x1400, s22  }
0x50: {  	[tilespmem:s14], [sflag:$0x2] =	stream.indirect.gather [hbm4b:s3+s12], $0x80, s23, s12, $0xb8;
	[tilespmem:$0x12800] =	vst v63  }
0x51: {  	s31 =	sadd.s32 $0x80, s22  }
0x52: {  	[tilespmem:s15], [sflag:$0x1] =	stream.indirect.gather [hbm4b:s1+s12], $0x80, s31, s12, $0xb8;
	[tilespmem:$0x12800] =	vst v63  }
0x53: {  	s22 =	sadd.s32 $0x1480, s22  }
0x54: {  	[tilespmem:s16], [sflag:$0x2] =	stream.indirect.gather [hbm4b:s3+s12], $0x80, s22, s12, $0xb8;
	[tilespmem:$0x12800] =	vst v63  }
0x55: {  	_ =	swait.ge [sflag:s17], $0x4000  }
0x56: {  	[sflag:s17] =	ssyncset.done $0x0  }
0x57: {  	[sflag:s17] =	ssyncadd.s32 $0xFFFFC000  }
0x58: {  	_ =	swait.ge [sflag:s18], $0x4000  }
0x59: {  	[sflag:s18] =	ssyncset.done $0x0  }
0x5a: {  	[sflag:s18] =	ssyncadd.s32 $0xFFFFC000  }
0x5b: {  	_ =	swait.ge [sflag:s17], $0x4000  }
0x5c: {  	[sflag:s17] =	ssyncset.done $0x0  }
0x5d: {  	[sflag:s17] =	ssyncadd.s32 $0xFFFFC000  }
0x5e: {  	_ =	swait.ge [sflag:s18], $0x4000  }
0x5f: {  	[sflag:s18] =	ssyncset.done $0x0  }
0x60: {  	[sflag:s18] =	ssyncadd.s32 $0xFFFFC000  }
0x61: {  	[hbm4b:s21+s4] =	stream.linear.scatter [tilespmem:s13], [sflag:$0x3], $0x8000, $0x38;
	[tilespmem:$0x12800] =	vst v63  }
0x62: {  	s19 =	sadd.s32 $0x1, s19;
	_ =	swait.ge [sflag:s10], $0x8000  }
0x63: {  	p0 =	sne.s32 s19, s7;
	[sflag:s10] =	ssyncset.done $0x0  }
.Ltmp1:
0x64: {  	[sflag:s10] =	ssyncadd.s32 $0xFFFF8000;
	(pc) =	sbr.rel @p0 .LBB2_1-.Ltmp1, $4  }
0x65: {  	[hbm4b:s20+s4] =	stream.linear.scatter [tilespmem:s14], [sflag:$0x3], $0x8000, $0x38;
	[tilespmem:$0x12800] =	vst v63  }
0x66: {  	_ =	swait.ge [sflag:s10], $0x8000  }
0x67: {  	[sflag:s10] =	ssyncset.done $0x0  }
0x68: {  	[sflag:s10] =	ssyncadd.s32 $0xFFFF8000  }
0x69: {  	_ =	sfence.sel $0x180000  }
0x6a: {  	[bflag:$0x0] =	sbarrier.arrive $0xFFFF  }
0x6b: {  	p0 =	sne.s32 s0, $0x0;
	_ =	strace $0x90000056  }
0x6c: {  	s0 =	sadd.s32 @!p0 $0x100000, s2;
	[bflag:$0x2] =	sbarrier.arrive $0xFFFF  }
0x6d: {  	[sflag:s0] =	ssyncadd.tile.s32 @!p0 $0x1;
	_ =	shalt  }
.Lfunc_end2:
_tile_overlayer_lowered:
.L_overlay_start_2:
0x6e: {  	(tag) =	ssettag $0x2  }
0x6f: {  	s0 =	rddreg [dreg:$0x0];
	s2 =	stileid.u32  }
0x70: {  	s1 =	rddreg [dreg:$0x1];
	p0 =	sne.s32 s2, $0x0  }
0x71: {  	s3 =	rddreg [dreg:$0x2];
	[bflag:$0x3] =	sbarrier.arrive $0xFFFF;
	s2 =	simm.s32 @!p0 $0x1C03  }
0x72: {  	[timem:s3], [sflag:s2] =	dma.local @!p0 [hbm:s0], s1  }
0x73: {  	s0 =	simm.s32 @!p0 $0x3  }
0x74: {  	_ =	swait.ge @!p0 [sflag:s0], s1  }
0x75: {  	s1 =	ssub.s32 @!p0 $0x0, s1;
	[sflag:s0] =	ssyncset.done @!p0 $0x0  }
0x76: {  	[sflag:s0] =	ssyncadd.s32 @!p0 s1  }
0x77: {  	[bflag:$0x3] =	sbarrier.arrive $0xFFFF  }
0x78: {  	_ =	shalt  }

// kernel: kernel.34.cloned.1.call-start
scs
__scs_entry_jumppad:
0x0: {  	(pc) =	sbr.rel $0x88, $3  }
0x1: {  	(tag) =	ssettag $0x0;
	lr =	simm.s32 $0x1  }
0x2: {  	[smem:$0x3F6E] =	sst lr;
	_ =	strace $0xD0000000  }
0x3: {  	_ = 	snop  }
0x4: {  	_ = 	snop  }
0x5: {  	_ = 	snop  }
0x6: {  	_ = 	snop  }
0x7: {  	_ = 	snop  }
__scs_overlays_trampoline_lowered:
0x8: {  	[smem:$0x3F7D] =	sst s0  }
0x9: {  	[smem:$0x3F7E] =	sst s1  }
0xa: {  	[smem:$0x3F7F] =	sst s2  }
0xb: {  	[smem:$0x3F80] =	sst s3  }
0xc: {  	[smem:$0x3F81] =	sst s4  }
0xd: {  	[smem:$0x3F82] =	sst s5  }
0xe: {  	[smem:$0x3F83] =	sst s6  }
0xf: {  	[smem:$0x3F84] =	sst s7  }
0x10: {  	[smem:$0x3F85] =	sst s8  }
0x11: {  	[smem:$0x3F86] =	sst s9;
	s0 =	simm.s32 @!p0 $0x0  }
0x12: {  	s1 =	sld [smem:$0x3F6C];
	s0 =	simm.s32 @p0 $0x1  }
0x13: {  	[smem:$0x3F87] =	sst s0;
	s0 =	simm.s32 @!p1 $0x0  }
0x14: {  	s2 =	sld [smem:$0x3F6B];
	s0 =	simm.s32 @p1 $0x1  }
0x15: {  	[smem:$0x3F88] =	sst s0;
	s0 =	simm.s32 @!p2 $0x0  }
0x16: {  	s3 =	sld [smem:$0x3FDB];
	s0 =	simm.s32 @p2 $0x1  }
0x17: {  	s4 =	simm.s32 $0x1BF5;
	[smem:$0x3F8A] =	sst s0  }
0x18: {  	s0 =	sld [smem:$0x3F6D];
	_ =	swait.ge [sflag:s4], $0x0  }
0x19: {  	s7 =	sld [smem:$0x3F6E]  }
0x1a: {  	s8 =	sadd.s32 $0xFFFFE003, lr  }
0x1b: {  	s9 =	sadd.s32 $0xFFFFFEF7, lr;
	s5 =	simm.s32 $0xFFFFFFFF;
	p2 =	slt.u32 s8, $0xFFFFF086  }
0x1c: {  	p1 =	slt.u32 s9, $0xF7A;
	s5 =	simm.s32 @!p2 $0x0  }
0x1d: {  	s5 =	simm.s32 @p1 $0x1;
	p0 =	seq.s32 s7, s2  }
0x1e: {  	s7 =	smul.u32 @!p0 $0xF7A, s2;
	p2 =	seq.s32 @!p0 s5, $0x0  }
0x1f: {  	s9 =	smul.u32 $0xF7A, s1;
	s8 =	simm.s32 @!p0 $0x1BF5;
	p2 =	por !p2, p0  }
0x20: {  	[sflag:s8] =	ssyncset.s32 @!p0 $0xFFFFF086;
	s6 =	sadd.s32 @!p0 s3, s7;
	s7 =	simm.s32 @!p0 $0x108  }
0x21: {  	s3 =	sadd.s32 s3, s9;
	s6 =	sadd.s32 @!p0 $0x88, s6;
	s7 =	simm.s32 @p2 $0x1082  }
0x22: {  	[simem:s7], [sflag:s8] =	dma.local @!p0 [hbm:s6], $0xF7A  }
0x23: {  	s9 =	sor.u32 $0xD0000000, s2;
	s6 =	simm.s32 $0x108;
	_ =	swait.ge @!p0 [sflag:s8], $0x0  }
0x24: {  	s3 =	sadd.s32 $0x88, s3;
	s6 =	simm.s32 @!p1 $0x1082;
	[sflag:s4] =	ssyncset.s32 $0xFFFFF086  }
0x25: {  	[simem:s6], [sflag:s4] =	dma.local [hbm:s3], $0xF7A  }
0x26: {  	[smem:$0x3F6E] =	sst s1;
	(tag) =	ssettag s2;
	_ =	strace s9  }
0x27: {  	s1 =	sld [smem:$0x3F7E]  }
0x28: {  	s2 =	sld [smem:$0x3F7F]  }
0x29: {  	s4 =	sld [smem:$0x3F81]  }
0x2a: {  	p0 =	seq.s32 s5, $0x0;
	s5 =	sld [smem:$0x3F82]  }
0x2b: {  	s6 =	sld [smem:$0x3F83]  }
0x2c: {  	s7 =	sld [smem:$0x3F84]  }
0x2d: {  	s3 =	simm.s32 $0x108;
	s8 =	sld [smem:$0x3F85]  }
0x2e: {  	s3 =	simm.s32 @!p0 $0x1082;
	s9 =	sld [smem:$0x3F86]  }
0x2f: {  	lr =	sadd.s32 s0, s3;
	s0 =	sld [smem:$0x3F7D]  }
0x30: {  	s3 =	sld [smem:$0x3F80]  }
0x31: {  	[smem:$0x3F89] =	sst s10  }
0x32: {  	s10 =	sld [smem:$0x3F87];
	_ =	sdelay $0x3  }
0x33: {  	p0 =	seq.s32 s10, $0x1;
	s10 =	sld [smem:$0x3F89];
	_ =	sdelay $0x3  }
0x34: {  	[smem:$0x3F89] =	sst s10  }
0x35: {  	s10 =	sld [smem:$0x3F88];
	_ =	sdelay $0x3  }
0x36: {  	p1 =	seq.s32 s10, $0x1;
	s10 =	sld [smem:$0x3F89];
	_ =	sdelay $0x3  }
0x37: {  	[smem:$0x3F89] =	sst s10  }
0x38: {  	s10 =	sld [smem:$0x3F8A]  }
0x39: {  	_ = 	snop;
	(pc) =	sbr.ind lr, $3  }
0x3a: {  	_ = 	snop  }
0x3b: {  	_ = 	snop  }
0x3c: {  	p2 =	seq.s32 s10, $0x1;
	s10 =	sld [smem:$0x3F89]  }
0x3d: {  	_ =	shalt  }
0x3e: {  	_ =	shalt  }
0x3f: {  	_ =	shalt  }
0x40: {  	_ =	shalt  }
0x41: {  	_ =	shalt  }
0x42: {  	_ =	shalt  }
0x43: {  	_ =	shalt  }
0x44: {  	_ =	shalt  }
0x45: {  	_ =	shalt  }
0x46: {  	_ =	shalt  }
0x47: {  	_ =	shalt  }
0x48: {  	_ =	shalt  }
0x49: {  	_ =	shalt  }
0x4a: {  	_ =	shalt  }
0x4b: {  	_ =	shalt  }
0x4c: {  	_ =	shalt  }
0x4d: {  	_ =	shalt  }
0x4e: {  	_ =	shalt  }
0x4f: {  	_ =	shalt  }
0x50: {  	_ =	shalt  }
0x51: {  	_ =	shalt  }
0x52: {  	_ =	shalt  }
0x53: {  	_ =	shalt  }
0x54: {  	_ =	shalt  }
0x55: {  	_ =	shalt  }
0x56: {  	_ =	shalt  }
0x57: {  	_ =	shalt  }
0x58: {  	_ =	shalt  }
0x59: {  	_ =	shalt  }
0x5a: {  	_ =	shalt  }
0x5b: {  	_ =	shalt  }
0x5c: {  	_ =	shalt  }
0x5d: {  	_ =	shalt  }
0x5e: {  	_ =	shalt  }
0x5f: {  	_ =	shalt  }
0x60: {  	_ =	shalt  }
0x61: {  	_ =	shalt  }
0x62: {  	_ =	shalt  }
0x63: {  	_ =	shalt  }
0x64: {  	_ =	shalt  }
0x65: {  	_ =	shalt  }
0x66: {  	_ =	shalt  }
0x67: {  	_ =	shalt  }
0x68: {  	_ =	shalt  }
0x69: {  	_ =	shalt  }
0x6a: {  	_ =	shalt  }
0x6b: {  	_ =	shalt  }
0x6c: {  	_ =	shalt  }
0x6d: {  	_ =	shalt  }
0x6e: {  	_ =	shalt  }
0x6f: {  	_ =	shalt  }
0x70: {  	_ =	shalt  }
0x71: {  	_ =	shalt  }
0x72: {  	_ =	shalt  }
0x73: {  	_ =	shalt  }
0x74: {  	_ =	shalt  }
0x75: {  	_ =	shalt  }
0x76: {  	_ =	shalt  }
0x77: {  	_ =	shalt  }
0x78: {  	_ =	shalt  }
0x79: {  	_ =	shalt  }
0x7a: {  	_ =	shalt  }
0x7b: {  	_ =	shalt  }
0x7c: {  	_ =	shalt  }
0x7d: {  	_ =	shalt  }
0x7e: {  	_ =	shalt  }
0x7f: {  	_ =	shalt  }
0x80: {  	_ =	shalt  }
0x81: {  	_ =	shalt  }
0x82: {  	_ =	shalt  }
0x83: {  	_ =	shalt  }
0x84: {  	_ =	shalt  }
0x85: {  	_ =	shalt  }
0x86: {  	_ =	shalt  }
0x87: {  	_ =	shalt  }
.Lfunc_end0:
.L_simem_size_0:
called_computation.6_lowered:
.L_overlay_start_0:
0x88: {  	s2 =	sld [smem:$0x3FD9]  }
0x89: {  	s3 =	sld [smem:$0x3FFE];
	_ =	sdelay $0x1  }
0x8a: {  	s1 =	srdreg.scid  }
0x8b: {  	s0 =	sand.u32 $0x1, s1  }
0x8c: {  	s16 =	sshll.u32 s0, $0xA;
	s2 =	sadd.s32 s3, s2  }
0x8d: {  	s2 =	sadd.s32 s2, s16  }
0x8e: {  	[smem:$0x3F95] =	sst s2  }
0x8f: {  	_ = 	snop  }
0x90: {  	(tm) =	ssettm $0x1  }
0x91: {  	s17 =	sld [smem:$0x3FFB];
	_ =	sdelay $0x3  }
0x92: {  	_ =	strace s17  }
0x93: {  	s2 =	sld [smem:$0x3FFC];
	_ =	sdelay $0x3  }
0x94: {  	_ =	strace s2  }
0x95: {  	s2 =	sld [smem:$0x3FFD];
	_ =	sdelay $0x3  }
0x96: {  	_ =	strace s2  }
0x97: {  	_ =	strace $0x8FFFFFFF  }
0x98: {  	s18 =	sld [smem:$0x3FDB];
	_ =	sdelay $0x1  }
0x99: {  	s19 =	simm.s32 $_scs_section_size  }
0x9a: {  	s4 =	simm.s32 $_size__tile_overlayer_lowered;
	s5 =	simm.s32 $_tile_overlayer_lowered  }
0x9b: {  	s22 =	simm.s32 $0x1BFF;
	s21 =	sshll.u32 s5, $0x1;
	s2 =	sadd.s32 s19, s18  }
0x9c: {  	s6 =	simm.s32 $0x0;
	s20 =	sshll.u32 s4, $0x1;
	s4 =	sadd.s32 s21, s2  }
0x9d: {  	[timem:s6], [sflag:s22] =	dma.local [hbm:s4], s20  }
0x9e: {  	_ =	swait.ge [sflag:s22], s20  }
0x9f: {  	s3 =	ssub.s32 $0x0, s20;
	[sflag:s22] =	ssyncset.done $0x0  }
0xa0: {  	[sflag:s22] =	ssyncadd.s32 s3;
	_ =	sdelay $0x1  }
0xa1: {  	s23 =	simm.s32 $0x1B8B  }
0xa2: {  	_ =	swait.ge [sflag:s23], $0x1  }
0xa3: {  	[sflag:s23] =	ssyncset.done $0x0  }
0xa4: {  	s25 =	simm.s32 $0x1B8E;
	s24 =	sld [smem:$0x3FFE];
	[sflag:s23] =	ssyncadd.s32 $0xFFFFFFFF  }
0xa5: {  	s26 =	simm.s32 $execute0_lowered;
	[smem:$0x3FD2] =	sst s25  }
0xa6: {  	s4 =	sshll.u32 s26, $0x1;
	_ =	strace $0x80000058;
	[dreg:$0x1] =	wrdreg $0xFFFFFFFF  }
0xa7: {  	s28 =	simm.s32 $_size_execute0_lowered;
	s2 =	sadd.s32 s2, s4;
	[dreg:$0x0] =	wrdreg $0x0  }
0xa8: {  	s4 =	sshll.u32 s28, $0x1;
	[dreg:$0x2] =	wrdreg s2  }
0xa9: {  	[dreg:$0x3] =	wrdreg s4  }
0xaa: {  	[dreg:$0x4] =	wrdreg $0xC0  }
0xab: {  	_ =	task [dreg:s6], $0x5FFFF  }
0xac: {  	[dreg:$0x1] =	wrdreg $0xFFFFFFFF  }
0xad: {  	[dreg:$0x0] =	wrdreg $0x60  }
0xae: {  	[dreg:$0x2] =	wrdreg s24  }
0xaf: {  	[dreg:$0x3] =	wrdreg $0x0  }
0xb0: {  	[dreg:$0x4] =	wrdreg $0x9  }
0xb1: {  	_ =	task.clear_ibuf [dreg:s6], $0x5FFFF;
	_ =	strace $0x90000058  }
0xb2: {  	s29 =	simm.s32 $0x9;
	_ =	strace $0x8000005A  }
0xb3: {  	_ =	swait.ge [sflag:s29], $0x1  }
0xb4: {  	[sflag:s29] =	ssyncadd.s32 $0xFFFFFFFF  }
0xb5: {  	_ =	strace $0x9000005A  }
0xb6: {  	_ =	sfence  }
0xb7: {  	s30 =	sld [smem:$0x0];
	_ =	sdelay $0x2  }
0xb8: {  	s31 =	sshll.u32 s1, $0xD;
	s1 =	sshrl.u32 s1, $0x2  }
0xb9: {  	s3 =	sand.u32 $0x4000, s31;
	s1 =	sadd.s32 s1, s30  }
0xba: {  	s0 =	sor.u32 s3, s0;
	s1 =	sshll.u32 s1, $0x11  }
0xbb: {  	s0 =	sor.u32 s1, s0  }
0xbc: {  	s0 =	sadd.s32 $0x8F2B, s0  }
0xbd: {  	[sflag:s0] =	ssyncadd.remote.s32 $0x1  }
0xbe: {  	_ =	sfence.sel $0xFFFF  }
0xbf: {  	[dreg:$0x0] =	wrdreg $0xFFFFFFFF;
	(pc) =	sbr.abs _section_cstart, $3  }
0xc0: {  	[dreg:$0x1] =	wrdreg $0xFFFFFFFF  }
0xc1: {  	_ =	task.clear_ibuf [dreg:s6], $0x2FFFF;
	_ =	strace $0x9FFFFFFF  }
0xc2: {  	(tm) =	ssettm $0x7FFFFFFF  }
0xc3: {  	_ =	shalt  }
tec
execute0_lowered:
.L_overlay_start_1:
0x0: {  	(tag) =	ssettag $0x1  }
0x1: {  	s4 =	rddreg [dreg:$0x0];
	s1 =	stileid.u32  }
0x2: {  	s2 =	rddreg [dreg:$0x1];
	s5 =	smul.u32 $0x28000, s1  }
0x3: {  	s0 =	rddreg [dreg:$0x2];
	s3 =	simm.s32 $0x0;
	s6 =	smul.u32 $0x500, s1  }
0x4: {  	s7 =	srdreg.scid;
	s14 =	simm.s32 $0x80;
	s8 =	smul.u32 $0x14000, s1  }
0x5: {  	s15 =	simm.s32 $0x0;
	s7 =	sand.u32 $0x1, s7;
	s12 =	smul.u32 $0x50000, s1  }
0x6: {  	[smem:$0x7FF] =	sst s3;
	s30 =	sshll.u32 s1, $0x6;
	s9 =	smul.u32 $0x140000, s7  }
0x7: {  	_ =	strace $0x80000059;
	s25 =	ssub.s32 $0x2, s7;
	s28 =	smul.u32 $0x14000, s7  }
0x8: {  	s7 =	smul.u32 $0x280, s7;
	s10 =	sadd.s32 s5, s4;
	s11 =	sadd.s32 s6, s4  }
0x9: {  	s23 =	sshrl.u32 s8, $0x3;
	s26 =	sshrl.u32 s25, $0x1;
	s29 =	sshrl.u32 s12, $0x2  }
0xa: {  	s12 =	simm.s32 $0x14000;
	s5 =	sadd.s32 s23, s4;
	s24 =	sadd.s32 s8, s9  }
0xb: {  	s8 =	ssub.s32 s25, s26;
	s13 =	sadd.s32 s29, s2;
	s9 =	sadd.s32 s28, s10  }
0xc: {  	s31 =	sadd.s32 s7, s11;
	s11 =	simm.s32 $0x1;
	s6 =	sshrl.u32 s24, $0x3  }
0xd: {  	s7 =	smax.u32 s8, $0x1;
	s8 =	sadd.s32 $0x1183E00, s9;
	s9 =	sadd.s32 $0x17E00, s31  }
0xe: {  	s10 =	sshrl.u32 s13, $0x3;
	s13 =	simm.s32 $0x14080;
	s6 =	sadd.s32 s6, s4  }
0xf: {  	s4 =	sadd.s32 $0x21E00, s5;
	s5 =	sor.u32 $0x1C01, s30;
	s6 =	sadd.s32 $0x4A600, s6  }
.LBB2_1:
0x10: {  	[spmem:s10], [sflag:s5] =	dma.local [hbm:s4], $0x2800  }
0x11: {  	_ =	swait.ge [sflag:s11], $0x2800  }
0x12: {  	[sflag:s11] =	ssyncset.done $0x0  }
0x13: {  	[sflag:s11] =	ssyncadd.s32 $0xFFFFD800  }
0x14: {  	s16 =	sadd.s32 $0x0, s9;
	[bflag:$0x0] =	sbarrier.arrive $0xFFFF  }
0x15: {  	[tilespmem:s12], [sflag:$0x1] =	stream.linear.gather [hbm4b:s16+s3], $0x80, $0x38;
	[tilespmem:$0x18080] =	vst v63  }
0x16: {  	_ =	swait.ge [sflag:s11], $0x80  }
0x17: {  	[sflag:s11] =	ssyncset.done $0x0  }
0x18: {  	[sflag:s11] =	ssyncadd.s32 $0xFFFFFF80  }
0x19: {  	[tilespmem:s13], [sflag:$0x1] =	stream.linear.gather [hbm4b:s8+s3], $0x4000, $0x38;
	[tilespmem:$0x18080] =	vst v63  }
0x1a: {  	_ =	swait.ge [sflag:s11], $0x4000  }
0x1b: {  	[sflag:s11] =	ssyncset.done $0x0  }
0x1c: {  	[sflag:s11] =	ssyncadd.s32 $0xFFFFC000  }
0x1d: {  	[spmem:s2] =	stream.indirect.scatter.add.f32 [tilespmem:s13], [sflag:$0x1], $0x80, s12, s14, $0xb8;
	[tilespmem:$0x18080] =	vst v63  }
0x1e: {  	s17 =	simm.s32 $0x10;
	_ =	swait.ge [sflag:s11], $0x4000  }
0x1f: {  	s18 =	simm.s32 $0x20;
	s16 =	sadd.s32 $0x800, s8;
	[sflag:s11] =	ssyncset.done $0x0  }
.LBB2_2:
0x20: {  	s19 =	sadd.s32 s17, s9  }
0x21: {  	[sflag:s11] =	ssyncadd.s32 $0xFFFFC000;
	s17 =	smov.u32 s18;
	s20 =	sadd.s32 $0x10, s18  }
0x22: {  	[tilespmem:s12], [sflag:$0x1] =	stream.linear.gather [hbm4b:s19+s3], $0x80, $0x38;
	[tilespmem:$0x18080] =	vst v63  }
0x23: {  	p0 =	sne.s32 s18, $0x270;
	_ =	swait.ge [sflag:s11], $0x80  }
0x24: {  	[sflag:s11] =	ssyncset.done $0x0  }
0x25: {  	[sflag:s11] =	ssyncadd.s32 $0xFFFFFF80  }
0x26: {  	[tilespmem:s13], [sflag:$0x1] =	stream.linear.gather [hbm4b:s16+s3], $0x4000, $0x38;
	[tilespmem:$0x18080] =	vst v63  }
0x27: {  	_ =	swait.ge [sflag:s11], $0x4000  }
.Ltmp0:
0x28: {  	[sflag:s11] =	ssyncset.done $0x0;
	(pc) =	sbr.rel @p0 .LBB2_2-.Ltmp0, $4  }
0x29: {  	[sflag:s11] =	ssyncadd.s32 $0xFFFFC000  }
0x2a: {  	[spmem:s2] =	stream.indirect.scatter.add.f32 [tilespmem:s13], [sflag:$0x1], $0x80, s12, s14, $0xb8;
	[tilespmem:$0x18080] =	vst v63  }
0x2b: {  	_ =	swait.ge [sflag:s11], $0x4000  }
0x2c: {  	s18 =	smov.u32 s20;
	s16 =	sadd.s32 $0x800, s16;
	[sflag:s11] =	ssyncset.done $0x0  }
0x2d: {  	s17 =	sadd.s32 s17, s9;
	[sflag:s11] =	ssyncadd.s32 $0xFFFFC000  }
0x2e: {  	[tilespmem:s12], [sflag:$0x1] =	stream.linear.gather [hbm4b:s17+s3], $0x80, $0x38;
	[tilespmem:$0x18080] =	vst v63  }
0x2f: {  	_ =	swait.ge [sflag:s11], $0x80  }
0x30: {  	[sflag:s11] =	ssyncset.done $0x0  }
0x31: {  	[sflag:s11] =	ssyncadd.s32 $0xFFFFFF80  }
0x32: {  	[tilespmem:s13], [sflag:$0x1] =	stream.linear.gather [hbm4b:s16+s3], $0x4000, $0x38;
	[tilespmem:$0x18080] =	vst v63  }
0x33: {  	_ =	swait.ge [sflag:s11], $0x4000  }
0x34: {  	[sflag:s11] =	ssyncset.done $0x0  }
0x35: {  	[sflag:s11] =	ssyncadd.s32 $0xFFFFC000  }
0x36: {  	[spmem:s2] =	stream.indirect.scatter.add.f32 [tilespmem:s13], [sflag:$0x1], $0x80, s12, s14, $0xb8;
	[tilespmem:$0x18080] =	vst v63  }
0x37: {  	_ =	swait.ge [sflag:s11], $0x4000  }
0x38: {  	s15 =	sadd.s32 $0x1, s15;
	[sflag:s11] =	ssyncset.done $0x0  }
0x39: {  	p0 =	sne.s32 s15, s7;
	[sflag:s11] =	ssyncadd.s32 $0xFFFFC000  }
.Ltmp1:
0x3a: {  	[bflag:$0x0] =	sbarrier.arrive $0xFFFF;
	(pc) =	sbr.rel @p0 .LBB2_1-.Ltmp1, $4  }
0x3b: {  	[hbm:s6], [sflag:s5] =	dma.local [spmem:s10], $0x2800  }
0x3c: {  	_ =	swait.ge [sflag:s11], $0x2800  }
0x3d: {  	[sflag:s11] =	ssyncset.done $0x0  }
0x3e: {  	[sflag:s11] =	ssyncadd.s32 $0xFFFFD800  }
0x3f: {  	_ =	sfence.sel $0x180000  }
0x40: {  	[bflag:$0x0] =	sbarrier.arrive $0xFFFF  }
0x41: {  	p0 =	sne.s32 s1, $0x0;
	_ =	strace $0x90000059  }
0x42: {  	s0 =	sadd.s32 @!p0 $0x100000, s0;
	[bflag:$0x2] =	sbarrier.arrive $0xFFFF  }
0x43: {  	[sflag:s0] =	ssyncadd.tile.s32 @!p0 $0x1;
	_ =	shalt  }
.Lfunc_end2:
_tile_overlayer_lowered:
.L_overlay_start_2:
0x44: {  	(tag) =	ssettag $0x2  }
0x45: {  	s0 =	rddreg [dreg:$0x0];
	s2 =	stileid.u32  }
0x46: {  	s1 =	rddreg [dreg:$0x1];
	p0 =	sne.s32 s2, $0x0  }
0x47: {  	s3 =	rddreg [dreg:$0x2];
	[bflag:$0x3] =	sbarrier.arrive $0xFFFF;
	s2 =	simm.s32 @!p0 $0x1C01  }
0x48: {  	[timem:s3], [sflag:s2] =	dma.local @!p0 [hbm:s0], s1  }
0x49: {  	s0 =	simm.s32 @!p0 $0x1  }
0x4a: {  	_ =	swait.ge @!p0 [sflag:s0], s1  }
0x4b: {  	s1 =	ssub.s32 @!p0 $0x0, s1;
	[sflag:s0] =	ssyncset.done @!p0 $0x0  }
0x4c: {  	[sflag:s0] =	ssyncadd.s32 @!p0 s1  }
0x4d: {  	[bflag:$0x3] =	sbarrier.arrive $0xFFFF  }
0x4e: {  	_ =	shalt  }

</sc_bundles>
